<compile_context>
chip_gen: v7x
topology: tpu7x:2x2x1
jax: 0.10.2.dev20260603
libtpu: 0.0.44.dev20260713+nightly
codegen_flags: <defaults>
</compile_context>

<pallas_src>
import functools

import jax
import jax.numpy as jnp
import numpy as np
from jax import lax
from jax.experimental import pallas as pl
from jax.experimental.pallas import tpu as pltpu
from jax.experimental.pallas import tpu_sc as plsc

_BINS = 10
_EDGES_F32 = (np.arange(1, _BINS, dtype=np.float32) / np.float32(_BINS))
_TAUS = np.log(_EDGES_F32.astype(np.float64)
               / (1.0 - _EDGES_F32.astype(np.float64))).astype(np.float32)

_NEDGE = _BINS - 1
_NACC = 2 * _NEDGE + 1


def _splat(v, dtype=jnp.float32):
    return jnp.full((16,), v, dtype=dtype)


def _sc_partials(d_arr, target, start, count):
    info = plsc.get_sparse_core_info()
    ncores, nsub = info.num_cores, info.num_subcores
    nworkers = ncores * nsub
    assert count % (nworkers * 16) == 0
    per_worker = count // nworkers
    chunk = 8192 if per_worker % 8192 == 0 else per_worker
    nchunks = per_worker // chunk
    nvec = chunk // 16

    mesh = plsc.VectorSubcoreMesh(core_axis_name="c", subcore_axis_name="s")

    @functools.partial(
        pl.kernel,
        mesh=mesh,
        compiler_params=pltpu.CompilerParams(needs_layout_passes=False),
        out_type=jax.ShapeDtypeStruct((nworkers, _NACC, 16), jnp.float32),
        scratch_types=[
            pltpu.VMEM((chunk,), jnp.float32),
            pltpu.VMEM((chunk,), jnp.float32),
            pltpu.VMEM((chunk,), jnp.int32),
            pltpu.VMEM((chunk,), jnp.int32),
            pltpu.VMEM((_NACC, 16), jnp.float32),
            pltpu.SemaphoreType.DMA,
            pltpu.SemaphoreType.DMA,
            pltpu.SemaphoreType.DMA,
            pltpu.SemaphoreType.DMA,
        ],
    )
    def sc_kernel(in_hbm, tgt_hbm, out_hbm, in_buf0, in_buf1, tgt_buf0,
                  tgt_buf1, acc_v, sem_i0, sem_i1, sem_t0, sem_t1):
        in_bufs = (in_buf0, in_buf1)
        tgt_bufs = (tgt_buf0, tgt_buf1)
        wid = lax.axis_index("s") * ncores + lax.axis_index("c")
        base = start + wid * per_worker
        sems_i = (sem_i0, sem_i1)
        sems_t = (sem_t0, sem_t1)

        def launch(c):
            slot = c % 2
            off = base + c * chunk
            cp_i = pltpu.async_copy(
                in_hbm.at[pl.ds(off, chunk)], in_bufs[slot], sems_i[slot])
            cp_t = pltpu.async_copy(
                tgt_hbm.at[pl.ds(off, chunk)], tgt_bufs[slot], sems_t[slot])
            return cp_i, cp_t

        ones_i = _splat(1, jnp.int32)
        zero = _splat(0.0)
        pcoef = [_splat(v) for v in (
            2.554673e-07, 0.9999671, -0.49928504, 0.32722571, -0.22316587,
            0.13083343, -0.052437536, 0.01000929)]
        taus = [_splat(float(t)) for t in _TAUS]

        zero_cnt = _splat(0, jnp.int32)
        accs = [zero_cnt] * _NEDGE + [zero] * (_NEDGE + 1)

        pending = launch(0)
        for c in range(nchunks):
            nxt = launch(c + 1) if c + 1 < nchunks else None
            pending[0].wait()
            pending[1].wait()
            slot = c % 2
            in_view = in_bufs[slot]
            tgt_view = tgt_bufs[slot]

            def body(v, carry):
                d = in_view[pl.ds(v * 16, 16)]
                t = tgt_view[pl.ds(v * 16, 16)]
                u = jnp.where(t == ones_i, d, -d)
                e = jnp.exp(-jnp.abs(d))
                log1pe = pcoef[0] + e * (pcoef[1] + e * (pcoef[2] + e * (
                    pcoef[3] + e * (pcoef[4] + e * (pcoef[5] + e * (
                        pcoef[6] + e * pcoef[7]))))))
                ce = jnp.maximum(u, zero) + log1pe
                out = list(carry)
                out[2 * _NEDGE] = out[2 * _NEDGE] + ce
                for i in range(_NEDGE):
                    m = d >= taus[i]
                    out[i] = out[i] + plsc.all_reduce_population_count(m)
                    out[_NEDGE + i] = out[_NEDGE + i] + jnp.where(m, ce, zero)
                return tuple(out)

            accs = list(lax.fori_loop(0, nvec, body, tuple(accs)))
            pending = nxt

        for i in range(_NACC):
            acc_v[i] = accs[i].astype(jnp.float32)
        pltpu.sync_copy(acc_v, out_hbm.at[wid])

    return sc_kernel(d_arr, target)


def _tc_hist_body(d_ref, t_ref, out_ref):
    @pl.when(pl.program_id(0) == 0)
    def _():
        out_ref[...] = jnp.zeros_like(out_ref)

    d = d_ref[...]
    t = t_ref[...]
    u = jnp.where(t == 1, d, -d)
    e = jnp.exp(-jnp.abs(d))
    ce = jnp.maximum(u, 0.0) + jnp.log1p(e)
    acc = out_ref[...]
    rows = [None] * _NACC
    rows[2 * _NEDGE] = jnp.sum(ce, axis=0)
    for i in range(_NEDGE):
        m = d >= _TAUS[i]
        rows[i] = jnp.sum(jnp.where(m, 1.0, 0.0), axis=0)
        rows[_NEDGE + i] = jnp.sum(jnp.where(m, ce, 0.0), axis=0)
    out_ref[...] = acc + jnp.stack(rows, axis=0)


def _tc_partials(d2, t2):
    rows = d2.shape[0]
    blk = 1024
    assert rows % blk == 0
    return pl.pallas_call(
        _tc_hist_body,
        grid=(rows // blk,),
        in_specs=[
            pl.BlockSpec((blk, 128), lambda i: (i, 0)),
            pl.BlockSpec((blk, 128), lambda i: (i, 0)),
        ],
        out_specs=pl.BlockSpec((_NACC, 128), lambda i: (0, 0)),
        out_shape=jax.ShapeDtypeStruct((_NACC, 128), jnp.float32),
        compiler_params=pltpu.CompilerParams(
            dimension_semantics=("arbitrary",)),
    )(d2, t2)


def _finalize_body(n, sc_ref, tc_ref, out_ref):
    x = sc_ref[...]
    s2 = jnp.sum(x, axis=0)
    sc_rows = jnp.sum(s2, axis=1)
    tc_rows = jnp.sum(tc_ref[...], axis=1)
    cnt_cum = (sc_rows[0:_NEDGE] * np.float32(1.0 / 16.0)
               + tc_rows[0:_NEDGE])
    ce_cum = sc_rows[_NEDGE:2 * _NEDGE] + tc_rows[_NEDGE:2 * _NEDGE]
    ce_tot = sc_rows[2 * _NEDGE] + tc_rows[2 * _NEDGE]
    n_f = jnp.full((1,), float(n), jnp.float32)
    zero1 = jnp.zeros((1,), jnp.float32)
    s_lo = jnp.concatenate([n_f, cnt_cum])
    s_hi = jnp.concatenate([cnt_cum, zero1])
    ce_lo = jnp.concatenate([jnp.reshape(ce_tot, (1,)), ce_cum])
    ce_hi = jnp.concatenate([ce_cum, zero1])
    cnt_b = s_lo - s_hi
    ce_b = ce_lo - ce_hi
    per_bin = jnp.where(cnt_b > 0.5, ce_b / jnp.maximum(cnt_b, 1.0), 0.0)
    loss = jnp.sum(per_bin) * np.float32(n / _BINS)
    out_ref[...] = jnp.reshape(loss, (1, 1))


_SC_SHARE_NUM, _SC_SHARE_DEN = 11, 32


def kernel(inputs, target):
    n = inputs.shape[0]
    target = target.astype(jnp.int32)
    d_arr = inputs[:, 0] - inputs[:, 1]
    n_sc = (n * _SC_SHARE_NUM // _SC_SHARE_DEN) // 262144 * 262144
    n_tc = n - n_sc
    part_sc = _sc_partials(d_arr, target, n_tc, n_sc)
    part_tc = _tc_partials(d_arr[:n_tc].reshape(-1, 128),
                           target[:n_tc].reshape(-1, 128))
    loss = pl.pallas_call(
        functools.partial(_finalize_body, n),
        out_shape=jax.ShapeDtypeStruct((1, 1), jnp.float32),
    )(part_sc, part_tc)
    return jnp.reshape(loss, ())

# --- scband reference (transcript-rebuilt; emitter-appended) ---
"""Pipeline reference for scband-ghmloss-20383914787641 (READ-ONLY COPY).

The authoritative reference and input builder live on the scoring server;
editing this copy changes nothing except your own understanding.
"""

import jax, jax.numpy as jnp
import numpy as np

BINS = 10


def setup_inputs(seed: int = 0) -> dict:
    key = jax.random.key(seed)
    k1, k2 = jax.random.split(key)
    N, C = 8388608, 2
    inputs = jax.random.normal(k1, (N, C), dtype=jnp.float32)
    target = jax.random.randint(k2, (N,), 0, 2, dtype=jnp.int64)
    return {"inputs": inputs, "target": target}


def reference(inputs, target):
    bins = BINS
    edges = jnp.arange(bins + 1, dtype=jnp.float32) / bins
    # pred = inputs.max(dim=1)[0]  (only used for its size in the original)
    pred = jnp.max(inputs, axis=1)
    n = pred.shape[0]
    # inputs_l = softmax(inputs).gather(1, target)
    probs = jax.nn.softmax(inputs, axis=1)
    inputs_l = jnp.take_along_axis(probs, target[:, None].astype(jnp.int32), axis=1)[:, 0]
    # g = |detach(inputs_l) - target.float()|
    g = jnp.abs(jax.lax.stop_gradient(inputs_l) - target.astype(inputs_l.dtype))
    # histogram binning: weights[inds] = 1 / num_in_bin per bin
    # (torch.Tensor(...) is uninitialized; we deterministically use zeros for
    #  elements that fall in no bin, i.e. empty bins / g >= 1)
    weights = jnp.zeros_like(g)
    for i in range(bins):
        inds = (g >= edges[i]) & (g < edges[i + 1])
        num_in_bin = jnp.sum(inds)
        w_val = jnp.where(num_in_bin > 0,
                          1.0 / jnp.maximum(num_in_bin, 1).astype(jnp.float32),
                          0.0)
        weights = jnp.where(inds, w_val, weights)
    weights = weights * (n / bins)
    # cross_entropy(inputs, target, reduction='none')
    logp = jax.nn.log_softmax(inputs, axis=1)
    ce = -jnp.take_along_axis(logp, target[:, None].astype(jnp.int32), axis=1)[:, 0]
    loss = jnp.sum(ce * weights)
    return loss

if __name__ == "__main__":
    import jax
    _d = setup_inputs()
    print(jax.jit(kernel)(*tuple(_d.values())))

</pallas_src>

<mosaic_0001>
#map = affine_map<(d0, d1) -> (0)>
#map1 = affine_map<(d0, d1) -> (0, 0, 0)>
module attributes {stable_mosaic.version = 14 : i64} {
  func.func @sc_kernel(%arg0: i32, %arg1: i32, %arg2: memref<8388608xf32, #tpu.memory_space<hbm>>, %arg3: memref<8388608xi32, #tpu.memory_space<hbm>>, %arg4: memref<32x19x16xf32, #tpu.memory_space<hbm>>, %arg5: memref<8192xf32, #tpu.memory_space<vmem>>, %arg6: memref<8192xf32, #tpu.memory_space<vmem>>, %arg7: memref<8192xi32, #tpu.memory_space<vmem>>, %arg8: memref<8192xi32, #tpu.memory_space<vmem>>, %arg9: memref<19x16xf32, #tpu.memory_space<vmem>>, %arg10: memref<!tpu.dma_semaphore, #tpu.memory_space<semaphore_mem>>, %arg11: memref<!tpu.dma_semaphore, #tpu.memory_space<semaphore_mem>>, %arg12: memref<!tpu.dma_semaphore, #tpu.memory_space<semaphore_mem>>, %arg13: memref<!tpu.dma_semaphore, #tpu.memory_space<semaphore_mem>>) attributes {dimension_semantics = [#tpu.dimension_semantics<core_parallel>, #tpu.dimension_semantics<subcore_parallel>], iteration_bounds = array<i64: 2, 16>, scalar_prefetch = 0 : i64, scratch_operands = 9 : i64, tpu.core_type = #tpu.core_type<sc_vector_subcore>, window_params = [{transform_indices = #map}, {transform_indices = #map}, {transform_indices = #map1}]} {
    %mul3A = arith.constant 2 : i32
    %mul3A_0 = arith.muli %arg1, %mul3A : i32
    %add3A = arith.addi %mul3A_0, %arg0 : i32
    %mul3A_1 = arith.constant 90112 : i32
    %mul3A_2 = arith.muli %add3A, %mul3A_1 : i32
    %add3A_3 = arith.constant 5505024 : i32
    %add3A_4 = arith.addi %add3A_3, %mul3A_2 : i32
    %broadcast_in_dim3A = arith.constant 1 : i32
    %broadcast_in_dim3A_5 = vector.broadcast %broadcast_in_dim3A : i32 to vector<16xi32>
    %broadcast_in_dim3A_6 = arith.constant 0.000000e+00 : f32
    %broadcast_in_dim3A_7 = vector.broadcast %broadcast_in_dim3A_6 : f32 to vector<16xf32>
    %broadcast_in_dim3A_8 = arith.constant 2.55467313E-7 : f32
    %broadcast_in_dim3A_9 = vector.broadcast %broadcast_in_dim3A_8 : f32 to vector<16xf32>
    %broadcast_in_dim3A_10 = arith.constant 0.999967098 : f32
    %broadcast_in_dim3A_11 = vector.broadcast %broadcast_in_dim3A_10 : f32 to vector<16xf32>
    %broadcast_in_dim3A_12 = arith.constant -0.499285042 : f32
    %broadcast_in_dim3A_13 = vector.broadcast %broadcast_in_dim3A_12 : f32 to vector<16xf32>
    %broadcast_in_dim3A_14 = arith.constant 0.327225715 : f32
    %broadcast_in_dim3A_15 = vector.broadcast %broadcast_in_dim3A_14 : f32 to vector<16xf32>
    %broadcast_in_dim3A_16 = arith.constant -0.22316587 : f32
    %broadcast_in_dim3A_17 = vector.broadcast %broadcast_in_dim3A_16 : f32 to vector<16xf32>
    %broadcast_in_dim3A_18 = arith.constant 0.130833432 : f32
    %broadcast_in_dim3A_19 = vector.broadcast %broadcast_in_dim3A_18 : f32 to vector<16xf32>
    %broadcast_in_dim3A_20 = arith.constant -0.0524375364 : f32
    %broadcast_in_dim3A_21 = vector.broadcast %broadcast_in_dim3A_20 : f32 to vector<16xf32>
    %broadcast_in_dim3A_22 = arith.constant 0.0100092897 : f32
    %broadcast_in_dim3A_23 = vector.broadcast %broadcast_in_dim3A_22 : f32 to vector<16xf32>
    %broadcast_in_dim3A_24 = arith.constant -2.19722462 : f32
    %broadcast_in_dim3A_25 = vector.broadcast %broadcast_in_dim3A_24 : f32 to vector<16xf32>
    %broadcast_in_dim3A_26 = arith.constant -1.38629436 : f32
    %broadcast_in_dim3A_27 = vector.broadcast %broadcast_in_dim3A_26 : f32 to vector<16xf32>
    %broadcast_in_dim3A_28 = arith.constant -0.847297787 : f32
    %broadcast_in_dim3A_29 = vector.broadcast %broadcast_in_dim3A_28 : f32 to vector<16xf32>
    %broadcast_in_dim3A_30 = arith.constant -0.405465096 : f32
    %broadcast_in_dim3A_31 = vector.broadcast %broadcast_in_dim3A_30 : f32 to vector<16xf32>
    %broadcast_in_dim3A_32 = arith.constant 0.000000e+00 : f32
    %broadcast_in_dim3A_33 = vector.broadcast %broadcast_in_dim3A_32 : f32 to vector<16xf32>
    %broadcast_in_dim3A_34 = arith.constant 0.405465215 : f32
    %broadcast_in_dim3A_35 = vector.broadcast %broadcast_in_dim3A_34 : f32 to vector<16xf32>
    %broadcast_in_dim3A_36 = arith.constant 0.847297787 : f32
    %broadcast_in_dim3A_37 = vector.broadcast %broadcast_in_dim3A_36 : f32 to vector<16xf32>
    %broadcast_in_dim3A_38 = arith.constant 1.38629448 : f32
    %broadcast_in_dim3A_39 = vector.broadcast %broadcast_in_dim3A_38 : f32 to vector<16xf32>
    %broadcast_in_dim3A_40 = arith.constant 2.19722438 : f32
    %broadcast_in_dim3A_41 = vector.broadcast %broadcast_in_dim3A_40 : f32 to vector<16xf32>
    %broadcast_in_dim3A_42 = arith.constant 0 : i32
    %broadcast_in_dim3A_43 = vector.broadcast %broadcast_in_dim3A_42 : i32 to vector<16xi32>
    %add3A_44 = arith.constant 0 : i32
    %add3A_45 = arith.addi %add3A_4, %add3A_44 : i32
    %dma_start3A = tpu.memref_slice %arg2[%add3A_45] : memref<8388608xf32, #tpu.memory_space<hbm>> -> memref<8192xf32, #tpu.memory_space<hbm>>
    %dma_start3A_46 = tpu.memref_slice %arg2[%add3A_45] : memref<8388608xf32, #tpu.memory_space<hbm>> -> memref<8192xf32, #tpu.memory_space<hbm>>
    tpu.enqueue_dma source(%dma_start3A_46 : memref<8192xf32, #tpu.memory_space<hbm>>) target(%arg5 : memref<8192xf32, #tpu.memory_space<vmem>>) target_semaphore(%arg10 : memref<!tpu.dma_semaphore, #tpu.memory_space<semaphore_mem>>)
    %dma_start3A_47 = tpu.memref_slice %arg3[%add3A_45] : memref<8388608xi32, #tpu.memory_space<hbm>> -> memref<8192xi32, #tpu.memory_space<hbm>>
    %dma_start3A_48 = tpu.memref_slice %arg3[%add3A_45] : memref<8388608xi32, #tpu.memory_space<hbm>> -> memref<8192xi32, #tpu.memory_space<hbm>>
    tpu.enqueue_dma source(%dma_start3A_48 : memref<8192xi32, #tpu.memory_space<hbm>>) target(%arg7 : memref<8192xi32, #tpu.memory_space<vmem>>) target_semaphore(%arg12 : memref<!tpu.dma_semaphore, #tpu.memory_space<semaphore_mem>>)
    %add3A_49 = arith.constant 8192 : i32
    %add3A_50 = arith.addi %add3A_4, %add3A_49 : i32
    %dma_start3A_51 = tpu.memref_slice %arg2[%add3A_50] : memref<8388608xf32, #tpu.memory_space<hbm>> -> memref<8192xf32, #tpu.memory_space<hbm>>
    %dma_start3A_52 = tpu.memref_slice %arg2[%add3A_50] : memref<8388608xf32, #tpu.memory_space<hbm>> -> memref<8192xf32, #tpu.memory_space<hbm>>
    tpu.enqueue_dma source(%dma_start3A_52 : memref<8192xf32, #tpu.memory_space<hbm>>) target(%arg6 : memref<8192xf32, #tpu.memory_space<vmem>>) target_semaphore(%arg11 : memref<!tpu.dma_semaphore, #tpu.memory_space<semaphore_mem>>)
    %dma_start3A_53 = tpu.memref_slice %arg3[%add3A_50] : memref<8388608xi32, #tpu.memory_space<hbm>> -> memref<8192xi32, #tpu.memory_space<hbm>>
    %dma_start3A_54 = tpu.memref_slice %arg3[%add3A_50] : memref<8388608xi32, #tpu.memory_space<hbm>> -> memref<8192xi32, #tpu.memory_space<hbm>>
    tpu.enqueue_dma source(%dma_start3A_54 : memref<8192xi32, #tpu.memory_space<hbm>>) target(%arg8 : memref<8192xi32, #tpu.memory_space<vmem>>) target_semaphore(%arg13 : memref<!tpu.dma_semaphore, #tpu.memory_space<semaphore_mem>>)
    %dma_wait3A = tpu.memref_slice %arg2[%add3A_45] : memref<8388608xf32, #tpu.memory_space<hbm>> -> memref<8192xf32, #tpu.memory_space<hbm>>
    %dma_wait3A_55 = tpu.memref_slice %arg2[%add3A_45] : memref<8388608xf32, #tpu.memory_space<hbm>> -> memref<8192xf32, #tpu.memory_space<hbm>>
    tpu.wait_dma2 semaphore(%arg10 : memref<!tpu.dma_semaphore, #tpu.memory_space<semaphore_mem>>) src(%dma_wait3A_55 : memref<8192xf32, #tpu.memory_space<hbm>>) dst(%arg5 : memref<8192xf32, #tpu.memory_space<vmem>>)
    %dma_wait3A_56 = tpu.memref_slice %arg3[%add3A_45] : memref<8388608xi32, #tpu.memory_space<hbm>> -> memref<8192xi32, #tpu.memory_space<hbm>>
    %dma_wait3A_57 = tpu.memref_slice %arg3[%add3A_45] : memref<8388608xi32, #tpu.memory_space<hbm>> -> memref<8192xi32, #tpu.memory_space<hbm>>
    tpu.wait_dma2 semaphore(%arg12 : memref<!tpu.dma_semaphore, #tpu.memory_space<semaphore_mem>>) src(%dma_wait3A_57 : memref<8192xi32, #tpu.memory_space<hbm>>) dst(%arg7 : memref<8192xi32, #tpu.memory_space<vmem>>)
    %scan3A = arith.constant 0 : i32
    %scan3A_58 = arith.constant 512 : i32
    %scan3A_59 = arith.addi %scan3A, %scan3A_58 : i32
    %scan3A_60 = arith.constant 1 : i32
    %scan3A_61:19 = scf.for %scan3A_300 = %scan3A to %scan3A_59 step %scan3A_60 iter_args(%scan3A_301 = %broadcast_in_dim3A_43, %scan3A_302 = %broadcast_in_dim3A_43, %scan3A_303 = %broadcast_in_dim3A_43, %scan3A_304 = %broadcast_in_dim3A_43, %scan3A_305 = %broadcast_in_dim3A_43, %scan3A_306 = %broadcast_in_dim3A_43, %scan3A_307 = %broadcast_in_dim3A_43, %scan3A_308 = %broadcast_in_dim3A_43, %scan3A_309 = %broadcast_in_dim3A_43, %scan3A_310 = %broadcast_in_dim3A_7, %scan3A_311 = %broadcast_in_dim3A_7, %scan3A_312 = %broadcast_in_dim3A_7, %scan3A_313 = %broadcast_in_dim3A_7, %scan3A_314 = %broadcast_in_dim3A_7, %scan3A_315 = %broadcast_in_dim3A_7, %scan3A_316 = %broadcast_in_dim3A_7, %scan3A_317 = %broadcast_in_dim3A_7, %scan3A_318 = %broadcast_in_dim3A_7, %scan3A_319 = %broadcast_in_dim3A_7) -> (vector<16xi32>, vector<16xi32>, vector<16xi32>, vector<16xi32>, vector<16xi32>, vector<16xi32>, vector<16xi32>, vector<16xi32>, vector<16xi32>, vector<16xf32>, vector<16xf32>, vector<16xf32>, vector<16xf32>, vector<16xf32>, vector<16xf32>, vector<16xf32>, vector<16xf32>, vector<16xf32>, vector<16xf32>)  : i32 {
      %mul3A_320 = arith.constant 16 : i32
      %mul3A_321 = arith.muli %scan3A_300, %mul3A_320 : i32
      %get3A = arith.index_cast %mul3A_321 : i32 to index
      %get3A_322 = tpu.vector_load %arg5[%get3A] {strides = array<i32>} : memref<8192xf32, #tpu.memory_space<vmem>>, vector<16xf32>,
      %mul3A_323 = arith.constant 16 : i32
      %mul3A_324 = arith.muli %scan3A_300, %mul3A_323 : i32
      %get3A_325 = arith.index_cast %mul3A_324 : i32 to index
      %get3A_326 = tpu.vector_load %arg7[%get3A_325] {strides = array<i32>} : memref<8192xi32, #tpu.memory_space<vmem>>, vector<16xi32>,
      %eq3A = arith.cmpi eq, %get3A_326, %broadcast_in_dim3A_5 : vector<16xi32>
      %neg3A = arith.constant 0.000000e+00 : f32
      %neg3A_327 = vector.broadcast %neg3A : f32 to vector<16xf32>
      %neg3A_328 = arith.subf %neg3A_327, %get3A_322 : vector<16xf32>
      %select_n3A = arith.select %eq3A, %get3A_322, %neg3A_328 : vector<16xi1>, vector<16xf32>
      %abs3A = math.absf %get3A_322 : vector<16xf32>
      %neg3A_329 = arith.constant 0.000000e+00 : f32
      %neg3A_330 = vector.broadcast %neg3A_329 : f32 to vector<16xf32>
      %neg3A_331 = arith.subf %neg3A_330, %abs3A : vector<16xf32>
      %exp3A = math.exp %neg3A_331 : vector<16xf32>
      %mul3A_332 = arith.mulf %exp3A, %broadcast_in_dim3A_23 : vector<16xf32>
      %add3A_333 = arith.addf %broadcast_in_dim3A_21, %mul3A_332 : vector<16xf32>
      %mul3A_334 = arith.mulf %exp3A, %add3A_333 : vector<16xf32>
      %add3A_335 = arith.addf %broadcast_in_dim3A_19, %mul3A_334 : vector<16xf32>
      %mul3A_336 = arith.mulf %exp3A, %add3A_335 : vector<16xf32>
      %add3A_337 = arith.addf %broadcast_in_dim3A_17, %mul3A_336 : vector<16xf32>
      %mul3A_338 = arith.mulf %exp3A, %add3A_337 : vector<16xf32>
      %add3A_339 = arith.addf %broadcast_in_dim3A_15, %mul3A_338 : vector<16xf32>
      %mul3A_340 = arith.mulf %exp3A, %add3A_339 : vector<16xf32>
      %add3A_341 = arith.addf %broadcast_in_dim3A_13, %mul3A_340 : vector<16xf32>
      %mul3A_342 = arith.mulf %exp3A, %add3A_341 : vector<16xf32>
      %add3A_343 = arith.addf %broadcast_in_dim3A_11, %mul3A_342 : vector<16xf32>
      %mul3A_344 = arith.mulf %exp3A, %add3A_343 : vector<16xf32>
      %add3A_345 = arith.addf %broadcast_in_dim3A_9, %mul3A_344 : vector<16xf32>
      %max3A = arith.maximumf %select_n3A, %broadcast_in_dim3A_7 : vector<16xf32>
      %add3A_346 = arith.addf %max3A, %add3A_345 : vector<16xf32>
      %add3A_347 = arith.addf %scan3A_319, %add3A_346 : vector<16xf32>
      %ge3A = arith.cmpf oge, %get3A_322, %broadcast_in_dim3A_25 : vector<16xf32>
      %all_reduce_population_count3A = tpu.all_reduce %ge3A {dim = 0 : i64, kind = #tpu.reduction_kind<sum>} : vector<16xi1> -> vector<16xi32>
      %add3A_348 = arith.addi %scan3A_301, %all_reduce_population_count3A : vector<16xi32>
      %select_n3A_349 = arith.select %ge3A, %add3A_346, %broadcast_in_dim3A_7 : vector<16xi1>, vector<16xf32>
      %add3A_350 = arith.addf %scan3A_310, %select_n3A_349 : vector<16xf32>
      %ge3A_351 = arith.cmpf oge, %get3A_322, %broadcast_in_dim3A_27 : vector<16xf32>
      %all_reduce_population_count3A_352 = tpu.all_reduce %ge3A_351 {dim = 0 : i64, kind = #tpu.reduction_kind<sum>} : vector<16xi1> -> vector<16xi32>
      %add3A_353 = arith.addi %scan3A_302, %all_reduce_population_count3A_352 : vector<16xi32>
      %select_n3A_354 = arith.select %ge3A_351, %add3A_346, %broadcast_in_dim3A_7 : vector<16xi1>, vector<16xf32>
      %add3A_355 = arith.addf %scan3A_311, %select_n3A_354 : vector<16xf32>
      %ge3A_356 = arith.cmpf oge, %get3A_322, %broadcast_in_dim3A_29 : vector<16xf32>
      %all_reduce_population_count3A_357 = tpu.all_reduce %ge3A_356 {dim = 0 : i64, kind = #tpu.reduction_kind<sum>} : vector<16xi1> -> vector<16xi32>
      %add3A_358 = arith.addi %scan3A_303, %all_reduce_population_count3A_357 : vector<16xi32>
      %select_n3A_359 = arith.select %ge3A_356, %add3A_346, %broadcast_in_dim3A_7 : vector<16xi1>, vector<16xf32>
      %add3A_360 = arith.addf %scan3A_312, %select_n3A_359 : vector<16xf32>
      %ge3A_361 = arith.cmpf oge, %get3A_322, %broadcast_in_dim3A_31 : vector<16xf32>
      %all_reduce_population_count3A_362 = tpu.all_reduce %ge3A_361 {dim = 0 : i64, kind = #tpu.reduction_kind<sum>} : vector<16xi1> -> vector<16xi32>
      %add3A_363 = arith.addi %scan3A_304, %all_reduce_population_count3A_362 : vector<16xi32>
      %select_n3A_364 = arith.select %ge3A_361, %add3A_346, %broadcast_in_dim3A_7 : vector<16xi1>, vector<16xf32>
      %add3A_365 = arith.addf %scan3A_313, %select_n3A_364 : vector<16xf32>
      %ge3A_366 = arith.cmpf oge, %get3A_322, %broadcast_in_dim3A_33 : vector<16xf32>
      %all_reduce_population_count3A_367 = tpu.all_reduce %ge3A_366 {dim = 0 : i64, kind = #tpu.reduction_kind<sum>} : vector<16xi1> -> vector<16xi32>
      %add3A_368 = arith.addi %scan3A_305, %all_reduce_population_count3A_367 : vector<16xi32>
      %select_n3A_369 = arith.select %ge3A_366, %add3A_346, %broadcast_in_dim3A_7 : vector<16xi1>, vector<16xf32>
      %add3A_370 = arith.addf %scan3A_314, %select_n3A_369 : vector<16xf32>
      %ge3A_371 = arith.cmpf oge, %get3A_322, %broadcast_in_dim3A_35 : vector<16xf32>
      %all_reduce_population_count3A_372 = tpu.all_reduce %ge3A_371 {dim = 0 : i64, kind = #tpu.reduction_kind<sum>} : vector<16xi1> -> vector<16xi32>
      %add3A_373 = arith.addi %scan3A_306, %all_reduce_population_count3A_372 : vector<16xi32>
      %select_n3A_374 = arith.select %ge3A_371, %add3A_346, %broadcast_in_dim3A_7 : vector<16xi1>, vector<16xf32>
      %add3A_375 = arith.addf %scan3A_315, %select_n3A_374 : vector<16xf32>
      %ge3A_376 = arith.cmpf oge, %get3A_322, %broadcast_in_dim3A_37 : vector<16xf32>
      %all_reduce_population_count3A_377 = tpu.all_reduce %ge3A_376 {dim = 0 : i64, kind = #tpu.reduction_kind<sum>} : vector<16xi1> -> vector<16xi32>
      %add3A_378 = arith.addi %scan3A_307, %all_reduce_population_count3A_377 : vector<16xi32>
      %select_n3A_379 = arith.select %ge3A_376, %add3A_346, %broadcast_in_dim3A_7 : vector<16xi1>, vector<16xf32>
      %add3A_380 = arith.addf %scan3A_316, %select_n3A_379 : vector<16xf32>
      %ge3A_381 = arith.cmpf oge, %get3A_322, %broadcast_in_dim3A_39 : vector<16xf32>
      %all_reduce_population_count3A_382 = tpu.all_reduce %ge3A_381 {dim = 0 : i64, kind = #tpu.reduction_kind<sum>} : vector<16xi1> -> vector<16xi32>
      %add3A_383 = arith.addi %scan3A_308, %all_reduce_population_count3A_382 : vector<16xi32>
      %select_n3A_384 = arith.select %ge3A_381, %add3A_346, %broadcast_in_dim3A_7 : vector<16xi1>, vector<16xf32>
      %add3A_385 = arith.addf %scan3A_317, %select_n3A_384 : vector<16xf32>
      %ge3A_386 = arith.cmpf oge, %get3A_322, %broadcast_in_dim3A_41 : vector<16xf32>
      %all_reduce_population_count3A_387 = tpu.all_reduce %ge3A_386 {dim = 0 : i64, kind = #tpu.reduction_kind<sum>} : vector<16xi1> -> vector<16xi32>
      %add3A_388 = arith.addi %scan3A_309, %all_reduce_population_count3A_387 : vector<16xi32>
      %select_n3A_389 = arith.select %ge3A_386, %add3A_346, %broadcast_in_dim3A_7 : vector<16xi1>, vector<16xf32>
      %add3A_390 = arith.addf %scan3A_318, %select_n3A_389 : vector<16xf32>
      scf.yield %add3A_348, %add3A_353, %add3A_358, %add3A_363, %add3A_368, %add3A_373, %add3A_378, %add3A_383, %add3A_388, %add3A_350, %add3A_355, %add3A_360, %add3A_365, %add3A_370, %add3A_375, %add3A_380, %add3A_385, %add3A_390, %add3A_347 : vector<16xi32>, vector<16xi32>, vector<16xi32>, vector<16xi32>, vector<16xi32>, vector<16xi32>, vector<16xi32>, vector<16xi32>, vector<16xi32>, vector<16xf32>, vector<16xf32>, vector<16xf32>, vector<16xf32>, vector<16xf32>, vector<16xf32>, vector<16xf32>, vector<16xf32>, vector<16xf32>, vector<16xf32>
    }
    %scan3A_62 = arith.constant 512 : i32
    %add3A_63 = arith.constant 16384 : i32
    %add3A_64 = arith.addi %add3A_4, %add3A_63 : i32
    %dma_start3A_65 = tpu.memref_slice %arg2[%add3A_64] : memref<8388608xf32, #tpu.memory_space<hbm>> -> memref<8192xf32, #tpu.memory_space<hbm>>
    %dma_start3A_66 = tpu.memref_slice %arg2[%add3A_64] : memref<8388608xf32, #tpu.memory_space<hbm>> -> memref<8192xf32, #tpu.memory_space<hbm>>
    tpu.enqueue_dma source(%dma_start3A_66 : memref<8192xf32, #tpu.memory_space<hbm>>) target(%arg5 : memref<8192xf32, #tpu.memory_space<vmem>>) target_semaphore(%arg10 : memref<!tpu.dma_semaphore, #tpu.memory_space<semaphore_mem>>)
    %dma_start3A_67 = tpu.memref_slice %arg3[%add3A_64] : memref<8388608xi32, #tpu.memory_space<hbm>> -> memref<8192xi32, #tpu.memory_space<hbm>>
    %dma_start3A_68 = tpu.memref_slice %arg3[%add3A_64] : memref<8388608xi32, #tpu.memory_space<hbm>> -> memref<8192xi32, #tpu.memory_space<hbm>>
    tpu.enqueue_dma source(%dma_start3A_68 : memref<8192xi32, #tpu.memory_space<hbm>>) target(%arg7 : memref<8192xi32, #tpu.memory_space<vmem>>) target_semaphore(%arg12 : memref<!tpu.dma_semaphore, #tpu.memory_space<semaphore_mem>>)
    %dma_wait3A_69 = tpu.memref_slice %arg2[%add3A_50] : memref<8388608xf32, #tpu.memory_space<hbm>> -> memref<8192xf32, #tpu.memory_space<hbm>>
    %dma_wait3A_70 = tpu.memref_slice %arg2[%add3A_50] : memref<8388608xf32, #tpu.memory_space<hbm>> -> memref<8192xf32, #tpu.memory_space<hbm>>
    tpu.wait_dma2 semaphore(%arg11 : memref<!tpu.dma_semaphore, #tpu.memory_space<semaphore_mem>>) src(%dma_wait3A_70 : memref<8192xf32, #tpu.memory_space<hbm>>) dst(%arg6 : memref<8192xf32, #tpu.memory_space<vmem>>)
    %dma_wait3A_71 = tpu.memref_slice %arg3[%add3A_50] : memref<8388608xi32, #tpu.memory_space<hbm>> -> memref<8192xi32, #tpu.memory_space<hbm>>
    %dma_wait3A_72 = tpu.memref_slice %arg3[%add3A_50] : memref<8388608xi32, #tpu.memory_space<hbm>> -> memref<8192xi32, #tpu.memory_space<hbm>>
    tpu.wait_dma2 semaphore(%arg13 : memref<!tpu.dma_semaphore, #tpu.memory_space<semaphore_mem>>) src(%dma_wait3A_72 : memref<8192xi32, #tpu.memory_space<hbm>>) dst(%arg8 : memref<8192xi32, #tpu.memory_space<vmem>>)
    %scan3A_73 = arith.constant 0 : i32
    %scan3A_74 = arith.constant 512 : i32
    %scan3A_75 = arith.addi %scan3A_73, %scan3A_74 : i32
    %scan3A_76 = arith.constant 1 : i32
    %scan3A_77:19 = scf.for %scan3A_300 = %scan3A_73 to %scan3A_75 step %scan3A_76 iter_args(%scan3A_301 = %scan3A_61#0, %scan3A_302 = %scan3A_61#1, %scan3A_303 = %scan3A_61#2, %scan3A_304 = %scan3A_61#3, %scan3A_305 = %scan3A_61#4, %scan3A_306 = %scan3A_61#5, %scan3A_307 = %scan3A_61#6, %scan3A_308 = %scan3A_61#7, %scan3A_309 = %scan3A_61#8, %scan3A_310 = %scan3A_61#9, %scan3A_311 = %scan3A_61#10, %scan3A_312 = %scan3A_61#11, %scan3A_313 = %scan3A_61#12, %scan3A_314 = %scan3A_61#13, %scan3A_315 = %scan3A_61#14, %scan3A_316 = %scan3A_61#15, %scan3A_317 = %scan3A_61#16, %scan3A_318 = %scan3A_61#17, %scan3A_319 = %scan3A_61#18) -> (vector<16xi32>, vector<16xi32>, vector<16xi32>, vector<16xi32>, vector<16xi32>, vector<16xi32>, vector<16xi32>, vector<16xi32>, vector<16xi32>, vector<16xf32>, vector<16xf32>, vector<16xf32>, vector<16xf32>, vector<16xf32>, vector<16xf32>, vector<16xf32>, vector<16xf32>, vector<16xf32>, vector<16xf32>)  : i32 {
      %mul3A_320 = arith.constant 16 : i32
      %mul3A_321 = arith.muli %scan3A_300, %mul3A_320 : i32
      %get3A = arith.index_cast %mul3A_321 : i32 to index
      %get3A_322 = tpu.vector_load %arg6[%get3A] {strides = array<i32>} : memref<8192xf32, #tpu.memory_space<vmem>>, vector<16xf32>,
      %mul3A_323 = arith.constant 16 : i32
      %mul3A_324 = arith.muli %scan3A_300, %mul3A_323 : i32
      %get3A_325 = arith.index_cast %mul3A_324 : i32 to index
      %get3A_326 = tpu.vector_load %arg8[%get3A_325] {strides = array<i32>} : memref<8192xi32, #tpu.memory_space<vmem>>, vector<16xi32>,
      %eq3A = arith.cmpi eq, %get3A_326, %broadcast_in_dim3A_5 : vector<16xi32>
      %neg3A = arith.constant 0.000000e+00 : f32
      %neg3A_327 = vector.broadcast %neg3A : f32 to vector<16xf32>
      %neg3A_328 = arith.subf %neg3A_327, %get3A_322 : vector<16xf32>
      %select_n3A = arith.select %eq3A, %get3A_322, %neg3A_328 : vector<16xi1>, vector<16xf32>
      %abs3A = math.absf %get3A_322 : vector<16xf32>
      %neg3A_329 = arith.constant 0.000000e+00 : f32
      %neg3A_330 = vector.broadcast %neg3A_329 : f32 to vector<16xf32>
      %neg3A_331 = arith.subf %neg3A_330, %abs3A : vector<16xf32>
      %exp3A = math.exp %neg3A_331 : vector<16xf32>
      %mul3A_332 = arith.mulf %exp3A, %broadcast_in_dim3A_23 : vector<16xf32>
      %add3A_333 = arith.addf %broadcast_in_dim3A_21, %mul3A_332 : vector<16xf32>
      %mul3A_334 = arith.mulf %exp3A, %add3A_333 : vector<16xf32>
      %add3A_335 = arith.addf %broadcast_in_dim3A_19, %mul3A_334 : vector<16xf32>
      %mul3A_336 = arith.mulf %exp3A, %add3A_335 : vector<16xf32>
      %add3A_337 = arith.addf %broadcast_in_dim3A_17, %mul3A_336 : vector<16xf32>
      %mul3A_338 = arith.mulf %exp3A, %add3A_337 : vector<16xf32>
      %add3A_339 = arith.addf %broadcast_in_dim3A_15, %mul3A_338 : vector<16xf32>
      %mul3A_340 = arith.mulf %exp3A, %add3A_339 : vector<16xf32>
      %add3A_341 = arith.addf %broadcast_in_dim3A_13, %mul3A_340 : vector<16xf32>
      %mul3A_342 = arith.mulf %exp3A, %add3A_341 : vector<16xf32>
      %add3A_343 = arith.addf %broadcast_in_dim3A_11, %mul3A_342 : vector<16xf32>
      %mul3A_344 = arith.mulf %exp3A, %add3A_343 : vector<16xf32>
      %add3A_345 = arith.addf %broadcast_in_dim3A_9, %mul3A_344 : vector<16xf32>
      %max3A = arith.maximumf %select_n3A, %broadcast_in_dim3A_7 : vector<16xf32>
      %add3A_346 = arith.addf %max3A, %add3A_345 : vector<16xf32>
      %add3A_347 = arith.addf %scan3A_319, %add3A_346 : vector<16xf32>
      %ge3A = arith.cmpf oge, %get3A_322, %broadcast_in_dim3A_25 : vector<16xf32>
      %all_reduce_population_count3A = tpu.all_reduce %ge3A {dim = 0 : i64, kind = #tpu.reduction_kind<sum>} : vector<16xi1> -> vector<16xi32>
      %add3A_348 = arith.addi %scan3A_301, %all_reduce_population_count3A : vector<16xi32>
      %select_n3A_349 = arith.select %ge3A, %add3A_346, %broadcast_in_dim3A_7 : vector<16xi1>, vector<16xf32>
      %add3A_350 = arith.addf %scan3A_310, %select_n3A_349 : vector<16xf32>
      %ge3A_351 = arith.cmpf oge, %get3A_322, %broadcast_in_dim3A_27 : vector<16xf32>
      %all_reduce_population_count3A_352 = tpu.all_reduce %ge3A_351 {dim = 0 : i64, kind = #tpu.reduction_kind<sum>} : vector<16xi1> -> vector<16xi32>
      %add3A_353 = arith.addi %scan3A_302, %all_reduce_population_count3A_352 : vector<16xi32>
      %select_n3A_354 = arith.select %ge3A_351, %add3A_346, %broadcast_in_dim3A_7 : vector<16xi1>, vector<16xf32>
      %add3A_355 = arith.addf %scan3A_311, %select_n3A_354 : vector<16xf32>
      %ge3A_356 = arith.cmpf oge, %get3A_322, %broadcast_in_dim3A_29 : vector<16xf32>
      %all_reduce_population_count3A_357 = tpu.all_reduce %ge3A_356 {dim = 0 : i64, kind = #tpu.reduction_kind<sum>} : vector<16xi1> -> vector<16xi32>
      %add3A_358 = arith.addi %scan3A_303, %all_reduce_population_count3A_357 : vector<16xi32>
      %select_n3A_359 = arith.select %ge3A_356, %add3A_346, %broadcast_in_dim3A_7 : vector<16xi1>, vector<16xf32>
      %add3A_360 = arith.addf %scan3A_312, %select_n3A_359 : vector<16xf32>
      %ge3A_361 = arith.cmpf oge, %get3A_322, %broadcast_in_dim3A_31 : vector<16xf32>
      %all_reduce_population_count3A_362 = tpu.all_reduce %ge3A_361 {dim = 0 : i64, kind = #tpu.reduction_kind<sum>} : vector<16xi1> -> vector<16xi32>
      %add3A_363 = arith.addi %scan3A_304, %all_reduce_population_count3A_362 : vector<16xi32>
      %select_n3A_364 = arith.select %ge3A_361, %add3A_346, %broadcast_in_dim3A_7 : vector<16xi1>, vector<16xf32>
      %add3A_365 = arith.addf %scan3A_313, %select_n3A_364 : vector<16xf32>
      %ge3A_366 = arith.cmpf oge, %get3A_322, %broadcast_in_dim3A_33 : vector<16xf32>
      %all_reduce_population_count3A_367 = tpu.all_reduce %ge3A_366 {dim = 0 : i64, kind = #tpu.reduction_kind<sum>} : vector<16xi1> -> vector<16xi32>
      %add3A_368 = arith.addi %scan3A_305, %all_reduce_population_count3A_367 : vector<16xi32>
      %select_n3A_369 = arith.select %ge3A_366, %add3A_346, %broadcast_in_dim3A_7 : vector<16xi1>, vector<16xf32>
      %add3A_370 = arith.addf %scan3A_314, %select_n3A_369 : vector<16xf32>
      %ge3A_371 = arith.cmpf oge, %get3A_322, %broadcast_in_dim3A_35 : vector<16xf32>
      %all_reduce_population_count3A_372 = tpu.all_reduce %ge3A_371 {dim = 0 : i64, kind = #tpu.reduction_kind<sum>} : vector<16xi1> -> vector<16xi32>
      %add3A_373 = arith.addi %scan3A_306, %all_reduce_population_count3A_372 : vector<16xi32>
      %select_n3A_374 = arith.select %ge3A_371, %add3A_346, %broadcast_in_dim3A_7 : vector<16xi1>, vector<16xf32>
      %add3A_375 = arith.addf %scan3A_315, %select_n3A_374 : vector<16xf32>
      %ge3A_376 = arith.cmpf oge, %get3A_322, %broadcast_in_dim3A_37 : vector<16xf32>
      %all_reduce_population_count3A_377 = tpu.all_reduce %ge3A_376 {dim = 0 : i64, kind = #tpu.reduction_kind<sum>} : vector<16xi1> -> vector<16xi32>
      %add3A_378 = arith.addi %scan3A_307, %all_reduce_population_count3A_377 : vector<16xi32>
      %select_n3A_379 = arith.select %ge3A_376, %add3A_346, %broadcast_in_dim3A_7 : vector<16xi1>, vector<16xf32>
      %add3A_380 = arith.addf %scan3A_316, %select_n3A_379 : vector<16xf32>
      %ge3A_381 = arith.cmpf oge, %get3A_322, %broadcast_in_dim3A_39 : vector<16xf32>
      %all_reduce_population_count3A_382 = tpu.all_reduce %ge3A_381 {dim = 0 : i64, kind = #tpu.reduction_kind<sum>} : vector<16xi1> -> vector<16xi32>
      %add3A_383 = arith.addi %scan3A_308, %all_reduce_population_count3A_382 : vector<16xi32>
      %select_n3A_384 = arith.select %ge3A_381, %add3A_346, %broadcast_in_dim3A_7 : vector<16xi1>, vector<16xf32>
      %add3A_385 = arith.addf %scan3A_317, %select_n3A_384 : vector<16xf32>
      %ge3A_386 = arith.cmpf oge, %get3A_322, %broadcast_in_dim3A_41 : vector<16xf32>
      %all_reduce_population_count3A_387 = tpu.all_reduce %ge3A_386 {dim = 0 : i64, kind = #tpu.reduction_kind<sum>} : vector<16xi1> -> vector<16xi32>
      %add3A_388 = arith.addi %scan3A_309, %all_reduce_population_count3A_387 : vector<16xi32>
      %select_n3A_389 = arith.select %ge3A_386, %add3A_346, %broadcast_in_dim3A_7 : vector<16xi1>, vector<16xf32>
      %add3A_390 = arith.addf %scan3A_318, %select_n3A_389 : vector<16xf32>
      scf.yield %add3A_348, %add3A_353, %add3A_358, %add3A_363, %add3A_368, %add3A_373, %add3A_378, %add3A_383, %add3A_388, %add3A_350, %add3A_355, %add3A_360, %add3A_365, %add3A_370, %add3A_375, %add3A_380, %add3A_385, %add3A_390, %add3A_347 : vector<16xi32>, vector<16xi32>, vector<16xi32>, vector<16xi32>, vector<16xi32>, vector<16xi32>, vector<16xi32>, vector<16xi32>, vector<16xi32>, vector<16xf32>, vector<16xf32>, vector<16xf32>, vector<16xf32>, vector<16xf32>, vector<16xf32>, vector<16xf32>, vector<16xf32>, vector<16xf32>, vector<16xf32>
    }
    %scan3A_78 = arith.constant 512 : i32
    %add3A_79 = arith.constant 24576 : i32
    %add3A_80 = arith.addi %add3A_4, %add3A_79 : i32
    %dma_start3A_81 = tpu.memref_slice %arg2[%add3A_80] : memref<8388608xf32, #tpu.memory_space<hbm>> -> memref<8192xf32, #tpu.memory_space<hbm>>
    %dma_start3A_82 = tpu.memref_slice %arg2[%add3A_80] : memref<8388608xf32, #tpu.memory_space<hbm>> -> memref<8192xf32, #tpu.memory_space<hbm>>
    tpu.enqueue_dma source(%dma_start3A_82 : memref<8192xf32, #tpu.memory_space<hbm>>) target(%arg6 : memref<8192xf32, #tpu.memory_space<vmem>>) target_semaphore(%arg11 : memref<!tpu.dma_semaphore, #tpu.memory_space<semaphore_mem>>)
    %dma_start3A_83 = tpu.memref_slice %arg3[%add3A_80] : memref<8388608xi32, #tpu.memory_space<hbm>> -> memref<8192xi32, #tpu.memory_space<hbm>>
    %dma_start3A_84 = tpu.memref_slice %arg3[%add3A_80] : memref<8388608xi32, #tpu.memory_space<hbm>> -> memref<8192xi32, #tpu.memory_space<hbm>>
    tpu.enqueue_dma source(%dma_start3A_84 : memref<8192xi32, #tpu.memory_space<hbm>>) target(%arg8 : memref<8192xi32, #tpu.memory_space<vmem>>) target_semaphore(%arg13 : memref<!tpu.dma_semaphore, #tpu.memory_space<semaphore_mem>>)
    %dma_wait3A_85 = tpu.memref_slice %arg2[%add3A_64] : memref<8388608xf32, #tpu.memory_space<hbm>> -> memref<8192xf32, #tpu.memory_space<hbm>>
    %dma_wait3A_86 = tpu.memref_slice %arg2[%add3A_64] : memref<8388608xf32, #tpu.memory_space<hbm>> -> memref<8192xf32, #tpu.memory_space<hbm>>
    tpu.wait_dma2 semaphore(%arg10 : memref<!tpu.dma_semaphore, #tpu.memory_space<semaphore_mem>>) src(%dma_wait3A_86 : memref<8192xf32, #tpu.memory_space<hbm>>) dst(%arg5 : memref<8192xf32, #tpu.memory_space<vmem>>)
    %dma_wait3A_87 = tpu.memref_slice %arg3[%add3A_64] : memref<8388608xi32, #tpu.memory_space<hbm>> -> memref<8192xi32, #tpu.memory_space<hbm>>
    %dma_wait3A_88 = tpu.memref_slice %arg3[%add3A_64] : memref<8388608xi32, #tpu.memory_space<hbm>> -> memref<8192xi32, #tpu.memory_space<hbm>>
    tpu.wait_dma2 semaphore(%arg12 : memref<!tpu.dma_semaphore, #tpu.memory_space<semaphore_mem>>) src(%dma_wait3A_88 : memref<8192xi32, #tpu.memory_space<hbm>>) dst(%arg7 : memref<8192xi32, #tpu.memory_space<vmem>>)
    %scan3A_89 = arith.constant 0 : i32
    %scan3A_90 = arith.constant 512 : i32
    %scan3A_91 = arith.addi %scan3A_89, %scan3A_90 : i32
    %scan3A_92 = arith.constant 1 : i32
    %scan3A_93:19 = scf.for %scan3A_300 = %scan3A_89 to %scan3A_91 step %scan3A_92 iter_args(%scan3A_301 = %scan3A_77#0, %scan3A_302 = %scan3A_77#1, %scan3A_303 = %scan3A_77#2, %scan3A_304 = %scan3A_77#3, %scan3A_305 = %scan3A_77#4, %scan3A_306 = %scan3A_77#5, %scan3A_307 = %scan3A_77#6, %scan3A_308 = %scan3A_77#7, %scan3A_309 = %scan3A_77#8, %scan3A_310 = %scan3A_77#9, %scan3A_311 = %scan3A_77#10, %scan3A_312 = %scan3A_77#11, %scan3A_313 = %scan3A_77#12, %scan3A_314 = %scan3A_77#13, %scan3A_315 = %scan3A_77#14, %scan3A_316 = %scan3A_77#15, %scan3A_317 = %scan3A_77#16, %scan3A_318 = %scan3A_77#17, %scan3A_319 = %scan3A_77#18) -> (vector<16xi32>, vector<16xi32>, vector<16xi32>, vector<16xi32>, vector<16xi32>, vector<16xi32>, vector<16xi32>, vector<16xi32>, vector<16xi32>, vector<16xf32>, vector<16xf32>, vector<16xf32>, vector<16xf32>, vector<16xf32>, vector<16xf32>, vector<16xf32>, vector<16xf32>, vector<16xf32>, vector<16xf32>)  : i32 {
      %mul3A_320 = arith.constant 16 : i32
      %mul3A_321 = arith.muli %scan3A_300, %mul3A_320 : i32
      %get3A = arith.index_cast %mul3A_321 : i32 to index
      %get3A_322 = tpu.vector_load %arg5[%get3A] {strides = array<i32>} : memref<8192xf32, #tpu.memory_space<vmem>>, vector<16xf32>,
      %mul3A_323 = arith.constant 16 : i32
      %mul3A_324 = arith.muli %scan3A_300, %mul3A_323 : i32
      %get3A_325 = arith.index_cast %mul3A_324 : i32 to index
      %get3A_326 = tpu.vector_load %arg7[%get3A_325] {strides = array<i32>} : memref<8192xi32, #tpu.memory_space<vmem>>, vector<16xi32>,
      %eq3A = arith.cmpi eq, %get3A_326, %broadcast_in_dim3A_5 : vector<16xi32>
      %neg3A = arith.constant 0.000000e+00 : f32
      %neg3A_327 = vector.broadcast %neg3A : f32 to vector<16xf32>
      %neg3A_328 = arith.subf %neg3A_327, %get3A_322 : vector<16xf32>
      %select_n3A = arith.select %eq3A, %get3A_322, %neg3A_328 : vector<16xi1>, vector<16xf32>
      %abs3A = math.absf %get3A_322 : vector<16xf32>
      %neg3A_329 = arith.constant 0.000000e+00 : f32
      %neg3A_330 = vector.broadcast %neg3A_329 : f32 to vector<16xf32>
      %neg3A_331 = arith.subf %neg3A_330, %abs3A : vector<16xf32>
      %exp3A = math.exp %neg3A_331 : vector<16xf32>
      %mul3A_332 = arith.mulf %exp3A, %broadcast_in_dim3A_23 : vector<16xf32>
      %add3A_333 = arith.addf %broadcast_in_dim3A_21, %mul3A_332 : vector<16xf32>
      %mul3A_334 = arith.mulf %exp3A, %add3A_333 : vector<16xf32>
      %add3A_335 = arith.addf %broadcast_in_dim3A_19, %mul3A_334 : vector<16xf32>
      %mul3A_336 = arith.mulf %exp3A, %add3A_335 : vector<16xf32>
      %add3A_337 = arith.addf %broadcast_in_dim3A_17, %mul3A_336 : vector<16xf32>
      %mul3A_338 = arith.mulf %exp3A, %add3A_337 : vector<16xf32>
      %add3A_339 = arith.addf %broadcast_in_dim3A_15, %mul3A_338 : vector<16xf32>
      %mul3A_340 = arith.mulf %exp3A, %add3A_339 : vector<16xf32>
      %add3A_341 = arith.addf %broadcast_in_dim3A_13, %mul3A_340 : vector<16xf32>
      %mul3A_342 = arith.mulf %exp3A, %add3A_341 : vector<16xf32>
      %add3A_343 = arith.addf %broadcast_in_dim3A_11, %mul3A_342 : vector<16xf32>
      %mul3A_344 = arith.mulf %exp3A, %add3A_343 : vector<16xf32>
      %add3A_345 = arith.addf %broadcast_in_dim3A_9, %mul3A_344 : vector<16xf32>
      %max3A = arith.maximumf %select_n3A, %broadcast_in_dim3A_7 : vector<16xf32>
      %add3A_346 = arith.addf %max3A, %add3A_345 : vector<16xf32>
      %add3A_347 = arith.addf %scan3A_319, %add3A_346 : vector<16xf32>
      %ge3A = arith.cmpf oge, %get3A_322, %broadcast_in_dim3A_25 : vector<16xf32>
      %all_reduce_population_count3A = tpu.all_reduce %ge3A {dim = 0 : i64, kind = #tpu.reduction_kind<sum>} : vector<16xi1> -> vector<16xi32>
      %add3A_348 = arith.addi %scan3A_301, %all_reduce_population_count3A : vector<16xi32>
      %select_n3A_349 = arith.select %ge3A, %add3A_346, %broadcast_in_dim3A_7 : vector<16xi1>, vector<16xf32>
      %add3A_350 = arith.addf %scan3A_310, %select_n3A_349 : vector<16xf32>
      %ge3A_351 = arith.cmpf oge, %get3A_322, %broadcast_in_dim3A_27 : vector<16xf32>
      %all_reduce_population_count3A_352 = tpu.all_reduce %ge3A_351 {dim = 0 : i64, kind = #tpu.reduction_kind<sum>} : vector<16xi1> -> vector<16xi32>
      %add3A_353 = arith.addi %scan3A_302, %all_reduce_population_count3A_352 : vector<16xi32>
      %select_n3A_354 = arith.select %ge3A_351, %add3A_346, %broadcast_in_dim3A_7 : vector<16xi1>, vector<16xf32>
      %add3A_355 = arith.addf %scan3A_311, %select_n3A_354 : vector<16xf32>
      %ge3A_356 = arith.cmpf oge, %get3A_322, %broadcast_in_dim3A_29 : vector<16xf32>
      %all_reduce_population_count3A_357 = tpu.all_reduce %ge3A_356 {dim = 0 : i64, kind = #tpu.reduction_kind<sum>} : vector<16xi1> -> vector<16xi32>
      %add3A_358 = arith.addi %scan3A_303, %all_reduce_population_count3A_357 : vector<16xi32>
      %select_n3A_359 = arith.select %ge3A_356, %add3A_346, %broadcast_in_dim3A_7 : vector<16xi1>, vector<16xf32>
      %add3A_360 = arith.addf %scan3A_312, %select_n3A_359 : vector<16xf32>
      %ge3A_361 = arith.cmpf oge, %get3A_322, %broadcast_in_dim3A_31 : vector<16xf32>
      %all_reduce_population_count3A_362 = tpu.all_reduce %ge3A_361 {dim = 0 : i64, kind = #tpu.reduction_kind<sum>} : vector<16xi1> -> vector<16xi32>
      %add3A_363 = arith.addi %scan3A_304, %all_reduce_population_count3A_362 : vector<16xi32>
      %select_n3A_364 = arith.select %ge3A_361, %add3A_346, %broadcast_in_dim3A_7 : vector<16xi1>, vector<16xf32>
      %add3A_365 = arith.addf %scan3A_313, %select_n3A_364 : vector<16xf32>
      %ge3A_366 = arith.cmpf oge, %get3A_322, %broadcast_in_dim3A_33 : vector<16xf32>
      %all_reduce_population_count3A_367 = tpu.all_reduce %ge3A_366 {dim = 0 : i64, kind = #tpu.reduction_kind<sum>} : vector<16xi1> -> vector<16xi32>
      %add3A_368 = arith.addi %scan3A_305, %all_reduce_population_count3A_367 : vector<16xi32>
      %select_n3A_369 = arith.select %ge3A_366, %add3A_346, %broadcast_in_dim3A_7 : vector<16xi1>, vector<16xf32>
      %add3A_370 = arith.addf %scan3A_314, %select_n3A_369 : vector<16xf32>
      %ge3A_371 = arith.cmpf oge, %get3A_322, %broadcast_in_dim3A_35 : vector<16xf32>
      %all_reduce_population_count3A_372 = tpu.all_reduce %ge3A_371 {dim = 0 : i64, kind = #tpu.reduction_kind<sum>} : vector<16xi1> -> vector<16xi32>
      %add3A_373 = arith.addi %scan3A_306, %all_reduce_population_count3A_372 : vector<16xi32>
      %select_n3A_374 = arith.select %ge3A_371, %add3A_346, %broadcast_in_dim3A_7 : vector<16xi1>, vector<16xf32>
      %add3A_375 = arith.addf %scan3A_315, %select_n3A_374 : vector<16xf32>
      %ge3A_376 = arith.cmpf oge, %get3A_322, %broadcast_in_dim3A_37 : vector<16xf32>
      %all_reduce_population_count3A_377 = tpu.all_reduce %ge3A_376 {dim = 0 : i64, kind = #tpu.reduction_kind<sum>} : vector<16xi1> -> vector<16xi32>
      %add3A_378 = arith.addi %scan3A_307, %all_reduce_population_count3A_377 : vector<16xi32>
      %select_n3A_379 = arith.select %ge3A_376, %add3A_346, %broadcast_in_dim3A_7 : vector<16xi1>, vector<16xf32>
      %add3A_380 = arith.addf %scan3A_316, %select_n3A_379 : vector<16xf32>
      %ge3A_381 = arith.cmpf oge, %get3A_322, %broadcast_in_dim3A_39 : vector<16xf32>
      %all_reduce_population_count3A_382 = tpu.all_reduce %ge3A_381 {dim = 0 : i64, kind = #tpu.reduction_kind<sum>} : vector<16xi1> -> vector<16xi32>
      %add3A_383 = arith.addi %scan3A_308, %all_reduce_population_count3A_382 : vector<16xi32>
      %select_n3A_384 = arith.select %ge3A_381, %add3A_346, %broadcast_in_dim3A_7 : vector<16xi1>, vector<16xf32>
      %add3A_385 = arith.addf %scan3A_317, %select_n3A_384 : vector<16xf32>
      %ge3A_386 = arith.cmpf oge, %get3A_322, %broadcast_in_dim3A_41 : vector<16xf32>
      %all_reduce_population_count3A_387 = tpu.all_reduce %ge3A_386 {dim = 0 : i64, kind = #tpu.reduction_kind<sum>} : vector<16xi1> -> vector<16xi32>
      %add3A_388 = arith.addi %scan3A_309, %all_reduce_population_count3A_387 : vector<16xi32>
      %select_n3A_389 = arith.select %ge3A_386, %add3A_346, %broadcast_in_dim3A_7 : vector<16xi1>, vector<16xf32>
      %add3A_390 = arith.addf %scan3A_318, %select_n3A_389 : vector<16xf32>
      scf.yield %add3A_348, %add3A_353, %add3A_358, %add3A_363, %add3A_368, %add3A_373, %add3A_378, %add3A_383, %add3A_388, %add3A_350, %add3A_355, %add3A_360, %add3A_365, %add3A_370, %add3A_375, %add3A_380, %add3A_385, %add3A_390, %add3A_347 : vector<16xi32>, vector<16xi32>, vector<16xi32>, vector<16xi32>, vector<16xi32>, vector<16xi32>, vector<16xi32>, vector<16xi32>, vector<16xi32>, vector<16xf32>, vector<16xf32>, vector<16xf32>, vector<16xf32>, vector<16xf32>, vector<16xf32>, vector<16xf32>, vector<16xf32>, vector<16xf32>, vector<16xf32>
    }
    %scan3A_94 = arith.constant 512 : i32
    %add3A_95 = arith.constant 32768 : i32
    %add3A_96 = arith.addi %add3A_4, %add3A_95 : i32
    %dma_start3A_97 = tpu.memref_slice %arg2[%add3A_96] : memref<8388608xf32, #tpu.memory_space<hbm>> -> memref<8192xf32, #tpu.memory_space<hbm>>
    %dma_start3A_98 = tpu.memref_slice %arg2[%add3A_96] : memref<8388608xf32, #tpu.memory_space<hbm>> -> memref<8192xf32, #tpu.memory_space<hbm>>
    tpu.enqueue_dma source(%dma_start3A_98 : memref<8192xf32, #tpu.memory_space<hbm>>) target(%arg5 : memref<8192xf32, #tpu.memory_space<vmem>>) target_semaphore(%arg10 : memref<!tpu.dma_semaphore, #tpu.memory_space<semaphore_mem>>)
    %dma_start3A_99 = tpu.memref_slice %arg3[%add3A_96] : memref<8388608xi32, #tpu.memory_space<hbm>> -> memref<8192xi32, #tpu.memory_space<hbm>>
    %dma_start3A_100 = tpu.memref_slice %arg3[%add3A_96] : memref<8388608xi32, #tpu.memory_space<hbm>> -> memref<8192xi32, #tpu.memory_space<hbm>>
    tpu.enqueue_dma source(%dma_start3A_100 : memref<8192xi32, #tpu.memory_space<hbm>>) target(%arg7 : memref<8192xi32, #tpu.memory_space<vmem>>) target_semaphore(%arg12 : memref<!tpu.dma_semaphore, #tpu.memory_space<semaphore_mem>>)
    %dma_wait3A_101 = tpu.memref_slice %arg2[%add3A_80] : memref<8388608xf32, #tpu.memory_space<hbm>> -> memref<8192xf32, #tpu.memory_space<hbm>>
    %dma_wait3A_102 = tpu.memref_slice %arg2[%add3A_80] : memref<8388608xf32, #tpu.memory_space<hbm>> -> memref<8192xf32, #tpu.memory_space<hbm>>
    tpu.wait_dma2 semaphore(%arg11 : memref<!tpu.dma_semaphore, #tpu.memory_space<semaphore_mem>>) src(%dma_wait3A_102 : memref<8192xf32, #tpu.memory_space<hbm>>) dst(%arg6 : memref<8192xf32, #tpu.memory_space<vmem>>)
    %dma_wait3A_103 = tpu.memref_slice %arg3[%add3A_80] : memref<8388608xi32, #tpu.memory_space<hbm>> -> memref<8192xi32, #tpu.memory_space<hbm>>
    %dma_wait3A_104 = tpu.memref_slice %arg3[%add3A_80] : memref<8388608xi32, #tpu.memory_space<hbm>> -> memref<8192xi32, #tpu.memory_space<hbm>>
    tpu.wait_dma2 semaphore(%arg13 : memref<!tpu.dma_semaphore, #tpu.memory_space<semaphore_mem>>) src(%dma_wait3A_104 : memref<8192xi32, #tpu.memory_space<hbm>>) dst(%arg8 : memref<8192xi32, #tpu.memory_space<vmem>>)
    %scan3A_105 = arith.constant 0 : i32
    %scan3A_106 = arith.constant 512 : i32
    %scan3A_107 = arith.addi %scan3A_105, %scan3A_106 : i32
    %scan3A_108 = arith.constant 1 : i32
    %scan3A_109:19 = scf.for %scan3A_300 = %scan3A_105 to %scan3A_107 step %scan3A_108 iter_args(%scan3A_301 = %scan3A_93#0, %scan3A_302 = %scan3A_93#1, %scan3A_303 = %scan3A_93#2, %scan3A_304 = %scan3A_93#3, %scan3A_305 = %scan3A_93#4, %scan3A_306 = %scan3A_93#5, %scan3A_307 = %scan3A_93#6, %scan3A_308 = %scan3A_93#7, %scan3A_309 = %scan3A_93#8, %scan3A_310 = %scan3A_93#9, %scan3A_311 = %scan3A_93#10, %scan3A_312 = %scan3A_93#11, %scan3A_313 = %scan3A_93#12, %scan3A_314 = %scan3A_93#13, %scan3A_315 = %scan3A_93#14, %scan3A_316 = %scan3A_93#15, %scan3A_317 = %scan3A_93#16, %scan3A_318 = %scan3A_93#17, %scan3A_319 = %scan3A_93#18) -> (vector<16xi32>, vector<16xi32>, vector<16xi32>, vector<16xi32>, vector<16xi32>, vector<16xi32>, vector<16xi32>, vector<16xi32>, vector<16xi32>, vector<16xf32>, vector<16xf32>, vector<16xf32>, vector<16xf32>, vector<16xf32>, vector<16xf32>, vector<16xf32>, vector<16xf32>, vector<16xf32>, vector<16xf32>)  : i32 {
      %mul3A_320 = arith.constant 16 : i32
      %mul3A_321 = arith.muli %scan3A_300, %mul3A_320 : i32
      %get3A = arith.index_cast %mul3A_321 : i32 to index
      %get3A_322 = tpu.vector_load %arg6[%get3A] {strides = array<i32>} : memref<8192xf32, #tpu.memory_space<vmem>>, vector<16xf32>,
      %mul3A_323 = arith.constant 16 : i32
      %mul3A_324 = arith.muli %scan3A_300, %mul3A_323 : i32
      %get3A_325 = arith.index_cast %mul3A_324 : i32 to index
      %get3A_326 = tpu.vector_load %arg8[%get3A_325] {strides = array<i32>} : memref<8192xi32, #tpu.memory_space<vmem>>, vector<16xi32>,
      %eq3A = arith.cmpi eq, %get3A_326, %broadcast_in_dim3A_5 : vector<16xi32>
      %neg3A = arith.constant 0.000000e+00 : f32
      %neg3A_327 = vector.broadcast %neg3A : f32 to vector<16xf32>
      %neg3A_328 = arith.subf %neg3A_327, %get3A_322 : vector<16xf32>
      %select_n3A = arith.select %eq3A, %get3A_322, %neg3A_328 : vector<16xi1>, vector<16xf32>
      %abs3A = math.absf %get3A_322 : vector<16xf32>
      %neg3A_329 = arith.constant 0.000000e+00 : f32
      %neg3A_330 = vector.broadcast %neg3A_329 : f32 to vector<16xf32>
      %neg3A_331 = arith.subf %neg3A_330, %abs3A : vector<16xf32>
      %exp3A = math.exp %neg3A_331 : vector<16xf32>
      %mul3A_332 = arith.mulf %exp3A, %broadcast_in_dim3A_23 : vector<16xf32>
      %add3A_333 = arith.addf %broadcast_in_dim3A_21, %mul3A_332 : vector<16xf32>
      %mul3A_334 = arith.mulf %exp3A, %add3A_333 : vector<16xf32>
      %add3A_335 = arith.addf %broadcast_in_dim3A_19, %mul3A_334 : vector<16xf32>
      %mul3A_336 = arith.mulf %exp3A, %add3A_335 : vector<16xf32>
      %add3A_337 = arith.addf %broadcast_in_dim3A_17, %mul3A_336 : vector<16xf32>
      %mul3A_338 = arith.mulf %exp3A, %add3A_337 : vector<16xf32>
      %add3A_339 = arith.addf %broadcast_in_dim3A_15, %mul3A_338 : vector<16xf32>
      %mul3A_340 = arith.mulf %exp3A, %add3A_339 : vector<16xf32>
      %add3A_341 = arith.addf %broadcast_in_dim3A_13, %mul3A_340 : vector<16xf32>
      %mul3A_342 = arith.mulf %exp3A, %add3A_341 : vector<16xf32>
      %add3A_343 = arith.addf %broadcast_in_dim3A_11, %mul3A_342 : vector<16xf32>
      %mul3A_344 = arith.mulf %exp3A, %add3A_343 : vector<16xf32>
      %add3A_345 = arith.addf %broadcast_in_dim3A_9, %mul3A_344 : vector<16xf32>
      %max3A = arith.maximumf %select_n3A, %broadcast_in_dim3A_7 : vector<16xf32>
      %add3A_346 = arith.addf %max3A, %add3A_345 : vector<16xf32>
      %add3A_347 = arith.addf %scan3A_319, %add3A_346 : vector<16xf32>
      %ge3A = arith.cmpf oge, %get3A_322, %broadcast_in_dim3A_25 : vector<16xf32>
      %all_reduce_population_count3A = tpu.all_reduce %ge3A {dim = 0 : i64, kind = #tpu.reduction_kind<sum>} : vector<16xi1> -> vector<16xi32>
      %add3A_348 = arith.addi %scan3A_301, %all_reduce_population_count3A : vector<16xi32>
      %select_n3A_349 = arith.select %ge3A, %add3A_346, %broadcast_in_dim3A_7 : vector<16xi1>, vector<16xf32>
      %add3A_350 = arith.addf %scan3A_310, %select_n3A_349 : vector<16xf32>
      %ge3A_351 = arith.cmpf oge, %get3A_322, %broadcast_in_dim3A_27 : vector<16xf32>
      %all_reduce_population_count3A_352 = tpu.all_reduce %ge3A_351 {dim = 0 : i64, kind = #tpu.reduction_kind<sum>} : vector<16xi1> -> vector<16xi32>
      %add3A_353 = arith.addi %scan3A_302, %all_reduce_population_count3A_352 : vector<16xi32>
      %select_n3A_354 = arith.select %ge3A_351, %add3A_346, %broadcast_in_dim3A_7 : vector<16xi1>, vector<16xf32>
      %add3A_355 = arith.addf %scan3A_311, %select_n3A_354 : vector<16xf32>
      %ge3A_356 = arith.cmpf oge, %get3A_322, %broadcast_in_dim3A_29 : vector<16xf32>
      %all_reduce_population_count3A_357 = tpu.all_reduce %ge3A_356 {dim = 0 : i64, kind = #tpu.reduction_kind<sum>} : vector<16xi1> -> vector<16xi32>
      %add3A_358 = arith.addi %scan3A_303, %all_reduce_population_count3A_357 : vector<16xi32>
      %select_n3A_359 = arith.select %ge3A_356, %add3A_346, %broadcast_in_dim3A_7 : vector<16xi1>, vector<16xf32>
      %add3A_360 = arith.addf %scan3A_312, %select_n3A_359 : vector<16xf32>
      %ge3A_361 = arith.cmpf oge, %get3A_322, %broadcast_in_dim3A_31 : vector<16xf32>
      %all_reduce_population_count3A_362 = tpu.all_reduce %ge3A_361 {dim = 0 : i64, kind = #tpu.reduction_kind<sum>} : vector<16xi1> -> vector<16xi32>
      %add3A_363 = arith.addi %scan3A_304, %all_reduce_population_count3A_362 : vector<16xi32>
      %select_n3A_364 = arith.select %ge3A_361, %add3A_346, %broadcast_in_dim3A_7 : vector<16xi1>, vector<16xf32>
      %add3A_365 = arith.addf %scan3A_313, %select_n3A_364 : vector<16xf32>
      %ge3A_366 = arith.cmpf oge, %get3A_322, %broadcast_in_dim3A_33 : vector<16xf32>
      %all_reduce_population_count3A_367 = tpu.all_reduce %ge3A_366 {dim = 0 : i64, kind = #tpu.reduction_kind<sum>} : vector<16xi1> -> vector<16xi32>
      %add3A_368 = arith.addi %scan3A_305, %all_reduce_population_count3A_367 : vector<16xi32>
      %select_n3A_369 = arith.select %ge3A_366, %add3A_346, %broadcast_in_dim3A_7 : vector<16xi1>, vector<16xf32>
      %add3A_370 = arith.addf %scan3A_314, %select_n3A_369 : vector<16xf32>
      %ge3A_371 = arith.cmpf oge, %get3A_322, %broadcast_in_dim3A_35 : vector<16xf32>
      %all_reduce_population_count3A_372 = tpu.all_reduce %ge3A_371 {dim = 0 : i64, kind = #tpu.reduction_kind<sum>} : vector<16xi1> -> vector<16xi32>
      %add3A_373 = arith.addi %scan3A_306, %all_reduce_population_count3A_372 : vector<16xi32>
      %select_n3A_374 = arith.select %ge3A_371, %add3A_346, %broadcast_in_dim3A_7 : vector<16xi1>, vector<16xf32>
      %add3A_375 = arith.addf %scan3A_315, %select_n3A_374 : vector<16xf32>
      %ge3A_376 = arith.cmpf oge, %get3A_322, %broadcast_in_dim3A_37 : vector<16xf32>
      %all_reduce_population_count3A_377 = tpu.all_reduce %ge3A_376 {dim = 0 : i64, kind = #tpu.reduction_kind<sum>} : vector<16xi1> -> vector<16xi32>
      %add3A_378 = arith.addi %scan3A_307, %all_reduce_population_count3A_377 : vector<16xi32>
      %select_n3A_379 = arith.select %ge3A_376, %add3A_346, %broadcast_in_dim3A_7 : vector<16xi1>, vector<16xf32>
      %add3A_380 = arith.addf %scan3A_316, %select_n3A_379 : vector<16xf32>
      %ge3A_381 = arith.cmpf oge, %get3A_322, %broadcast_in_dim3A_39 : vector<16xf32>
      %all_reduce_population_count3A_382 = tpu.all_reduce %ge3A_381 {dim = 0 : i64, kind = #tpu.reduction_kind<sum>} : vector<16xi1> -> vector<16xi32>
      %add3A_383 = arith.addi %scan3A_308, %all_reduce_population_count3A_382 : vector<16xi32>
      %select_n3A_384 = arith.select %ge3A_381, %add3A_346, %broadcast_in_dim3A_7 : vector<16xi1>, vector<16xf32>
      %add3A_385 = arith.addf %scan3A_317, %select_n3A_384 : vector<16xf32>
      %ge3A_386 = arith.cmpf oge, %get3A_322, %broadcast_in_dim3A_41 : vector<16xf32>
      %all_reduce_population_count3A_387 = tpu.all_reduce %ge3A_386 {dim = 0 : i64, kind = #tpu.reduction_kind<sum>} : vector<16xi1> -> vector<16xi32>
      %add3A_388 = arith.addi %scan3A_309, %all_reduce_population_count3A_387 : vector<16xi32>
      %select_n3A_389 = arith.select %ge3A_386, %add3A_346, %broadcast_in_dim3A_7 : vector<16xi1>, vector<16xf32>
      %add3A_390 = arith.addf %scan3A_318, %select_n3A_389 : vector<16xf32>
      scf.yield %add3A_348, %add3A_353, %add3A_358, %add3A_363, %add3A_368, %add3A_373, %add3A_378, %add3A_383, %add3A_388, %add3A_350, %add3A_355, %add3A_360, %add3A_365, %add3A_370, %add3A_375, %add3A_380, %add3A_385, %add3A_390, %add3A_347 : vector<16xi32>, vector<16xi32>, vector<16xi32>, vector<16xi32>, vector<16xi32>, vector<16xi32>, vector<16xi32>, vector<16xi32>, vector<16xi32>, vector<16xf32>, vector<16xf32>, vector<16xf32>, vector<16xf32>, vector<16xf32>, vector<16xf32>, vector<16xf32>, vector<16xf32>, vector<16xf32>, vector<16xf32>
    }
    %scan3A_110 = arith.constant 512 : i32
    %add3A_111 = arith.constant 40960 : i32
    %add3A_112 = arith.addi %add3A_4, %add3A_111 : i32
    %dma_start3A_113 = tpu.memref_slice %arg2[%add3A_112] : memref<8388608xf32, #tpu.memory_space<hbm>> -> memref<8192xf32, #tpu.memory_space<hbm>>
    %dma_start3A_114 = tpu.memref_slice %arg2[%add3A_112] : memref<8388608xf32, #tpu.memory_space<hbm>> -> memref<8192xf32, #tpu.memory_space<hbm>>
    tpu.enqueue_dma source(%dma_start3A_114 : memref<8192xf32, #tpu.memory_space<hbm>>) target(%arg6 : memref<8192xf32, #tpu.memory_space<vmem>>) target_semaphore(%arg11 : memref<!tpu.dma_semaphore, #tpu.memory_space<semaphore_mem>>)
    %dma_start3A_115 = tpu.memref_slice %arg3[%add3A_112] : memref<8388608xi32, #tpu.memory_space<hbm>> -> memref<8192xi32, #tpu.memory_space<hbm>>
    %dma_start3A_116 = tpu.memref_slice %arg3[%add3A_112] : memref<8388608xi32, #tpu.memory_space<hbm>> -> memref<8192xi32, #tpu.memory_space<hbm>>
    tpu.enqueue_dma source(%dma_start3A_116 : memref<8192xi32, #tpu.memory_space<hbm>>) target(%arg8 : memref<8192xi32, #tpu.memory_space<vmem>>) target_semaphore(%arg13 : memref<!tpu.dma_semaphore, #tpu.memory_space<semaphore_mem>>)
    %dma_wait3A_117 = tpu.memref_slice %arg2[%add3A_96] : memref<8388608xf32, #tpu.memory_space<hbm>> -> memref<8192xf32, #tpu.memory_space<hbm>>
    %dma_wait3A_118 = tpu.memref_slice %arg2[%add3A_96] : memref<8388608xf32, #tpu.memory_space<hbm>> -> memref<8192xf32, #tpu.memory_space<hbm>>
    tpu.wait_dma2 semaphore(%arg10 : memref<!tpu.dma_semaphore, #tpu.memory_space<semaphore_mem>>) src(%dma_wait3A_118 : memref<8192xf32, #tpu.memory_space<hbm>>) dst(%arg5 : memref<8192xf32, #tpu.memory_space<vmem>>)
    %dma_wait3A_119 = tpu.memref_slice %arg3[%add3A_96] : memref<8388608xi32, #tpu.memory_space<hbm>> -> memref<8192xi32, #tpu.memory_space<hbm>>
    %dma_wait3A_120 = tpu.memref_slice %arg3[%add3A_96] : memref<8388608xi32, #tpu.memory_space<hbm>> -> memref<8192xi32, #tpu.memory_space<hbm>>
    tpu.wait_dma2 semaphore(%arg12 : memref<!tpu.dma_semaphore, #tpu.memory_space<semaphore_mem>>) src(%dma_wait3A_120 : memref<8192xi32, #tpu.memory_space<hbm>>) dst(%arg7 : memref<8192xi32, #tpu.memory_space<vmem>>)
    %scan3A_121 = arith.constant 0 : i32
    %scan3A_122 = arith.constant 512 : i32
    %scan3A_123 = arith.addi %scan3A_121, %scan3A_122 : i32
    %scan3A_124 = arith.constant 1 : i32
    %scan3A_125:19 = scf.for %scan3A_300 = %scan3A_121 to %scan3A_123 step %scan3A_124 iter_args(%scan3A_301 = %scan3A_109#0, %scan3A_302 = %scan3A_109#1, %scan3A_303 = %scan3A_109#2, %scan3A_304 = %scan3A_109#3, %scan3A_305 = %scan3A_109#4, %scan3A_306 = %scan3A_109#5, %scan3A_307 = %scan3A_109#6, %scan3A_308 = %scan3A_109#7, %scan3A_309 = %scan3A_109#8, %scan3A_310 = %scan3A_109#9, %scan3A_311 = %scan3A_109#10, %scan3A_312 = %scan3A_109#11, %scan3A_313 = %scan3A_109#12, %scan3A_314 = %scan3A_109#13, %scan3A_315 = %scan3A_109#14, %scan3A_316 = %scan3A_109#15, %scan3A_317 = %scan3A_109#16, %scan3A_318 = %scan3A_109#17, %scan3A_319 = %scan3A_109#18) -> (vector<16xi32>, vector<16xi32>, vector<16xi32>, vector<16xi32>, vector<16xi32>, vector<16xi32>, vector<16xi32>, vector<16xi32>, vector<16xi32>, vector<16xf32>, vector<16xf32>, vector<16xf32>, vector<16xf32>, vector<16xf32>, vector<16xf32>, vector<16xf32>, vector<16xf32>, vector<16xf32>, vector<16xf32>)  : i32 {
      %mul3A_320 = arith.constant 16 : i32
      %mul3A_321 = arith.muli %scan3A_300, %mul3A_320 : i32
      %get3A = arith.index_cast %mul3A_321 : i32 to index
      %get3A_322 = tpu.vector_load %arg5[%get3A] {strides = array<i32>} : memref<8192xf32, #tpu.memory_space<vmem>>, vector<16xf32>,
      %mul3A_323 = arith.constant 16 : i32
      %mul3A_324 = arith.muli %scan3A_300, %mul3A_323 : i32
      %get3A_325 = arith.index_cast %mul3A_324 : i32 to index
      %get3A_326 = tpu.vector_load %arg7[%get3A_325] {strides = array<i32>} : memref<8192xi32, #tpu.memory_space<vmem>>, vector<16xi32>,
      %eq3A = arith.cmpi eq, %get3A_326, %broadcast_in_dim3A_5 : vector<16xi32>
      %neg3A = arith.constant 0.000000e+00 : f32
      %neg3A_327 = vector.broadcast %neg3A : f32 to vector<16xf32>
      %neg3A_328 = arith.subf %neg3A_327, %get3A_322 : vector<16xf32>
      %select_n3A = arith.select %eq3A, %get3A_322, %neg3A_328 : vector<16xi1>, vector<16xf32>
      %abs3A = math.absf %get3A_322 : vector<16xf32>
      %neg3A_329 = arith.constant 0.000000e+00 : f32
      %neg3A_330 = vector.broadcast %neg3A_329 : f32 to vector<16xf32>
      %neg3A_331 = arith.subf %neg3A_330, %abs3A : vector<16xf32>
      %exp3A = math.exp %neg3A_331 : vector<16xf32>
      %mul3A_332 = arith.mulf %exp3A, %broadcast_in_dim3A_23 : vector<16xf32>
      %add3A_333 = arith.addf %broadcast_in_dim3A_21, %mul3A_332 : vector<16xf32>
      %mul3A_334 = arith.mulf %exp3A, %add3A_333 : vector<16xf32>
      %add3A_335 = arith.addf %broadcast_in_dim3A_19, %mul3A_334 : vector<16xf32>
      %mul3A_336 = arith.mulf %exp3A, %add3A_335 : vector<16xf32>
      %add3A_337 = arith.addf %broadcast_in_dim3A_17, %mul3A_336 : vector<16xf32>
      %mul3A_338 = arith.mulf %exp3A, %add3A_337 : vector<16xf32>
      %add3A_339 = arith.addf %broadcast_in_dim3A_15, %mul3A_338 : vector<16xf32>
      %mul3A_340 = arith.mulf %exp3A, %add3A_339 : vector<16xf32>
      %add3A_341 = arith.addf %broadcast_in_dim3A_13, %mul3A_340 : vector<16xf32>
      %mul3A_342 = arith.mulf %exp3A, %add3A_341 : vector<16xf32>
      %add3A_343 = arith.addf %broadcast_in_dim3A_11, %mul3A_342 : vector<16xf32>
      %mul3A_344 = arith.mulf %exp3A, %add3A_343 : vector<16xf32>
      %add3A_345 = arith.addf %broadcast_in_dim3A_9, %mul3A_344 : vector<16xf32>
      %max3A = arith.maximumf %select_n3A, %broadcast_in_dim3A_7 : vector<16xf32>
      %add3A_346 = arith.addf %max3A, %add3A_345 : vector<16xf32>
      %add3A_347 = arith.addf %scan3A_319, %add3A_346 : vector<16xf32>
      %ge3A = arith.cmpf oge, %get3A_322, %broadcast_in_dim3A_25 : vector<16xf32>
      %all_reduce_population_count3A = tpu.all_reduce %ge3A {dim = 0 : i64, kind = #tpu.reduction_kind<sum>} : vector<16xi1> -> vector<16xi32>
      %add3A_348 = arith.addi %scan3A_301, %all_reduce_population_count3A : vector<16xi32>
      %select_n3A_349 = arith.select %ge3A, %add3A_346, %broadcast_in_dim3A_7 : vector<16xi1>, vector<16xf32>
      %add3A_350 = arith.addf %scan3A_310, %select_n3A_349 : vector<16xf32>
      %ge3A_351 = arith.cmpf oge, %get3A_322, %broadcast_in_dim3A_27 : vector<16xf32>
      %all_reduce_population_count3A_352 = tpu.all_reduce %ge3A_351 {dim = 0 : i64, kind = #tpu.reduction_kind<sum>} : vector<16xi1> -> vector<16xi32>
      %add3A_353 = arith.addi %scan3A_302, %all_reduce_population_count3A_352 : vector<16xi32>
      %select_n3A_354 = arith.select %ge3A_351, %add3A_346, %broadcast_in_dim3A_7 : vector<16xi1>, vector<16xf32>
      %add3A_355 = arith.addf %scan3A_311, %select_n3A_354 : vector<16xf32>
      %ge3A_356 = arith.cmpf oge, %get3A_322, %broadcast_in_dim3A_29 : vector<16xf32>
      %all_reduce_population_count3A_357 = tpu.all_reduce %ge3A_356 {dim = 0 : i64, kind = #tpu.reduction_kind<sum>} : vector<16xi1> -> vector<16xi32>
      %add3A_358 = arith.addi %scan3A_303, %all_reduce_population_count3A_357 : vector<16xi32>
      %select_n3A_359 = arith.select %ge3A_356, %add3A_346, %broadcast_in_dim3A_7 : vector<16xi1>, vector<16xf32>
      %add3A_360 = arith.addf %scan3A_312, %select_n3A_359 : vector<16xf32>
      %ge3A_361 = arith.cmpf oge, %get3A_322, %broadcast_in_dim3A_31 : vector<16xf32>
      %all_reduce_population_count3A_362 = tpu.all_reduce %ge3A_361 {dim = 0 : i64, kind = #tpu.reduction_kind<sum>} : vector<16xi1> -> vector<16xi32>
      %add3A_363 = arith.addi %scan3A_304, %all_reduce_population_count3A_362 : vector<16xi32>
      %select_n3A_364 = arith.select %ge3A_361, %add3A_346, %broadcast_in_dim3A_7 : vector<16xi1>, vector<16xf32>
      %add3A_365 = arith.addf %scan3A_313, %select_n3A_364 : vector<16xf32>
      %ge3A_366 = arith.cmpf oge, %get3A_322, %broadcast_in_dim3A_33 : vector<16xf32>
      %all_reduce_population_count3A_367 = tpu.all_reduce %ge3A_366 {dim = 0 : i64, kind = #tpu.reduction_kind<sum>} : vector<16xi1> -> vector<16xi32>
      %add3A_368 = arith.addi %scan3A_305, %all_reduce_population_count3A_367 : vector<16xi32>
      %select_n3A_369 = arith.select %ge3A_366, %add3A_346, %broadcast_in_dim3A_7 : vector<16xi1>, vector<16xf32>
      %add3A_370 = arith.addf %scan3A_314, %select_n3A_369 : vector<16xf32>
      %ge3A_371 = arith.cmpf oge, %get3A_322, %broadcast_in_dim3A_35 : vector<16xf32>
      %all_reduce_population_count3A_372 = tpu.all_reduce %ge3A_371 {dim = 0 : i64, kind = #tpu.reduction_kind<sum>} : vector<16xi1> -> vector<16xi32>
      %add3A_373 = arith.addi %scan3A_306, %all_reduce_population_count3A_372 : vector<16xi32>
      %select_n3A_374 = arith.select %ge3A_371, %add3A_346, %broadcast_in_dim3A_7 : vector<16xi1>, vector<16xf32>
      %add3A_375 = arith.addf %scan3A_315, %select_n3A_374 : vector<16xf32>
      %ge3A_376 = arith.cmpf oge, %get3A_322, %broadcast_in_dim3A_37 : vector<16xf32>
      %all_reduce_population_count3A_377 = tpu.all_reduce %ge3A_376 {dim = 0 : i64, kind = #tpu.reduction_kind<sum>} : vector<16xi1> -> vector<16xi32>
      %add3A_378 = arith.addi %scan3A_307, %all_reduce_population_count3A_377 : vector<16xi32>
      %select_n3A_379 = arith.select %ge3A_376, %add3A_346, %broadcast_in_dim3A_7 : vector<16xi1>, vector<16xf32>
      %add3A_380 = arith.addf %scan3A_316, %select_n3A_379 : vector<16xf32>
      %ge3A_381 = arith.cmpf oge, %get3A_322, %broadcast_in_dim3A_39 : vector<16xf32>
      %all_reduce_population_count3A_382 = tpu.all_reduce %ge3A_381 {dim = 0 : i64, kind = #tpu.reduction_kind<sum>} : vector<16xi1> -> vector<16xi32>
      %add3A_383 = arith.addi %scan3A_308, %all_reduce_population_count3A_382 : vector<16xi32>
      %select_n3A_384 = arith.select %ge3A_381, %add3A_346, %broadcast_in_dim3A_7 : vector<16xi1>, vector<16xf32>
      %add3A_385 = arith.addf %scan3A_317, %select_n3A_384 : vector<16xf32>
      %ge3A_386 = arith.cmpf oge, %get3A_322, %broadcast_in_dim3A_41 : vector<16xf32>
      %all_reduce_population_count3A_387 = tpu.all_reduce %ge3A_386 {dim = 0 : i64, kind = #tpu.reduction_kind<sum>} : vector<16xi1> -> vector<16xi32>
      %add3A_388 = arith.addi %scan3A_309, %all_reduce_population_count3A_387 : vector<16xi32>
      %select_n3A_389 = arith.select %ge3A_386, %add3A_346, %broadcast_in_dim3A_7 : vector<16xi1>, vector<16xf32>
      %add3A_390 = arith.addf %scan3A_318, %select_n3A_389 : vector<16xf32>
      scf.yield %add3A_348, %add3A_353, %add3A_358, %add3A_363, %add3A_368, %add3A_373, %add3A_378, %add3A_383, %add3A_388, %add3A_350, %add3A_355, %add3A_360, %add3A_365, %add3A_370, %add3A_375, %add3A_380, %add3A_385, %add3A_390, %add3A_347 : vector<16xi32>, vector<16xi32>, vector<16xi32>, vector<16xi32>, vector<16xi32>, vector<16xi32>, vector<16xi32>, vector<16xi32>, vector<16xi32>, vector<16xf32>, vector<16xf32>, vector<16xf32>, vector<16xf32>, vector<16xf32>, vector<16xf32>, vector<16xf32>, vector<16xf32>, vector<16xf32>, vector<16xf32>
    }
    %scan3A_126 = arith.constant 512 : i32
    %add3A_127 = arith.constant 49152 : i32
    %add3A_128 = arith.addi %add3A_4, %add3A_127 : i32
    %dma_start3A_129 = tpu.memref_slice %arg2[%add3A_128] : memref<8388608xf32, #tpu.memory_space<hbm>> -> memref<8192xf32, #tpu.memory_space<hbm>>
    %dma_start3A_130 = tpu.memref_slice %arg2[%add3A_128] : memref<8388608xf32, #tpu.memory_space<hbm>> -> memref<8192xf32, #tpu.memory_space<hbm>>
    tpu.enqueue_dma source(%dma_start3A_130 : memref<8192xf32, #tpu.memory_space<hbm>>) target(%arg5 : memref<8192xf32, #tpu.memory_space<vmem>>) target_semaphore(%arg10 : memref<!tpu.dma_semaphore, #tpu.memory_space<semaphore_mem>>)
    %dma_start3A_131 = tpu.memref_slice %arg3[%add3A_128] : memref<8388608xi32, #tpu.memory_space<hbm>> -> memref<8192xi32, #tpu.memory_space<hbm>>
    %dma_start3A_132 = tpu.memref_slice %arg3[%add3A_128] : memref<8388608xi32, #tpu.memory_space<hbm>> -> memref<8192xi32, #tpu.memory_space<hbm>>
    tpu.enqueue_dma source(%dma_start3A_132 : memref<8192xi32, #tpu.memory_space<hbm>>) target(%arg7 : memref<8192xi32, #tpu.memory_space<vmem>>) target_semaphore(%arg12 : memref<!tpu.dma_semaphore, #tpu.memory_space<semaphore_mem>>)
    %dma_wait3A_133 = tpu.memref_slice %arg2[%add3A_112] : memref<8388608xf32, #tpu.memory_space<hbm>> -> memref<8192xf32, #tpu.memory_space<hbm>>
    %dma_wait3A_134 = tpu.memref_slice %arg2[%add3A_112] : memref<8388608xf32, #tpu.memory_space<hbm>> -> memref<8192xf32, #tpu.memory_space<hbm>>
    tpu.wait_dma2 semaphore(%arg11 : memref<!tpu.dma_semaphore, #tpu.memory_space<semaphore_mem>>) src(%dma_wait3A_134 : memref<8192xf32, #tpu.memory_space<hbm>>) dst(%arg6 : memref<8192xf32, #tpu.memory_space<vmem>>)
    %dma_wait3A_135 = tpu.memref_slice %arg3[%add3A_112] : memref<8388608xi32, #tpu.memory_space<hbm>> -> memref<8192xi32, #tpu.memory_space<hbm>>
    %dma_wait3A_136 = tpu.memref_slice %arg3[%add3A_112] : memref<8388608xi32, #tpu.memory_space<hbm>> -> memref<8192xi32, #tpu.memory_space<hbm>>
    tpu.wait_dma2 semaphore(%arg13 : memref<!tpu.dma_semaphore, #tpu.memory_space<semaphore_mem>>) src(%dma_wait3A_136 : memref<8192xi32, #tpu.memory_space<hbm>>) dst(%arg8 : memref<8192xi32, #tpu.memory_space<vmem>>)
    %scan3A_137 = arith.constant 0 : i32
    %scan3A_138 = arith.constant 512 : i32
    %scan3A_139 = arith.addi %scan3A_137, %scan3A_138 : i32
    %scan3A_140 = arith.constant 1 : i32
    %scan3A_141:19 = scf.for %scan3A_300 = %scan3A_137 to %scan3A_139 step %scan3A_140 iter_args(%scan3A_301 = %scan3A_125#0, %scan3A_302 = %scan3A_125#1, %scan3A_303 = %scan3A_125#2, %scan3A_304 = %scan3A_125#3, %scan3A_305 = %scan3A_125#4, %scan3A_306 = %scan3A_125#5, %scan3A_307 = %scan3A_125#6, %scan3A_308 = %scan3A_125#7, %scan3A_309 = %scan3A_125#8, %scan3A_310 = %scan3A_125#9, %scan3A_311 = %scan3A_125#10, %scan3A_312 = %scan3A_125#11, %scan3A_313 = %scan3A_125#12, %scan3A_314 = %scan3A_125#13, %scan3A_315 = %scan3A_125#14, %scan3A_316 = %scan3A_125#15, %scan3A_317 = %scan3A_125#16, %scan3A_318 = %scan3A_125#17, %scan3A_319 = %scan3A_125#18) -> (vector<16xi32>, vector<16xi32>, vector<16xi32>, vector<16xi32>, vector<16xi32>, vector<16xi32>, vector<16xi32>, vector<16xi32>, vector<16xi32>, vector<16xf32>, vector<16xf32>, vector<16xf32>, vector<16xf32>, vector<16xf32>, vector<16xf32>, vector<16xf32>, vector<16xf32>, vector<16xf32>, vector<16xf32>)  : i32 {
      %mul3A_320 = arith.constant 16 : i32
      %mul3A_321 = arith.muli %scan3A_300, %mul3A_320 : i32
      %get3A = arith.index_cast %mul3A_321 : i32 to index
      %get3A_322 = tpu.vector_load %arg6[%get3A] {strides = array<i32>} : memref<8192xf32, #tpu.memory_space<vmem>>, vector<16xf32>,
      %mul3A_323 = arith.constant 16 : i32
      %mul3A_324 = arith.muli %scan3A_300, %mul3A_323 : i32
      %get3A_325 = arith.index_cast %mul3A_324 : i32 to index
      %get3A_326 = tpu.vector_load %arg8[%get3A_325] {strides = array<i32>} : memref<8192xi32, #tpu.memory_space<vmem>>, vector<16xi32>,
      %eq3A = arith.cmpi eq, %get3A_326, %broadcast_in_dim3A_5 : vector<16xi32>
      %neg3A = arith.constant 0.000000e+00 : f32
      %neg3A_327 = vector.broadcast %neg3A : f32 to vector<16xf32>
      %neg3A_328 = arith.subf %neg3A_327, %get3A_322 : vector<16xf32>
      %select_n3A = arith.select %eq3A, %get3A_322, %neg3A_328 : vector<16xi1>, vector<16xf32>
      %abs3A = math.absf %get3A_322 : vector<16xf32>
      %neg3A_329 = arith.constant 0.000000e+00 : f32
      %neg3A_330 = vector.broadcast %neg3A_329 : f32 to vector<16xf32>
      %neg3A_331 = arith.subf %neg3A_330, %abs3A : vector<16xf32>
      %exp3A = math.exp %neg3A_331 : vector<16xf32>
      %mul3A_332 = arith.mulf %exp3A, %broadcast_in_dim3A_23 : vector<16xf32>
      %add3A_333 = arith.addf %broadcast_in_dim3A_21, %mul3A_332 : vector<16xf32>
      %mul3A_334 = arith.mulf %exp3A, %add3A_333 : vector<16xf32>
      %add3A_335 = arith.addf %broadcast_in_dim3A_19, %mul3A_334 : vector<16xf32>
      %mul3A_336 = arith.mulf %exp3A, %add3A_335 : vector<16xf32>
      %add3A_337 = arith.addf %broadcast_in_dim3A_17, %mul3A_336 : vector<16xf32>
      %mul3A_338 = arith.mulf %exp3A, %add3A_337 : vector<16xf32>
      %add3A_339 = arith.addf %broadcast_in_dim3A_15, %mul3A_338 : vector<16xf32>
      %mul3A_340 = arith.mulf %exp3A, %add3A_339 : vector<16xf32>
      %add3A_341 = arith.addf %broadcast_in_dim3A_13, %mul3A_340 : vector<16xf32>
      %mul3A_342 = arith.mulf %exp3A, %add3A_341 : vector<16xf32>
      %add3A_343 = arith.addf %broadcast_in_dim3A_11, %mul3A_342 : vector<16xf32>
      %mul3A_344 = arith.mulf %exp3A, %add3A_343 : vector<16xf32>
      %add3A_345 = arith.addf %broadcast_in_dim3A_9, %mul3A_344 : vector<16xf32>
      %max3A = arith.maximumf %select_n3A, %broadcast_in_dim3A_7 : vector<16xf32>
      %add3A_346 = arith.addf %max3A, %add3A_345 : vector<16xf32>
      %add3A_347 = arith.addf %scan3A_319, %add3A_346 : vector<16xf32>
      %ge3A = arith.cmpf oge, %get3A_322, %broadcast_in_dim3A_25 : vector<16xf32>
      %all_reduce_population_count3A = tpu.all_reduce %ge3A {dim = 0 : i64, kind = #tpu.reduction_kind<sum>} : vector<16xi1> -> vector<16xi32>
      %add3A_348 = arith.addi %scan3A_301, %all_reduce_population_count3A : vector<16xi32>
      %select_n3A_349 = arith.select %ge3A, %add3A_346, %broadcast_in_dim3A_7 : vector<16xi1>, vector<16xf32>
      %add3A_350 = arith.addf %scan3A_310, %select_n3A_349 : vector<16xf32>
      %ge3A_351 = arith.cmpf oge, %get3A_322, %broadcast_in_dim3A_27 : vector<16xf32>
      %all_reduce_population_count3A_352 = tpu.all_reduce %ge3A_351 {dim = 0 : i64, kind = #tpu.reduction_kind<sum>} : vector<16xi1> -> vector<16xi32>
      %add3A_353 = arith.addi %scan3A_302, %all_reduce_population_count3A_352 : vector<16xi32>
      %select_n3A_354 = arith.select %ge3A_351, %add3A_346, %broadcast_in_dim3A_7 : vector<16xi1>, vector<16xf32>
      %add3A_355 = arith.addf %scan3A_311, %select_n3A_354 : vector<16xf32>
      %ge3A_356 = arith.cmpf oge, %get3A_322, %broadcast_in_dim3A_29 : vector<16xf32>
      %all_reduce_population_count3A_357 = tpu.all_reduce %ge3A_356 {dim = 0 : i64, kind = #tpu.reduction_kind<sum>} : vector<16xi1> -> vector<16xi32>
      %add3A_358 = arith.addi %scan3A_303, %all_reduce_population_count3A_357 : vector<16xi32>
      %select_n3A_359 = arith.select %ge3A_356, %add3A_346, %broadcast_in_dim3A_7 : vector<16xi1>, vector<16xf32>
      %add3A_360 = arith.addf %scan3A_312, %select_n3A_359 : vector<16xf32>
      %ge3A_361 = arith.cmpf oge, %get3A_322, %broadcast_in_dim3A_31 : vector<16xf32>
      %all_reduce_population_count3A_362 = tpu.all_reduce %ge3A_361 {dim = 0 : i64, kind = #tpu.reduction_kind<sum>} : vector<16xi1> -> vector<16xi32>
      %add3A_363 = arith.addi %scan3A_304, %all_reduce_population_count3A_362 : vector<16xi32>
      %select_n3A_364 = arith.select %ge3A_361, %add3A_346, %broadcast_in_dim3A_7 : vector<16xi1>, vector<16xf32>
      %add3A_365 = arith.addf %scan3A_313, %select_n3A_364 : vector<16xf32>
      %ge3A_366 = arith.cmpf oge, %get3A_322, %broadcast_in_dim3A_33 : vector<16xf32>
      %all_reduce_population_count3A_367 = tpu.all_reduce %ge3A_366 {dim = 0 : i64, kind = #tpu.reduction_kind<sum>} : vector<16xi1> -> vector<16xi32>
      %add3A_368 = arith.addi %scan3A_305, %all_reduce_population_count3A_367 : vector<16xi32>
      %select_n3A_369 = arith.select %ge3A_366, %add3A_346, %broadcast_in_dim3A_7 : vector<16xi1>, vector<16xf32>
      %add3A_370 = arith.addf %scan3A_314, %select_n3A_369 : vector<16xf32>
      %ge3A_371 = arith.cmpf oge, %get3A_322, %broadcast_in_dim3A_35 : vector<16xf32>
      %all_reduce_population_count3A_372 = tpu.all_reduce %ge3A_371 {dim = 0 : i64, kind = #tpu.reduction_kind<sum>} : vector<16xi1> -> vector<16xi32>
      %add3A_373 = arith.addi %scan3A_306, %all_reduce_population_count3A_372 : vector<16xi32>
      %select_n3A_374 = arith.select %ge3A_371, %add3A_346, %broadcast_in_dim3A_7 : vector<16xi1>, vector<16xf32>
      %add3A_375 = arith.addf %scan3A_315, %select_n3A_374 : vector<16xf32>
      %ge3A_376 = arith.cmpf oge, %get3A_322, %broadcast_in_dim3A_37 : vector<16xf32>
      %all_reduce_population_count3A_377 = tpu.all_reduce %ge3A_376 {dim = 0 : i64, kind = #tpu.reduction_kind<sum>} : vector<16xi1> -> vector<16xi32>
      %add3A_378 = arith.addi %scan3A_307, %all_reduce_population_count3A_377 : vector<16xi32>
      %select_n3A_379 = arith.select %ge3A_376, %add3A_346, %broadcast_in_dim3A_7 : vector<16xi1>, vector<16xf32>
      %add3A_380 = arith.addf %scan3A_316, %select_n3A_379 : vector<16xf32>
      %ge3A_381 = arith.cmpf oge, %get3A_322, %broadcast_in_dim3A_39 : vector<16xf32>
      %all_reduce_population_count3A_382 = tpu.all_reduce %ge3A_381 {dim = 0 : i64, kind = #tpu.reduction_kind<sum>} : vector<16xi1> -> vector<16xi32>
      %add3A_383 = arith.addi %scan3A_308, %all_reduce_population_count3A_382 : vector<16xi32>
      %select_n3A_384 = arith.select %ge3A_381, %add3A_346, %broadcast_in_dim3A_7 : vector<16xi1>, vector<16xf32>
      %add3A_385 = arith.addf %scan3A_317, %select_n3A_384 : vector<16xf32>
      %ge3A_386 = arith.cmpf oge, %get3A_322, %broadcast_in_dim3A_41 : vector<16xf32>
      %all_reduce_population_count3A_387 = tpu.all_reduce %ge3A_386 {dim = 0 : i64, kind = #tpu.reduction_kind<sum>} : vector<16xi1> -> vector<16xi32>
      %add3A_388 = arith.addi %scan3A_309, %all_reduce_population_count3A_387 : vector<16xi32>
      %select_n3A_389 = arith.select %ge3A_386, %add3A_346, %broadcast_in_dim3A_7 : vector<16xi1>, vector<16xf32>
      %add3A_390 = arith.addf %scan3A_318, %select_n3A_389 : vector<16xf32>
      scf.yield %add3A_348, %add3A_353, %add3A_358, %add3A_363, %add3A_368, %add3A_373, %add3A_378, %add3A_383, %add3A_388, %add3A_350, %add3A_355, %add3A_360, %add3A_365, %add3A_370, %add3A_375, %add3A_380, %add3A_385, %add3A_390, %add3A_347 : vector<16xi32>, vector<16xi32>, vector<16xi32>, vector<16xi32>, vector<16xi32>, vector<16xi32>, vector<16xi32>, vector<16xi32>, vector<16xi32>, vector<16xf32>, vector<16xf32>, vector<16xf32>, vector<16xf32>, vector<16xf32>, vector<16xf32>, vector<16xf32>, vector<16xf32>, vector<16xf32>, vector<16xf32>
    }
    %scan3A_142 = arith.constant 512 : i32
    %add3A_143 = arith.constant 57344 : i32
    %add3A_144 = arith.addi %add3A_4, %add3A_143 : i32
    %dma_start3A_145 = tpu.memref_slice %arg2[%add3A_144] : memref<8388608xf32, #tpu.memory_space<hbm>> -> memref<8192xf32, #tpu.memory_space<hbm>>
    %dma_start3A_146 = tpu.memref_slice %arg2[%add3A_144] : memref<8388608xf32, #tpu.memory_space<hbm>> -> memref<8192xf32, #tpu.memory_space<hbm>>
    tpu.enqueue_dma source(%dma_start3A_146 : memref<8192xf32, #tpu.memory_space<hbm>>) target(%arg6 : memref<8192xf32, #tpu.memory_space<vmem>>) target_semaphore(%arg11 : memref<!tpu.dma_semaphore, #tpu.memory_space<semaphore_mem>>)
    %dma_start3A_147 = tpu.memref_slice %arg3[%add3A_144] : memref<8388608xi32, #tpu.memory_space<hbm>> -> memref<8192xi32, #tpu.memory_space<hbm>>
    %dma_start3A_148 = tpu.memref_slice %arg3[%add3A_144] : memref<8388608xi32, #tpu.memory_space<hbm>> -> memref<8192xi32, #tpu.memory_space<hbm>>
    tpu.enqueue_dma source(%dma_start3A_148 : memref<8192xi32, #tpu.memory_space<hbm>>) target(%arg8 : memref<8192xi32, #tpu.memory_space<vmem>>) target_semaphore(%arg13 : memref<!tpu.dma_semaphore, #tpu.memory_space<semaphore_mem>>)
    %dma_wait3A_149 = tpu.memref_slice %arg2[%add3A_128] : memref<8388608xf32, #tpu.memory_space<hbm>> -> memref<8192xf32, #tpu.memory_space<hbm>>
    %dma_wait3A_150 = tpu.memref_slice %arg2[%add3A_128] : memref<8388608xf32, #tpu.memory_space<hbm>> -> memref<8192xf32, #tpu.memory_space<hbm>>
    tpu.wait_dma2 semaphore(%arg10 : memref<!tpu.dma_semaphore, #tpu.memory_space<semaphore_mem>>) src(%dma_wait3A_150 : memref<8192xf32, #tpu.memory_space<hbm>>) dst(%arg5 : memref<8192xf32, #tpu.memory_space<vmem>>)
    %dma_wait3A_151 = tpu.memref_slice %arg3[%add3A_128] : memref<8388608xi32, #tpu.memory_space<hbm>> -> memref<8192xi32, #tpu.memory_space<hbm>>
    %dma_wait3A_152 = tpu.memref_slice %arg3[%add3A_128] : memref<8388608xi32, #tpu.memory_space<hbm>> -> memref<8192xi32, #tpu.memory_space<hbm>>
    tpu.wait_dma2 semaphore(%arg12 : memref<!tpu.dma_semaphore, #tpu.memory_space<semaphore_mem>>) src(%dma_wait3A_152 : memref<8192xi32, #tpu.memory_space<hbm>>) dst(%arg7 : memref<8192xi32, #tpu.memory_space<vmem>>)
    %scan3A_153 = arith.constant 0 : i32
    %scan3A_154 = arith.constant 512 : i32
    %scan3A_155 = arith.addi %scan3A_153, %scan3A_154 : i32
    %scan3A_156 = arith.constant 1 : i32
    %scan3A_157:19 = scf.for %scan3A_300 = %scan3A_153 to %scan3A_155 step %scan3A_156 iter_args(%scan3A_301 = %scan3A_141#0, %scan3A_302 = %scan3A_141#1, %scan3A_303 = %scan3A_141#2, %scan3A_304 = %scan3A_141#3, %scan3A_305 = %scan3A_141#4, %scan3A_306 = %scan3A_141#5, %scan3A_307 = %scan3A_141#6, %scan3A_308 = %scan3A_141#7, %scan3A_309 = %scan3A_141#8, %scan3A_310 = %scan3A_141#9, %scan3A_311 = %scan3A_141#10, %scan3A_312 = %scan3A_141#11, %scan3A_313 = %scan3A_141#12, %scan3A_314 = %scan3A_141#13, %scan3A_315 = %scan3A_141#14, %scan3A_316 = %scan3A_141#15, %scan3A_317 = %scan3A_141#16, %scan3A_318 = %scan3A_141#17, %scan3A_319 = %scan3A_141#18) -> (vector<16xi32>, vector<16xi32>, vector<16xi32>, vector<16xi32>, vector<16xi32>, vector<16xi32>, vector<16xi32>, vector<16xi32>, vector<16xi32>, vector<16xf32>, vector<16xf32>, vector<16xf32>, vector<16xf32>, vector<16xf32>, vector<16xf32>, vector<16xf32>, vector<16xf32>, vector<16xf32>, vector<16xf32>)  : i32 {
      %mul3A_320 = arith.constant 16 : i32
      %mul3A_321 = arith.muli %scan3A_300, %mul3A_320 : i32
      %get3A = arith.index_cast %mul3A_321 : i32 to index
      %get3A_322 = tpu.vector_load %arg5[%get3A] {strides = array<i32>} : memref<8192xf32, #tpu.memory_space<vmem>>, vector<16xf32>,
      %mul3A_323 = arith.constant 16 : i32
      %mul3A_324 = arith.muli %scan3A_300, %mul3A_323 : i32
      %get3A_325 = arith.index_cast %mul3A_324 : i32 to index
      %get3A_326 = tpu.vector_load %arg7[%get3A_325] {strides = array<i32>} : memref<8192xi32, #tpu.memory_space<vmem>>, vector<16xi32>,
      %eq3A = arith.cmpi eq, %get3A_326, %broadcast_in_dim3A_5 : vector<16xi32>
      %neg3A = arith.constant 0.000000e+00 : f32
      %neg3A_327 = vector.broadcast %neg3A : f32 to vector<16xf32>
      %neg3A_328 = arith.subf %neg3A_327, %get3A_322 : vector<16xf32>
      %select_n3A = arith.select %eq3A, %get3A_322, %neg3A_328 : vector<16xi1>, vector<16xf32>
      %abs3A = math.absf %get3A_322 : vector<16xf32>
      %neg3A_329 = arith.constant 0.000000e+00 : f32
      %neg3A_330 = vector.broadcast %neg3A_329 : f32 to vector<16xf32>
      %neg3A_331 = arith.subf %neg3A_330, %abs3A : vector<16xf32>
      %exp3A = math.exp %neg3A_331 : vector<16xf32>
      %mul3A_332 = arith.mulf %exp3A, %broadcast_in_dim3A_23 : vector<16xf32>
      %add3A_333 = arith.addf %broadcast_in_dim3A_21, %mul3A_332 : vector<16xf32>
      %mul3A_334 = arith.mulf %exp3A, %add3A_333 : vector<16xf32>
      %add3A_335 = arith.addf %broadcast_in_dim3A_19, %mul3A_334 : vector<16xf32>
      %mul3A_336 = arith.mulf %exp3A, %add3A_335 : vector<16xf32>
      %add3A_337 = arith.addf %broadcast_in_dim3A_17, %mul3A_336 : vector<16xf32>
      %mul3A_338 = arith.mulf %exp3A, %add3A_337 : vector<16xf32>
      %add3A_339 = arith.addf %broadcast_in_dim3A_15, %mul3A_338 : vector<16xf32>
      %mul3A_340 = arith.mulf %exp3A, %add3A_339 : vector<16xf32>
      %add3A_341 = arith.addf %broadcast_in_dim3A_13, %mul3A_340 : vector<16xf32>
      %mul3A_342 = arith.mulf %exp3A, %add3A_341 : vector<16xf32>
      %add3A_343 = arith.addf %broadcast_in_dim3A_11, %mul3A_342 : vector<16xf32>
      %mul3A_344 = arith.mulf %exp3A, %add3A_343 : vector<16xf32>
      %add3A_345 = arith.addf %broadcast_in_dim3A_9, %mul3A_344 : vector<16xf32>
      %max3A = arith.maximumf %select_n3A, %broadcast_in_dim3A_7 : vector<16xf32>
      %add3A_346 = arith.addf %max3A, %add3A_345 : vector<16xf32>
      %add3A_347 = arith.addf %scan3A_319, %add3A_346 : vector<16xf32>
      %ge3A = arith.cmpf oge, %get3A_322, %broadcast_in_dim3A_25 : vector<16xf32>
      %all_reduce_population_count3A = tpu.all_reduce %ge3A {dim = 0 : i64, kind = #tpu.reduction_kind<sum>} : vector<16xi1> -> vector<16xi32>
      %add3A_348 = arith.addi %scan3A_301, %all_reduce_population_count3A : vector<16xi32>
      %select_n3A_349 = arith.select %ge3A, %add3A_346, %broadcast_in_dim3A_7 : vector<16xi1>, vector<16xf32>
      %add3A_350 = arith.addf %scan3A_310, %select_n3A_349 : vector<16xf32>
      %ge3A_351 = arith.cmpf oge, %get3A_322, %broadcast_in_dim3A_27 : vector<16xf32>
      %all_reduce_population_count3A_352 = tpu.all_reduce %ge3A_351 {dim = 0 : i64, kind = #tpu.reduction_kind<sum>} : vector<16xi1> -> vector<16xi32>
      %add3A_353 = arith.addi %scan3A_302, %all_reduce_population_count3A_352 : vector<16xi32>
      %select_n3A_354 = arith.select %ge3A_351, %add3A_346, %broadcast_in_dim3A_7 : vector<16xi1>, vector<16xf32>
      %add3A_355 = arith.addf %scan3A_311, %select_n3A_354 : vector<16xf32>
      %ge3A_356 = arith.cmpf oge, %get3A_322, %broadcast_in_dim3A_29 : vector<16xf32>
      %all_reduce_population_count3A_357 = tpu.all_reduce %ge3A_356 {dim = 0 : i64, kind = #tpu.reduction_kind<sum>} : vector<16xi1> -> vector<16xi32>
      %add3A_358 = arith.addi %scan3A_303, %all_reduce_population_count3A_357 : vector<16xi32>
      %select_n3A_359 = arith.select %ge3A_356, %add3A_346, %broadcast_in_dim3A_7 : vector<16xi1>, vector<16xf32>
      %add3A_360 = arith.addf %scan3A_312, %select_n3A_359 : vector<16xf32>
      %ge3A_361 = arith.cmpf oge, %get3A_322, %broadcast_in_dim3A_31 : vector<16xf32>
      %all_reduce_population_count3A_362 = tpu.all_reduce %ge3A_361 {dim = 0 : i64, kind = #tpu.reduction_kind<sum>} : vector<16xi1> -> vector<16xi32>
      %add3A_363 = arith.addi %scan3A_304, %all_reduce_population_count3A_362 : vector<16xi32>
      %select_n3A_364 = arith.select %ge3A_361, %add3A_346, %broadcast_in_dim3A_7 : vector<16xi1>, vector<16xf32>
      %add3A_365 = arith.addf %scan3A_313, %select_n3A_364 : vector<16xf32>
      %ge3A_366 = arith.cmpf oge, %get3A_322, %broadcast_in_dim3A_33 : vector<16xf32>
      %all_reduce_population_count3A_367 = tpu.all_reduce %ge3A_366 {dim = 0 : i64, kind = #tpu.reduction_kind<sum>} : vector<16xi1> -> vector<16xi32>
      %add3A_368 = arith.addi %scan3A_305, %all_reduce_population_count3A_367 : vector<16xi32>
      %select_n3A_369 = arith.select %ge3A_366, %add3A_346, %broadcast_in_dim3A_7 : vector<16xi1>, vector<16xf32>
      %add3A_370 = arith.addf %scan3A_314, %select_n3A_369 : vector<16xf32>
      %ge3A_371 = arith.cmpf oge, %get3A_322, %broadcast_in_dim3A_35 : vector<16xf32>
      %all_reduce_population_count3A_372 = tpu.all_reduce %ge3A_371 {dim = 0 : i64, kind = #tpu.reduction_kind<sum>} : vector<16xi1> -> vector<16xi32>
      %add3A_373 = arith.addi %scan3A_306, %all_reduce_population_count3A_372 : vector<16xi32>
      %select_n3A_374 = arith.select %ge3A_371, %add3A_346, %broadcast_in_dim3A_7 : vector<16xi1>, vector<16xf32>
      %add3A_375 = arith.addf %scan3A_315, %select_n3A_374 : vector<16xf32>
      %ge3A_376 = arith.cmpf oge, %get3A_322, %broadcast_in_dim3A_37 : vector<16xf32>
      %all_reduce_population_count3A_377 = tpu.all_reduce %ge3A_376 {dim = 0 : i64, kind = #tpu.reduction_kind<sum>} : vector<16xi1> -> vector<16xi32>
      %add3A_378 = arith.addi %scan3A_307, %all_reduce_population_count3A_377 : vector<16xi32>
      %select_n3A_379 = arith.select %ge3A_376, %add3A_346, %broadcast_in_dim3A_7 : vector<16xi1>, vector<16xf32>
      %add3A_380 = arith.addf %scan3A_316, %select_n3A_379 : vector<16xf32>
      %ge3A_381 = arith.cmpf oge, %get3A_322, %broadcast_in_dim3A_39 : vector<16xf32>
      %all_reduce_population_count3A_382 = tpu.all_reduce %ge3A_381 {dim = 0 : i64, kind = #tpu.reduction_kind<sum>} : vector<16xi1> -> vector<16xi32>
      %add3A_383 = arith.addi %scan3A_308, %all_reduce_population_count3A_382 : vector<16xi32>
      %select_n3A_384 = arith.select %ge3A_381, %add3A_346, %broadcast_in_dim3A_7 : vector<16xi1>, vector<16xf32>
      %add3A_385 = arith.addf %scan3A_317, %select_n3A_384 : vector<16xf32>
      %ge3A_386 = arith.cmpf oge, %get3A_322, %broadcast_in_dim3A_41 : vector<16xf32>
      %all_reduce_population_count3A_387 = tpu.all_reduce %ge3A_386 {dim = 0 : i64, kind = #tpu.reduction_kind<sum>} : vector<16xi1> -> vector<16xi32>
      %add3A_388 = arith.addi %scan3A_309, %all_reduce_population_count3A_387 : vector<16xi32>
      %select_n3A_389 = arith.select %ge3A_386, %add3A_346, %broadcast_in_dim3A_7 : vector<16xi1>, vector<16xf32>
      %add3A_390 = arith.addf %scan3A_318, %select_n3A_389 : vector<16xf32>
      scf.yield %add3A_348, %add3A_353, %add3A_358, %add3A_363, %add3A_368, %add3A_373, %add3A_378, %add3A_383, %add3A_388, %add3A_350, %add3A_355, %add3A_360, %add3A_365, %add3A_370, %add3A_375, %add3A_380, %add3A_385, %add3A_390, %add3A_347 : vector<16xi32>, vector<16xi32>, vector<16xi32>, vector<16xi32>, vector<16xi32>, vector<16xi32>, vector<16xi32>, vector<16xi32>, vector<16xi32>, vector<16xf32>, vector<16xf32>, vector<16xf32>, vector<16xf32>, vector<16xf32>, vector<16xf32>, vector<16xf32>, vector<16xf32>, vector<16xf32>, vector<16xf32>
    }
    %scan3A_158 = arith.constant 512 : i32
    %add3A_159 = arith.constant 65536 : i32
    %add3A_160 = arith.addi %add3A_4, %add3A_159 : i32
    %dma_start3A_161 = tpu.memref_slice %arg2[%add3A_160] : memref<8388608xf32, #tpu.memory_space<hbm>> -> memref<8192xf32, #tpu.memory_space<hbm>>
    %dma_start3A_162 = tpu.memref_slice %arg2[%add3A_160] : memref<8388608xf32, #tpu.memory_space<hbm>> -> memref<8192xf32, #tpu.memory_space<hbm>>
    tpu.enqueue_dma source(%dma_start3A_162 : memref<8192xf32, #tpu.memory_space<hbm>>) target(%arg5 : memref<8192xf32, #tpu.memory_space<vmem>>) target_semaphore(%arg10 : memref<!tpu.dma_semaphore, #tpu.memory_space<semaphore_mem>>)
    %dma_start3A_163 = tpu.memref_slice %arg3[%add3A_160] : memref<8388608xi32, #tpu.memory_space<hbm>> -> memref<8192xi32, #tpu.memory_space<hbm>>
    %dma_start3A_164 = tpu.memref_slice %arg3[%add3A_160] : memref<8388608xi32, #tpu.memory_space<hbm>> -> memref<8192xi32, #tpu.memory_space<hbm>>
    tpu.enqueue_dma source(%dma_start3A_164 : memref<8192xi32, #tpu.memory_space<hbm>>) target(%arg7 : memref<8192xi32, #tpu.memory_space<vmem>>) target_semaphore(%arg12 : memref<!tpu.dma_semaphore, #tpu.memory_space<semaphore_mem>>)
    %dma_wait3A_165 = tpu.memref_slice %arg2[%add3A_144] : memref<8388608xf32, #tpu.memory_space<hbm>> -> memref<8192xf32, #tpu.memory_space<hbm>>
    %dma_wait3A_166 = tpu.memref_slice %arg2[%add3A_144] : memref<8388608xf32, #tpu.memory_space<hbm>> -> memref<8192xf32, #tpu.memory_space<hbm>>
    tpu.wait_dma2 semaphore(%arg11 : memref<!tpu.dma_semaphore, #tpu.memory_space<semaphore_mem>>) src(%dma_wait3A_166 : memref<8192xf32, #tpu.memory_space<hbm>>) dst(%arg6 : memref<8192xf32, #tpu.memory_space<vmem>>)
    %dma_wait3A_167 = tpu.memref_slice %arg3[%add3A_144] : memref<8388608xi32, #tpu.memory_space<hbm>> -> memref<8192xi32, #tpu.memory_space<hbm>>
    %dma_wait3A_168 = tpu.memref_slice %arg3[%add3A_144] : memref<8388608xi32, #tpu.memory_space<hbm>> -> memref<8192xi32, #tpu.memory_space<hbm>>
    tpu.wait_dma2 semaphore(%arg13 : memref<!tpu.dma_semaphore, #tpu.memory_space<semaphore_mem>>) src(%dma_wait3A_168 : memref<8192xi32, #tpu.memory_space<hbm>>) dst(%arg8 : memref<8192xi32, #tpu.memory_space<vmem>>)
    %scan3A_169 = arith.constant 0 : i32
    %scan3A_170 = arith.constant 512 : i32
    %scan3A_171 = arith.addi %scan3A_169, %scan3A_170 : i32
    %scan3A_172 = arith.constant 1 : i32
    %scan3A_173:19 = scf.for %scan3A_300 = %scan3A_169 to %scan3A_171 step %scan3A_172 iter_args(%scan3A_301 = %scan3A_157#0, %scan3A_302 = %scan3A_157#1, %scan3A_303 = %scan3A_157#2, %scan3A_304 = %scan3A_157#3, %scan3A_305 = %scan3A_157#4, %scan3A_306 = %scan3A_157#5, %scan3A_307 = %scan3A_157#6, %scan3A_308 = %scan3A_157#7, %scan3A_309 = %scan3A_157#8, %scan3A_310 = %scan3A_157#9, %scan3A_311 = %scan3A_157#10, %scan3A_312 = %scan3A_157#11, %scan3A_313 = %scan3A_157#12, %scan3A_314 = %scan3A_157#13, %scan3A_315 = %scan3A_157#14, %scan3A_316 = %scan3A_157#15, %scan3A_317 = %scan3A_157#16, %scan3A_318 = %scan3A_157#17, %scan3A_319 = %scan3A_157#18) -> (vector<16xi32>, vector<16xi32>, vector<16xi32>, vector<16xi32>, vector<16xi32>, vector<16xi32>, vector<16xi32>, vector<16xi32>, vector<16xi32>, vector<16xf32>, vector<16xf32>, vector<16xf32>, vector<16xf32>, vector<16xf32>, vector<16xf32>, vector<16xf32>, vector<16xf32>, vector<16xf32>, vector<16xf32>)  : i32 {
      %mul3A_320 = arith.constant 16 : i32
      %mul3A_321 = arith.muli %scan3A_300, %mul3A_320 : i32
      %get3A = arith.index_cast %mul3A_321 : i32 to index
      %get3A_322 = tpu.vector_load %arg6[%get3A] {strides = array<i32>} : memref<8192xf32, #tpu.memory_space<vmem>>, vector<16xf32>,
      %mul3A_323 = arith.constant 16 : i32
      %mul3A_324 = arith.muli %scan3A_300, %mul3A_323 : i32
      %get3A_325 = arith.index_cast %mul3A_324 : i32 to index
      %get3A_326 = tpu.vector_load %arg8[%get3A_325] {strides = array<i32>} : memref<8192xi32, #tpu.memory_space<vmem>>, vector<16xi32>,
      %eq3A = arith.cmpi eq, %get3A_326, %broadcast_in_dim3A_5 : vector<16xi32>
      %neg3A = arith.constant 0.000000e+00 : f32
      %neg3A_327 = vector.broadcast %neg3A : f32 to vector<16xf32>
      %neg3A_328 = arith.subf %neg3A_327, %get3A_322 : vector<16xf32>
      %select_n3A = arith.select %eq3A, %get3A_322, %neg3A_328 : vector<16xi1>, vector<16xf32>
      %abs3A = math.absf %get3A_322 : vector<16xf32>
      %neg3A_329 = arith.constant 0.000000e+00 : f32
      %neg3A_330 = vector.broadcast %neg3A_329 : f32 to vector<16xf32>
      %neg3A_331 = arith.subf %neg3A_330, %abs3A : vector<16xf32>
      %exp3A = math.exp %neg3A_331 : vector<16xf32>
      %mul3A_332 = arith.mulf %exp3A, %broadcast_in_dim3A_23 : vector<16xf32>
      %add3A_333 = arith.addf %broadcast_in_dim3A_21, %mul3A_332 : vector<16xf32>
      %mul3A_334 = arith.mulf %exp3A, %add3A_333 : vector<16xf32>
      %add3A_335 = arith.addf %broadcast_in_dim3A_19, %mul3A_334 : vector<16xf32>
      %mul3A_336 = arith.mulf %exp3A, %add3A_335 : vector<16xf32>
      %add3A_337 = arith.addf %broadcast_in_dim3A_17, %mul3A_336 : vector<16xf32>
      %mul3A_338 = arith.mulf %exp3A, %add3A_337 : vector<16xf32>
      %add3A_339 = arith.addf %broadcast_in_dim3A_15, %mul3A_338 : vector<16xf32>
      %mul3A_340 = arith.mulf %exp3A, %add3A_339 : vector<16xf32>
      %add3A_341 = arith.addf %broadcast_in_dim3A_13, %mul3A_340 : vector<16xf32>
      %mul3A_342 = arith.mulf %exp3A, %add3A_341 : vector<16xf32>
      %add3A_343 = arith.addf %broadcast_in_dim3A_11, %mul3A_342 : vector<16xf32>
      %mul3A_344 = arith.mulf %exp3A, %add3A_343 : vector<16xf32>
      %add3A_345 = arith.addf %broadcast_in_dim3A_9, %mul3A_344 : vector<16xf32>
      %max3A = arith.maximumf %select_n3A, %broadcast_in_dim3A_7 : vector<16xf32>
      %add3A_346 = arith.addf %max3A, %add3A_345 : vector<16xf32>
      %add3A_347 = arith.addf %scan3A_319, %add3A_346 : vector<16xf32>
      %ge3A = arith.cmpf oge, %get3A_322, %broadcast_in_dim3A_25 : vector<16xf32>
      %all_reduce_population_count3A = tpu.all_reduce %ge3A {dim = 0 : i64, kind = #tpu.reduction_kind<sum>} : vector<16xi1> -> vector<16xi32>
      %add3A_348 = arith.addi %scan3A_301, %all_reduce_population_count3A : vector<16xi32>
      %select_n3A_349 = arith.select %ge3A, %add3A_346, %broadcast_in_dim3A_7 : vector<16xi1>, vector<16xf32>
      %add3A_350 = arith.addf %scan3A_310, %select_n3A_349 : vector<16xf32>
      %ge3A_351 = arith.cmpf oge, %get3A_322, %broadcast_in_dim3A_27 : vector<16xf32>
      %all_reduce_population_count3A_352 = tpu.all_reduce %ge3A_351 {dim = 0 : i64, kind = #tpu.reduction_kind<sum>} : vector<16xi1> -> vector<16xi32>
      %add3A_353 = arith.addi %scan3A_302, %all_reduce_population_count3A_352 : vector<16xi32>
      %select_n3A_354 = arith.select %ge3A_351, %add3A_346, %broadcast_in_dim3A_7 : vector<16xi1>, vector<16xf32>
      %add3A_355 = arith.addf %scan3A_311, %select_n3A_354 : vector<16xf32>
      %ge3A_356 = arith.cmpf oge, %get3A_322, %broadcast_in_dim3A_29 : vector<16xf32>
      %all_reduce_population_count3A_357 = tpu.all_reduce %ge3A_356 {dim = 0 : i64, kind = #tpu.reduction_kind<sum>} : vector<16xi1> -> vector<16xi32>
      %add3A_358 = arith.addi %scan3A_303, %all_reduce_population_count3A_357 : vector<16xi32>
      %select_n3A_359 = arith.select %ge3A_356, %add3A_346, %broadcast_in_dim3A_7 : vector<16xi1>, vector<16xf32>
      %add3A_360 = arith.addf %scan3A_312, %select_n3A_359 : vector<16xf32>
      %ge3A_361 = arith.cmpf oge, %get3A_322, %broadcast_in_dim3A_31 : vector<16xf32>
      %all_reduce_population_count3A_362 = tpu.all_reduce %ge3A_361 {dim = 0 : i64, kind = #tpu.reduction_kind<sum>} : vector<16xi1> -> vector<16xi32>
      %add3A_363 = arith.addi %scan3A_304, %all_reduce_population_count3A_362 : vector<16xi32>
      %select_n3A_364 = arith.select %ge3A_361, %add3A_346, %broadcast_in_dim3A_7 : vector<16xi1>, vector<16xf32>
      %add3A_365 = arith.addf %scan3A_313, %select_n3A_364 : vector<16xf32>
      %ge3A_366 = arith.cmpf oge, %get3A_322, %broadcast_in_dim3A_33 : vector<16xf32>
      %all_reduce_population_count3A_367 = tpu.all_reduce %ge3A_366 {dim = 0 : i64, kind = #tpu.reduction_kind<sum>} : vector<16xi1> -> vector<16xi32>
      %add3A_368 = arith.addi %scan3A_305, %all_reduce_population_count3A_367 : vector<16xi32>
      %select_n3A_369 = arith.select %ge3A_366, %add3A_346, %broadcast_in_dim3A_7 : vector<16xi1>, vector<16xf32>
      %add3A_370 = arith.addf %scan3A_314, %select_n3A_369 : vector<16xf32>
      %ge3A_371 = arith.cmpf oge, %get3A_322, %broadcast_in_dim3A_35 : vector<16xf32>
      %all_reduce_population_count3A_372 = tpu.all_reduce %ge3A_371 {dim = 0 : i64, kind = #tpu.reduction_kind<sum>} : vector<16xi1> -> vector<16xi32>
      %add3A_373 = arith.addi %scan3A_306, %all_reduce_population_count3A_372 : vector<16xi32>
      %select_n3A_374 = arith.select %ge3A_371, %add3A_346, %broadcast_in_dim3A_7 : vector<16xi1>, vector<16xf32>
      %add3A_375 = arith.addf %scan3A_315, %select_n3A_374 : vector<16xf32>
      %ge3A_376 = arith.cmpf oge, %get3A_322, %broadcast_in_dim3A_37 : vector<16xf32>
      %all_reduce_population_count3A_377 = tpu.all_reduce %ge3A_376 {dim = 0 : i64, kind = #tpu.reduction_kind<sum>} : vector<16xi1> -> vector<16xi32>
      %add3A_378 = arith.addi %scan3A_307, %all_reduce_population_count3A_377 : vector<16xi32>
      %select_n3A_379 = arith.select %ge3A_376, %add3A_346, %broadcast_in_dim3A_7 : vector<16xi1>, vector<16xf32>
      %add3A_380 = arith.addf %scan3A_316, %select_n3A_379 : vector<16xf32>
      %ge3A_381 = arith.cmpf oge, %get3A_322, %broadcast_in_dim3A_39 : vector<16xf32>
      %all_reduce_population_count3A_382 = tpu.all_reduce %ge3A_381 {dim = 0 : i64, kind = #tpu.reduction_kind<sum>} : vector<16xi1> -> vector<16xi32>
      %add3A_383 = arith.addi %scan3A_308, %all_reduce_population_count3A_382 : vector<16xi32>
      %select_n3A_384 = arith.select %ge3A_381, %add3A_346, %broadcast_in_dim3A_7 : vector<16xi1>, vector<16xf32>
      %add3A_385 = arith.addf %scan3A_317, %select_n3A_384 : vector<16xf32>
      %ge3A_386 = arith.cmpf oge, %get3A_322, %broadcast_in_dim3A_41 : vector<16xf32>
      %all_reduce_population_count3A_387 = tpu.all_reduce %ge3A_386 {dim = 0 : i64, kind = #tpu.reduction_kind<sum>} : vector<16xi1> -> vector<16xi32>
      %add3A_388 = arith.addi %scan3A_309, %all_reduce_population_count3A_387 : vector<16xi32>
      %select_n3A_389 = arith.select %ge3A_386, %add3A_346, %broadcast_in_dim3A_7 : vector<16xi1>, vector<16xf32>
      %add3A_390 = arith.addf %scan3A_318, %select_n3A_389 : vector<16xf32>
      scf.yield %add3A_348, %add3A_353, %add3A_358, %add3A_363, %add3A_368, %add3A_373, %add3A_378, %add3A_383, %add3A_388, %add3A_350, %add3A_355, %add3A_360, %add3A_365, %add3A_370, %add3A_375, %add3A_380, %add3A_385, %add3A_390, %add3A_347 : vector<16xi32>, vector<16xi32>, vector<16xi32>, vector<16xi32>, vector<16xi32>, vector<16xi32>, vector<16xi32>, vector<16xi32>, vector<16xi32>, vector<16xf32>, vector<16xf32>, vector<16xf32>, vector<16xf32>, vector<16xf32>, vector<16xf32>, vector<16xf32>, vector<16xf32>, vector<16xf32>, vector<16xf32>
    }
    %scan3A_174 = arith.constant 512 : i32
    %add3A_175 = arith.constant 73728 : i32
    %add3A_176 = arith.addi %add3A_4, %add3A_175 : i32
    %dma_start3A_177 = tpu.memref_slice %arg2[%add3A_176] : memref<8388608xf32, #tpu.memory_space<hbm>> -> memref<8192xf32, #tpu.memory_space<hbm>>
    %dma_start3A_178 = tpu.memref_slice %arg2[%add3A_176] : memref<8388608xf32, #tpu.memory_space<hbm>> -> memref<8192xf32, #tpu.memory_space<hbm>>
    tpu.enqueue_dma source(%dma_start3A_178 : memref<8192xf32, #tpu.memory_space<hbm>>) target(%arg6 : memref<8192xf32, #tpu.memory_space<vmem>>) target_semaphore(%arg11 : memref<!tpu.dma_semaphore, #tpu.memory_space<semaphore_mem>>)
    %dma_start3A_179 = tpu.memref_slice %arg3[%add3A_176] : memref<8388608xi32, #tpu.memory_space<hbm>> -> memref<8192xi32, #tpu.memory_space<hbm>>
    %dma_start3A_180 = tpu.memref_slice %arg3[%add3A_176] : memref<8388608xi32, #tpu.memory_space<hbm>> -> memref<8192xi32, #tpu.memory_space<hbm>>
    tpu.enqueue_dma source(%dma_start3A_180 : memref<8192xi32, #tpu.memory_space<hbm>>) target(%arg8 : memref<8192xi32, #tpu.memory_space<vmem>>) target_semaphore(%arg13 : memref<!tpu.dma_semaphore, #tpu.memory_space<semaphore_mem>>)
    %dma_wait3A_181 = tpu.memref_slice %arg2[%add3A_160] : memref<8388608xf32, #tpu.memory_space<hbm>> -> memref<8192xf32, #tpu.memory_space<hbm>>
    %dma_wait3A_182 = tpu.memref_slice %arg2[%add3A_160] : memref<8388608xf32, #tpu.memory_space<hbm>> -> memref<8192xf32, #tpu.memory_space<hbm>>
    tpu.wait_dma2 semaphore(%arg10 : memref<!tpu.dma_semaphore, #tpu.memory_space<semaphore_mem>>) src(%dma_wait3A_182 : memref<8192xf32, #tpu.memory_space<hbm>>) dst(%arg5 : memref<8192xf32, #tpu.memory_space<vmem>>)
    %dma_wait3A_183 = tpu.memref_slice %arg3[%add3A_160] : memref<8388608xi32, #tpu.memory_space<hbm>> -> memref<8192xi32, #tpu.memory_space<hbm>>
    %dma_wait3A_184 = tpu.memref_slice %arg3[%add3A_160] : memref<8388608xi32, #tpu.memory_space<hbm>> -> memref<8192xi32, #tpu.memory_space<hbm>>
    tpu.wait_dma2 semaphore(%arg12 : memref<!tpu.dma_semaphore, #tpu.memory_space<semaphore_mem>>) src(%dma_wait3A_184 : memref<8192xi32, #tpu.memory_space<hbm>>) dst(%arg7 : memref<8192xi32, #tpu.memory_space<vmem>>)
    %scan3A_185 = arith.constant 0 : i32
    %scan3A_186 = arith.constant 512 : i32
    %scan3A_187 = arith.addi %scan3A_185, %scan3A_186 : i32
    %scan3A_188 = arith.constant 1 : i32
    %scan3A_189:19 = scf.for %scan3A_300 = %scan3A_185 to %scan3A_187 step %scan3A_188 iter_args(%scan3A_301 = %scan3A_173#0, %scan3A_302 = %scan3A_173#1, %scan3A_303 = %scan3A_173#2, %scan3A_304 = %scan3A_173#3, %scan3A_305 = %scan3A_173#4, %scan3A_306 = %scan3A_173#5, %scan3A_307 = %scan3A_173#6, %scan3A_308 = %scan3A_173#7, %scan3A_309 = %scan3A_173#8, %scan3A_310 = %scan3A_173#9, %scan3A_311 = %scan3A_173#10, %scan3A_312 = %scan3A_173#11, %scan3A_313 = %scan3A_173#12, %scan3A_314 = %scan3A_173#13, %scan3A_315 = %scan3A_173#14, %scan3A_316 = %scan3A_173#15, %scan3A_317 = %scan3A_173#16, %scan3A_318 = %scan3A_173#17, %scan3A_319 = %scan3A_173#18) -> (vector<16xi32>, vector<16xi32>, vector<16xi32>, vector<16xi32>, vector<16xi32>, vector<16xi32>, vector<16xi32>, vector<16xi32>, vector<16xi32>, vector<16xf32>, vector<16xf32>, vector<16xf32>, vector<16xf32>, vector<16xf32>, vector<16xf32>, vector<16xf32>, vector<16xf32>, vector<16xf32>, vector<16xf32>)  : i32 {
      %mul3A_320 = arith.constant 16 : i32
      %mul3A_321 = arith.muli %scan3A_300, %mul3A_320 : i32
      %get3A = arith.index_cast %mul3A_321 : i32 to index
      %get3A_322 = tpu.vector_load %arg5[%get3A] {strides = array<i32>} : memref<8192xf32, #tpu.memory_space<vmem>>, vector<16xf32>,
      %mul3A_323 = arith.constant 16 : i32
      %mul3A_324 = arith.muli %scan3A_300, %mul3A_323 : i32
      %get3A_325 = arith.index_cast %mul3A_324 : i32 to index
      %get3A_326 = tpu.vector_load %arg7[%get3A_325] {strides = array<i32>} : memref<8192xi32, #tpu.memory_space<vmem>>, vector<16xi32>,
      %eq3A = arith.cmpi eq, %get3A_326, %broadcast_in_dim3A_5 : vector<16xi32>
      %neg3A = arith.constant 0.000000e+00 : f32
      %neg3A_327 = vector.broadcast %neg3A : f32 to vector<16xf32>
      %neg3A_328 = arith.subf %neg3A_327, %get3A_322 : vector<16xf32>
      %select_n3A = arith.select %eq3A, %get3A_322, %neg3A_328 : vector<16xi1>, vector<16xf32>
      %abs3A = math.absf %get3A_322 : vector<16xf32>
      %neg3A_329 = arith.constant 0.000000e+00 : f32
      %neg3A_330 = vector.broadcast %neg3A_329 : f32 to vector<16xf32>
      %neg3A_331 = arith.subf %neg3A_330, %abs3A : vector<16xf32>
      %exp3A = math.exp %neg3A_331 : vector<16xf32>
      %mul3A_332 = arith.mulf %exp3A, %broadcast_in_dim3A_23 : vector<16xf32>
      %add3A_333 = arith.addf %broadcast_in_dim3A_21, %mul3A_332 : vector<16xf32>
      %mul3A_334 = arith.mulf %exp3A, %add3A_333 : vector<16xf32>
      %add3A_335 = arith.addf %broadcast_in_dim3A_19, %mul3A_334 : vector<16xf32>
      %mul3A_336 = arith.mulf %exp3A, %add3A_335 : vector<16xf32>
      %add3A_337 = arith.addf %broadcast_in_dim3A_17, %mul3A_336 : vector<16xf32>
      %mul3A_338 = arith.mulf %exp3A, %add3A_337 : vector<16xf32>
      %add3A_339 = arith.addf %broadcast_in_dim3A_15, %mul3A_338 : vector<16xf32>
      %mul3A_340 = arith.mulf %exp3A, %add3A_339 : vector<16xf32>
      %add3A_341 = arith.addf %broadcast_in_dim3A_13, %mul3A_340 : vector<16xf32>
      %mul3A_342 = arith.mulf %exp3A, %add3A_341 : vector<16xf32>
      %add3A_343 = arith.addf %broadcast_in_dim3A_11, %mul3A_342 : vector<16xf32>
      %mul3A_344 = arith.mulf %exp3A, %add3A_343 : vector<16xf32>
      %add3A_345 = arith.addf %broadcast_in_dim3A_9, %mul3A_344 : vector<16xf32>
      %max3A = arith.maximumf %select_n3A, %broadcast_in_dim3A_7 : vector<16xf32>
      %add3A_346 = arith.addf %max3A, %add3A_345 : vector<16xf32>
      %add3A_347 = arith.addf %scan3A_319, %add3A_346 : vector<16xf32>
      %ge3A = arith.cmpf oge, %get3A_322, %broadcast_in_dim3A_25 : vector<16xf32>
      %all_reduce_population_count3A = tpu.all_reduce %ge3A {dim = 0 : i64, kind = #tpu.reduction_kind<sum>} : vector<16xi1> -> vector<16xi32>
      %add3A_348 = arith.addi %scan3A_301, %all_reduce_population_count3A : vector<16xi32>
      %select_n3A_349 = arith.select %ge3A, %add3A_346, %broadcast_in_dim3A_7 : vector<16xi1>, vector<16xf32>
      %add3A_350 = arith.addf %scan3A_310, %select_n3A_349 : vector<16xf32>
      %ge3A_351 = arith.cmpf oge, %get3A_322, %broadcast_in_dim3A_27 : vector<16xf32>
      %all_reduce_population_count3A_352 = tpu.all_reduce %ge3A_351 {dim = 0 : i64, kind = #tpu.reduction_kind<sum>} : vector<16xi1> -> vector<16xi32>
      %add3A_353 = arith.addi %scan3A_302, %all_reduce_population_count3A_352 : vector<16xi32>
      %select_n3A_354 = arith.select %ge3A_351, %add3A_346, %broadcast_in_dim3A_7 : vector<16xi1>, vector<16xf32>
      %add3A_355 = arith.addf %scan3A_311, %select_n3A_354 : vector<16xf32>
      %ge3A_356 = arith.cmpf oge, %get3A_322, %broadcast_in_dim3A_29 : vector<16xf32>
      %all_reduce_population_count3A_357 = tpu.all_reduce %ge3A_356 {dim = 0 : i64, kind = #tpu.reduction_kind<sum>} : vector<16xi1> -> vector<16xi32>
      %add3A_358 = arith.addi %scan3A_303, %all_reduce_population_count3A_357 : vector<16xi32>
      %select_n3A_359 = arith.select %ge3A_356, %add3A_346, %broadcast_in_dim3A_7 : vector<16xi1>, vector<16xf32>
      %add3A_360 = arith.addf %scan3A_312, %select_n3A_359 : vector<16xf32>
      %ge3A_361 = arith.cmpf oge, %get3A_322, %broadcast_in_dim3A_31 : vector<16xf32>
      %all_reduce_population_count3A_362 = tpu.all_reduce %ge3A_361 {dim = 0 : i64, kind = #tpu.reduction_kind<sum>} : vector<16xi1> -> vector<16xi32>
      %add3A_363 = arith.addi %scan3A_304, %all_reduce_population_count3A_362 : vector<16xi32>
      %select_n3A_364 = arith.select %ge3A_361, %add3A_346, %broadcast_in_dim3A_7 : vector<16xi1>, vector<16xf32>
      %add3A_365 = arith.addf %scan3A_313, %select_n3A_364 : vector<16xf32>
      %ge3A_366 = arith.cmpf oge, %get3A_322, %broadcast_in_dim3A_33 : vector<16xf32>
      %all_reduce_population_count3A_367 = tpu.all_reduce %ge3A_366 {dim = 0 : i64, kind = #tpu.reduction_kind<sum>} : vector<16xi1> -> vector<16xi32>
      %add3A_368 = arith.addi %scan3A_305, %all_reduce_population_count3A_367 : vector<16xi32>
      %select_n3A_369 = arith.select %ge3A_366, %add3A_346, %broadcast_in_dim3A_7 : vector<16xi1>, vector<16xf32>
      %add3A_370 = arith.addf %scan3A_314, %select_n3A_369 : vector<16xf32>
      %ge3A_371 = arith.cmpf oge, %get3A_322, %broadcast_in_dim3A_35 : vector<16xf32>
      %all_reduce_population_count3A_372 = tpu.all_reduce %ge3A_371 {dim = 0 : i64, kind = #tpu.reduction_kind<sum>} : vector<16xi1> -> vector<16xi32>
      %add3A_373 = arith.addi %scan3A_306, %all_reduce_population_count3A_372 : vector<16xi32>
      %select_n3A_374 = arith.select %ge3A_371, %add3A_346, %broadcast_in_dim3A_7 : vector<16xi1>, vector<16xf32>
      %add3A_375 = arith.addf %scan3A_315, %select_n3A_374 : vector<16xf32>
      %ge3A_376 = arith.cmpf oge, %get3A_322, %broadcast_in_dim3A_37 : vector<16xf32>
      %all_reduce_population_count3A_377 = tpu.all_reduce %ge3A_376 {dim = 0 : i64, kind = #tpu.reduction_kind<sum>} : vector<16xi1> -> vector<16xi32>
      %add3A_378 = arith.addi %scan3A_307, %all_reduce_population_count3A_377 : vector<16xi32>
      %select_n3A_379 = arith.select %ge3A_376, %add3A_346, %broadcast_in_dim3A_7 : vector<16xi1>, vector<16xf32>
      %add3A_380 = arith.addf %scan3A_316, %select_n3A_379 : vector<16xf32>
      %ge3A_381 = arith.cmpf oge, %get3A_322, %broadcast_in_dim3A_39 : vector<16xf32>
      %all_reduce_population_count3A_382 = tpu.all_reduce %ge3A_381 {dim = 0 : i64, kind = #tpu.reduction_kind<sum>} : vector<16xi1> -> vector<16xi32>
      %add3A_383 = arith.addi %scan3A_308, %all_reduce_population_count3A_382 : vector<16xi32>
      %select_n3A_384 = arith.select %ge3A_381, %add3A_346, %broadcast_in_dim3A_7 : vector<16xi1>, vector<16xf32>
      %add3A_385 = arith.addf %scan3A_317, %select_n3A_384 : vector<16xf32>
      %ge3A_386 = arith.cmpf oge, %get3A_322, %broadcast_in_dim3A_41 : vector<16xf32>
      %all_reduce_population_count3A_387 = tpu.all_reduce %ge3A_386 {dim = 0 : i64, kind = #tpu.reduction_kind<sum>} : vector<16xi1> -> vector<16xi32>
      %add3A_388 = arith.addi %scan3A_309, %all_reduce_population_count3A_387 : vector<16xi32>
      %select_n3A_389 = arith.select %ge3A_386, %add3A_346, %broadcast_in_dim3A_7 : vector<16xi1>, vector<16xf32>
      %add3A_390 = arith.addf %scan3A_318, %select_n3A_389 : vector<16xf32>
      scf.yield %add3A_348, %add3A_353, %add3A_358, %add3A_363, %add3A_368, %add3A_373, %add3A_378, %add3A_383, %add3A_388, %add3A_350, %add3A_355, %add3A_360, %add3A_365, %add3A_370, %add3A_375, %add3A_380, %add3A_385, %add3A_390, %add3A_347 : vector<16xi32>, vector<16xi32>, vector<16xi32>, vector<16xi32>, vector<16xi32>, vector<16xi32>, vector<16xi32>, vector<16xi32>, vector<16xi32>, vector<16xf32>, vector<16xf32>, vector<16xf32>, vector<16xf32>, vector<16xf32>, vector<16xf32>, vector<16xf32>, vector<16xf32>, vector<16xf32>, vector<16xf32>
    }
    %scan3A_190 = arith.constant 512 : i32
    %add3A_191 = arith.constant 81920 : i32
    %add3A_192 = arith.addi %add3A_4, %add3A_191 : i32
    %dma_start3A_193 = tpu.memref_slice %arg2[%add3A_192] : memref<8388608xf32, #tpu.memory_space<hbm>> -> memref<8192xf32, #tpu.memory_space<hbm>>
    %dma_start3A_194 = tpu.memref_slice %arg2[%add3A_192] : memref<8388608xf32, #tpu.memory_space<hbm>> -> memref<8192xf32, #tpu.memory_space<hbm>>
    tpu.enqueue_dma source(%dma_start3A_194 : memref<8192xf32, #tpu.memory_space<hbm>>) target(%arg5 : memref<8192xf32, #tpu.memory_space<vmem>>) target_semaphore(%arg10 : memref<!tpu.dma_semaphore, #tpu.memory_space<semaphore_mem>>)
    %dma_start3A_195 = tpu.memref_slice %arg3[%add3A_192] : memref<8388608xi32, #tpu.memory_space<hbm>> -> memref<8192xi32, #tpu.memory_space<hbm>>
    %dma_start3A_196 = tpu.memref_slice %arg3[%add3A_192] : memref<8388608xi32, #tpu.memory_space<hbm>> -> memref<8192xi32, #tpu.memory_space<hbm>>
    tpu.enqueue_dma source(%dma_start3A_196 : memref<8192xi32, #tpu.memory_space<hbm>>) target(%arg7 : memref<8192xi32, #tpu.memory_space<vmem>>) target_semaphore(%arg12 : memref<!tpu.dma_semaphore, #tpu.memory_space<semaphore_mem>>)
    %dma_wait3A_197 = tpu.memref_slice %arg2[%add3A_176] : memref<8388608xf32, #tpu.memory_space<hbm>> -> memref<8192xf32, #tpu.memory_space<hbm>>
    %dma_wait3A_198 = tpu.memref_slice %arg2[%add3A_176] : memref<8388608xf32, #tpu.memory_space<hbm>> -> memref<8192xf32, #tpu.memory_space<hbm>>
    tpu.wait_dma2 semaphore(%arg11 : memref<!tpu.dma_semaphore, #tpu.memory_space<semaphore_mem>>) src(%dma_wait3A_198 : memref<8192xf32, #tpu.memory_space<hbm>>) dst(%arg6 : memref<8192xf32, #tpu.memory_space<vmem>>)
    %dma_wait3A_199 = tpu.memref_slice %arg3[%add3A_176] : memref<8388608xi32, #tpu.memory_space<hbm>> -> memref<8192xi32, #tpu.memory_space<hbm>>
    %dma_wait3A_200 = tpu.memref_slice %arg3[%add3A_176] : memref<8388608xi32, #tpu.memory_space<hbm>> -> memref<8192xi32, #tpu.memory_space<hbm>>
    tpu.wait_dma2 semaphore(%arg13 : memref<!tpu.dma_semaphore, #tpu.memory_space<semaphore_mem>>) src(%dma_wait3A_200 : memref<8192xi32, #tpu.memory_space<hbm>>) dst(%arg8 : memref<8192xi32, #tpu.memory_space<vmem>>)
    %scan3A_201 = arith.constant 0 : i32
    %scan3A_202 = arith.constant 512 : i32
    %scan3A_203 = arith.addi %scan3A_201, %scan3A_202 : i32
    %scan3A_204 = arith.constant 1 : i32
    %scan3A_205:19 = scf.for %scan3A_300 = %scan3A_201 to %scan3A_203 step %scan3A_204 iter_args(%scan3A_301 = %scan3A_189#0, %scan3A_302 = %scan3A_189#1, %scan3A_303 = %scan3A_189#2, %scan3A_304 = %scan3A_189#3, %scan3A_305 = %scan3A_189#4, %scan3A_306 = %scan3A_189#5, %scan3A_307 = %scan3A_189#6, %scan3A_308 = %scan3A_189#7, %scan3A_309 = %scan3A_189#8, %scan3A_310 = %scan3A_189#9, %scan3A_311 = %scan3A_189#10, %scan3A_312 = %scan3A_189#11, %scan3A_313 = %scan3A_189#12, %scan3A_314 = %scan3A_189#13, %scan3A_315 = %scan3A_189#14, %scan3A_316 = %scan3A_189#15, %scan3A_317 = %scan3A_189#16, %scan3A_318 = %scan3A_189#17, %scan3A_319 = %scan3A_189#18) -> (vector<16xi32>, vector<16xi32>, vector<16xi32>, vector<16xi32>, vector<16xi32>, vector<16xi32>, vector<16xi32>, vector<16xi32>, vector<16xi32>, vector<16xf32>, vector<16xf32>, vector<16xf32>, vector<16xf32>, vector<16xf32>, vector<16xf32>, vector<16xf32>, vector<16xf32>, vector<16xf32>, vector<16xf32>)  : i32 {
      %mul3A_320 = arith.constant 16 : i32
      %mul3A_321 = arith.muli %scan3A_300, %mul3A_320 : i32
      %get3A = arith.index_cast %mul3A_321 : i32 to index
      %get3A_322 = tpu.vector_load %arg6[%get3A] {strides = array<i32>} : memref<8192xf32, #tpu.memory_space<vmem>>, vector<16xf32>,
      %mul3A_323 = arith.constant 16 : i32
      %mul3A_324 = arith.muli %scan3A_300, %mul3A_323 : i32
      %get3A_325 = arith.index_cast %mul3A_324 : i32 to index
      %get3A_326 = tpu.vector_load %arg8[%get3A_325] {strides = array<i32>} : memref<8192xi32, #tpu.memory_space<vmem>>, vector<16xi32>,
      %eq3A = arith.cmpi eq, %get3A_326, %broadcast_in_dim3A_5 : vector<16xi32>
      %neg3A = arith.constant 0.000000e+00 : f32
      %neg3A_327 = vector.broadcast %neg3A : f32 to vector<16xf32>
      %neg3A_328 = arith.subf %neg3A_327, %get3A_322 : vector<16xf32>
      %select_n3A = arith.select %eq3A, %get3A_322, %neg3A_328 : vector<16xi1>, vector<16xf32>
      %abs3A = math.absf %get3A_322 : vector<16xf32>
      %neg3A_329 = arith.constant 0.000000e+00 : f32
      %neg3A_330 = vector.broadcast %neg3A_329 : f32 to vector<16xf32>
      %neg3A_331 = arith.subf %neg3A_330, %abs3A : vector<16xf32>
      %exp3A = math.exp %neg3A_331 : vector<16xf32>
      %mul3A_332 = arith.mulf %exp3A, %broadcast_in_dim3A_23 : vector<16xf32>
      %add3A_333 = arith.addf %broadcast_in_dim3A_21, %mul3A_332 : vector<16xf32>
      %mul3A_334 = arith.mulf %exp3A, %add3A_333 : vector<16xf32>
      %add3A_335 = arith.addf %broadcast_in_dim3A_19, %mul3A_334 : vector<16xf32>
      %mul3A_336 = arith.mulf %exp3A, %add3A_335 : vector<16xf32>
      %add3A_337 = arith.addf %broadcast_in_dim3A_17, %mul3A_336 : vector<16xf32>
      %mul3A_338 = arith.mulf %exp3A, %add3A_337 : vector<16xf32>
      %add3A_339 = arith.addf %broadcast_in_dim3A_15, %mul3A_338 : vector<16xf32>
      %mul3A_340 = arith.mulf %exp3A, %add3A_339 : vector<16xf32>
      %add3A_341 = arith.addf %broadcast_in_dim3A_13, %mul3A_340 : vector<16xf32>
      %mul3A_342 = arith.mulf %exp3A, %add3A_341 : vector<16xf32>
      %add3A_343 = arith.addf %broadcast_in_dim3A_11, %mul3A_342 : vector<16xf32>
      %mul3A_344 = arith.mulf %exp3A, %add3A_343 : vector<16xf32>
      %add3A_345 = arith.addf %broadcast_in_dim3A_9, %mul3A_344 : vector<16xf32>
      %max3A = arith.maximumf %select_n3A, %broadcast_in_dim3A_7 : vector<16xf32>
      %add3A_346 = arith.addf %max3A, %add3A_345 : vector<16xf32>
      %add3A_347 = arith.addf %scan3A_319, %add3A_346 : vector<16xf32>
      %ge3A = arith.cmpf oge, %get3A_322, %broadcast_in_dim3A_25 : vector<16xf32>
      %all_reduce_population_count3A = tpu.all_reduce %ge3A {dim = 0 : i64, kind = #tpu.reduction_kind<sum>} : vector<16xi1> -> vector<16xi32>
      %add3A_348 = arith.addi %scan3A_301, %all_reduce_population_count3A : vector<16xi32>
      %select_n3A_349 = arith.select %ge3A, %add3A_346, %broadcast_in_dim3A_7 : vector<16xi1>, vector<16xf32>
      %add3A_350 = arith.addf %scan3A_310, %select_n3A_349 : vector<16xf32>
      %ge3A_351 = arith.cmpf oge, %get3A_322, %broadcast_in_dim3A_27 : vector<16xf32>
      %all_reduce_population_count3A_352 = tpu.all_reduce %ge3A_351 {dim = 0 : i64, kind = #tpu.reduction_kind<sum>} : vector<16xi1> -> vector<16xi32>
      %add3A_353 = arith.addi %scan3A_302, %all_reduce_population_count3A_352 : vector<16xi32>
      %select_n3A_354 = arith.select %ge3A_351, %add3A_346, %broadcast_in_dim3A_7 : vector<16xi1>, vector<16xf32>
      %add3A_355 = arith.addf %scan3A_311, %select_n3A_354 : vector<16xf32>
      %ge3A_356 = arith.cmpf oge, %get3A_322, %broadcast_in_dim3A_29 : vector<16xf32>
      %all_reduce_population_count3A_357 = tpu.all_reduce %ge3A_356 {dim = 0 : i64, kind = #tpu.reduction_kind<sum>} : vector<16xi1> -> vector<16xi32>
      %add3A_358 = arith.addi %scan3A_303, %all_reduce_population_count3A_357 : vector<16xi32>
      %select_n3A_359 = arith.select %ge3A_356, %add3A_346, %broadcast_in_dim3A_7 : vector<16xi1>, vector<16xf32>
      %add3A_360 = arith.addf %scan3A_312, %select_n3A_359 : vector<16xf32>
      %ge3A_361 = arith.cmpf oge, %get3A_322, %broadcast_in_dim3A_31 : vector<16xf32>
      %all_reduce_population_count3A_362 = tpu.all_reduce %ge3A_361 {dim = 0 : i64, kind = #tpu.reduction_kind<sum>} : vector<16xi1> -> vector<16xi32>
      %add3A_363 = arith.addi %scan3A_304, %all_reduce_population_count3A_362 : vector<16xi32>
      %select_n3A_364 = arith.select %ge3A_361, %add3A_346, %broadcast_in_dim3A_7 : vector<16xi1>, vector<16xf32>
      %add3A_365 = arith.addf %scan3A_313, %select_n3A_364 : vector<16xf32>
      %ge3A_366 = arith.cmpf oge, %get3A_322, %broadcast_in_dim3A_33 : vector<16xf32>
      %all_reduce_population_count3A_367 = tpu.all_reduce %ge3A_366 {dim = 0 : i64, kind = #tpu.reduction_kind<sum>} : vector<16xi1> -> vector<16xi32>
      %add3A_368 = arith.addi %scan3A_305, %all_reduce_population_count3A_367 : vector<16xi32>
      %select_n3A_369 = arith.select %ge3A_366, %add3A_346, %broadcast_in_dim3A_7 : vector<16xi1>, vector<16xf32>
      %add3A_370 = arith.addf %scan3A_314, %select_n3A_369 : vector<16xf32>
      %ge3A_371 = arith.cmpf oge, %get3A_322, %broadcast_in_dim3A_35 : vector<16xf32>
      %all_reduce_population_count3A_372 = tpu.all_reduce %ge3A_371 {dim = 0 : i64, kind = #tpu.reduction_kind<sum>} : vector<16xi1> -> vector<16xi32>
      %add3A_373 = arith.addi %scan3A_306, %all_reduce_population_count3A_372 : vector<16xi32>
      %select_n3A_374 = arith.select %ge3A_371, %add3A_346, %broadcast_in_dim3A_7 : vector<16xi1>, vector<16xf32>
      %add3A_375 = arith.addf %scan3A_315, %select_n3A_374 : vector<16xf32>
      %ge3A_376 = arith.cmpf oge, %get3A_322, %broadcast_in_dim3A_37 : vector<16xf32>
      %all_reduce_population_count3A_377 = tpu.all_reduce %ge3A_376 {dim = 0 : i64, kind = #tpu.reduction_kind<sum>} : vector<16xi1> -> vector<16xi32>
      %add3A_378 = arith.addi %scan3A_307, %all_reduce_population_count3A_377 : vector<16xi32>
      %select_n3A_379 = arith.select %ge3A_376, %add3A_346, %broadcast_in_dim3A_7 : vector<16xi1>, vector<16xf32>
      %add3A_380 = arith.addf %scan3A_316, %select_n3A_379 : vector<16xf32>
      %ge3A_381 = arith.cmpf oge, %get3A_322, %broadcast_in_dim3A_39 : vector<16xf32>
      %all_reduce_population_count3A_382 = tpu.all_reduce %ge3A_381 {dim = 0 : i64, kind = #tpu.reduction_kind<sum>} : vector<16xi1> -> vector<16xi32>
      %add3A_383 = arith.addi %scan3A_308, %all_reduce_population_count3A_382 : vector<16xi32>
      %select_n3A_384 = arith.select %ge3A_381, %add3A_346, %broadcast_in_dim3A_7 : vector<16xi1>, vector<16xf32>
      %add3A_385 = arith.addf %scan3A_317, %select_n3A_384 : vector<16xf32>
      %ge3A_386 = arith.cmpf oge, %get3A_322, %broadcast_in_dim3A_41 : vector<16xf32>
      %all_reduce_population_count3A_387 = tpu.all_reduce %ge3A_386 {dim = 0 : i64, kind = #tpu.reduction_kind<sum>} : vector<16xi1> -> vector<16xi32>
      %add3A_388 = arith.addi %scan3A_309, %all_reduce_population_count3A_387 : vector<16xi32>
      %select_n3A_389 = arith.select %ge3A_386, %add3A_346, %broadcast_in_dim3A_7 : vector<16xi1>, vector<16xf32>
      %add3A_390 = arith.addf %scan3A_318, %select_n3A_389 : vector<16xf32>
      scf.yield %add3A_348, %add3A_353, %add3A_358, %add3A_363, %add3A_368, %add3A_373, %add3A_378, %add3A_383, %add3A_388, %add3A_350, %add3A_355, %add3A_360, %add3A_365, %add3A_370, %add3A_375, %add3A_380, %add3A_385, %add3A_390, %add3A_347 : vector<16xi32>, vector<16xi32>, vector<16xi32>, vector<16xi32>, vector<16xi32>, vector<16xi32>, vector<16xi32>, vector<16xi32>, vector<16xi32>, vector<16xf32>, vector<16xf32>, vector<16xf32>, vector<16xf32>, vector<16xf32>, vector<16xf32>, vector<16xf32>, vector<16xf32>, vector<16xf32>, vector<16xf32>
    }
    %scan3A_206 = arith.constant 512 : i32
    %dma_wait3A_207 = tpu.memref_slice %arg2[%add3A_192] : memref<8388608xf32, #tpu.memory_space<hbm>> -> memref<8192xf32, #tpu.memory_space<hbm>>
    %dma_wait3A_208 = tpu.memref_slice %arg2[%add3A_192] : memref<8388608xf32, #tpu.memory_space<hbm>> -> memref<8192xf32, #tpu.memory_space<hbm>>
    tpu.wait_dma2 semaphore(%arg10 : memref<!tpu.dma_semaphore, #tpu.memory_space<semaphore_mem>>) src(%dma_wait3A_208 : memref<8192xf32, #tpu.memory_space<hbm>>) dst(%arg5 : memref<8192xf32, #tpu.memory_space<vmem>>)
    %dma_wait3A_209 = tpu.memref_slice %arg3[%add3A_192] : memref<8388608xi32, #tpu.memory_space<hbm>> -> memref<8192xi32, #tpu.memory_space<hbm>>
    %dma_wait3A_210 = tpu.memref_slice %arg3[%add3A_192] : memref<8388608xi32, #tpu.memory_space<hbm>> -> memref<8192xi32, #tpu.memory_space<hbm>>
    tpu.wait_dma2 semaphore(%arg12 : memref<!tpu.dma_semaphore, #tpu.memory_space<semaphore_mem>>) src(%dma_wait3A_210 : memref<8192xi32, #tpu.memory_space<hbm>>) dst(%arg7 : memref<8192xi32, #tpu.memory_space<vmem>>)
    %scan3A_211 = arith.constant 0 : i32
    %scan3A_212 = arith.constant 512 : i32
    %scan3A_213 = arith.addi %scan3A_211, %scan3A_212 : i32
    %scan3A_214 = arith.constant 1 : i32
    %scan3A_215:19 = scf.for %scan3A_300 = %scan3A_211 to %scan3A_213 step %scan3A_214 iter_args(%scan3A_301 = %scan3A_205#0, %scan3A_302 = %scan3A_205#1, %scan3A_303 = %scan3A_205#2, %scan3A_304 = %scan3A_205#3, %scan3A_305 = %scan3A_205#4, %scan3A_306 = %scan3A_205#5, %scan3A_307 = %scan3A_205#6, %scan3A_308 = %scan3A_205#7, %scan3A_309 = %scan3A_205#8, %scan3A_310 = %scan3A_205#9, %scan3A_311 = %scan3A_205#10, %scan3A_312 = %scan3A_205#11, %scan3A_313 = %scan3A_205#12, %scan3A_314 = %scan3A_205#13, %scan3A_315 = %scan3A_205#14, %scan3A_316 = %scan3A_205#15, %scan3A_317 = %scan3A_205#16, %scan3A_318 = %scan3A_205#17, %scan3A_319 = %scan3A_205#18) -> (vector<16xi32>, vector<16xi32>, vector<16xi32>, vector<16xi32>, vector<16xi32>, vector<16xi32>, vector<16xi32>, vector<16xi32>, vector<16xi32>, vector<16xf32>, vector<16xf32>, vector<16xf32>, vector<16xf32>, vector<16xf32>, vector<16xf32>, vector<16xf32>, vector<16xf32>, vector<16xf32>, vector<16xf32>)  : i32 {
      %mul3A_320 = arith.constant 16 : i32
      %mul3A_321 = arith.muli %scan3A_300, %mul3A_320 : i32
      %get3A = arith.index_cast %mul3A_321 : i32 to index
      %get3A_322 = tpu.vector_load %arg5[%get3A] {strides = array<i32>} : memref<8192xf32, #tpu.memory_space<vmem>>, vector<16xf32>,
      %mul3A_323 = arith.constant 16 : i32
      %mul3A_324 = arith.muli %scan3A_300, %mul3A_323 : i32
      %get3A_325 = arith.index_cast %mul3A_324 : i32 to index
      %get3A_326 = tpu.vector_load %arg7[%get3A_325] {strides = array<i32>} : memref<8192xi32, #tpu.memory_space<vmem>>, vector<16xi32>,
      %eq3A = arith.cmpi eq, %get3A_326, %broadcast_in_dim3A_5 : vector<16xi32>
      %neg3A = arith.constant 0.000000e+00 : f32
      %neg3A_327 = vector.broadcast %neg3A : f32 to vector<16xf32>
      %neg3A_328 = arith.subf %neg3A_327, %get3A_322 : vector<16xf32>
      %select_n3A = arith.select %eq3A, %get3A_322, %neg3A_328 : vector<16xi1>, vector<16xf32>
      %abs3A = math.absf %get3A_322 : vector<16xf32>
      %neg3A_329 = arith.constant 0.000000e+00 : f32
      %neg3A_330 = vector.broadcast %neg3A_329 : f32 to vector<16xf32>
      %neg3A_331 = arith.subf %neg3A_330, %abs3A : vector<16xf32>
      %exp3A = math.exp %neg3A_331 : vector<16xf32>
      %mul3A_332 = arith.mulf %exp3A, %broadcast_in_dim3A_23 : vector<16xf32>
      %add3A_333 = arith.addf %broadcast_in_dim3A_21, %mul3A_332 : vector<16xf32>
      %mul3A_334 = arith.mulf %exp3A, %add3A_333 : vector<16xf32>
      %add3A_335 = arith.addf %broadcast_in_dim3A_19, %mul3A_334 : vector<16xf32>
      %mul3A_336 = arith.mulf %exp3A, %add3A_335 : vector<16xf32>
      %add3A_337 = arith.addf %broadcast_in_dim3A_17, %mul3A_336 : vector<16xf32>
      %mul3A_338 = arith.mulf %exp3A, %add3A_337 : vector<16xf32>
      %add3A_339 = arith.addf %broadcast_in_dim3A_15, %mul3A_338 : vector<16xf32>
      %mul3A_340 = arith.mulf %exp3A, %add3A_339 : vector<16xf32>
      %add3A_341 = arith.addf %broadcast_in_dim3A_13, %mul3A_340 : vector<16xf32>
      %mul3A_342 = arith.mulf %exp3A, %add3A_341 : vector<16xf32>
      %add3A_343 = arith.addf %broadcast_in_dim3A_11, %mul3A_342 : vector<16xf32>
      %mul3A_344 = arith.mulf %exp3A, %add3A_343 : vector<16xf32>
      %add3A_345 = arith.addf %broadcast_in_dim3A_9, %mul3A_344 : vector<16xf32>
      %max3A = arith.maximumf %select_n3A, %broadcast_in_dim3A_7 : vector<16xf32>
      %add3A_346 = arith.addf %max3A, %add3A_345 : vector<16xf32>
      %add3A_347 = arith.addf %scan3A_319, %add3A_346 : vector<16xf32>
      %ge3A = arith.cmpf oge, %get3A_322, %broadcast_in_dim3A_25 : vector<16xf32>
      %all_reduce_population_count3A = tpu.all_reduce %ge3A {dim = 0 : i64, kind = #tpu.reduction_kind<sum>} : vector<16xi1> -> vector<16xi32>
      %add3A_348 = arith.addi %scan3A_301, %all_reduce_population_count3A : vector<16xi32>
      %select_n3A_349 = arith.select %ge3A, %add3A_346, %broadcast_in_dim3A_7 : vector<16xi1>, vector<16xf32>
      %add3A_350 = arith.addf %scan3A_310, %select_n3A_349 : vector<16xf32>
      %ge3A_351 = arith.cmpf oge, %get3A_322, %broadcast_in_dim3A_27 : vector<16xf32>
      %all_reduce_population_count3A_352 = tpu.all_reduce %ge3A_351 {dim = 0 : i64, kind = #tpu.reduction_kind<sum>} : vector<16xi1> -> vector<16xi32>
      %add3A_353 = arith.addi %scan3A_302, %all_reduce_population_count3A_352 : vector<16xi32>
      %select_n3A_354 = arith.select %ge3A_351, %add3A_346, %broadcast_in_dim3A_7 : vector<16xi1>, vector<16xf32>
      %add3A_355 = arith.addf %scan3A_311, %select_n3A_354 : vector<16xf32>
      %ge3A_356 = arith.cmpf oge, %get3A_322, %broadcast_in_dim3A_29 : vector<16xf32>
      %all_reduce_population_count3A_357 = tpu.all_reduce %ge3A_356 {dim = 0 : i64, kind = #tpu.reduction_kind<sum>} : vector<16xi1> -> vector<16xi32>
      %add3A_358 = arith.addi %scan3A_303, %all_reduce_population_count3A_357 : vector<16xi32>
      %select_n3A_359 = arith.select %ge3A_356, %add3A_346, %broadcast_in_dim3A_7 : vector<16xi1>, vector<16xf32>
      %add3A_360 = arith.addf %scan3A_312, %select_n3A_359 : vector<16xf32>
      %ge3A_361 = arith.cmpf oge, %get3A_322, %broadcast_in_dim3A_31 : vector<16xf32>
      %all_reduce_population_count3A_362 = tpu.all_reduce %ge3A_361 {dim = 0 : i64, kind = #tpu.reduction_kind<sum>} : vector<16xi1> -> vector<16xi32>
      %add3A_363 = arith.addi %scan3A_304, %all_reduce_population_count3A_362 : vector<16xi32>
      %select_n3A_364 = arith.select %ge3A_361, %add3A_346, %broadcast_in_dim3A_7 : vector<16xi1>, vector<16xf32>
      %add3A_365 = arith.addf %scan3A_313, %select_n3A_364 : vector<16xf32>
      %ge3A_366 = arith.cmpf oge, %get3A_322, %broadcast_in_dim3A_33 : vector<16xf32>
      %all_reduce_population_count3A_367 = tpu.all_reduce %ge3A_366 {dim = 0 : i64, kind = #tpu.reduction_kind<sum>} : vector<16xi1> -> vector<16xi32>
      %add3A_368 = arith.addi %scan3A_305, %all_reduce_population_count3A_367 : vector<16xi32>
      %select_n3A_369 = arith.select %ge3A_366, %add3A_346, %broadcast_in_dim3A_7 : vector<16xi1>, vector<16xf32>
      %add3A_370 = arith.addf %scan3A_314, %select_n3A_369 : vector<16xf32>
      %ge3A_371 = arith.cmpf oge, %get3A_322, %broadcast_in_dim3A_35 : vector<16xf32>
      %all_reduce_population_count3A_372 = tpu.all_reduce %ge3A_371 {dim = 0 : i64, kind = #tpu.reduction_kind<sum>} : vector<16xi1> -> vector<16xi32>
      %add3A_373 = arith.addi %scan3A_306, %all_reduce_population_count3A_372 : vector<16xi32>
      %select_n3A_374 = arith.select %ge3A_371, %add3A_346, %broadcast_in_dim3A_7 : vector<16xi1>, vector<16xf32>
      %add3A_375 = arith.addf %scan3A_315, %select_n3A_374 : vector<16xf32>
      %ge3A_376 = arith.cmpf oge, %get3A_322, %broadcast_in_dim3A_37 : vector<16xf32>
      %all_reduce_population_count3A_377 = tpu.all_reduce %ge3A_376 {dim = 0 : i64, kind = #tpu.reduction_kind<sum>} : vector<16xi1> -> vector<16xi32>
      %add3A_378 = arith.addi %scan3A_307, %all_reduce_population_count3A_377 : vector<16xi32>
      %select_n3A_379 = arith.select %ge3A_376, %add3A_346, %broadcast_in_dim3A_7 : vector<16xi1>, vector<16xf32>
      %add3A_380 = arith.addf %scan3A_316, %select_n3A_379 : vector<16xf32>
      %ge3A_381 = arith.cmpf oge, %get3A_322, %broadcast_in_dim3A_39 : vector<16xf32>
      %all_reduce_population_count3A_382 = tpu.all_reduce %ge3A_381 {dim = 0 : i64, kind = #tpu.reduction_kind<sum>} : vector<16xi1> -> vector<16xi32>
      %add3A_383 = arith.addi %scan3A_308, %all_reduce_population_count3A_382 : vector<16xi32>
      %select_n3A_384 = arith.select %ge3A_381, %add3A_346, %broadcast_in_dim3A_7 : vector<16xi1>, vector<16xf32>
      %add3A_385 = arith.addf %scan3A_317, %select_n3A_384 : vector<16xf32>
      %ge3A_386 = arith.cmpf oge, %get3A_322, %broadcast_in_dim3A_41 : vector<16xf32>
      %all_reduce_population_count3A_387 = tpu.all_reduce %ge3A_386 {dim = 0 : i64, kind = #tpu.reduction_kind<sum>} : vector<16xi1> -> vector<16xi32>
      %add3A_388 = arith.addi %scan3A_309, %all_reduce_population_count3A_387 : vector<16xi32>
      %select_n3A_389 = arith.select %ge3A_386, %add3A_346, %broadcast_in_dim3A_7 : vector<16xi1>, vector<16xf32>
      %add3A_390 = arith.addf %scan3A_318, %select_n3A_389 : vector<16xf32>
      scf.yield %add3A_348, %add3A_353, %add3A_358, %add3A_363, %add3A_368, %add3A_373, %add3A_378, %add3A_383, %add3A_388, %add3A_350, %add3A_355, %add3A_360, %add3A_365, %add3A_370, %add3A_375, %add3A_380, %add3A_385, %add3A_390, %add3A_347 : vector<16xi32>, vector<16xi32>, vector<16xi32>, vector<16xi32>, vector<16xi32>, vector<16xi32>, vector<16xi32>, vector<16xi32>, vector<16xi32>, vector<16xf32>, vector<16xf32>, vector<16xf32>, vector<16xf32>, vector<16xf32>, vector<16xf32>, vector<16xf32>, vector<16xf32>, vector<16xf32>, vector<16xf32>
    }
    %scan3A_216 = arith.constant 512 : i32
    %convert_element_type3A = arith.sitofp %scan3A_215#0 : vector<16xi32> to vector<16xf32>
    %swap3A = arith.constant 0 : i32
    %swap3A_217 = arith.index_cast %swap3A : i32 to index
    %swap3A_218 = arith.constant 0 : index
    %swap3A_219 = tpu.vector_load %arg9[%swap3A_217, %swap3A_218] {strides = array<i32>} : memref<19x16xf32, #tpu.memory_space<vmem>>, vector<16xf32>,
    tpu.vector_store %arg9[%swap3A_217, %swap3A_218], %convert_element_type3A {strides = array<i32>} : memref<19x16xf32, #tpu.memory_space<vmem>>, vector<16xf32>,
    %convert_element_type3A_220 = arith.sitofp %scan3A_215#1 : vector<16xi32> to vector<16xf32>
    %swap3A_221 = arith.constant 1 : i32
    %swap3A_222 = arith.index_cast %swap3A_221 : i32 to index
    %swap3A_223 = arith.constant 0 : index
    %swap3A_224 = tpu.vector_load %arg9[%swap3A_222, %swap3A_223] {strides = array<i32>} : memref<19x16xf32, #tpu.memory_space<vmem>>, vector<16xf32>,
    tpu.vector_store %arg9[%swap3A_222, %swap3A_223], %convert_element_type3A_220 {strides = array<i32>} : memref<19x16xf32, #tpu.memory_space<vmem>>, vector<16xf32>,
    %convert_element_type3A_225 = arith.sitofp %scan3A_215#2 : vector<16xi32> to vector<16xf32>
    %swap3A_226 = arith.constant 2 : i32
    %swap3A_227 = arith.index_cast %swap3A_226 : i32 to index
    %swap3A_228 = arith.constant 0 : index
    %swap3A_229 = tpu.vector_load %arg9[%swap3A_227, %swap3A_228] {strides = array<i32>} : memref<19x16xf32, #tpu.memory_space<vmem>>, vector<16xf32>,
    tpu.vector_store %arg9[%swap3A_227, %swap3A_228], %convert_element_type3A_225 {strides = array<i32>} : memref<19x16xf32, #tpu.memory_space<vmem>>, vector<16xf32>,
    %convert_element_type3A_230 = arith.sitofp %scan3A_215#3 : vector<16xi32> to vector<16xf32>
    %swap3A_231 = arith.constant 3 : i32
    %swap3A_232 = arith.index_cast %swap3A_231 : i32 to index
    %swap3A_233 = arith.constant 0 : index
    %swap3A_234 = tpu.vector_load %arg9[%swap3A_232, %swap3A_233] {strides = array<i32>} : memref<19x16xf32, #tpu.memory_space<vmem>>, vector<16xf32>,
    tpu.vector_store %arg9[%swap3A_232, %swap3A_233], %convert_element_type3A_230 {strides = array<i32>} : memref<19x16xf32, #tpu.memory_space<vmem>>, vector<16xf32>,
    %convert_element_type3A_235 = arith.sitofp %scan3A_215#4 : vector<16xi32> to vector<16xf32>
    %swap3A_236 = arith.constant 4 : i32
    %swap3A_237 = arith.index_cast %swap3A_236 : i32 to index
    %swap3A_238 = arith.constant 0 : index
    %swap3A_239 = tpu.vector_load %arg9[%swap3A_237, %swap3A_238] {strides = array<i32>} : memref<19x16xf32, #tpu.memory_space<vmem>>, vector<16xf32>,
    tpu.vector_store %arg9[%swap3A_237, %swap3A_238], %convert_element_type3A_235 {strides = array<i32>} : memref<19x16xf32, #tpu.memory_space<vmem>>, vector<16xf32>,
    %convert_element_type3A_240 = arith.sitofp %scan3A_215#5 : vector<16xi32> to vector<16xf32>
    %swap3A_241 = arith.constant 5 : i32
    %swap3A_242 = arith.index_cast %swap3A_241 : i32 to index
    %swap3A_243 = arith.constant 0 : index
    %swap3A_244 = tpu.vector_load %arg9[%swap3A_242, %swap3A_243] {strides = array<i32>} : memref<19x16xf32, #tpu.memory_space<vmem>>, vector<16xf32>,
    tpu.vector_store %arg9[%swap3A_242, %swap3A_243], %convert_element_type3A_240 {strides = array<i32>} : memref<19x16xf32, #tpu.memory_space<vmem>>, vector<16xf32>,
    %convert_element_type3A_245 = arith.sitofp %scan3A_215#6 : vector<16xi32> to vector<16xf32>
    %swap3A_246 = arith.constant 6 : i32
    %swap3A_247 = arith.index_cast %swap3A_246 : i32 to index
    %swap3A_248 = arith.constant 0 : index
    %swap3A_249 = tpu.vector_load %arg9[%swap3A_247, %swap3A_248] {strides = array<i32>} : memref<19x16xf32, #tpu.memory_space<vmem>>, vector<16xf32>,
    tpu.vector_store %arg9[%swap3A_247, %swap3A_248], %convert_element_type3A_245 {strides = array<i32>} : memref<19x16xf32, #tpu.memory_space<vmem>>, vector<16xf32>,
    %convert_element_type3A_250 = arith.sitofp %scan3A_215#7 : vector<16xi32> to vector<16xf32>
    %swap3A_251 = arith.constant 7 : i32
    %swap3A_252 = arith.index_cast %swap3A_251 : i32 to index
    %swap3A_253 = arith.constant 0 : index
    %swap3A_254 = tpu.vector_load %arg9[%swap3A_252, %swap3A_253] {strides = array<i32>} : memref<19x16xf32, #tpu.memory_space<vmem>>, vector<16xf32>,
    tpu.vector_store %arg9[%swap3A_252, %swap3A_253], %convert_element_type3A_250 {strides = array<i32>} : memref<19x16xf32, #tpu.memory_space<vmem>>, vector<16xf32>,
    %convert_element_type3A_255 = arith.sitofp %scan3A_215#8 : vector<16xi32> to vector<16xf32>
    %swap3A_256 = arith.constant 8 : i32
    %swap3A_257 = arith.index_cast %swap3A_256 : i32 to index
    %swap3A_258 = arith.constant 0 : index
    %swap3A_259 = tpu.vector_load %arg9[%swap3A_257, %swap3A_258] {strides = array<i32>} : memref<19x16xf32, #tpu.memory_space<vmem>>, vector<16xf32>,
    tpu.vector_store %arg9[%swap3A_257, %swap3A_258], %convert_element_type3A_255 {strides = array<i32>} : memref<19x16xf32, #tpu.memory_space<vmem>>, vector<16xf32>,
    %swap3A_260 = arith.constant 9 : i32
    %swap3A_261 = arith.index_cast %swap3A_260 : i32 to index
    %swap3A_262 = arith.constant 0 : index
    %swap3A_263 = tpu.vector_load %arg9[%swap3A_261, %swap3A_262] {strides = array<i32>} : memref<19x16xf32, #tpu.memory_space<vmem>>, vector<16xf32>,
    tpu.vector_store %arg9[%swap3A_261, %swap3A_262], %scan3A_215#9 {strides = array<i32>} : memref<19x16xf32, #tpu.memory_space<vmem>>, vector<16xf32>,
    %swap3A_264 = arith.constant 10 : i32
    %swap3A_265 = arith.index_cast %swap3A_264 : i32 to index
    %swap3A_266 = arith.constant 0 : index
    %swap3A_267 = tpu.vector_load %arg9[%swap3A_265, %swap3A_266] {strides = array<i32>} : memref<19x16xf32, #tpu.memory_space<vmem>>, vector<16xf32>,
    tpu.vector_store %arg9[%swap3A_265, %swap3A_266], %scan3A_215#10 {strides = array<i32>} : memref<19x16xf32, #tpu.memory_space<vmem>>, vector<16xf32>,
    %swap3A_268 = arith.constant 11 : i32
    %swap3A_269 = arith.index_cast %swap3A_268 : i32 to index
    %swap3A_270 = arith.constant 0 : index
    %swap3A_271 = tpu.vector_load %arg9[%swap3A_269, %swap3A_270] {strides = array<i32>} : memref<19x16xf32, #tpu.memory_space<vmem>>, vector<16xf32>,
    tpu.vector_store %arg9[%swap3A_269, %swap3A_270], %scan3A_215#11 {strides = array<i32>} : memref<19x16xf32, #tpu.memory_space<vmem>>, vector<16xf32>,
    %swap3A_272 = arith.constant 12 : i32
    %swap3A_273 = arith.index_cast %swap3A_272 : i32 to index
    %swap3A_274 = arith.constant 0 : index
    %swap3A_275 = tpu.vector_load %arg9[%swap3A_273, %swap3A_274] {strides = array<i32>} : memref<19x16xf32, #tpu.memory_space<vmem>>, vector<16xf32>,
    tpu.vector_store %arg9[%swap3A_273, %swap3A_274], %scan3A_215#12 {strides = array<i32>} : memref<19x16xf32, #tpu.memory_space<vmem>>, vector<16xf32>,
    %swap3A_276 = arith.constant 13 : i32
    %swap3A_277 = arith.index_cast %swap3A_276 : i32 to index
    %swap3A_278 = arith.constant 0 : index
    %swap3A_279 = tpu.vector_load %arg9[%swap3A_277, %swap3A_278] {strides = array<i32>} : memref<19x16xf32, #tpu.memory_space<vmem>>, vector<16xf32>,
    tpu.vector_store %arg9[%swap3A_277, %swap3A_278], %scan3A_215#13 {strides = array<i32>} : memref<19x16xf32, #tpu.memory_space<vmem>>, vector<16xf32>,
    %swap3A_280 = arith.constant 14 : i32
    %swap3A_281 = arith.index_cast %swap3A_280 : i32 to index
    %swap3A_282 = arith.constant 0 : index
    %swap3A_283 = tpu.vector_load %arg9[%swap3A_281, %swap3A_282] {strides = array<i32>} : memref<19x16xf32, #tpu.memory_space<vmem>>, vector<16xf32>,
    tpu.vector_store %arg9[%swap3A_281, %swap3A_282], %scan3A_215#14 {strides = array<i32>} : memref<19x16xf32, #tpu.memory_space<vmem>>, vector<16xf32>,
    %swap3A_284 = arith.constant 15 : i32
    %swap3A_285 = arith.index_cast %swap3A_284 : i32 to index
    %swap3A_286 = arith.constant 0 : index
    %swap3A_287 = tpu.vector_load %arg9[%swap3A_285, %swap3A_286] {strides = array<i32>} : memref<19x16xf32, #tpu.memory_space<vmem>>, vector<16xf32>,
    tpu.vector_store %arg9[%swap3A_285, %swap3A_286], %scan3A_215#15 {strides = array<i32>} : memref<19x16xf32, #tpu.memory_space<vmem>>, vector<16xf32>,
    %swap3A_288 = arith.constant 16 : i32
    %swap3A_289 = arith.index_cast %swap3A_288 : i32 to index
    %swap3A_290 = arith.constant 0 : index
    %swap3A_291 = tpu.vector_load %arg9[%swap3A_289, %swap3A_290] {strides = array<i32>} : memref<19x16xf32, #tpu.memory_space<vmem>>, vector<16xf32>,
    tpu.vector_store %arg9[%swap3A_289, %swap3A_290], %scan3A_215#16 {strides = array<i32>} : memref<19x16xf32, #tpu.memory_space<vmem>>, vector<16xf32>,
    %swap3A_292 = arith.constant 17 : i32
    %swap3A_293 = arith.index_cast %swap3A_292 : i32 to index
    %swap3A_294 = arith.constant 0 : index
    %swap3A_295 = tpu.vector_load %arg9[%swap3A_293, %swap3A_294] {strides = array<i32>} : memref<19x16xf32, #tpu.memory_space<vmem>>, vector<16xf32>,
    tpu.vector_store %arg9[%swap3A_293, %swap3A_294], %scan3A_215#17 {strides = array<i32>} : memref<19x16xf32, #tpu.memory_space<vmem>>, vector<16xf32>,
    %swap3A_296 = arith.constant 18 : i32
    %swap3A_297 = arith.index_cast %swap3A_296 : i32 to index
    %swap3A_298 = arith.constant 0 : index
    %swap3A_299 = tpu.vector_load %arg9[%swap3A_297, %swap3A_298] {strides = array<i32>} : memref<19x16xf32, #tpu.memory_space<vmem>>, vector<16xf32>,
    tpu.vector_store %arg9[%swap3A_297, %swap3A_298], %scan3A_215#18 {strides = array<i32>} : memref<19x16xf32, #tpu.memory_space<vmem>>, vector<16xf32>,
    "tpu.region"() ({
      %run_scoped3A = tpu.sem_alloc : memref<!tpu.dma_semaphore, #tpu.memory_space<semaphore_mem>>
      %dma_start3A_300 = arith.constant 0 : i32
      %dma_start3A_301 = arith.constant 0 : i32
      %dma_start3A_302 = tpu.memref_slice %arg4[%add3A, %dma_start3A_300, %dma_start3A_301] : memref<32x19x16xf32, #tpu.memory_space<hbm>> -> memref<1x19x16xf32, #tpu.memory_space<hbm>>
      %dma_start3A_303 = tpu.memref_squeeze %dma_start3A_302 : memref<1x19x16xf32, #tpu.memory_space<hbm>> -> memref<19x16xf32, #tpu.memory_space<hbm>>
      %dma_start3A_304 = arith.constant 0 : i32
      %dma_start3A_305 = arith.constant 0 : i32
      %dma_start3A_306 = tpu.memref_slice %arg4[%add3A, %dma_start3A_304, %dma_start3A_305] : memref<32x19x16xf32, #tpu.memory_space<hbm>> -> memref<1x19x16xf32, #tpu.memory_space<hbm>>
      %dma_start3A_307 = tpu.memref_squeeze %dma_start3A_306 : memref<1x19x16xf32, #tpu.memory_space<hbm>> -> memref<19x16xf32, #tpu.memory_space<hbm>>
      tpu.enqueue_dma source(%arg9 : memref<19x16xf32, #tpu.memory_space<vmem>>) target(%dma_start3A_307 : memref<19x16xf32, #tpu.memory_space<hbm>>) target_semaphore(%run_scoped3A : memref<!tpu.dma_semaphore, #tpu.memory_space<semaphore_mem>>)
      %dma_wait3A_308 = arith.constant 0 : i32
      %dma_wait3A_309 = arith.constant 0 : i32
      %dma_wait3A_310 = tpu.memref_slice %arg4[%add3A, %dma_wait3A_308, %dma_wait3A_309] : memref<32x19x16xf32, #tpu.memory_space<hbm>> -> memref<1x19x16xf32, #tpu.memory_space<hbm>>
      %dma_wait3A_311 = tpu.memref_squeeze %dma_wait3A_310 : memref<1x19x16xf32, #tpu.memory_space<hbm>> -> memref<19x16xf32, #tpu.memory_space<hbm>>
      %dma_wait3A_312 = arith.constant 0 : i32
      %dma_wait3A_313 = arith.constant 0 : i32
      %dma_wait3A_314 = tpu.memref_slice %arg4[%add3A, %dma_wait3A_312, %dma_wait3A_313] : memref<32x19x16xf32, #tpu.memory_space<hbm>> -> memref<1x19x16xf32, #tpu.memory_space<hbm>>
      %dma_wait3A_315 = tpu.memref_squeeze %dma_wait3A_314 : memref<1x19x16xf32, #tpu.memory_space<hbm>> -> memref<19x16xf32, #tpu.memory_space<hbm>>
      tpu.wait_dma2 semaphore(%run_scoped3A : memref<!tpu.dma_semaphore, #tpu.memory_space<semaphore_mem>>) src(%arg9 : memref<19x16xf32, #tpu.memory_space<vmem>>) dst(%dma_wait3A_315 : memref<19x16xf32, #tpu.memory_space<hbm>>)
      tpu.yield
    }) : () -> ()
    return
  }
}

module attributes {stable_mosaic.version = 14 : i64} {
  func.func @_tc_hist_body(%arg0: i32, %arg1: memref<1024x128xf32, #tpu.memory_space<vmem>>, %arg2: memref<1024x128xi32, #tpu.memory_space<vmem>>, %arg3: memref<19x128xf32, #tpu.memory_space<vmem>>) attributes {dimension_semantics = [#tpu.dimension_semantics<arbitrary>], iteration_bounds = array<i64: 42>, scalar_prefetch = 0 : i64, scratch_operands = 0 : i64, tpu.core_type = #tpu.core_type<tc>, window_params = [{transform_indices = @transform_0, window_bounds = array<i64: 1024, 128>}, {transform_indices = @transform_1, window_bounds = array<i64: 1024, 128>}, {pipeline_mode = #tpu.pipeline_mode<synchronous>, transform_indices = @transform_2, window_bounds = array<i64: 19, 128>}]} {
    %eq3A = arith.constant 0 : i32
    %eq3A_0 = arith.cmpi eq, %arg0, %eq3A : i32
    %convert_element_type3A = arith.extui %eq3A_0 : i1 to i32
    %cond3A = arith.constant 0 : i32
    %cond3A_1 = arith.cmpi ne, %convert_element_type3A, %cond3A : i32
    scf.if %cond3A_1 {
      %broadcast_in_dim3A_175 = arith.constant 0.000000e+00 : f32
      %broadcast_in_dim3A_176 = vector.broadcast %broadcast_in_dim3A_175 : f32 to vector<19x128xf32>
      %swap3A_177 = arith.constant 0 : index
      %swap3A_178 = arith.constant 0 : index
      %swap3A_179 = vector.load %arg3[%swap3A_177, %swap3A_178] : memref<19x128xf32, #tpu.memory_space<vmem>>, vector<19x128xf32>
      tpu.vector_store %arg3[%swap3A_177, %swap3A_178], %broadcast_in_dim3A_176 {strides = array<i32>} : memref<19x128xf32, #tpu.memory_space<vmem>>, vector<19x128xf32>,
    } else {
    }
    %get3A = arith.constant 0 : index
    %get3A_2 = arith.constant 0 : index
    %get3A_3 = vector.load %arg1[%get3A, %get3A_2] : memref<1024x128xf32, #tpu.memory_space<vmem>>, vector<1024x128xf32>
    %get3A_4 = arith.constant 0 : index
    %get3A_5 = arith.constant 0 : index
    %get3A_6 = vector.load %arg2[%get3A_4, %get3A_5] : memref<1024x128xi32, #tpu.memory_space<vmem>>, vector<1024x128xi32>
    %eq3A_7 = arith.constant 1 : i32
    %eq3A_8 = vector.broadcast %eq3A_7 : i32 to vector<1024x128xi32>
    %eq3A_9 = arith.cmpi eq, %get3A_6, %eq3A_8 : vector<1024x128xi32>
    %neg3A = arith.constant 0.000000e+00 : f32
    %neg3A_10 = vector.broadcast %neg3A : f32 to vector<1024x128xf32>
    %neg3A_11 = arith.subf %neg3A_10, %get3A_3 : vector<1024x128xf32>
    %select_n3A = arith.select %eq3A_9, %get3A_3, %neg3A_11 : vector<1024x128xi1>, vector<1024x128xf32>
    %abs3A = math.absf %get3A_3 : vector<1024x128xf32>
    %neg3A_12 = arith.constant 0.000000e+00 : f32
    %neg3A_13 = vector.broadcast %neg3A_12 : f32 to vector<1024x128xf32>
    %neg3A_14 = arith.subf %neg3A_13, %abs3A : vector<1024x128xf32>
    %exp3A = math.exp %neg3A_14 : vector<1024x128xf32>
    %max3A = arith.constant 0.000000e+00 : f32
    %max3A_15 = vector.broadcast %max3A : f32 to vector<1024x128xf32>
    %max3A_16 = arith.maximumf %select_n3A, %max3A_15 : vector<1024x128xf32>
    %log1p3A = math.log1p %exp3A : vector<1024x128xf32>
    %add3A = arith.addf %max3A_16, %log1p3A : vector<1024x128xf32>
    %get3A_17 = arith.constant 0 : index
    %get3A_18 = arith.constant 0 : index
    %get3A_19 = vector.load %arg3[%get3A_17, %get3A_18] : memref<19x128xf32, #tpu.memory_space<vmem>>, vector<19x128xf32>
    %reduce_sum3A = arith.constant dense<0.000000e+00> : vector<128xf32>
    %reduce_sum3A_20 = vector.multi_reduction <add>, %add3A, %reduce_sum3A [0] : vector<1024x128xf32> to vector<128xf32>
    %ge3A = arith.constant -2.19722462 : f32
    %ge3A_21 = vector.broadcast %ge3A : f32 to vector<1024x128xf32>
    %ge3A_22 = arith.cmpf oge, %get3A_3, %ge3A_21 : vector<1024x128xf32>
    %jit3A = arith.constant 1.000000e+00 : f32
    %jit3A_23 = arith.constant 0.000000e+00 : f32
    %broadcast_in_dim3A = vector.broadcast %jit3A : f32 to vector<1024x128xf32>
    %broadcast_in_dim3A_24 = vector.broadcast %jit3A_23 : f32 to vector<1024x128xf32>
    %select_n3A_25 = arith.select %ge3A_22, %broadcast_in_dim3A, %broadcast_in_dim3A_24 : vector<1024x128xi1>, vector<1024x128xf32>
    %reduce_sum3A_26 = arith.constant dense<0.000000e+00> : vector<128xf32>
    %reduce_sum3A_27 = vector.multi_reduction <add>, %select_n3A_25, %reduce_sum3A_26 [0] : vector<1024x128xf32> to vector<128xf32>
    %jit3A_28 = arith.constant 0.000000e+00 : f32
    %broadcast_in_dim3A_29 = vector.broadcast %jit3A_28 : f32 to vector<1024x128xf32>
    %select_n3A_30 = arith.select %ge3A_22, %add3A, %broadcast_in_dim3A_29 : vector<1024x128xi1>, vector<1024x128xf32>
    %reduce_sum3A_31 = arith.constant dense<0.000000e+00> : vector<128xf32>
    %reduce_sum3A_32 = vector.multi_reduction <add>, %select_n3A_30, %reduce_sum3A_31 [0] : vector<1024x128xf32> to vector<128xf32>
    %ge3A_33 = arith.constant -1.38629436 : f32
    %ge3A_34 = vector.broadcast %ge3A_33 : f32 to vector<1024x128xf32>
    %ge3A_35 = arith.cmpf oge, %get3A_3, %ge3A_34 : vector<1024x128xf32>
    %jit3A_36 = arith.constant 1.000000e+00 : f32
    %jit3A_37 = arith.constant 0.000000e+00 : f32
    %broadcast_in_dim3A_38 = vector.broadcast %jit3A_36 : f32 to vector<1024x128xf32>
    %broadcast_in_dim3A_39 = vector.broadcast %jit3A_37 : f32 to vector<1024x128xf32>
    %select_n3A_40 = arith.select %ge3A_35, %broadcast_in_dim3A_38, %broadcast_in_dim3A_39 : vector<1024x128xi1>, vector<1024x128xf32>
    %reduce_sum3A_41 = arith.constant dense<0.000000e+00> : vector<128xf32>
    %reduce_sum3A_42 = vector.multi_reduction <add>, %select_n3A_40, %reduce_sum3A_41 [0] : vector<1024x128xf32> to vector<128xf32>
    %jit3A_43 = arith.constant 0.000000e+00 : f32
    %broadcast_in_dim3A_44 = vector.broadcast %jit3A_43 : f32 to vector<1024x128xf32>
    %select_n3A_45 = arith.select %ge3A_35, %add3A, %broadcast_in_dim3A_44 : vector<1024x128xi1>, vector<1024x128xf32>
    %reduce_sum3A_46 = arith.constant dense<0.000000e+00> : vector<128xf32>
    %reduce_sum3A_47 = vector.multi_reduction <add>, %select_n3A_45, %reduce_sum3A_46 [0] : vector<1024x128xf32> to vector<128xf32>
    %ge3A_48 = arith.constant -0.847297787 : f32
    %ge3A_49 = vector.broadcast %ge3A_48 : f32 to vector<1024x128xf32>
    %ge3A_50 = arith.cmpf oge, %get3A_3, %ge3A_49 : vector<1024x128xf32>
    %jit3A_51 = arith.constant 1.000000e+00 : f32
    %jit3A_52 = arith.constant 0.000000e+00 : f32
    %broadcast_in_dim3A_53 = vector.broadcast %jit3A_51 : f32 to vector<1024x128xf32>
    %broadcast_in_dim3A_54 = vector.broadcast %jit3A_52 : f32 to vector<1024x128xf32>
    %select_n3A_55 = arith.select %ge3A_50, %broadcast_in_dim3A_53, %broadcast_in_dim3A_54 : vector<1024x128xi1>, vector<1024x128xf32>
    %reduce_sum3A_56 = arith.constant dense<0.000000e+00> : vector<128xf32>
    %reduce_sum3A_57 = vector.multi_reduction <add>, %select_n3A_55, %reduce_sum3A_56 [0] : vector<1024x128xf32> to vector<128xf32>
    %jit3A_58 = arith.constant 0.000000e+00 : f32
    %broadcast_in_dim3A_59 = vector.broadcast %jit3A_58 : f32 to vector<1024x128xf32>
    %select_n3A_60 = arith.select %ge3A_50, %add3A, %broadcast_in_dim3A_59 : vector<1024x128xi1>, vector<1024x128xf32>
    %reduce_sum3A_61 = arith.constant dense<0.000000e+00> : vector<128xf32>
    %reduce_sum3A_62 = vector.multi_reduction <add>, %select_n3A_60, %reduce_sum3A_61 [0] : vector<1024x128xf32> to vector<128xf32>
    %ge3A_63 = arith.constant -0.405465096 : f32
    %ge3A_64 = vector.broadcast %ge3A_63 : f32 to vector<1024x128xf32>
    %ge3A_65 = arith.cmpf oge, %get3A_3, %ge3A_64 : vector<1024x128xf32>
    %jit3A_66 = arith.constant 1.000000e+00 : f32
    %jit3A_67 = arith.constant 0.000000e+00 : f32
    %broadcast_in_dim3A_68 = vector.broadcast %jit3A_66 : f32 to vector<1024x128xf32>
    %broadcast_in_dim3A_69 = vector.broadcast %jit3A_67 : f32 to vector<1024x128xf32>
    %select_n3A_70 = arith.select %ge3A_65, %broadcast_in_dim3A_68, %broadcast_in_dim3A_69 : vector<1024x128xi1>, vector<1024x128xf32>
    %reduce_sum3A_71 = arith.constant dense<0.000000e+00> : vector<128xf32>
    %reduce_sum3A_72 = vector.multi_reduction <add>, %select_n3A_70, %reduce_sum3A_71 [0] : vector<1024x128xf32> to vector<128xf32>
    %jit3A_73 = arith.constant 0.000000e+00 : f32
    %broadcast_in_dim3A_74 = vector.broadcast %jit3A_73 : f32 to vector<1024x128xf32>
    %select_n3A_75 = arith.select %ge3A_65, %add3A, %broadcast_in_dim3A_74 : vector<1024x128xi1>, vector<1024x128xf32>
    %reduce_sum3A_76 = arith.constant dense<0.000000e+00> : vector<128xf32>
    %reduce_sum3A_77 = vector.multi_reduction <add>, %select_n3A_75, %reduce_sum3A_76 [0] : vector<1024x128xf32> to vector<128xf32>
    %ge3A_78 = arith.constant 0.000000e+00 : f32
    %ge3A_79 = vector.broadcast %ge3A_78 : f32 to vector<1024x128xf32>
    %ge3A_80 = arith.cmpf oge, %get3A_3, %ge3A_79 : vector<1024x128xf32>
    %jit3A_81 = arith.constant 1.000000e+00 : f32
    %jit3A_82 = arith.constant 0.000000e+00 : f32
    %broadcast_in_dim3A_83 = vector.broadcast %jit3A_81 : f32 to vector<1024x128xf32>
    %broadcast_in_dim3A_84 = vector.broadcast %jit3A_82 : f32 to vector<1024x128xf32>
    %select_n3A_85 = arith.select %ge3A_80, %broadcast_in_dim3A_83, %broadcast_in_dim3A_84 : vector<1024x128xi1>, vector<1024x128xf32>
    %reduce_sum3A_86 = arith.constant dense<0.000000e+00> : vector<128xf32>
    %reduce_sum3A_87 = vector.multi_reduction <add>, %select_n3A_85, %reduce_sum3A_86 [0] : vector<1024x128xf32> to vector<128xf32>
    %jit3A_88 = arith.constant 0.000000e+00 : f32
    %broadcast_in_dim3A_89 = vector.broadcast %jit3A_88 : f32 to vector<1024x128xf32>
    %select_n3A_90 = arith.select %ge3A_80, %add3A, %broadcast_in_dim3A_89 : vector<1024x128xi1>, vector<1024x128xf32>
    %reduce_sum3A_91 = arith.constant dense<0.000000e+00> : vector<128xf32>
    %reduce_sum3A_92 = vector.multi_reduction <add>, %select_n3A_90, %reduce_sum3A_91 [0] : vector<1024x128xf32> to vector<128xf32>
    %ge3A_93 = arith.constant 0.405465215 : f32
    %ge3A_94 = vector.broadcast %ge3A_93 : f32 to vector<1024x128xf32>
    %ge3A_95 = arith.cmpf oge, %get3A_3, %ge3A_94 : vector<1024x128xf32>
    %jit3A_96 = arith.constant 1.000000e+00 : f32
    %jit3A_97 = arith.constant 0.000000e+00 : f32
    %broadcast_in_dim3A_98 = vector.broadcast %jit3A_96 : f32 to vector<1024x128xf32>
    %broadcast_in_dim3A_99 = vector.broadcast %jit3A_97 : f32 to vector<1024x128xf32>
    %select_n3A_100 = arith.select %ge3A_95, %broadcast_in_dim3A_98, %broadcast_in_dim3A_99 : vector<1024x128xi1>, vector<1024x128xf32>
    %reduce_sum3A_101 = arith.constant dense<0.000000e+00> : vector<128xf32>
    %reduce_sum3A_102 = vector.multi_reduction <add>, %select_n3A_100, %reduce_sum3A_101 [0] : vector<1024x128xf32> to vector<128xf32>
    %jit3A_103 = arith.constant 0.000000e+00 : f32
    %broadcast_in_dim3A_104 = vector.broadcast %jit3A_103 : f32 to vector<1024x128xf32>
    %select_n3A_105 = arith.select %ge3A_95, %add3A, %broadcast_in_dim3A_104 : vector<1024x128xi1>, vector<1024x128xf32>
    %reduce_sum3A_106 = arith.constant dense<0.000000e+00> : vector<128xf32>
    %reduce_sum3A_107 = vector.multi_reduction <add>, %select_n3A_105, %reduce_sum3A_106 [0] : vector<1024x128xf32> to vector<128xf32>
    %ge3A_108 = arith.constant 0.847297787 : f32
    %ge3A_109 = vector.broadcast %ge3A_108 : f32 to vector<1024x128xf32>
    %ge3A_110 = arith.cmpf oge, %get3A_3, %ge3A_109 : vector<1024x128xf32>
    %jit3A_111 = arith.constant 1.000000e+00 : f32
    %jit3A_112 = arith.constant 0.000000e+00 : f32
    %broadcast_in_dim3A_113 = vector.broadcast %jit3A_111 : f32 to vector<1024x128xf32>
    %broadcast_in_dim3A_114 = vector.broadcast %jit3A_112 : f32 to vector<1024x128xf32>
    %select_n3A_115 = arith.select %ge3A_110, %broadcast_in_dim3A_113, %broadcast_in_dim3A_114 : vector<1024x128xi1>, vector<1024x128xf32>
    %reduce_sum3A_116 = arith.constant dense<0.000000e+00> : vector<128xf32>
    %reduce_sum3A_117 = vector.multi_reduction <add>, %select_n3A_115, %reduce_sum3A_116 [0] : vector<1024x128xf32> to vector<128xf32>
    %jit3A_118 = arith.constant 0.000000e+00 : f32
    %broadcast_in_dim3A_119 = vector.broadcast %jit3A_118 : f32 to vector<1024x128xf32>
    %select_n3A_120 = arith.select %ge3A_110, %add3A, %broadcast_in_dim3A_119 : vector<1024x128xi1>, vector<1024x128xf32>
    %reduce_sum3A_121 = arith.constant dense<0.000000e+00> : vector<128xf32>
    %reduce_sum3A_122 = vector.multi_reduction <add>, %select_n3A_120, %reduce_sum3A_121 [0] : vector<1024x128xf32> to vector<128xf32>
    %ge3A_123 = arith.constant 1.38629448 : f32
    %ge3A_124 = vector.broadcast %ge3A_123 : f32 to vector<1024x128xf32>
    %ge3A_125 = arith.cmpf oge, %get3A_3, %ge3A_124 : vector<1024x128xf32>
    %jit3A_126 = arith.constant 1.000000e+00 : f32
    %jit3A_127 = arith.constant 0.000000e+00 : f32
    %broadcast_in_dim3A_128 = vector.broadcast %jit3A_126 : f32 to vector<1024x128xf32>
    %broadcast_in_dim3A_129 = vector.broadcast %jit3A_127 : f32 to vector<1024x128xf32>
    %select_n3A_130 = arith.select %ge3A_125, %broadcast_in_dim3A_128, %broadcast_in_dim3A_129 : vector<1024x128xi1>, vector<1024x128xf32>
    %reduce_sum3A_131 = arith.constant dense<0.000000e+00> : vector<128xf32>
    %reduce_sum3A_132 = vector.multi_reduction <add>, %select_n3A_130, %reduce_sum3A_131 [0] : vector<1024x128xf32> to vector<128xf32>
    %jit3A_133 = arith.constant 0.000000e+00 : f32
    %broadcast_in_dim3A_134 = vector.broadcast %jit3A_133 : f32 to vector<1024x128xf32>
    %select_n3A_135 = arith.select %ge3A_125, %add3A, %broadcast_in_dim3A_134 : vector<1024x128xi1>, vector<1024x128xf32>
    %reduce_sum3A_136 = arith.constant dense<0.000000e+00> : vector<128xf32>
    %reduce_sum3A_137 = vector.multi_reduction <add>, %select_n3A_135, %reduce_sum3A_136 [0] : vector<1024x128xf32> to vector<128xf32>
    %ge3A_138 = arith.constant 2.19722438 : f32
    %ge3A_139 = vector.broadcast %ge3A_138 : f32 to vector<1024x128xf32>
    %ge3A_140 = arith.cmpf oge, %get3A_3, %ge3A_139 : vector<1024x128xf32>
    %jit3A_141 = arith.constant 1.000000e+00 : f32
    %jit3A_142 = arith.constant 0.000000e+00 : f32
    %broadcast_in_dim3A_143 = vector.broadcast %jit3A_141 : f32 to vector<1024x128xf32>
    %broadcast_in_dim3A_144 = vector.broadcast %jit3A_142 : f32 to vector<1024x128xf32>
    %select_n3A_145 = arith.select %ge3A_140, %broadcast_in_dim3A_143, %broadcast_in_dim3A_144 : vector<1024x128xi1>, vector<1024x128xf32>
    %reduce_sum3A_146 = arith.constant dense<0.000000e+00> : vector<128xf32>
    %reduce_sum3A_147 = vector.multi_reduction <add>, %select_n3A_145, %reduce_sum3A_146 [0] : vector<1024x128xf32> to vector<128xf32>
    %jit3A_148 = arith.constant 0.000000e+00 : f32
    %broadcast_in_dim3A_149 = vector.broadcast %jit3A_148 : f32 to vector<1024x128xf32>
    %select_n3A_150 = arith.select %ge3A_140, %add3A, %broadcast_in_dim3A_149 : vector<1024x128xi1>, vector<1024x128xf32>
    %reduce_sum3A_151 = arith.constant dense<0.000000e+00> : vector<128xf32>
    %reduce_sum3A_152 = vector.multi_reduction <add>, %select_n3A_150, %reduce_sum3A_151 [0] : vector<1024x128xf32> to vector<128xf32>
    %stack3A = vector.shape_cast %reduce_sum3A_27 : vector<128xf32> to vector<1x128xf32>
    %stack3A_153 = vector.shape_cast %reduce_sum3A_42 : vector<128xf32> to vector<1x128xf32>
    %stack3A_154 = vector.shape_cast %reduce_sum3A_57 : vector<128xf32> to vector<1x128xf32>
    %stack3A_155 = vector.shape_cast %reduce_sum3A_72 : vector<128xf32> to vector<1x128xf32>
    %stack3A_156 = vector.shape_cast %reduce_sum3A_87 : vector<128xf32> to vector<1x128xf32>
    %stack3A_157 = vector.shape_cast %reduce_sum3A_102 : vector<128xf32> to vector<1x128xf32>
    %stack3A_158 = vector.shape_cast %reduce_sum3A_117 : vector<128xf32> to vector<1x128xf32>
    %stack3A_159 = vector.shape_cast %reduce_sum3A_132 : vector<128xf32> to vector<1x128xf32>
    %stack3A_160 = vector.shape_cast %reduce_sum3A_147 : vector<128xf32> to vector<1x128xf32>
    %stack3A_161 = vector.shape_cast %reduce_sum3A_32 : vector<128xf32> to vector<1x128xf32>
    %stack3A_162 = vector.shape_cast %reduce_sum3A_47 : vector<128xf32> to vector<1x128xf32>
    %stack3A_163 = vector.shape_cast %reduce_sum3A_62 : vector<128xf32> to vector<1x128xf32>
    %stack3A_164 = vector.shape_cast %reduce_sum3A_77 : vector<128xf32> to vector<1x128xf32>
    %stack3A_165 = vector.shape_cast %reduce_sum3A_92 : vector<128xf32> to vector<1x128xf32>
    %stack3A_166 = vector.shape_cast %reduce_sum3A_107 : vector<128xf32> to vector<1x128xf32>
    %stack3A_167 = vector.shape_cast %reduce_sum3A_122 : vector<128xf32> to vector<1x128xf32>
    %stack3A_168 = vector.shape_cast %reduce_sum3A_137 : vector<128xf32> to vector<1x128xf32>
    %stack3A_169 = vector.shape_cast %reduce_sum3A_152 : vector<128xf32> to vector<1x128xf32>
    %stack3A_170 = vector.shape_cast %reduce_sum3A_20 : vector<128xf32> to vector<1x128xf32>
    %stack3A_171 = tpu.concatenate %stack3A, %stack3A_153, %stack3A_154, %stack3A_155, %stack3A_156, %stack3A_157, %stack3A_158, %stack3A_159, %stack3A_160, %stack3A_161, %stack3A_162, %stack3A_163, %stack3A_164, %stack3A_165, %stack3A_166, %stack3A_167, %stack3A_168, %stack3A_169, %stack3A_170 in 0 : vector<1x128xf32>, vector<1x128xf32>, vector<1x128xf32>, vector<1x128xf32>, vector<1x128xf32>, vector<1x128xf32>, vector<1x128xf32>, vector<1x128xf32>, vector<1x128xf32>, vector<1x128xf32>, vector<1x128xf32>, vector<1x128xf32>, vector<1x128xf32>, vector<1x128xf32>, vector<1x128xf32>, vector<1x128xf32>, vector<1x128xf32>, vector<1x128xf32>, vector<1x128xf32> -> vector<19x128xf32>
    %add3A_172 = arith.addf %get3A_19, %stack3A_171 : vector<19x128xf32>
    %swap3A = arith.constant 0 : index
    %swap3A_173 = arith.constant 0 : index
    %swap3A_174 = vector.load %arg3[%swap3A, %swap3A_173] : memref<19x128xf32, #tpu.memory_space<vmem>>, vector<19x128xf32>
    tpu.vector_store %arg3[%swap3A, %swap3A_173], %add3A_172 {strides = array<i32>} : memref<19x128xf32, #tpu.memory_space<vmem>>, vector<19x128xf32>,
    return
  }
  func.func @transform_0(%arg0: i32) -> (i32, i32) {
    %c0_i32 = arith.constant 0 : i32
    %c0_i32_0 = arith.constant 0 : i32
    return %arg0, %c0_i32 : i32, i32
  }
  func.func @transform_1(%arg0: i32) -> (i32, i32) {
    %c0_i32 = arith.constant 0 : i32
    %c0_i32_0 = arith.constant 0 : i32
    return %arg0, %c0_i32 : i32, i32
  }
  func.func @transform_2(%arg0: i32) -> (i32, i32) {
    %c0_i32 = arith.constant 0 : i32
    %c0_i32_0 = arith.constant 0 : i32
    %c0_i32_1 = arith.constant 0 : i32
    return %c0_i32, %c0_i32_0 : i32, i32
  }
}

module attributes {stable_mosaic.version = 14 : i64} {
  func.func @_finalize_body(%arg0: memref<32x19x16xf32, #tpu.memory_space<vmem>>, %arg1: memref<19x128xf32, #tpu.memory_space<vmem>>, %arg2: memref<1x1xf32, #tpu.memory_space<vmem>>) attributes {dimension_semantics = [], scalar_prefetch = 0 : i64, scratch_operands = 0 : i64, tpu.core_type = #tpu.core_type<tc>} {
    %get3A = arith.constant 0 : index
    %get3A_0 = arith.constant 0 : index
    %get3A_1 = arith.constant 0 : index
    %get3A_2 = vector.load %arg0[%get3A, %get3A_0, %get3A_1] : memref<32x19x16xf32, #tpu.memory_space<vmem>>, vector<32x19x16xf32>
    %reduce_sum3A = arith.constant dense<0.000000e+00> : vector<19x16xf32>
    %reduce_sum3A_3 = vector.multi_reduction <add>, %get3A_2, %reduce_sum3A [0] : vector<32x19x16xf32> to vector<19x16xf32>
    %reduce_sum3A_4 = arith.constant dense<0.000000e+00> : vector<19xf32>
    %reduce_sum3A_5 = vector.multi_reduction <add>, %reduce_sum3A_3, %reduce_sum3A_4 [1] : vector<19x16xf32> to vector<19xf32>
    %get3A_6 = arith.constant 0 : index
    %get3A_7 = arith.constant 0 : index
    %get3A_8 = vector.load %arg1[%get3A_6, %get3A_7] : memref<19x128xf32, #tpu.memory_space<vmem>>, vector<19x128xf32>
    %reduce_sum3A_9 = arith.constant dense<0.000000e+00> : vector<19xf32>
    %reduce_sum3A_10 = vector.multi_reduction <add>, %get3A_8, %reduce_sum3A_9 [1] : vector<19x128xf32> to vector<19xf32>
    %slice3A = vector.extract_strided_slice %reduce_sum3A_5 {offsets = [0], sizes = [9], strides = [1]} : vector<19xf32> to vector<9xf32>
    %mul3A = arith.constant 6.250000e-02 : f32
    %mul3A_11 = vector.broadcast %mul3A : f32 to vector<9xf32>
    %mul3A_12 = arith.mulf %slice3A, %mul3A_11 : vector<9xf32>
    %slice3A_13 = vector.extract_strided_slice %reduce_sum3A_10 {offsets = [0], sizes = [9], strides = [1]} : vector<19xf32> to vector<9xf32>
    %add3A = arith.addf %mul3A_12, %slice3A_13 : vector<9xf32>
    %slice3A_14 = vector.extract_strided_slice %reduce_sum3A_5 {offsets = [9], sizes = [9], strides = [1]} : vector<19xf32> to vector<9xf32>
    %slice3A_15 = vector.extract_strided_slice %reduce_sum3A_10 {offsets = [9], sizes = [9], strides = [1]} : vector<19xf32> to vector<9xf32>
    %add3A_16 = arith.addf %slice3A_14, %slice3A_15 : vector<9xf32>
    %slice3A_17 = vector.extract_strided_slice %reduce_sum3A_5 {offsets = [18], sizes = [1], strides = [1]} : vector<19xf32> to vector<1xf32>
    %squeeze3A = vector.extract %slice3A_17[0] : f32 from vector<1xf32>
    %slice3A_18 = vector.extract_strided_slice %reduce_sum3A_10 {offsets = [18], sizes = [1], strides = [1]} : vector<19xf32> to vector<1xf32>
    %squeeze3A_19 = vector.extract %slice3A_18[0] : f32 from vector<1xf32>
    %add3A_20 = arith.addf %squeeze3A, %squeeze3A_19 : f32
    %broadcast_in_dim3A = arith.constant 0x4B000000 : f32
    %broadcast_in_dim3A_21 = vector.broadcast %broadcast_in_dim3A : f32 to vector<1xf32>
    %broadcast_in_dim3A_22 = arith.constant 0.000000e+00 : f32
    %broadcast_in_dim3A_23 = vector.broadcast %broadcast_in_dim3A_22 : f32 to vector<1xf32>
    %concatenate3A = tpu.concatenate %broadcast_in_dim3A_21, %add3A in 0 : vector<1xf32>, vector<9xf32> -> vector<10xf32>
    %concatenate3A_24 = tpu.concatenate %add3A, %broadcast_in_dim3A_23 in 0 : vector<9xf32>, vector<1xf32> -> vector<10xf32>
    %reshape3A = vector.broadcast %add3A_20 : f32 to vector<1xf32>
    %concatenate3A_25 = tpu.concatenate %reshape3A, %add3A_16 in 0 : vector<1xf32>, vector<9xf32> -> vector<10xf32>
    %concatenate3A_26 = tpu.concatenate %add3A_16, %broadcast_in_dim3A_23 in 0 : vector<9xf32>, vector<1xf32> -> vector<10xf32>
    %sub3A = arith.subf %concatenate3A, %concatenate3A_24 : vector<10xf32>
    %sub3A_27 = arith.subf %concatenate3A_25, %concatenate3A_26 : vector<10xf32>
    %gt3A = arith.constant 5.000000e-01 : f32
    %gt3A_28 = vector.broadcast %gt3A : f32 to vector<10xf32>
    %gt3A_29 = arith.cmpf ogt, %sub3A, %gt3A_28 : vector<10xf32>
    %max3A = arith.constant 1.000000e+00 : f32
    %max3A_30 = vector.broadcast %max3A : f32 to vector<10xf32>
    %max3A_31 = arith.maximumf %sub3A, %max3A_30 : vector<10xf32>
    %div3A = arith.divf %sub3A_27, %max3A_31 : vector<10xf32>
    %jit3A = arith.constant 0.000000e+00 : f32
    %broadcast_in_dim3A_32 = vector.broadcast %jit3A : f32 to vector<10xf32>
    %select_n3A = arith.select %gt3A_29, %div3A, %broadcast_in_dim3A_32 : vector<10xi1>, vector<10xf32>
    %reduce_sum3A_33 = vector.shape_cast %select_n3A : vector<10xf32> to vector<1x10xf32>
    %reduce_sum3A_34 = arith.constant dense<0.000000e+00> : vector<1xf32>
    %reduce_sum3A_35 = vector.multi_reduction <add>, %reduce_sum3A_33, %reduce_sum3A_34 [1] : vector<1x10xf32> to vector<1xf32>
    %reduce_sum3A_36 = vector.shape_cast %reduce_sum3A_35 : vector<1xf32> to vector<1x1xf32>
    %reduce_sum3A_37 = vector.extract %reduce_sum3A_36[0, 0] : f32 from vector<1x1xf32>
    %mul3A_38 = arith.constant 838860.813 : f32
    %mul3A_39 = arith.mulf %reduce_sum3A_37, %mul3A_38 : f32
    %reshape3A_40 = vector.broadcast %mul3A_39 : f32 to vector<1x1xf32>
    %swap3A = arith.constant 0 : index
    %swap3A_41 = arith.constant 0 : index
    %swap3A_42 = vector.load %arg2[%swap3A, %swap3A_41] : memref<1x1xf32, #tpu.memory_space<vmem>>, vector<1x1xf32>
    tpu.vector_store %arg2[%swap3A, %swap3A_41], %reshape3A_40 {strides = array<i32>} : memref<1x1xf32, #tpu.memory_space<vmem>>, vector<1x1xf32>,
    return
  }
}

</mosaic_0001>

<sc_bundles>
// kernel: kernel.5.cloned.1.call-start
scs
__scs_entry_jumppad:
0x0: {  	(pc) =	sbr.rel $0x88, $3  }
0x1: {  	(tag) =	ssettag $0x0;
	lr =	simm.s32 $0x1  }
0x2: {  	[smem:$0x3F9F] =	sst lr;
	_ =	strace $0xD0000000  }
0x3: {  	_ = 	snop  }
0x4: {  	_ = 	snop  }
0x5: {  	_ = 	snop  }
0x6: {  	_ = 	snop  }
0x7: {  	_ = 	snop  }
__scs_overlays_trampoline_lowered:
0x8: {  	[smem:$0x3FAE] =	sst s0  }
0x9: {  	[smem:$0x3FAF] =	sst s1  }
0xa: {  	[smem:$0x3FB0] =	sst s2  }
0xb: {  	[smem:$0x3FB1] =	sst s3  }
0xc: {  	[smem:$0x3FB2] =	sst s4  }
0xd: {  	[smem:$0x3FB3] =	sst s5  }
0xe: {  	[smem:$0x3FB4] =	sst s6  }
0xf: {  	[smem:$0x3FB5] =	sst s7  }
0x10: {  	[smem:$0x3FB6] =	sst s8  }
0x11: {  	[smem:$0x3FB7] =	sst s9;
	s0 =	simm.s32 @!p0 $0x0  }
0x12: {  	s1 =	sld [smem:$0x3F9D];
	s0 =	simm.s32 @p0 $0x1  }
0x13: {  	[smem:$0x3FB8] =	sst s0;
	s0 =	simm.s32 @!p1 $0x0  }
0x14: {  	s2 =	sld [smem:$0x3F9C];
	s0 =	simm.s32 @p1 $0x1  }
0x15: {  	[smem:$0x3FB9] =	sst s0;
	s0 =	simm.s32 @!p2 $0x0  }
0x16: {  	s3 =	sld [smem:$0x3FDB];
	s0 =	simm.s32 @p2 $0x1  }
0x17: {  	s4 =	simm.s32 $0x1BF5;
	[smem:$0x3FBB] =	sst s0  }
0x18: {  	s0 =	sld [smem:$0x3F9E];
	_ =	swait.ge [sflag:s4], $0x0  }
0x19: {  	s7 =	sld [smem:$0x3F9F]  }
0x1a: {  	s8 =	sadd.s32 $0xFFFFE003, lr  }
0x1b: {  	s9 =	sadd.s32 $0xFFFFFEF7, lr;
	s5 =	simm.s32 $0xFFFFFFFF;
	p2 =	slt.u32 s8, $0xFFFFF086  }
0x1c: {  	p1 =	slt.u32 s9, $0xF7A;
	s5 =	simm.s32 @!p2 $0x0  }
0x1d: {  	s5 =	simm.s32 @p1 $0x1;
	p0 =	seq.s32 s7, s2  }
0x1e: {  	s7 =	smul.u32 @!p0 $0xF7A, s2;
	p2 =	seq.s32 @!p0 s5, $0x0  }
0x1f: {  	s9 =	smul.u32 $0xF7A, s1;
	s8 =	simm.s32 @!p0 $0x1BF5;
	p2 =	por !p2, p0  }
0x20: {  	[sflag:s8] =	ssyncset.s32 @!p0 $0xFFFFF086;
	s6 =	sadd.s32 @!p0 s3, s7;
	s7 =	simm.s32 @!p0 $0x108  }
0x21: {  	s3 =	sadd.s32 s3, s9;
	s6 =	sadd.s32 @!p0 $0x88, s6;
	s7 =	simm.s32 @p2 $0x1082  }
0x22: {  	[simem:s7], [sflag:s8] =	dma.local @!p0 [hbm:s6], $0xF7A  }
0x23: {  	s9 =	sor.u32 $0xD0000000, s2;
	s6 =	simm.s32 $0x108;
	_ =	swait.ge @!p0 [sflag:s8], $0x0  }
0x24: {  	s3 =	sadd.s32 $0x88, s3;
	s6 =	simm.s32 @!p1 $0x1082;
	[sflag:s4] =	ssyncset.s32 $0xFFFFF086  }
0x25: {  	[simem:s6], [sflag:s4] =	dma.local [hbm:s3], $0xF7A  }
0x26: {  	[smem:$0x3F9F] =	sst s1;
	(tag) =	ssettag s2;
	_ =	strace s9  }
0x27: {  	s1 =	sld [smem:$0x3FAF]  }
0x28: {  	s2 =	sld [smem:$0x3FB0]  }
0x29: {  	s4 =	sld [smem:$0x3FB2]  }
0x2a: {  	p0 =	seq.s32 s5, $0x0;
	s5 =	sld [smem:$0x3FB3]  }
0x2b: {  	s6 =	sld [smem:$0x3FB4]  }
0x2c: {  	s7 =	sld [smem:$0x3FB5]  }
0x2d: {  	s3 =	simm.s32 $0x108;
	s8 =	sld [smem:$0x3FB6]  }
0x2e: {  	s3 =	simm.s32 @!p0 $0x1082;
	s9 =	sld [smem:$0x3FB7]  }
0x2f: {  	lr =	sadd.s32 s0, s3;
	s0 =	sld [smem:$0x3FAE]  }
0x30: {  	s3 =	sld [smem:$0x3FB1]  }
0x31: {  	[smem:$0x3FBA] =	sst s10  }
0x32: {  	s10 =	sld [smem:$0x3FB8];
	_ =	sdelay $0x3  }
0x33: {  	p0 =	seq.s32 s10, $0x1;
	s10 =	sld [smem:$0x3FBA];
	_ =	sdelay $0x3  }
0x34: {  	[smem:$0x3FBA] =	sst s10  }
0x35: {  	s10 =	sld [smem:$0x3FB9];
	_ =	sdelay $0x3  }
0x36: {  	p1 =	seq.s32 s10, $0x1;
	s10 =	sld [smem:$0x3FBA];
	_ =	sdelay $0x3  }
0x37: {  	[smem:$0x3FBA] =	sst s10  }
0x38: {  	s10 =	sld [smem:$0x3FBB]  }
0x39: {  	_ = 	snop;
	(pc) =	sbr.ind lr, $3  }
0x3a: {  	_ = 	snop  }
0x3b: {  	_ = 	snop  }
0x3c: {  	p2 =	seq.s32 s10, $0x1;
	s10 =	sld [smem:$0x3FBA]  }
0x3d: {  	_ =	shalt  }
0x3e: {  	_ =	shalt  }
0x3f: {  	_ =	shalt  }
0x40: {  	_ =	shalt  }
0x41: {  	_ =	shalt  }
0x42: {  	_ =	shalt  }
0x43: {  	_ =	shalt  }
0x44: {  	_ =	shalt  }
0x45: {  	_ =	shalt  }
0x46: {  	_ =	shalt  }
0x47: {  	_ =	shalt  }
0x48: {  	_ =	shalt  }
0x49: {  	_ =	shalt  }
0x4a: {  	_ =	shalt  }
0x4b: {  	_ =	shalt  }
0x4c: {  	_ =	shalt  }
0x4d: {  	_ =	shalt  }
0x4e: {  	_ =	shalt  }
0x4f: {  	_ =	shalt  }
0x50: {  	_ =	shalt  }
0x51: {  	_ =	shalt  }
0x52: {  	_ =	shalt  }
0x53: {  	_ =	shalt  }
0x54: {  	_ =	shalt  }
0x55: {  	_ =	shalt  }
0x56: {  	_ =	shalt  }
0x57: {  	_ =	shalt  }
0x58: {  	_ =	shalt  }
0x59: {  	_ =	shalt  }
0x5a: {  	_ =	shalt  }
0x5b: {  	_ =	shalt  }
0x5c: {  	_ =	shalt  }
0x5d: {  	_ =	shalt  }
0x5e: {  	_ =	shalt  }
0x5f: {  	_ =	shalt  }
0x60: {  	_ =	shalt  }
0x61: {  	_ =	shalt  }
0x62: {  	_ =	shalt  }
0x63: {  	_ =	shalt  }
0x64: {  	_ =	shalt  }
0x65: {  	_ =	shalt  }
0x66: {  	_ =	shalt  }
0x67: {  	_ =	shalt  }
0x68: {  	_ =	shalt  }
0x69: {  	_ =	shalt  }
0x6a: {  	_ =	shalt  }
0x6b: {  	_ =	shalt  }
0x6c: {  	_ =	shalt  }
0x6d: {  	_ =	shalt  }
0x6e: {  	_ =	shalt  }
0x6f: {  	_ =	shalt  }
0x70: {  	_ =	shalt  }
0x71: {  	_ =	shalt  }
0x72: {  	_ =	shalt  }
0x73: {  	_ =	shalt  }
0x74: {  	_ =	shalt  }
0x75: {  	_ =	shalt  }
0x76: {  	_ =	shalt  }
0x77: {  	_ =	shalt  }
0x78: {  	_ =	shalt  }
0x79: {  	_ =	shalt  }
0x7a: {  	_ =	shalt  }
0x7b: {  	_ =	shalt  }
0x7c: {  	_ =	shalt  }
0x7d: {  	_ =	shalt  }
0x7e: {  	_ =	shalt  }
0x7f: {  	_ =	shalt  }
0x80: {  	_ =	shalt  }
0x81: {  	_ =	shalt  }
0x82: {  	_ =	shalt  }
0x83: {  	_ =	shalt  }
0x84: {  	_ =	shalt  }
0x85: {  	_ =	shalt  }
0x86: {  	_ =	shalt  }
0x87: {  	_ =	shalt  }
.Lfunc_end0:
.L_simem_size_0:
called_computation_lowered:
.L_overlay_start_0:
0x88: {  	s2 =	sld [smem:$0x3FD9]  }
0x89: {  	s3 =	sld [smem:$0x3FFE];
	_ =	sdelay $0x1  }
0x8a: {  	s1 =	srdreg.scid  }
0x8b: {  	s0 =	sand.u32 $0x1, s1  }
0x8c: {  	s17 =	sshll.u32 s0, $0xA;
	s2 =	sadd.s32 s3, s2  }
0x8d: {  	s2 =	sadd.s32 s2, s17  }
0x8e: {  	[smem:$0x3FC6] =	sst s2  }
0x8f: {  	_ = 	snop  }
0x90: {  	s2 =	sld [smem:$0x3FC8];
	(tm) =	ssettm $0x1  }
0x91: {  	s18 =	sld [smem:$0x3FFB];
	_ =	sdelay $0x3  }
0x92: {  	_ =	strace s18  }
0x93: {  	s3 =	sld [smem:$0x3FFC];
	_ =	sdelay $0x3  }
0x94: {  	_ =	strace s3  }
0x95: {  	s3 =	sld [smem:$0x3FFD];
	_ =	sdelay $0x3  }
0x96: {  	_ =	strace s3  }
0x97: {  	_ =	strace $0x8FFFFFFF  }
0x98: {  	s19 =	sld [smem:$0x3FDB];
	_ =	sdelay $0x1  }
0x99: {  	s4 =	simm.s32 $_scs_section_size  }
0x9a: {  	s5 =	simm.s32 $_size__tile_overlayer_lowered;
	s6 =	simm.s32 $_tile_overlayer_lowered  }
0x9b: {  	s22 =	simm.s32 $0x1BFF;
	s21 =	sshll.u32 s6, $0x1;
	s3 =	sadd.s32 s4, s19  }
0x9c: {  	s7 =	simm.s32 $0x0;
	s20 =	sshll.u32 s5, $0x1;
	s5 =	sadd.s32 s21, s3  }
0x9d: {  	[timem:s7], [sflag:s22] =	dma.local [hbm:s5], s20  }
0x9e: {  	_ =	swait.ge [sflag:s22], s20  }
0x9f: {  	s4 =	ssub.s32 $0x0, s20;
	[sflag:s22] =	ssyncset.done $0x0  }
0xa0: {  	[sflag:s22] =	ssyncadd.s32 s4;
	_ =	sdelay $0x1  }
0xa1: {  	s23 =	simm.s32 $0x1B8B  }
0xa2: {  	_ =	swait.ge [sflag:s23], $0x1  }
0xa3: {  	[sflag:s23] =	ssyncset.done $0x0  }
0xa4: {  	s25 =	simm.s32 $0x1B8E;
	s24 =	sld [smem:$0x3FFE];
	[sflag:s23] =	ssyncadd.s32 $0xFFFFFFFF  }
0xa5: {  	s26 =	simm.s32 $execute0_lowered;
	[smem:$0x3FD2] =	sst s25  }
0xa6: {  	s5 =	sshll.u32 s26, $0x1;
	_ =	strace $0x80000046;
	[dreg:$0x1] =	wrdreg $0xFFFFFFFF  }
0xa7: {  	s28 =	simm.s32 $_size_execute0_lowered;
	s3 =	sadd.s32 s3, s5;
	[dreg:$0x0] =	wrdreg $0x0  }
0xa8: {  	s5 =	sshll.u32 s28, $0x1;
	[dreg:$0x2] =	wrdreg s3  }
0xa9: {  	[dreg:$0x3] =	wrdreg s5  }
0xaa: {  	[dreg:$0x4] =	wrdreg $0xC0  }
0xab: {  	_ =	task [dreg:s7], $0x5FFFF  }
0xac: {  	[dreg:$0x1] =	wrdreg $0xFFFFFFFF  }
0xad: {  	[dreg:$0x0] =	wrdreg $0x60  }
0xae: {  	[dreg:$0x2] =	wrdreg s24  }
0xaf: {  	[dreg:$0x3] =	wrdreg s2  }
0xb0: {  	[dreg:$0x4] =	wrdreg $0x9  }
0xb1: {  	_ =	task.clear_ibuf [dreg:s7], $0x5FFFF;
	_ =	strace $0x90000046  }
0xb2: {  	s29 =	simm.s32 $0x9;
	_ =	strace $0x80000048  }
0xb3: {  	_ =	swait.ge [sflag:s29], $0x1  }
0xb4: {  	[sflag:s29] =	ssyncadd.s32 $0xFFFFFFFF  }
0xb5: {  	_ =	strace $0x90000048  }
0xb6: {  	_ =	sfence  }
0xb7: {  	s30 =	sld [smem:$0x0];
	_ =	sdelay $0x2  }
0xb8: {  	s31 =	sshll.u32 s1, $0xD;
	s1 =	sshrl.u32 s1, $0x2  }
0xb9: {  	s3 =	sand.u32 $0x4000, s31;
	s1 =	sadd.s32 s1, s30  }
0xba: {  	s0 =	sor.u32 s3, s0;
	s1 =	sshll.u32 s1, $0x11  }
0xbb: {  	s0 =	sor.u32 s1, s0  }
0xbc: {  	s0 =	sadd.s32 $0x8F2B, s0  }
0xbd: {  	[sflag:s0] =	ssyncadd.remote.s32 $0x1  }
0xbe: {  	_ =	sfence.sel $0xFFFF  }
0xbf: {  	[dreg:$0x0] =	wrdreg $0xFFFFFFFF;
	(pc) =	sbr.abs _section_cstart, $3  }
0xc0: {  	[dreg:$0x1] =	wrdreg $0xFFFFFFFF  }
0xc1: {  	_ =	task.clear_ibuf [dreg:s7], $0x2FFFF;
	_ =	strace $0x9FFFFFFF  }
0xc2: {  	(tm) =	ssettm $0x7FFFFFFF  }
0xc3: {  	_ =	shalt  }
tec
execute0_lowered:
.L_overlay_start_1:
0x0: {  	(tag) =	ssettag $0x1  }
0x1: {  	s0 =	srdreg.scid;
	s1 =	stileid.u32  }
0x2: {  	s3 =	rddreg [dreg:$0x0];
	s0 =	sand.u32 $0x1, s0;
	s1 =	sshll.u32 s1, $0x1  }
0x3: {  	s5 =	rddreg [dreg:$0x1];
	s2 =	sor.u32 s0, s1  }
0x4: {  	s28 =	simm.s32 $0x4000;
	s29 =	simm.s32 $0x2000;
	s4 =	smul.u32 $0x180, s2  }
0x5: {  	s30 =	simm.s32 $0x6000;
	s31 =	simm.s32 $0x1;
	s2 =	smul.u32 $0x16000, s2  }
0x6: {  	s18 =	sadd.s32 $0x600, s3;
	s1 =	simm.s32 $0x0;
	s0 =	ssub.s32 $0x2, s0  }
0x7: {  	[smem:$0x7FF] =	sst s1;
	s17 =	sshrl.u32 s0, $0x1;
	s2 =	sshrl.u32 s2, $0x3  }
0x8: {  	s0 =	ssub.s32 s0, s17;
	s3 =	sadd.s32 s4, s3;
	s19 =	sadd.s32 $0xA8000, s2  }
0x9: {  	s6 =	sadd.s32 $0xA8400, s2;
	s22 =	sadd.s32 $0xA8800, s2;
	s9 =	sadd.s32 $0xA8C00, s2  }
0xa: {  	s24 =	sadd.s32 $0xA9000, s2;
	s13 =	sadd.s32 $0xA9400, s2;
	s25 =	sadd.s32 $0xA9800, s2  }
0xb: {  	s17 =	sadd.s32 $0xA9C00, s2;
	s26 =	sadd.s32 $0xAA000, s2;
	s7 =	sadd.s32 s18, s19  }
0xc: {  	s4 =	sadd.s32 s5, s19;
	s20 =	sadd.s32 s18, s6;
	s21 =	sadd.s32 s5, s6  }
0xd: {  	s23 =	sadd.s32 s18, s22;
	s8 =	sadd.s32 s18, s9;
	s9 =	sadd.s32 s5, s9  }
0xe: {  	s10 =	sadd.s32 s18, s24;
	s11 =	sadd.s32 s5, s24;
	s12 =	sadd.s32 s18, s13  }
0xf: {  	s13 =	sadd.s32 s5, s13;
	s14 =	sadd.s32 s18, s25;
	[dreg:$0x3] =	wrdreg s7  }
0x10: {  	s15 =	sadd.s32 s5, s25;
	s16 =	sadd.s32 s18, s17;
	[dreg:$0x4] =	wrdreg s4  }
0x11: {  	s17 =	sadd.s32 s5, s17;
	s19 =	sadd.s32 s18, s26;
	[dreg:$0x5] =	wrdreg s20  }
0x12: {  	s25 =	sadd.s32 $0x100600, s3;
	s3 =	simm.s32 $0x5;
	[dreg:$0x6] =	wrdreg s21  }
0x13: {  	[dreg:$0x7] =	wrdreg s23;
	s7 =	sadd.s32 s5, s22;
	s22 =	sadd.s32 $0xAA400, s2  }
0x14: {  	s20 =	sadd.s32 s5, s26;
	s2 =	sadd.s32 $0xAA800, s2;
	s26 =	smax.u32 s0, $0x1  }
0x15: {  	s0 =	simm.s32 $0x2;
	s4 =	simm.s32 $0x0;
	s21 =	sadd.s32 s18, s22  }
0x16: {  	s22 =	sadd.s32 s5, s22;
	s23 =	sadd.s32 s18, s2;
	s24 =	sadd.s32 s5, s2  }
0x17: {  	_ =	strace $0x80000047;
	s18 =	simm.s32 $0x3;
	s2 =	simm.s32 $0x4  }
.LBB2_1:
0x18: {  	s5 =	rddreg [dreg:$0x3]  }
0x19: {  	[tilespmem:s1], [sflag:$0x1] =	stream.linear.gather [hbm4b:s5+s1], $0x2000, $0x38;
	[tilespmem:$0x8C00] =	vst v63  }
0x1a: {  	s6 =	rddreg [dreg:$0x4]  }
0x1b: {  	[tilespmem:s28], [sflag:$0x3] =	stream.linear.gather [hbm4b:s6+s1], $0x2000, $0x38;
	[tilespmem:$0x8C00] =	vst v63  }
0x1c: {  	s6 =	rddreg [dreg:$0x5]  }
0x1d: {  	[tilespmem:s29], [sflag:$0x2] =	stream.linear.gather [hbm4b:s6+s1], $0x2000, $0x38;
	[tilespmem:$0x8C00] =	vst v63  }
0x1e: {  	s6 =	rddreg [dreg:$0x6]  }
0x1f: {  	[tilespmem:s30], [sflag:$0x4] =	stream.linear.gather [hbm4b:s6+s1], $0x2000, $0x38;
	[tilespmem:$0x8C00] =	vst v63  }
0x20: {  	_ =	swait.ge [sflag:s31], $0x2000  }
0x21: {  	[sflag:s31] =	ssyncset.done $0x0  }
0x22: {  	[sflag:s31] =	ssyncadd.s32 $0xFFFFE000  }
0x23: {  	_ =	swait.ge [sflag:s18], $0x2000  }
0x24: {  	[sflag:s18] =	ssyncset.done $0x0  }
0x25: {  	s5 =	simm.s32 $0x0;
	[sflag:s18] =	ssyncadd.s32 $0xFFFFE000  }
0x26: {  	v4 =	vld [tilespmem:s5+$0x0];
	_ =	sdelay $0x4  }
0x27: {  	v0 =	vand.u32 $0x7FFFFFFF, v4  }
0x28: {  	v0 =	vsub.f32 $0.0e+00, v0;
	_ =	sdelay $0x1  }
0x29: {  	v0 =	vmul.f32 $1.442695020e+00, v0;
	_ =	sdelay $0x1  }
0x2a: {  	(erf) = vpow2.f32 v0;
	_ =	sdelay $0x8  }
0x2b: {  	v0 =	vpop (erf)  }
0x2c: {  	v1 =	vmul.f32 $1.000928970e-02, v0  }
0x2d: {  	s6 =	simm.s32 $0x10  }
0x2e: {  	v2 =	vadd.f32 $-5.243753640e-02, v1;
	v1 =	vld [tilespmem:s6+$0x0];
	_ =	sdelay $0x1  }
0x2f: {  	v2 =	vmul.f32 v2, v0;
	_ =	sdelay $0x1  }
0x30: {  	v2 =	vadd.f32 $1.308334320e-01, v2  }
0x31: {  	v3 =	vand.u32 $0x7FFFFFFF, v1  }
0x32: {  	v2 =	vmul.f32 v2, v0;
	v3 =	vsub.f32 $0.0e+00, v3;
	_ =	sdelay $0x1  }
0x33: {  	v2 =	vadd.f32 $-2.231658700e-01, v2;
	v3 =	vmul.f32 $1.442695020e+00, v3;
	_ =	sdelay $0x1  }
0x34: {  	v2 =	vmul.f32 v2, v0;
	(erf) = vpow2.f32 v3  }
0x35: {  	v5 =	vld [tilespmem:s6+$0x4000]  }
0x36: {  	v3 =	vld [tilespmem:s5+$0x4000];
	v2 =	vadd.f32 $3.272257150e-01, v2;
	_ =	sdelay $0x1  }
0x37: {  	v2 =	vmul.f32 v2, v0;
	_ =	sdelay $0x1  }
0x38: {  	v7 =	vsub.f32 $0.0e+00, v4;
	v6 =	vadd.f32 $-4.992850420e-01, v2  }
0x39: {  	v16 =	vimm.f32 $0.0e+00;
	vm1 =	veq.s32 v5, $0x1;
	vm0 =	veq.s32 v3, $0x1  }
0x3a: {  	v3 =	vmul.f32 v6, v0;
	v6 =	vsel vm0, v4, v7;
	v7 =	vsub.f32 $0.0e+00, v1  }
0x3b: {  	vm3 =	vge.f32 v4, $-4.054650960e-01;
	vm2 =	vge.f32 v4, $8.472977870e-01;
	v5 =	vmax.f32 v6, $0.0e+00;
	v23 =	vpop (erf)  }
0x3c: {  	v3 =	vadd.f32 $9.999670980e-01, v3;
	v6 =	vsel vm1, v1, v7;
	v7 =	vmul.f32 $1.000928970e-02, v23  }
0x3d: {  	vm5 =	vge.f32 v4, $0.0e+00;
	vm4 =	vge.f32 v4, $4.054652150e-01;
	vm7 =	vge.f32 v4, $-2.197224620e+00  }
0x3e: {  	v0 =	vmul.f32 v3, v0;
	v3 =	vmax.f32 v6, $0.0e+00;
	v6 =	vadd.f32 $-5.243753640e-02, v7  }
0x3f: {  	vm8 =	vge.f32 v4, $-1.386294360e+00;
	vm9 =	vge.f32 v4, $-8.472977870e-01;
	s6 =	simm.s32 $0x20;
	vm0 =	vge.f32 v4, $2.197224380e+00  }
0x40: {  	vm0 =	vmmov vm0;
	v7 =	vadd.f32 $2.554673130e-07, v0;
	v0 =	vld [tilespmem:s6+$0x0];
	v6 =	vmul.f32 v6, v23  }
0x41: {  	v15 =	vmpcnt.ones.xlane vm9;
	vm1 =	vge.f32 v1, $2.197224380e+00;
	vm6 =	vmmov vm0  }
0x42: {  	vm0 =	vmmov vm1;
	vm1 =	vge.f32 v4, $1.386294480e+00;
	v4 =	vadd.f32 $1.308334320e-01, v6  }
0x43: {  	v21 =	vmpcnt.ones.xlane vm7;
	v22 =	vmpcnt.ones.xlane vm8;
	v7 =	vadd.f32 v7, v5  }
0x44: {  	v25 =	vmpcnt.ones.xlane vm2;
	v2 =	vimm.s32 $0x0;
	v4 =	vmul.f32 v4, v23  }
0x45: {  	v17 =	vmpcnt.ones.xlane vm6;
	v8 =	vnsel vm7, $0x0, v7;
	v11 =	vand.u32 $0x7FFFFFFF, v0  }
0x46: {  	v10 =	vnsel vm6, $0x0, v7;
	v11 =	vsub.f32 $0.0e+00, v11;
	v14 =	vadd.f32 $-2.231658700e-01, v4  }
0x47: {  	v5 =	vnsel vm9, $0x0, v7;
	v18 =	vnsel vm3, $0x0, v7;
	v13 =	vnsel vm4, $0x0, v7  }
0x48: {  	v4 =	vadd.f32 v13, v16;
	v13 =	vmul.f32 $1.442695020e+00, v11;
	v14 =	vmul.f32 v14, v23  }
0x49: {  	v20 =	vld [tilespmem:s6+$0x4000];
	v9 =	vnsel vm1, $0x0, v7;
	v12 =	vnsel vm5, $0x0, v7;
	v6 =	vadd.f32 v5, v16  }
0x4a: {  	v5 =	vnsel vm2, $0x0, v7;
	(erf) = vpow2.f32 v13;
	v13 =	vadd.f32 $3.272257150e-01, v14  }
0x4b: {  	v19 =	vnsel vm8, $0x0, v7;
	v10 =	vadd.f32 v10, v16;
	v5 =	vadd.f32 v5, v16  }
0x4c: {  	v11 =	vadd.f32 v7, v16;
	v7 =	vadd.f32 v8, v16;
	v24 =	vmul.f32 v13, v23  }
0x4d: {  	v17 =	vadd.s32 v2, v17;
	v8 =	vadd.f32 v12, v16;
	v12 =	vadd.f32 v9, v16  }
0x4e: {  	vm6 =	veq.s32 v20, $0x1;
	v9 =	vadd.f32 v19, v16;
	v20 =	vadd.f32 $-4.992850420e-01, v24  }
0x4f: {  	vm2 =	vge.f32 v0, $2.197224380e+00;
	v19 =	vsub.f32 $0.0e+00, v0;
	v16 =	vadd.f32 v18, v16  }
0x50: {  	v18 =	vmpcnt.ones.xlane vm3;
	vm3 =	vge.f32 v1, $-4.054650960e-01;
	v20 =	vmul.f32 v20, v23  }
0x51: {  	v14 =	vadd.s32 v2, v21;
	v19 =	vsel vm6, v0, v19;
	v21 =	vmpcnt.ones.xlane vm5  }
0x52: {  	v18 =	vadd.s32 v2, v18;
	v13 =	vadd.s32 v2, v15;
	v15 =	vadd.s32 v2, v22  }
0x53: {  	v22 =	vmpcnt.ones.xlane vm4;
	vm4 =	vmmov vm0;
	v26 =	vadd.f32 $9.999670980e-01, v20  }
0x54: {  	vm0 =	vmmov vm2;
	vm2 =	vge.f32 v1, $8.472977870e-01;
	v24 =	vmax.f32 v19, $0.0e+00;
	v20 =	vpop (erf)  }
0x55: {  	v19 =	vadd.s32 v2, v21;
	v26 =	vmul.f32 v26, v23;
	v27 =	vmul.f32 $1.000928970e-02, v20  }
0x56: {  	s5 =	simm.s32 $0xC0;
	v21 =	vadd.s32 v2, v22;
	v22 =	vadd.s32 v2, v25;
	v25 =	vmpcnt.ones.xlane vm1  }
0x57: {  	vm1 =	vge.f32 v1, $1.386294480e+00;
	v26 =	vadd.f32 $2.554673130e-07, v26;
	v23 =	vadd.f32 $-5.243753640e-02, v27  }
.LBB2_2:
0x58: {  	s6 =	sshra.s32 s5, $0x2;
	p0 =	sne.s32 s5, $0x7FC0;
	s5 =	sadd.s32 $0x40, s5;
	vm6 =	vge.f32 v1, $0.0e+00;
	vm5 =	vge.f32 v1, $4.054652150e-01;
	v2 =	vadd.s32 v2, v25  }
0x59: {  	v27 =	vmpcnt.ones.xlane vm4;
	v25 =	vld [tilespmem:s6+$0x0];
	v23 =	vmul.f32 v23, v20;
	v26 =	vadd.f32 v26, v3;
	v3 =	vmovc v24  }
0x5a: {  	vm8 =	vge.f32 v1, $-2.197224620e+00;
	vm7 =	vge.f32 v1, $-1.386294360e+00;
	vm9 =	vge.f32 v1, $-8.472977870e-01;
	v1 =	vmovc v0  }
0x5b: {  	v35 =	vadd.f32 $1.308334320e-01, v23;
	v23 =	vnsel vm8, $0x0, v26;
	v24 =	vnsel vm4, $0x0, v26  }
0x5c: {  	v28 =	vnsel vm9, $0x0, v26;
	v29 =	vnsel vm3, $0x0, v26;
	v30 =	vnsel vm1, $0x0, v26  }
0x5d: {  	v6 =	vadd.f32 v28, v6;
	v28 =	vnsel vm2, $0x0, v26;
	v31 =	vmul.f32 v35, v20  }
0x5e: {  	v33 =	vnsel vm6, $0x0, v26;
	v34 =	vnsel vm5, $0x0, v26;
	v32 =	vand.u32 $0x7FFFFFFF, v25;
	v0 =	vmovc v25  }
0x5f: {  	v25 =	vsub.f32 $0.0e+00, v32;
	v31 =	vadd.f32 $-2.231658700e-01, v31;
	v32 =	vmpcnt.ones.xlane vm9  }
0x60: {  	v4 =	vadd.f32 v34, v4;
	v35 =	vnsel vm7, $0x0, v26;
	v5 =	vadd.f32 v28, v5  }
0x61: {  	v11 =	vadd.f32 v26, v11;
	v28 =	vld [tilespmem:s6+$0x4000];
	v25 =	vmul.f32 $1.442695020e+00, v25;
	v31 =	vmul.f32 v31, v20  }
0x62: {  	v7 =	vadd.f32 v23, v7;
	v8 =	vadd.f32 v33, v8;
	v26 =	vmpcnt.ones.xlane vm8  }
0x63: {  	v12 =	vadd.f32 v30, v12;
	(erf) = vpow2.f32 v25;
	v23 =	vadd.f32 $3.272257150e-01, v31  }
0x64: {  	v10 =	vadd.f32 v24, v10;
	v9 =	vadd.f32 v35, v9;
	v25 =	vmpcnt.ones.xlane vm7  }
0x65: {  	v24 =	vsub.f32 $0.0e+00, v0;
	v13 =	vadd.s32 v13, v32;
	v23 =	vmul.f32 v23, v20  }
0x66: {  	v14 =	vadd.s32 v14, v26;
	v15 =	vadd.s32 v15, v25;
	vm4 =	veq.s32 v28, $0x1  }
0x67: {  	v16 =	vadd.f32 v29, v16;
	v24 =	vsel vm4, v0, v24;
	v23 =	vadd.f32 $-4.992850420e-01, v23  }
0x68: {  	v26 =	vmpcnt.ones.xlane vm6;
	v25 =	vmpcnt.ones.xlane vm3;
	v24 =	vmax.f32 v24, $0.0e+00  }
0x69: {  	v17 =	vadd.s32 v17, v27;
	v28 =	vmpcnt.ones.xlane vm5;
	v23 =	vmul.f32 v23, v20  }
0x6a: {  	v19 =	vadd.s32 v19, v26;
	v18 =	vadd.s32 v18, v25;
	v25 =	vmpcnt.ones.xlane vm2  }
.Ltmp0:
0x6b: {  	vm2 =	vge.f32 v0, $2.197224380e+00;
	v21 =	vadd.s32 v21, v28;
	v23 =	vadd.f32 $9.999670980e-01, v23;
	(pc) =	sbr.rel @p0 .LBB2_2-.Ltmp0, $4  }
0x6c: {  	vm4 =	vmmov vm0;
	vm0 =	vmmov vm2;
	v22 =	vadd.s32 v22, v25;
	v26 =	vpop (erf)  }
0x6d: {  	v27 =	vmul.f32 $1.000928970e-02, v26;
	v28 =	vmul.f32 v23, v20;
	v20 =	vmov v26  }
0x6e: {  	vm3 =	vge.f32 v1, $-4.054650960e-01;
	vm2 =	vge.f32 v1, $8.472977870e-01;
	v25 =	vmpcnt.ones.xlane vm1  }
0x6f: {  	vm1 =	vge.f32 v1, $1.386294480e+00;
	v23 =	vadd.f32 $-5.243753640e-02, v27;
	v26 =	vadd.f32 $2.554673130e-07, v28  }
0x70: {  	s5 =	simm.s32 $0x0;
	s6 =	rddreg [dreg:$0x7]  }
0x71: {  	[tilespmem:s5], [sflag:$0x1] =	stream.linear.gather [hbm4b:s6+s5], $0x2000, $0x38;
	[tilespmem:$0x8C00] =	vst v63  }
0x72: {  	_ = 	snop  }
0x73: {  	[tilespmem:s28], [sflag:$0x3] =	stream.linear.gather [hbm4b:s7+s5], $0x2000, $0x38;
	[tilespmem:$0x8C00] =	vst v63  }
0x74: {  	_ =	swait.ge [sflag:s0], $0x2000  }
0x75: {  	[sflag:s0] =	ssyncset.done $0x0  }
0x76: {  	[sflag:s0] =	ssyncadd.s32 $0xFFFFE000  }
0x77: {  	_ =	swait.ge [sflag:s2], $0x2000  }
0x78: {  	v23 =	vmul.f32 v23, v20;
	[sflag:s2] =	ssyncset.done $0x0  }
0x79: {  	vm5 =	vge.f32 v1, $0.0e+00;
	vm6 =	vge.f32 v1, $4.054652150e-01;
	s5 =	simm.s32 $0x0;
	[sflag:s2] =	ssyncadd.s32 $0xFFFFE000  }
0x7a: {  	v2 =	vadd.s32 v2, v25;
	v25 =	vmpcnt.ones.xlane vm4;
	v27 =	vadd.f32 $1.308334320e-01, v23;
	v23 =	vld [tilespmem:s5+$0x2000]  }
0x7b: {  	vm7 =	vge.f32 v1, $-2.197224620e+00;
	vm9 =	vge.f32 v1, $-8.472977870e-01;
	v51 =	vmpcnt.ones.xlane vm2  }
0x7c: {  	vm13 =	vge.f32 v0, $-8.472977870e-01;
	v3 =	vadd.f32 v26, v3;
	v34 =	vmpcnt.ones.xlane vm9  }
0x7d: {  	vm8 =	vge.f32 v1, $-1.386294360e+00;
	v56 =	vmpcnt.ones.xlane vm13;
	v26 =	vmul.f32 v27, v20  }
0x7e: {  	v17 =	vadd.s32 v17, v25;
	v1 =	vnsel vm7, $0x0, v3;
	v28 =	vnsel vm9, $0x0, v3  }
0x7f: {  	v29 =	vnsel vm3, $0x0, v3;
	v26 =	vadd.f32 $-2.231658700e-01, v26;
	v31 =	vand.u32 $0x7FFFFFFF, v23  }
0x80: {  	v30 =	vnsel vm1, $0x0, v3;
	v50 =	vnsel vm2, $0x0, v3;
	v49 =	vsub.f32 $0.0e+00, v31  }
0x81: {  	v32 =	vnsel vm5, $0x0, v3;
	v33 =	vnsel vm6, $0x0, v3;
	v26 =	vmul.f32 v26, v20  }
0x82: {  	v35 =	vnsel vm8, $0x0, v3;
	v6 =	vadd.f32 v28, v6;
	v28 =	vmul.f32 $1.442695020e+00, v49  }
0x83: {  	v13 =	vadd.s32 v13, v34;
	v4 =	vadd.f32 v33, v4;
	v26 =	vadd.f32 $3.272257150e-01, v26  }
0x84: {  	v5 =	vadd.f32 v50, v5;
	v1 =	vadd.f32 v1, v7;
	(erf) = vpow2.f32 v28  }
0x85: {  	v27 =	vnsel vm4, $0x0, v3;
	v3 =	vadd.f32 v3, v11;
	v11 =	vmul.f32 v26, v20  }
0x86: {  	v7 =	vadd.f32 v32, v8;
	v8 =	vadd.f32 v30, v12;
	v12 =	vmpcnt.ones.xlane vm8  }
0x87: {  	vm2 =	vge.f32 v0, $-4.054650960e-01;
	v9 =	vadd.f32 v35, v9;
	v11 =	vadd.f32 $-4.992850420e-01, v11  }
0x88: {  	vm4 =	vge.f32 v0, $0.0e+00;
	v10 =	vadd.f32 v27, v10;
	v12 =	vadd.s32 v15, v12  }
0x89: {  	v15 =	vadd.f32 v29, v16;
	v26 =	vmpcnt.ones.xlane vm7;
	v11 =	vmul.f32 v11, v20  }
0x8a: {  	v16 =	vmpcnt.ones.xlane vm3;
	v27 =	vmpcnt.ones.xlane vm6;
	vm3 =	vge.f32 v0, $4.054652150e-01  }
0x8b: {  	v14 =	vadd.s32 v14, v26;
	v26 =	vmpcnt.ones.xlane vm5;
	v11 =	vadd.f32 $9.999670980e-01, v11  }
0x8c: {  	vm6 =	vge.f32 v0, $-2.197224620e+00;
	v16 =	vadd.s32 v18, v16;
	vm7 =	vge.f32 v0, $-1.386294360e+00  }
0x8d: {  	v18 =	vadd.s32 v19, v26;
	v19 =	vadd.s32 v21, v27;
	v11 =	vmul.f32 v11, v20;
	v20 =	vpop (erf)  }
0x8e: {  	v21 =	vadd.s32 v22, v51;
	v22 =	vmpcnt.ones.xlane vm1;
	v25 =	vmul.f32 $1.000928970e-02, v20  }
0x8f: {  	s6 =	simm.s32 $0x10;
	vm5 =	vmmov vm0;
	vm0 =	vge.f32 v0, $8.472977870e-01;
	v11 =	vadd.f32 $2.554673130e-07, v11  }
0x90: {  	vm1 =	vge.f32 v0, $1.386294480e+00;
	v0 =	vld [tilespmem:s6+$0x2000];
	v2 =	vadd.s32 v2, v22;
	v22 =	vadd.f32 $-5.243753640e-02, v25  }
0x91: {  	v13 =	vadd.s32 v13, v56;
	v57 =	vmpcnt.ones.xlane vm6;
	v11 =	vadd.f32 v11, v24  }
0x92: {  	vm14 =	vge.f32 v23, $-1.386294360e+00;
	vm15 =	vge.f32 v23, $-8.472977870e-01;
	v22 =	vmul.f32 v22, v20  }
0x93: {  	v14 =	vadd.s32 v14, v57;
	v24 =	vmpcnt.ones.xlane vm5;
	v27 =	vnsel vm13, $0x0, v11  }
0x94: {  	v6 =	vadd.f32 v27, v6;
	v27 =	vnsel vm0, $0x0, v11;
	v22 =	vadd.f32 $1.308334320e-01, v22  }
0x95: {  	v5 =	vadd.f32 v27, v5;
	v27 =	vadd.f32 v11, v3;
	v3 =	vand.u32 $0x7FFFFFFF, v0  }
0x96: {  	v26 =	vnsel vm5, $0x0, v11;
	v3 =	vsub.f32 $0.0e+00, v3;
	v22 =	vmul.f32 v22, v20  }
0x97: {  	v52 =	vnsel vm2, $0x0, v11;
	v53 =	vnsel vm1, $0x0, v11;
	v25 =	vnsel vm6, $0x0, v11  }
0x98: {  	v25 =	vadd.f32 v25, v1;
	v1 =	vmul.f32 $1.442695020e+00, v3;
	v22 =	vadd.f32 $-2.231658700e-01, v22  }
0x99: {  	v54 =	vnsel vm4, $0x0, v11;
	v55 =	vnsel vm3, $0x0, v11;
	v17 =	vadd.s32 v17, v24  }
0x9a: {  	vm5 =	vge.f32 v23, $0.0e+00;
	(erf) = vpow2.f32 v1;
	v3 =	vmul.f32 v22, v20  }
0x9b: {  	v24 =	vmpcnt.ones.xlane vm15;
	v4 =	vadd.f32 v55, v4;
	v30 =	vadd.f32 v54, v7  }
0x9c: {  	v29 =	vadd.f32 v53, v8;
	v1 =	vadd.f32 $3.272257150e-01, v3;
	v3 =	vmpcnt.ones.xlane vm2  }
0x9d: {  	v7 =	vmpcnt.ones.xlane vm7;
	v10 =	vadd.f32 v26, v10;
	v8 =	vmpcnt.ones.xlane vm4  }
0x9e: {  	v26 =	vadd.f32 v52, v15;
	v1 =	vmul.f32 v1, v20;
	v58 =	vadd.s32 v16, v3;
	v3 =	vld [tilespmem:s6+$0x6000]  }
0x9f: {  	vm4 =	vge.f32 v23, $4.054652150e-01;
	v13 =	vadd.s32 v13, v24;
	v59 =	vadd.s32 v18, v8  }
0xa0: {  	v8 =	vmpcnt.ones.xlane vm0;
	v11 =	vnsel vm7, $0x0, v11;
	v1 =	vadd.f32 $-4.992850420e-01, v1  }
0xa1: {  	v9 =	vadd.f32 v11, v9;
	v11 =	vmpcnt.ones.xlane vm3;
	v22 =	vadd.s32 v12, v7;
	v7 =	vld [tilespmem:s5+$0x6000]  }
0xa2: {  	v61 =	vadd.s32 v21, v8;
	v8 =	vsub.f32 $0.0e+00, v0;
	v1 =	vmul.f32 v1, v20  }
0xa3: {  	v60 =	vadd.s32 v19, v11;
	v11 =	vmpcnt.ones.xlane vm1;
	v62 =	vpop (erf);
	vm1 =	veq.s32 v3, $0x1  }
0xa4: {  	v1 =	vadd.f32 $9.999670980e-01, v1;
	v3 =	vsel vm1, v0, v8;
	v8 =	vmul.f32 $1.000928970e-02, v62  }
0xa5: {  	vm7 =	vge.f32 v23, $-2.197224620e+00;
	vm3 =	vge.f32 v23, $-4.054650960e-01;
	v12 =	vsub.f32 $0.0e+00, v23  }
0xa6: {  	vm0 =	veq.s32 v7, $0x1;
	v1 =	vmul.f32 v1, v20;
	v8 =	vadd.f32 $-5.243753640e-02, v8  }
0xa7: {  	v2 =	vadd.s32 v2, v11;
	s6 =	simm.s32 $0x20;
	v7 =	vsel vm0, v23, v12;
	vm0 =	vge.f32 v23, $2.197224380e+00  }
0xa8: {  	vm0 =	vmmov vm0;
	v11 =	vadd.f32 $2.554673130e-07, v1;
	v1 =	vld [tilespmem:s6+$0x2000];
	v8 =	vmul.f32 v8, v62  }
0xa9: {  	vm2 =	vge.f32 v23, $8.472977870e-01;
	v7 =	vmax.f32 v7, $0.0e+00;
	vm6 =	vmmov vm0  }
0xaa: {  	v18 =	vmpcnt.ones.xlane vm6;
	vm1 =	vge.f32 v0, $2.197224380e+00;
	v8 =	vadd.f32 $1.308334320e-01, v8  }
0xab: {  	v3 =	vmax.f32 v3, $0.0e+00;
	vm0 =	vmmov vm1;
	v7 =	vadd.f32 v11, v7  }
0xac: {  	vm1 =	vge.f32 v23, $1.386294480e+00;
	v17 =	vadd.s32 v17, v18;
	v8 =	vmul.f32 v8, v62  }
0xad: {  	v12 =	vnsel vm7, $0x0, v7;
	v15 =	vnsel vm6, $0x0, v7;
	v20 =	vand.u32 $0x7FFFFFFF, v1  }
0xae: {  	v11 =	vnsel vm15, $0x0, v7;
	v20 =	vsub.f32 $0.0e+00, v20;
	v8 =	vadd.f32 $-2.231658700e-01, v8  }
0xaf: {  	v16 =	vnsel vm3, $0x0, v7;
	v19 =	vnsel vm1, $0x0, v7;
	v21 =	vnsel vm5, $0x0, v7  }
0xb0: {  	v23 =	vnsel vm4, $0x0, v7;
	v20 =	vmul.f32 $1.442695020e+00, v20;
	v36 =	vmul.f32 v8, v62  }
0xb1: {  	v63 =	vnsel vm14, $0x0, v7;
	v6 =	vadd.f32 v11, v6;
	v4 =	vadd.f32 v23, v4  }
0xb2: {  	v9 =	vadd.f32 v63, v9;
	(erf) = vpow2.f32 v20;
	v20 =	vadd.f32 $3.272257150e-01, v36  }
0xb3: {  	v11 =	vnsel vm2, $0x0, v7;
	v10 =	vadd.f32 v15, v10;
	v16 =	vadd.f32 v16, v26  }
0xb4: {  	v23 =	vld [tilespmem:s6+$0x6000];
	v5 =	vadd.f32 v11, v5;
	v11 =	vadd.f32 v7, v27;
	v20 =	vmul.f32 v20, v62  }
0xb5: {  	v27 =	vmpcnt.ones.xlane vm7;
	v7 =	vadd.f32 v12, v25;
	v12 =	vadd.f32 v19, v29  }
0xb6: {  	v19 =	vmpcnt.ones.xlane vm14;
	v25 =	vmpcnt.ones.xlane vm2;
	v20 =	vadd.f32 $-4.992850420e-01, v20  }
0xb7: {  	vm2 =	vge.f32 v1, $2.197224380e+00;
	v8 =	vadd.f32 v21, v30;
	v21 =	vsub.f32 $0.0e+00, v1  }
0xb8: {  	v14 =	vadd.s32 v14, v27;
	v15 =	vadd.s32 v22, v19;
	v20 =	vmul.f32 v20, v62  }
0xb9: {  	v22 =	vmpcnt.ones.xlane vm5;
	vm6 =	veq.s32 v23, $0x1;
	v23 =	vmpcnt.ones.xlane vm4  }
0xba: {  	vm4 =	vmmov vm0;
	v19 =	vsel vm6, v1, v21;
	v21 =	vmpcnt.ones.xlane vm3  }
0xbb: {  	vm0 =	vmmov vm2;
	vm2 =	vge.f32 v0, $8.472977870e-01;
	v26 =	vadd.f32 $9.999670980e-01, v20  }
0xbc: {  	vm3 =	vge.f32 v0, $-4.054650960e-01;
	v24 =	vmax.f32 v19, $0.0e+00;
	v18 =	vadd.s32 v58, v21;
	v20 =	vpop (erf)  }
0xbd: {  	v21 =	vadd.s32 v60, v23;
	v26 =	vmul.f32 v26, v62;
	v23 =	vmul.f32 $1.000928970e-02, v20  }
0xbe: {  	s5 =	simm.s32 $0xC0;
	v19 =	vadd.s32 v59, v22;
	v22 =	vadd.s32 v61, v25;
	v25 =	vmpcnt.ones.xlane vm1  }
0xbf: {  	vm1 =	vge.f32 v0, $1.386294480e+00;
	v26 =	vadd.f32 $2.554673130e-07, v26;
	v23 =	vadd.f32 $-5.243753640e-02, v23  }
.LBB2_4:
0xc0: {  	s6 =	sshra.s32 s5, $0x2;
	p0 =	sne.s32 s5, $0x7FC0;
	s5 =	sadd.s32 $0x40, s5;
	vm6 =	vge.f32 v0, $0.0e+00;
	vm5 =	vge.f32 v0, $4.054652150e-01;
	v2 =	vadd.s32 v2, v25  }
0xc1: {  	v27 =	vmpcnt.ones.xlane vm4;
	v25 =	vld [tilespmem:s6+$0x2000];
	v23 =	vmul.f32 v23, v20;
	v26 =	vadd.f32 v26, v3;
	v3 =	vmovc v24  }
0xc2: {  	vm8 =	vge.f32 v0, $-2.197224620e+00;
	vm7 =	vge.f32 v0, $-1.386294360e+00;
	vm9 =	vge.f32 v0, $-8.472977870e-01;
	v0 =	vmovc v1  }
0xc3: {  	v35 =	vadd.f32 $1.308334320e-01, v23;
	v23 =	vnsel vm8, $0x0, v26;
	v24 =	vnsel vm4, $0x0, v26  }
0xc4: {  	v28 =	vnsel vm9, $0x0, v26;
	v29 =	vnsel vm3, $0x0, v26;
	v30 =	vnsel vm1, $0x0, v26  }
0xc5: {  	v6 =	vadd.f32 v28, v6;
	v28 =	vnsel vm2, $0x0, v26;
	v31 =	vmul.f32 v35, v20  }
0xc6: {  	v33 =	vnsel vm6, $0x0, v26;
	v34 =	vnsel vm5, $0x0, v26;
	v32 =	vand.u32 $0x7FFFFFFF, v25;
	v1 =	vmovc v25  }
0xc7: {  	v25 =	vsub.f32 $0.0e+00, v32;
	v31 =	vadd.f32 $-2.231658700e-01, v31;
	v32 =	vmpcnt.ones.xlane vm9  }
0xc8: {  	v4 =	vadd.f32 v34, v4;
	v35 =	vnsel vm7, $0x0, v26;
	v5 =	vadd.f32 v28, v5  }
0xc9: {  	v11 =	vadd.f32 v26, v11;
	v28 =	vld [tilespmem:s6+$0x6000];
	v25 =	vmul.f32 $1.442695020e+00, v25;
	v31 =	vmul.f32 v31, v20  }
0xca: {  	v7 =	vadd.f32 v23, v7;
	v8 =	vadd.f32 v33, v8;
	v26 =	vmpcnt.ones.xlane vm8  }
0xcb: {  	v12 =	vadd.f32 v30, v12;
	(erf) = vpow2.f32 v25;
	v23 =	vadd.f32 $3.272257150e-01, v31  }
0xcc: {  	v10 =	vadd.f32 v24, v10;
	v9 =	vadd.f32 v35, v9;
	v25 =	vmpcnt.ones.xlane vm7  }
0xcd: {  	v24 =	vsub.f32 $0.0e+00, v1;
	v13 =	vadd.s32 v13, v32;
	v23 =	vmul.f32 v23, v20  }
0xce: {  	v14 =	vadd.s32 v14, v26;
	v15 =	vadd.s32 v15, v25;
	vm4 =	veq.s32 v28, $0x1  }
0xcf: {  	v16 =	vadd.f32 v29, v16;
	v24 =	vsel vm4, v1, v24;
	v23 =	vadd.f32 $-4.992850420e-01, v23  }
0xd0: {  	v26 =	vmpcnt.ones.xlane vm6;
	v25 =	vmpcnt.ones.xlane vm3;
	v24 =	vmax.f32 v24, $0.0e+00  }
0xd1: {  	v17 =	vadd.s32 v17, v27;
	v28 =	vmpcnt.ones.xlane vm5;
	v23 =	vmul.f32 v23, v20  }
0xd2: {  	v19 =	vadd.s32 v19, v26;
	v18 =	vadd.s32 v18, v25;
	v25 =	vmpcnt.ones.xlane vm2  }
.Ltmp1:
0xd3: {  	vm2 =	vge.f32 v1, $2.197224380e+00;
	v21 =	vadd.s32 v21, v28;
	v23 =	vadd.f32 $9.999670980e-01, v23;
	(pc) =	sbr.rel @p0 .LBB2_4-.Ltmp1, $4  }
0xd4: {  	vm4 =	vmmov vm0;
	vm0 =	vmmov vm2;
	v22 =	vadd.s32 v22, v25;
	v26 =	vpop (erf)  }
0xd5: {  	v27 =	vmul.f32 $1.000928970e-02, v26;
	v28 =	vmul.f32 v23, v20;
	v20 =	vmov v26  }
0xd6: {  	vm3 =	vge.f32 v0, $-4.054650960e-01;
	vm2 =	vge.f32 v0, $8.472977870e-01;
	v25 =	vmpcnt.ones.xlane vm1  }
0xd7: {  	vm1 =	vge.f32 v0, $1.386294480e+00;
	v23 =	vadd.f32 $-5.243753640e-02, v27;
	v26 =	vadd.f32 $2.554673130e-07, v28  }
0xd8: {  	s5 =	simm.s32 $0x0  }
0xd9: {  	[tilespmem:s29], [sflag:$0x2] =	stream.linear.gather [hbm4b:s8+s5], $0x2000, $0x38;
	[tilespmem:$0x8C00] =	vst v63  }
0xda: {  	_ = 	snop  }
0xdb: {  	[tilespmem:s30], [sflag:$0x4] =	stream.linear.gather [hbm4b:s9+s5], $0x2000, $0x38;
	[tilespmem:$0x8C00] =	vst v63  }
0xdc: {  	_ =	swait.ge [sflag:s31], $0x2000  }
0xdd: {  	[sflag:s31] =	ssyncset.done $0x0  }
0xde: {  	[sflag:s31] =	ssyncadd.s32 $0xFFFFE000  }
0xdf: {  	_ =	swait.ge [sflag:s18], $0x2000  }
0xe0: {  	v23 =	vmul.f32 v23, v20;
	[sflag:s18] =	ssyncset.done $0x0  }
0xe1: {  	vm5 =	vge.f32 v0, $0.0e+00;
	vm6 =	vge.f32 v0, $4.054652150e-01;
	s5 =	simm.s32 $0x0;
	[sflag:s18] =	ssyncadd.s32 $0xFFFFE000  }
0xe2: {  	v2 =	vadd.s32 v2, v25;
	v25 =	vmpcnt.ones.xlane vm4;
	v27 =	vadd.f32 $1.308334320e-01, v23;
	v23 =	vld [tilespmem:s5+$0x0]  }
0xe3: {  	vm7 =	vge.f32 v0, $-2.197224620e+00;
	vm9 =	vge.f32 v0, $-8.472977870e-01;
	v49 =	vmpcnt.ones.xlane vm2  }
0xe4: {  	vm13 =	vge.f32 v1, $-8.472977870e-01;
	v3 =	vadd.f32 v26, v3;
	v26 =	vmul.f32 v27, v20  }
0xe5: {  	vm8 =	vge.f32 v0, $-1.386294360e+00;
	v34 =	vmpcnt.ones.xlane vm9;
	v54 =	vmpcnt.ones.xlane vm13  }
0xe6: {  	v17 =	vadd.s32 v17, v25;
	v0 =	vnsel vm7, $0x0, v3;
	v26 =	vadd.f32 $-2.231658700e-01, v26  }
0xe7: {  	v28 =	vnsel vm9, $0x0, v3;
	v29 =	vnsel vm3, $0x0, v3;
	v31 =	vand.u32 $0x7FFFFFFF, v23  }
0xe8: {  	v30 =	vnsel vm1, $0x0, v3;
	v26 =	vmul.f32 v26, v20;
	v47 =	vsub.f32 $0.0e+00, v31  }
0xe9: {  	v48 =	vnsel vm2, $0x0, v3;
	v32 =	vnsel vm5, $0x0, v3;
	v33 =	vnsel vm6, $0x0, v3  }
0xea: {  	v6 =	vadd.f32 v28, v6;
	v26 =	vadd.f32 $3.272257150e-01, v26;
	v28 =	vmul.f32 $1.442695020e+00, v47  }
0xeb: {  	v35 =	vnsel vm8, $0x0, v3;
	v4 =	vadd.f32 v33, v4;
	v27 =	vnsel vm4, $0x0, v3  }
0xec: {  	v3 =	vadd.f32 v3, v11;
	v11 =	vmul.f32 v26, v20;
	(erf) = vpow2.f32 v28  }
0xed: {  	v13 =	vadd.s32 v13, v34;
	v5 =	vadd.f32 v48, v5;
	v7 =	vadd.f32 v0, v7  }
0xee: {  	v8 =	vadd.f32 v32, v8;
	v0 =	vmpcnt.ones.xlane vm8;
	v11 =	vadd.f32 $-4.992850420e-01, v11  }
0xef: {  	vm2 =	vge.f32 v1, $-4.054650960e-01;
	v12 =	vadd.f32 v30, v12;
	v9 =	vadd.f32 v35, v9  }
0xf0: {  	v13 =	vadd.s32 v13, v54;
	v15 =	vadd.s32 v15, v0;
	v0 =	vmul.f32 v11, v20  }
0xf1: {  	vm4 =	vge.f32 v1, $0.0e+00;
	v10 =	vadd.f32 v27, v10;
	v26 =	vmpcnt.ones.xlane vm7  }
0xf2: {  	v11 =	vadd.f32 v29, v16;
	v16 =	vmpcnt.ones.xlane vm3;
	v0 =	vadd.f32 $9.999670980e-01, v0  }
0xf3: {  	v27 =	vmpcnt.ones.xlane vm6;
	v14 =	vadd.s32 v14, v26;
	v26 =	vmpcnt.ones.xlane vm5  }
0xf4: {  	vm6 =	vge.f32 v1, $-2.197224620e+00;
	v16 =	vadd.s32 v18, v16;
	v0 =	vmul.f32 v0, v20  }
0xf5: {  	v18 =	vadd.s32 v19, v26;
	v19 =	vadd.s32 v21, v27;
	v21 =	vadd.s32 v22, v49;
	v20 =	vpop (erf)  }
0xf6: {  	v22 =	vmpcnt.ones.xlane vm1;
	v0 =	vadd.f32 $2.554673130e-07, v0;
	v25 =	vmul.f32 $1.000928970e-02, v20  }
0xf7: {  	s6 =	simm.s32 $0x10;
	v55 =	vmpcnt.ones.xlane vm6;
	vm7 =	vge.f32 v1, $-1.386294360e+00;
	vm15 =	vge.f32 v23, $-8.472977870e-01  }
0xf8: {  	v2 =	vadd.s32 v2, v22;
	v22 =	vadd.f32 v0, v24;
	v0 =	vld [tilespmem:s6+$0x0];
	v24 =	vadd.f32 $-5.243753640e-02, v25  }
0xf9: {  	vm5 =	vmmov vm0;
	vm0 =	vge.f32 v1, $8.472977870e-01;
	v62 =	vmpcnt.ones.xlane vm15  }
0xfa: {  	vm14 =	vge.f32 v23, $-1.386294360e+00;
	v14 =	vadd.s32 v14, v55;
	v24 =	vmul.f32 v24, v20  }
0xfb: {  	vm3 =	vge.f32 v1, $4.054652150e-01;
	v13 =	vadd.s32 v13, v62;
	v27 =	vnsel vm13, $0x0, v22  }
0xfc: {  	v6 =	vadd.f32 v27, v6;
	v27 =	vnsel vm0, $0x0, v22;
	v24 =	vadd.f32 $1.308334320e-01, v24  }
0xfd: {  	v5 =	vadd.f32 v27, v5;
	v27 =	vadd.f32 v22, v3;
	v3 =	vand.u32 $0x7FFFFFFF, v0  }
0xfe: {  	vm1 =	vge.f32 v1, $1.386294480e+00;
	v3 =	vsub.f32 $0.0e+00, v3;
	v24 =	vmul.f32 v24, v20  }
0xff: {  	v1 =	vnsel vm6, $0x0, v22;
	v26 =	vnsel vm5, $0x0, v22;
	v53 =	vnsel vm3, $0x0, v22  }
0x100: {  	v7 =	vadd.f32 v1, v7;
	v1 =	vmul.f32 $1.442695020e+00, v3;
	v24 =	vadd.f32 $-2.231658700e-01, v24  }
0x101: {  	v51 =	vnsel vm1, $0x0, v22;
	v52 =	vnsel vm4, $0x0, v22;
	v4 =	vadd.f32 v53, v4  }
0x102: {  	v8 =	vadd.f32 v52, v8;
	(erf) = vpow2.f32 v1;
	v3 =	vmul.f32 v24, v20  }
0x103: {  	v50 =	vnsel vm2, $0x0, v22;
	v12 =	vadd.f32 v51, v12;
	v10 =	vadd.f32 v26, v10  }
0x104: {  	v25 =	vmpcnt.ones.xlane vm5;
	v1 =	vadd.f32 $3.272257150e-01, v3;
	v3 =	vmpcnt.ones.xlane vm2  }
0x105: {  	v26 =	vmpcnt.ones.xlane vm3;
	vm3 =	vge.f32 v23, $-4.054650960e-01;
	v22 =	vnsel vm7, $0x0, v22  }
0x106: {  	v17 =	vadd.s32 v17, v25;
	v1 =	vmul.f32 v1, v20;
	v25 =	vadd.s32 v16, v3;
	v3 =	vld [tilespmem:s6+$0x4000]  }
0x107: {  	v9 =	vadd.f32 v22, v9;
	v26 =	vadd.s32 v19, v26;
	v24 =	vmpcnt.ones.xlane vm7  }
0x108: {  	vm5 =	vge.f32 v23, $0.0e+00;
	v16 =	vmpcnt.ones.xlane vm1;
	v1 =	vadd.f32 $-4.992850420e-01, v1  }
0x109: {  	v22 =	vld [tilespmem:s5+$0x4000];
	vm7 =	vge.f32 v23, $-2.197224620e+00;
	v15 =	vadd.s32 v15, v24;
	v24 =	vadd.f32 v50, v11  }
0x10a: {  	v2 =	vadd.s32 v2, v16;
	v16 =	vsub.f32 $0.0e+00, v0;
	v1 =	vmul.f32 v1, v20  }
0x10b: {  	v11 =	vmpcnt.ones.xlane vm4;
	v58 =	vpop (erf);
	vm2 =	vge.f32 v23, $8.472977870e-01;
	vm1 =	veq.s32 v3, $0x1  }
0x10c: {  	v1 =	vadd.f32 $9.999670980e-01, v1;
	v3 =	vsel vm1, v0, v16;
	v16 =	vmul.f32 $1.000928970e-02, v58  }
0x10d: {  	v56 =	vadd.s32 v18, v11;
	v11 =	vmpcnt.ones.xlane vm0;
	v18 =	vsub.f32 $0.0e+00, v23  }
0x10e: {  	vm0 =	veq.s32 v22, $0x1;
	v1 =	vmul.f32 v1, v20;
	v16 =	vadd.f32 $-5.243753640e-02, v16  }
0x10f: {  	v57 =	vadd.s32 v21, v11;
	v11 =	vsel vm0, v23, v18;
	vm0 =	vge.f32 v23, $2.197224380e+00  }
0x110: {  	s6 =	simm.s32 $0x20;
	vm0 =	vmmov vm0;
	v18 =	vadd.f32 $2.554673130e-07, v1;
	v16 =	vmul.f32 v16, v58  }
0x111: {  	vm4 =	vge.f32 v23, $4.054652150e-01;
	v11 =	vmax.f32 v11, $0.0e+00;
	vm6 =	vmmov vm0;
	v1 =	vld [tilespmem:s6+$0x0]  }
0x112: {  	vm1 =	vge.f32 v0, $2.197224380e+00;
	v11 =	vadd.f32 v18, v11;
	v16 =	vadd.f32 $1.308334320e-01, v16  }
0x113: {  	v3 =	vmax.f32 v3, $0.0e+00;
	vm0 =	vmmov vm1;
	vm1 =	vge.f32 v23, $1.386294480e+00  }
0x114: {  	v18 =	vmpcnt.ones.xlane vm6;
	v19 =	vnsel vm7, $0x0, v11;
	v16 =	vmul.f32 v16, v58  }
0x115: {  	v20 =	vnsel vm6, $0x0, v11;
	v21 =	vnsel vm15, $0x0, v11;
	v22 =	vnsel vm3, $0x0, v11  }
0x116: {  	v23 =	vnsel vm1, $0x0, v11;
	v59 =	vand.u32 $0x7FFFFFFF, v1;
	v16 =	vadd.f32 $-2.231658700e-01, v16  }
0x117: {  	v6 =	vadd.f32 v21, v6;
	v21 =	vnsel vm2, $0x0, v11;
	v31 =	vsub.f32 $0.0e+00, v59  }
0x118: {  	v60 =	vnsel vm5, $0x0, v11;
	v5 =	vadd.f32 v21, v5;
	v21 =	vld [tilespmem:s6+$0x4000];
	v16 =	vmul.f32 v16, v58  }
0x119: {  	v61 =	vnsel vm4, $0x0, v11;
	v63 =	vnsel vm14, $0x0, v11;
	v31 =	vmul.f32 $1.442695020e+00, v31  }
0x11a: {  	v17 =	vadd.s32 v17, v18;
	v4 =	vadd.f32 v61, v4;
	v16 =	vadd.f32 $3.272257150e-01, v16  }
0x11b: {  	v7 =	vadd.f32 v19, v7;
	v19 =	vmpcnt.ones.xlane vm14;
	(erf) = vpow2.f32 v31  }
0x11c: {  	v10 =	vadd.f32 v20, v10;
	v20 =	vsub.f32 $0.0e+00, v1;
	v16 =	vmul.f32 v16, v58  }
0x11d: {  	v11 =	vadd.f32 v11, v27;
	v27 =	vmpcnt.ones.xlane vm7;
	vm6 =	veq.s32 v21, $0x1  }
0x11e: {  	v15 =	vadd.s32 v15, v19;
	v19 =	vsel vm6, v1, v20;
	v20 =	vadd.f32 $-4.992850420e-01, v16  }
0x11f: {  	v8 =	vadd.f32 v60, v8;
	v12 =	vadd.f32 v23, v12;
	v23 =	vmpcnt.ones.xlane vm4  }
0x120: {  	v9 =	vadd.f32 v63, v9;
	v21 =	vmpcnt.ones.xlane vm3;
	v20 =	vmul.f32 v20, v58  }
0x121: {  	vm4 =	vmmov vm0;
	v14 =	vadd.s32 v14, v27;
	vm3 =	vge.f32 v0, $-4.054650960e-01  }
0x122: {  	v18 =	vadd.s32 v25, v21;
	v25 =	vmpcnt.ones.xlane vm2;
	vm2 =	vge.f32 v1, $2.197224380e+00  }
0x123: {  	v21 =	vadd.s32 v26, v23;
	v16 =	vadd.f32 v22, v24;
	v27 =	vadd.f32 $9.999670980e-01, v20  }
0x124: {  	v22 =	vmpcnt.ones.xlane vm5;
	v24 =	vmax.f32 v19, $0.0e+00;
	vm0 =	vmmov vm2;
	v20 =	vpop (erf)  }
0x125: {  	vm2 =	vge.f32 v0, $8.472977870e-01;
	v26 =	vmul.f32 v27, v58;
	v23 =	vmul.f32 $1.000928970e-02, v20  }
0x126: {  	s5 =	simm.s32 $0xC0;
	v19 =	vadd.s32 v56, v22;
	v22 =	vadd.s32 v57, v25;
	v25 =	vmpcnt.ones.xlane vm1  }
0x127: {  	vm1 =	vge.f32 v0, $1.386294480e+00;
	v26 =	vadd.f32 $2.554673130e-07, v26;
	v23 =	vadd.f32 $-5.243753640e-02, v23  }
.LBB2_6:
0x128: {  	s6 =	sshra.s32 s5, $0x2;
	p0 =	sne.s32 s5, $0x7FC0;
	s5 =	sadd.s32 $0x40, s5;
	vm6 =	vge.f32 v0, $0.0e+00;
	vm5 =	vge.f32 v0, $4.054652150e-01;
	v2 =	vadd.s32 v2, v25  }
0x129: {  	v27 =	vmpcnt.ones.xlane vm4;
	v25 =	vld [tilespmem:s6+$0x0];
	v23 =	vmul.f32 v23, v20;
	v26 =	vadd.f32 v26, v3;
	v3 =	vmovc v24  }
0x12a: {  	vm8 =	vge.f32 v0, $-2.197224620e+00;
	vm7 =	vge.f32 v0, $-1.386294360e+00;
	vm9 =	vge.f32 v0, $-8.472977870e-01;
	v0 =	vmovc v1  }
0x12b: {  	v35 =	vadd.f32 $1.308334320e-01, v23;
	v23 =	vnsel vm8, $0x0, v26;
	v24 =	vnsel vm4, $0x0, v26  }
0x12c: {  	v28 =	vnsel vm9, $0x0, v26;
	v29 =	vnsel vm3, $0x0, v26;
	v30 =	vnsel vm1, $0x0, v26  }
0x12d: {  	v6 =	vadd.f32 v28, v6;
	v28 =	vnsel vm2, $0x0, v26;
	v31 =	vmul.f32 v35, v20  }
0x12e: {  	v33 =	vnsel vm6, $0x0, v26;
	v34 =	vnsel vm5, $0x0, v26;
	v32 =	vand.u32 $0x7FFFFFFF, v25;
	v1 =	vmovc v25  }
0x12f: {  	v25 =	vsub.f32 $0.0e+00, v32;
	v31 =	vadd.f32 $-2.231658700e-01, v31;
	v32 =	vmpcnt.ones.xlane vm9  }
0x130: {  	v4 =	vadd.f32 v34, v4;
	v35 =	vnsel vm7, $0x0, v26;
	v5 =	vadd.f32 v28, v5  }
0x131: {  	v11 =	vadd.f32 v26, v11;
	v28 =	vld [tilespmem:s6+$0x4000];
	v25 =	vmul.f32 $1.442695020e+00, v25;
	v31 =	vmul.f32 v31, v20  }
0x132: {  	v7 =	vadd.f32 v23, v7;
	v8 =	vadd.f32 v33, v8;
	v26 =	vmpcnt.ones.xlane vm8  }
0x133: {  	v12 =	vadd.f32 v30, v12;
	(erf) = vpow2.f32 v25;
	v23 =	vadd.f32 $3.272257150e-01, v31  }
0x134: {  	v10 =	vadd.f32 v24, v10;
	v9 =	vadd.f32 v35, v9;
	v25 =	vmpcnt.ones.xlane vm7  }
0x135: {  	v24 =	vsub.f32 $0.0e+00, v1;
	v13 =	vadd.s32 v13, v32;
	v23 =	vmul.f32 v23, v20  }
0x136: {  	v14 =	vadd.s32 v14, v26;
	v15 =	vadd.s32 v15, v25;
	vm4 =	veq.s32 v28, $0x1  }
0x137: {  	v16 =	vadd.f32 v29, v16;
	v24 =	vsel vm4, v1, v24;
	v23 =	vadd.f32 $-4.992850420e-01, v23  }
0x138: {  	v26 =	vmpcnt.ones.xlane vm6;
	v25 =	vmpcnt.ones.xlane vm3;
	v24 =	vmax.f32 v24, $0.0e+00  }
0x139: {  	v17 =	vadd.s32 v17, v27;
	v28 =	vmpcnt.ones.xlane vm5;
	v23 =	vmul.f32 v23, v20  }
0x13a: {  	v19 =	vadd.s32 v19, v26;
	v18 =	vadd.s32 v18, v25;
	v25 =	vmpcnt.ones.xlane vm2  }
.Ltmp2:
0x13b: {  	vm2 =	vge.f32 v1, $2.197224380e+00;
	v21 =	vadd.s32 v21, v28;
	v23 =	vadd.f32 $9.999670980e-01, v23;
	(pc) =	sbr.rel @p0 .LBB2_6-.Ltmp2, $4  }
0x13c: {  	vm4 =	vmmov vm0;
	vm0 =	vmmov vm2;
	v22 =	vadd.s32 v22, v25;
	v26 =	vpop (erf)  }
0x13d: {  	v27 =	vmul.f32 $1.000928970e-02, v26;
	v28 =	vmul.f32 v23, v20;
	v20 =	vmov v26  }
0x13e: {  	vm3 =	vge.f32 v0, $-4.054650960e-01;
	vm2 =	vge.f32 v0, $8.472977870e-01;
	v25 =	vmpcnt.ones.xlane vm1  }
0x13f: {  	vm1 =	vge.f32 v0, $1.386294480e+00;
	v23 =	vadd.f32 $-5.243753640e-02, v27;
	v26 =	vadd.f32 $2.554673130e-07, v28  }
0x140: {  	s5 =	simm.s32 $0x0  }
0x141: {  	[tilespmem:s5], [sflag:$0x1] =	stream.linear.gather [hbm4b:s10+s5], $0x2000, $0x38;
	[tilespmem:$0x8C00] =	vst v63  }
0x142: {  	_ = 	snop  }
0x143: {  	[tilespmem:s28], [sflag:$0x3] =	stream.linear.gather [hbm4b:s11+s5], $0x2000, $0x38;
	[tilespmem:$0x8C00] =	vst v63  }
0x144: {  	_ =	swait.ge [sflag:s0], $0x2000  }
0x145: {  	[sflag:s0] =	ssyncset.done $0x0  }
0x146: {  	[sflag:s0] =	ssyncadd.s32 $0xFFFFE000  }
0x147: {  	_ =	swait.ge [sflag:s2], $0x2000  }
0x148: {  	v23 =	vmul.f32 v23, v20;
	[sflag:s2] =	ssyncset.done $0x0  }
0x149: {  	vm5 =	vge.f32 v0, $0.0e+00;
	vm6 =	vge.f32 v0, $4.054652150e-01;
	s5 =	simm.s32 $0x0;
	[sflag:s2] =	ssyncadd.s32 $0xFFFFE000  }
0x14a: {  	v2 =	vadd.s32 v2, v25;
	v25 =	vmpcnt.ones.xlane vm4;
	v27 =	vadd.f32 $1.308334320e-01, v23;
	v23 =	vld [tilespmem:s5+$0x2000]  }
0x14b: {  	vm7 =	vge.f32 v0, $-2.197224620e+00;
	vm9 =	vge.f32 v0, $-8.472977870e-01;
	v49 =	vmpcnt.ones.xlane vm2  }
0x14c: {  	vm13 =	vge.f32 v1, $-8.472977870e-01;
	v3 =	vadd.f32 v26, v3;
	v26 =	vmul.f32 v27, v20  }
0x14d: {  	vm8 =	vge.f32 v0, $-1.386294360e+00;
	v34 =	vmpcnt.ones.xlane vm9;
	v54 =	vmpcnt.ones.xlane vm13  }
0x14e: {  	v17 =	vadd.s32 v17, v25;
	v0 =	vnsel vm7, $0x0, v3;
	v26 =	vadd.f32 $-2.231658700e-01, v26  }
0x14f: {  	v28 =	vnsel vm9, $0x0, v3;
	v29 =	vnsel vm3, $0x0, v3;
	v31 =	vand.u32 $0x7FFFFFFF, v23  }
0x150: {  	v30 =	vnsel vm1, $0x0, v3;
	v26 =	vmul.f32 v26, v20;
	v47 =	vsub.f32 $0.0e+00, v31  }
0x151: {  	v48 =	vnsel vm2, $0x0, v3;
	v32 =	vnsel vm5, $0x0, v3;
	v33 =	vnsel vm6, $0x0, v3  }
0x152: {  	v6 =	vadd.f32 v28, v6;
	v26 =	vadd.f32 $3.272257150e-01, v26;
	v28 =	vmul.f32 $1.442695020e+00, v47  }
0x153: {  	v35 =	vnsel vm8, $0x0, v3;
	v4 =	vadd.f32 v33, v4;
	v27 =	vnsel vm4, $0x0, v3  }
0x154: {  	v3 =	vadd.f32 v3, v11;
	v11 =	vmul.f32 v26, v20;
	(erf) = vpow2.f32 v28  }
0x155: {  	v13 =	vadd.s32 v13, v34;
	v5 =	vadd.f32 v48, v5;
	v7 =	vadd.f32 v0, v7  }
0x156: {  	v8 =	vadd.f32 v32, v8;
	v0 =	vmpcnt.ones.xlane vm8;
	v11 =	vadd.f32 $-4.992850420e-01, v11  }
0x157: {  	vm2 =	vge.f32 v1, $-4.054650960e-01;
	v12 =	vadd.f32 v30, v12;
	v9 =	vadd.f32 v35, v9  }
0x158: {  	v13 =	vadd.s32 v13, v54;
	v15 =	vadd.s32 v15, v0;
	v0 =	vmul.f32 v11, v20  }
0x159: {  	vm4 =	vge.f32 v1, $0.0e+00;
	v10 =	vadd.f32 v27, v10;
	v26 =	vmpcnt.ones.xlane vm7  }
0x15a: {  	v11 =	vadd.f32 v29, v16;
	v16 =	vmpcnt.ones.xlane vm3;
	v0 =	vadd.f32 $9.999670980e-01, v0  }
0x15b: {  	v27 =	vmpcnt.ones.xlane vm6;
	v14 =	vadd.s32 v14, v26;
	v26 =	vmpcnt.ones.xlane vm5  }
0x15c: {  	vm6 =	vge.f32 v1, $-2.197224620e+00;
	v16 =	vadd.s32 v18, v16;
	v0 =	vmul.f32 v0, v20  }
0x15d: {  	v18 =	vadd.s32 v19, v26;
	v19 =	vadd.s32 v21, v27;
	v21 =	vadd.s32 v22, v49;
	v20 =	vpop (erf)  }
0x15e: {  	v22 =	vmpcnt.ones.xlane vm1;
	v0 =	vadd.f32 $2.554673130e-07, v0;
	v25 =	vmul.f32 $1.000928970e-02, v20  }
0x15f: {  	s6 =	simm.s32 $0x10;
	v55 =	vmpcnt.ones.xlane vm6;
	vm7 =	vge.f32 v1, $-1.386294360e+00;
	vm15 =	vge.f32 v23, $-8.472977870e-01  }
0x160: {  	v2 =	vadd.s32 v2, v22;
	v22 =	vadd.f32 v0, v24;
	v0 =	vld [tilespmem:s6+$0x2000];
	v24 =	vadd.f32 $-5.243753640e-02, v25  }
0x161: {  	vm5 =	vmmov vm0;
	vm0 =	vge.f32 v1, $8.472977870e-01;
	v62 =	vmpcnt.ones.xlane vm15  }
0x162: {  	vm14 =	vge.f32 v23, $-1.386294360e+00;
	v14 =	vadd.s32 v14, v55;
	v24 =	vmul.f32 v24, v20  }
0x163: {  	vm3 =	vge.f32 v1, $4.054652150e-01;
	v13 =	vadd.s32 v13, v62;
	v27 =	vnsel vm13, $0x0, v22  }
0x164: {  	v6 =	vadd.f32 v27, v6;
	v27 =	vnsel vm0, $0x0, v22;
	v24 =	vadd.f32 $1.308334320e-01, v24  }
0x165: {  	v5 =	vadd.f32 v27, v5;
	v27 =	vadd.f32 v22, v3;
	v3 =	vand.u32 $0x7FFFFFFF, v0  }
0x166: {  	vm1 =	vge.f32 v1, $1.386294480e+00;
	v3 =	vsub.f32 $0.0e+00, v3;
	v24 =	vmul.f32 v24, v20  }
0x167: {  	v1 =	vnsel vm6, $0x0, v22;
	v26 =	vnsel vm5, $0x0, v22;
	v53 =	vnsel vm3, $0x0, v22  }
0x168: {  	v7 =	vadd.f32 v1, v7;
	v1 =	vmul.f32 $1.442695020e+00, v3;
	v24 =	vadd.f32 $-2.231658700e-01, v24  }
0x169: {  	v51 =	vnsel vm1, $0x0, v22;
	v52 =	vnsel vm4, $0x0, v22;
	v4 =	vadd.f32 v53, v4  }
0x16a: {  	v8 =	vadd.f32 v52, v8;
	(erf) = vpow2.f32 v1;
	v3 =	vmul.f32 v24, v20  }
0x16b: {  	v50 =	vnsel vm2, $0x0, v22;
	v12 =	vadd.f32 v51, v12;
	v10 =	vadd.f32 v26, v10  }
0x16c: {  	v25 =	vmpcnt.ones.xlane vm5;
	v1 =	vadd.f32 $3.272257150e-01, v3;
	v3 =	vmpcnt.ones.xlane vm2  }
0x16d: {  	v26 =	vmpcnt.ones.xlane vm3;
	vm3 =	vge.f32 v23, $-4.054650960e-01;
	v22 =	vnsel vm7, $0x0, v22  }
0x16e: {  	v17 =	vadd.s32 v17, v25;
	v1 =	vmul.f32 v1, v20;
	v25 =	vadd.s32 v16, v3;
	v3 =	vld [tilespmem:s6+$0x6000]  }
0x16f: {  	v9 =	vadd.f32 v22, v9;
	v26 =	vadd.s32 v19, v26;
	v24 =	vmpcnt.ones.xlane vm7  }
0x170: {  	vm5 =	vge.f32 v23, $0.0e+00;
	v16 =	vmpcnt.ones.xlane vm1;
	v1 =	vadd.f32 $-4.992850420e-01, v1  }
0x171: {  	v22 =	vld [tilespmem:s5+$0x6000];
	vm7 =	vge.f32 v23, $-2.197224620e+00;
	v15 =	vadd.s32 v15, v24;
	v24 =	vadd.f32 v50, v11  }
0x172: {  	v2 =	vadd.s32 v2, v16;
	v16 =	vsub.f32 $0.0e+00, v0;
	v1 =	vmul.f32 v1, v20  }
0x173: {  	v11 =	vmpcnt.ones.xlane vm4;
	v58 =	vpop (erf);
	vm2 =	vge.f32 v23, $8.472977870e-01;
	vm1 =	veq.s32 v3, $0x1  }
0x174: {  	v1 =	vadd.f32 $9.999670980e-01, v1;
	v3 =	vsel vm1, v0, v16;
	v16 =	vmul.f32 $1.000928970e-02, v58  }
0x175: {  	v56 =	vadd.s32 v18, v11;
	v11 =	vmpcnt.ones.xlane vm0;
	v18 =	vsub.f32 $0.0e+00, v23  }
0x176: {  	vm0 =	veq.s32 v22, $0x1;
	v1 =	vmul.f32 v1, v20;
	v16 =	vadd.f32 $-5.243753640e-02, v16  }
0x177: {  	v57 =	vadd.s32 v21, v11;
	v11 =	vsel vm0, v23, v18;
	vm0 =	vge.f32 v23, $2.197224380e+00  }
0x178: {  	s6 =	simm.s32 $0x20;
	vm0 =	vmmov vm0;
	v18 =	vadd.f32 $2.554673130e-07, v1;
	v16 =	vmul.f32 v16, v58  }
0x179: {  	vm4 =	vge.f32 v23, $4.054652150e-01;
	v11 =	vmax.f32 v11, $0.0e+00;
	vm6 =	vmmov vm0;
	v1 =	vld [tilespmem:s6+$0x2000]  }
0x17a: {  	vm1 =	vge.f32 v0, $2.197224380e+00;
	v11 =	vadd.f32 v18, v11;
	v16 =	vadd.f32 $1.308334320e-01, v16  }
0x17b: {  	v3 =	vmax.f32 v3, $0.0e+00;
	vm0 =	vmmov vm1;
	vm1 =	vge.f32 v23, $1.386294480e+00  }
0x17c: {  	v18 =	vmpcnt.ones.xlane vm6;
	v19 =	vnsel vm7, $0x0, v11;
	v16 =	vmul.f32 v16, v58  }
0x17d: {  	v20 =	vnsel vm6, $0x0, v11;
	v21 =	vnsel vm15, $0x0, v11;
	v22 =	vnsel vm3, $0x0, v11  }
0x17e: {  	v23 =	vnsel vm1, $0x0, v11;
	v59 =	vand.u32 $0x7FFFFFFF, v1;
	v16 =	vadd.f32 $-2.231658700e-01, v16  }
0x17f: {  	v6 =	vadd.f32 v21, v6;
	v21 =	vnsel vm2, $0x0, v11;
	v31 =	vsub.f32 $0.0e+00, v59  }
0x180: {  	v60 =	vnsel vm5, $0x0, v11;
	v5 =	vadd.f32 v21, v5;
	v21 =	vld [tilespmem:s6+$0x6000];
	v16 =	vmul.f32 v16, v58  }
0x181: {  	v61 =	vnsel vm4, $0x0, v11;
	v63 =	vnsel vm14, $0x0, v11;
	v31 =	vmul.f32 $1.442695020e+00, v31  }
0x182: {  	v17 =	vadd.s32 v17, v18;
	v4 =	vadd.f32 v61, v4;
	v16 =	vadd.f32 $3.272257150e-01, v16  }
0x183: {  	v7 =	vadd.f32 v19, v7;
	v19 =	vmpcnt.ones.xlane vm14;
	(erf) = vpow2.f32 v31  }
0x184: {  	v10 =	vadd.f32 v20, v10;
	v20 =	vsub.f32 $0.0e+00, v1;
	v16 =	vmul.f32 v16, v58  }
0x185: {  	v11 =	vadd.f32 v11, v27;
	v27 =	vmpcnt.ones.xlane vm7;
	vm6 =	veq.s32 v21, $0x1  }
0x186: {  	v15 =	vadd.s32 v15, v19;
	v19 =	vsel vm6, v1, v20;
	v20 =	vadd.f32 $-4.992850420e-01, v16  }
0x187: {  	v8 =	vadd.f32 v60, v8;
	v12 =	vadd.f32 v23, v12;
	v23 =	vmpcnt.ones.xlane vm4  }
0x188: {  	v9 =	vadd.f32 v63, v9;
	v21 =	vmpcnt.ones.xlane vm3;
	v20 =	vmul.f32 v20, v58  }
0x189: {  	vm4 =	vmmov vm0;
	v14 =	vadd.s32 v14, v27;
	vm3 =	vge.f32 v0, $-4.054650960e-01  }
0x18a: {  	v18 =	vadd.s32 v25, v21;
	v25 =	vmpcnt.ones.xlane vm2;
	vm2 =	vge.f32 v1, $2.197224380e+00  }
0x18b: {  	v21 =	vadd.s32 v26, v23;
	v16 =	vadd.f32 v22, v24;
	v27 =	vadd.f32 $9.999670980e-01, v20  }
0x18c: {  	v22 =	vmpcnt.ones.xlane vm5;
	v24 =	vmax.f32 v19, $0.0e+00;
	vm0 =	vmmov vm2;
	v20 =	vpop (erf)  }
0x18d: {  	vm2 =	vge.f32 v0, $8.472977870e-01;
	v26 =	vmul.f32 v27, v58;
	v23 =	vmul.f32 $1.000928970e-02, v20  }
0x18e: {  	s5 =	simm.s32 $0xC0;
	v19 =	vadd.s32 v56, v22;
	v22 =	vadd.s32 v57, v25;
	v25 =	vmpcnt.ones.xlane vm1  }
0x18f: {  	vm1 =	vge.f32 v0, $1.386294480e+00;
	v26 =	vadd.f32 $2.554673130e-07, v26;
	v23 =	vadd.f32 $-5.243753640e-02, v23  }
.LBB2_8:
0x190: {  	s6 =	sshra.s32 s5, $0x2;
	p0 =	sne.s32 s5, $0x7FC0;
	s5 =	sadd.s32 $0x40, s5;
	vm6 =	vge.f32 v0, $0.0e+00;
	vm5 =	vge.f32 v0, $4.054652150e-01;
	v2 =	vadd.s32 v2, v25  }
0x191: {  	v27 =	vmpcnt.ones.xlane vm4;
	v25 =	vld [tilespmem:s6+$0x2000];
	v23 =	vmul.f32 v23, v20;
	v26 =	vadd.f32 v26, v3;
	v3 =	vmovc v24  }
0x192: {  	vm8 =	vge.f32 v0, $-2.197224620e+00;
	vm7 =	vge.f32 v0, $-1.386294360e+00;
	vm9 =	vge.f32 v0, $-8.472977870e-01;
	v0 =	vmovc v1  }
0x193: {  	v35 =	vadd.f32 $1.308334320e-01, v23;
	v23 =	vnsel vm8, $0x0, v26;
	v24 =	vnsel vm4, $0x0, v26  }
0x194: {  	v28 =	vnsel vm9, $0x0, v26;
	v29 =	vnsel vm3, $0x0, v26;
	v30 =	vnsel vm1, $0x0, v26  }
0x195: {  	v6 =	vadd.f32 v28, v6;
	v28 =	vnsel vm2, $0x0, v26;
	v31 =	vmul.f32 v35, v20  }
0x196: {  	v33 =	vnsel vm6, $0x0, v26;
	v34 =	vnsel vm5, $0x0, v26;
	v32 =	vand.u32 $0x7FFFFFFF, v25;
	v1 =	vmovc v25  }
0x197: {  	v25 =	vsub.f32 $0.0e+00, v32;
	v31 =	vadd.f32 $-2.231658700e-01, v31;
	v32 =	vmpcnt.ones.xlane vm9  }
0x198: {  	v4 =	vadd.f32 v34, v4;
	v35 =	vnsel vm7, $0x0, v26;
	v5 =	vadd.f32 v28, v5  }
0x199: {  	v11 =	vadd.f32 v26, v11;
	v28 =	vld [tilespmem:s6+$0x6000];
	v25 =	vmul.f32 $1.442695020e+00, v25;
	v31 =	vmul.f32 v31, v20  }
0x19a: {  	v7 =	vadd.f32 v23, v7;
	v8 =	vadd.f32 v33, v8;
	v26 =	vmpcnt.ones.xlane vm8  }
0x19b: {  	v12 =	vadd.f32 v30, v12;
	(erf) = vpow2.f32 v25;
	v23 =	vadd.f32 $3.272257150e-01, v31  }
0x19c: {  	v10 =	vadd.f32 v24, v10;
	v9 =	vadd.f32 v35, v9;
	v25 =	vmpcnt.ones.xlane vm7  }
0x19d: {  	v24 =	vsub.f32 $0.0e+00, v1;
	v13 =	vadd.s32 v13, v32;
	v23 =	vmul.f32 v23, v20  }
0x19e: {  	v14 =	vadd.s32 v14, v26;
	v15 =	vadd.s32 v15, v25;
	vm4 =	veq.s32 v28, $0x1  }
0x19f: {  	v16 =	vadd.f32 v29, v16;
	v24 =	vsel vm4, v1, v24;
	v23 =	vadd.f32 $-4.992850420e-01, v23  }
0x1a0: {  	v26 =	vmpcnt.ones.xlane vm6;
	v25 =	vmpcnt.ones.xlane vm3;
	v24 =	vmax.f32 v24, $0.0e+00  }
0x1a1: {  	v17 =	vadd.s32 v17, v27;
	v28 =	vmpcnt.ones.xlane vm5;
	v23 =	vmul.f32 v23, v20  }
0x1a2: {  	v19 =	vadd.s32 v19, v26;
	v18 =	vadd.s32 v18, v25;
	v25 =	vmpcnt.ones.xlane vm2  }
.Ltmp3:
0x1a3: {  	vm2 =	vge.f32 v1, $2.197224380e+00;
	v21 =	vadd.s32 v21, v28;
	v23 =	vadd.f32 $9.999670980e-01, v23;
	(pc) =	sbr.rel @p0 .LBB2_8-.Ltmp3, $4  }
0x1a4: {  	vm4 =	vmmov vm0;
	vm0 =	vmmov vm2;
	v22 =	vadd.s32 v22, v25;
	v26 =	vpop (erf)  }
0x1a5: {  	v27 =	vmul.f32 $1.000928970e-02, v26;
	v28 =	vmul.f32 v23, v20;
	v20 =	vmov v26  }
0x1a6: {  	vm3 =	vge.f32 v0, $-4.054650960e-01;
	vm2 =	vge.f32 v0, $8.472977870e-01;
	v25 =	vmpcnt.ones.xlane vm1  }
0x1a7: {  	vm1 =	vge.f32 v0, $1.386294480e+00;
	v23 =	vadd.f32 $-5.243753640e-02, v27;
	v26 =	vadd.f32 $2.554673130e-07, v28  }
0x1a8: {  	s5 =	simm.s32 $0x0  }
0x1a9: {  	[tilespmem:s29], [sflag:$0x2] =	stream.linear.gather [hbm4b:s12+s5], $0x2000, $0x38;
	[tilespmem:$0x8C00] =	vst v63  }
0x1aa: {  	_ = 	snop  }
0x1ab: {  	[tilespmem:s30], [sflag:$0x4] =	stream.linear.gather [hbm4b:s13+s5], $0x2000, $0x38;
	[tilespmem:$0x8C00] =	vst v63  }
0x1ac: {  	_ =	swait.ge [sflag:s31], $0x2000  }
0x1ad: {  	[sflag:s31] =	ssyncset.done $0x0  }
0x1ae: {  	[sflag:s31] =	ssyncadd.s32 $0xFFFFE000  }
0x1af: {  	_ =	swait.ge [sflag:s18], $0x2000  }
0x1b0: {  	v23 =	vmul.f32 v23, v20;
	[sflag:s18] =	ssyncset.done $0x0  }
0x1b1: {  	vm5 =	vge.f32 v0, $0.0e+00;
	vm6 =	vge.f32 v0, $4.054652150e-01;
	s5 =	simm.s32 $0x0;
	[sflag:s18] =	ssyncadd.s32 $0xFFFFE000  }
0x1b2: {  	v2 =	vadd.s32 v2, v25;
	v25 =	vmpcnt.ones.xlane vm4;
	v27 =	vadd.f32 $1.308334320e-01, v23;
	v23 =	vld [tilespmem:s5+$0x0]  }
0x1b3: {  	vm7 =	vge.f32 v0, $-2.197224620e+00;
	vm9 =	vge.f32 v0, $-8.472977870e-01;
	v49 =	vmpcnt.ones.xlane vm2  }
0x1b4: {  	vm13 =	vge.f32 v1, $-8.472977870e-01;
	v3 =	vadd.f32 v26, v3;
	v26 =	vmul.f32 v27, v20  }
0x1b5: {  	vm8 =	vge.f32 v0, $-1.386294360e+00;
	v34 =	vmpcnt.ones.xlane vm9;
	v54 =	vmpcnt.ones.xlane vm13  }
0x1b6: {  	v17 =	vadd.s32 v17, v25;
	v0 =	vnsel vm7, $0x0, v3;
	v26 =	vadd.f32 $-2.231658700e-01, v26  }
0x1b7: {  	v28 =	vnsel vm9, $0x0, v3;
	v29 =	vnsel vm3, $0x0, v3;
	v31 =	vand.u32 $0x7FFFFFFF, v23  }
0x1b8: {  	v30 =	vnsel vm1, $0x0, v3;
	v26 =	vmul.f32 v26, v20;
	v47 =	vsub.f32 $0.0e+00, v31  }
0x1b9: {  	v48 =	vnsel vm2, $0x0, v3;
	v32 =	vnsel vm5, $0x0, v3;
	v33 =	vnsel vm6, $0x0, v3  }
0x1ba: {  	v6 =	vadd.f32 v28, v6;
	v26 =	vadd.f32 $3.272257150e-01, v26;
	v28 =	vmul.f32 $1.442695020e+00, v47  }
0x1bb: {  	v35 =	vnsel vm8, $0x0, v3;
	v4 =	vadd.f32 v33, v4;
	v27 =	vnsel vm4, $0x0, v3  }
0x1bc: {  	v3 =	vadd.f32 v3, v11;
	v11 =	vmul.f32 v26, v20;
	(erf) = vpow2.f32 v28  }
0x1bd: {  	v13 =	vadd.s32 v13, v34;
	v5 =	vadd.f32 v48, v5;
	v7 =	vadd.f32 v0, v7  }
0x1be: {  	v8 =	vadd.f32 v32, v8;
	v0 =	vmpcnt.ones.xlane vm8;
	v11 =	vadd.f32 $-4.992850420e-01, v11  }
0x1bf: {  	vm2 =	vge.f32 v1, $-4.054650960e-01;
	v12 =	vadd.f32 v30, v12;
	v9 =	vadd.f32 v35, v9  }
0x1c0: {  	v13 =	vadd.s32 v13, v54;
	v15 =	vadd.s32 v15, v0;
	v0 =	vmul.f32 v11, v20  }
0x1c1: {  	vm4 =	vge.f32 v1, $0.0e+00;
	v10 =	vadd.f32 v27, v10;
	v26 =	vmpcnt.ones.xlane vm7  }
0x1c2: {  	v11 =	vadd.f32 v29, v16;
	v16 =	vmpcnt.ones.xlane vm3;
	v0 =	vadd.f32 $9.999670980e-01, v0  }
0x1c3: {  	v27 =	vmpcnt.ones.xlane vm6;
	v14 =	vadd.s32 v14, v26;
	v26 =	vmpcnt.ones.xlane vm5  }
0x1c4: {  	vm6 =	vge.f32 v1, $-2.197224620e+00;
	v16 =	vadd.s32 v18, v16;
	v0 =	vmul.f32 v0, v20  }
0x1c5: {  	v18 =	vadd.s32 v19, v26;
	v19 =	vadd.s32 v21, v27;
	v21 =	vadd.s32 v22, v49;
	v20 =	vpop (erf)  }
0x1c6: {  	v22 =	vmpcnt.ones.xlane vm1;
	v0 =	vadd.f32 $2.554673130e-07, v0;
	v25 =	vmul.f32 $1.000928970e-02, v20  }
0x1c7: {  	s6 =	simm.s32 $0x10;
	v55 =	vmpcnt.ones.xlane vm6;
	vm7 =	vge.f32 v1, $-1.386294360e+00;
	vm15 =	vge.f32 v23, $-8.472977870e-01  }
0x1c8: {  	v2 =	vadd.s32 v2, v22;
	v22 =	vadd.f32 v0, v24;
	v0 =	vld [tilespmem:s6+$0x0];
	v24 =	vadd.f32 $-5.243753640e-02, v25  }
0x1c9: {  	vm5 =	vmmov vm0;
	vm0 =	vge.f32 v1, $8.472977870e-01;
	v62 =	vmpcnt.ones.xlane vm15  }
0x1ca: {  	vm14 =	vge.f32 v23, $-1.386294360e+00;
	v14 =	vadd.s32 v14, v55;
	v24 =	vmul.f32 v24, v20  }
0x1cb: {  	vm3 =	vge.f32 v1, $4.054652150e-01;
	v13 =	vadd.s32 v13, v62;
	v27 =	vnsel vm13, $0x0, v22  }
0x1cc: {  	v6 =	vadd.f32 v27, v6;
	v27 =	vnsel vm0, $0x0, v22;
	v24 =	vadd.f32 $1.308334320e-01, v24  }
0x1cd: {  	v5 =	vadd.f32 v27, v5;
	v27 =	vadd.f32 v22, v3;
	v3 =	vand.u32 $0x7FFFFFFF, v0  }
0x1ce: {  	vm1 =	vge.f32 v1, $1.386294480e+00;
	v3 =	vsub.f32 $0.0e+00, v3;
	v24 =	vmul.f32 v24, v20  }
0x1cf: {  	v1 =	vnsel vm6, $0x0, v22;
	v26 =	vnsel vm5, $0x0, v22;
	v53 =	vnsel vm3, $0x0, v22  }
0x1d0: {  	v7 =	vadd.f32 v1, v7;
	v1 =	vmul.f32 $1.442695020e+00, v3;
	v24 =	vadd.f32 $-2.231658700e-01, v24  }
0x1d1: {  	v51 =	vnsel vm1, $0x0, v22;
	v52 =	vnsel vm4, $0x0, v22;
	v4 =	vadd.f32 v53, v4  }
0x1d2: {  	v8 =	vadd.f32 v52, v8;
	(erf) = vpow2.f32 v1;
	v3 =	vmul.f32 v24, v20  }
0x1d3: {  	v50 =	vnsel vm2, $0x0, v22;
	v12 =	vadd.f32 v51, v12;
	v10 =	vadd.f32 v26, v10  }
0x1d4: {  	v25 =	vmpcnt.ones.xlane vm5;
	v1 =	vadd.f32 $3.272257150e-01, v3;
	v3 =	vmpcnt.ones.xlane vm2  }
0x1d5: {  	v26 =	vmpcnt.ones.xlane vm3;
	vm3 =	vge.f32 v23, $-4.054650960e-01;
	v22 =	vnsel vm7, $0x0, v22  }
0x1d6: {  	v17 =	vadd.s32 v17, v25;
	v1 =	vmul.f32 v1, v20;
	v25 =	vadd.s32 v16, v3;
	v3 =	vld [tilespmem:s6+$0x4000]  }
0x1d7: {  	v9 =	vadd.f32 v22, v9;
	v26 =	vadd.s32 v19, v26;
	v24 =	vmpcnt.ones.xlane vm7  }
0x1d8: {  	vm5 =	vge.f32 v23, $0.0e+00;
	v16 =	vmpcnt.ones.xlane vm1;
	v1 =	vadd.f32 $-4.992850420e-01, v1  }
0x1d9: {  	v22 =	vld [tilespmem:s5+$0x4000];
	vm7 =	vge.f32 v23, $-2.197224620e+00;
	v15 =	vadd.s32 v15, v24;
	v24 =	vadd.f32 v50, v11  }
0x1da: {  	v2 =	vadd.s32 v2, v16;
	v16 =	vsub.f32 $0.0e+00, v0;
	v1 =	vmul.f32 v1, v20  }
0x1db: {  	v11 =	vmpcnt.ones.xlane vm4;
	v58 =	vpop (erf);
	vm2 =	vge.f32 v23, $8.472977870e-01;
	vm1 =	veq.s32 v3, $0x1  }
0x1dc: {  	v1 =	vadd.f32 $9.999670980e-01, v1;
	v3 =	vsel vm1, v0, v16;
	v16 =	vmul.f32 $1.000928970e-02, v58  }
0x1dd: {  	v56 =	vadd.s32 v18, v11;
	v11 =	vmpcnt.ones.xlane vm0;
	v18 =	vsub.f32 $0.0e+00, v23  }
0x1de: {  	vm0 =	veq.s32 v22, $0x1;
	v1 =	vmul.f32 v1, v20;
	v16 =	vadd.f32 $-5.243753640e-02, v16  }
0x1df: {  	v57 =	vadd.s32 v21, v11;
	v11 =	vsel vm0, v23, v18;
	vm0 =	vge.f32 v23, $2.197224380e+00  }
0x1e0: {  	s6 =	simm.s32 $0x20;
	vm0 =	vmmov vm0;
	v18 =	vadd.f32 $2.554673130e-07, v1;
	v16 =	vmul.f32 v16, v58  }
0x1e1: {  	vm4 =	vge.f32 v23, $4.054652150e-01;
	v11 =	vmax.f32 v11, $0.0e+00;
	vm6 =	vmmov vm0;
	v1 =	vld [tilespmem:s6+$0x0]  }
0x1e2: {  	vm1 =	vge.f32 v0, $2.197224380e+00;
	v11 =	vadd.f32 v18, v11;
	v16 =	vadd.f32 $1.308334320e-01, v16  }
0x1e3: {  	v3 =	vmax.f32 v3, $0.0e+00;
	vm0 =	vmmov vm1;
	vm1 =	vge.f32 v23, $1.386294480e+00  }
0x1e4: {  	v18 =	vmpcnt.ones.xlane vm6;
	v19 =	vnsel vm7, $0x0, v11;
	v16 =	vmul.f32 v16, v58  }
0x1e5: {  	v20 =	vnsel vm6, $0x0, v11;
	v21 =	vnsel vm15, $0x0, v11;
	v22 =	vnsel vm3, $0x0, v11  }
0x1e6: {  	v23 =	vnsel vm1, $0x0, v11;
	v59 =	vand.u32 $0x7FFFFFFF, v1;
	v16 =	vadd.f32 $-2.231658700e-01, v16  }
0x1e7: {  	v6 =	vadd.f32 v21, v6;
	v21 =	vnsel vm2, $0x0, v11;
	v31 =	vsub.f32 $0.0e+00, v59  }
0x1e8: {  	v60 =	vnsel vm5, $0x0, v11;
	v5 =	vadd.f32 v21, v5;
	v21 =	vld [tilespmem:s6+$0x4000];
	v16 =	vmul.f32 v16, v58  }
0x1e9: {  	v61 =	vnsel vm4, $0x0, v11;
	v63 =	vnsel vm14, $0x0, v11;
	v31 =	vmul.f32 $1.442695020e+00, v31  }
0x1ea: {  	v17 =	vadd.s32 v17, v18;
	v4 =	vadd.f32 v61, v4;
	v16 =	vadd.f32 $3.272257150e-01, v16  }
0x1eb: {  	v7 =	vadd.f32 v19, v7;
	v19 =	vmpcnt.ones.xlane vm14;
	(erf) = vpow2.f32 v31  }
0x1ec: {  	v10 =	vadd.f32 v20, v10;
	v20 =	vsub.f32 $0.0e+00, v1;
	v16 =	vmul.f32 v16, v58  }
0x1ed: {  	v11 =	vadd.f32 v11, v27;
	v27 =	vmpcnt.ones.xlane vm7;
	vm6 =	veq.s32 v21, $0x1  }
0x1ee: {  	v15 =	vadd.s32 v15, v19;
	v19 =	vsel vm6, v1, v20;
	v20 =	vadd.f32 $-4.992850420e-01, v16  }
0x1ef: {  	v8 =	vadd.f32 v60, v8;
	v12 =	vadd.f32 v23, v12;
	v23 =	vmpcnt.ones.xlane vm4  }
0x1f0: {  	v9 =	vadd.f32 v63, v9;
	v21 =	vmpcnt.ones.xlane vm3;
	v20 =	vmul.f32 v20, v58  }
0x1f1: {  	vm4 =	vmmov vm0;
	v14 =	vadd.s32 v14, v27;
	vm3 =	vge.f32 v0, $-4.054650960e-01  }
0x1f2: {  	v18 =	vadd.s32 v25, v21;
	v25 =	vmpcnt.ones.xlane vm2;
	vm2 =	vge.f32 v1, $2.197224380e+00  }
0x1f3: {  	v21 =	vadd.s32 v26, v23;
	v16 =	vadd.f32 v22, v24;
	v27 =	vadd.f32 $9.999670980e-01, v20  }
0x1f4: {  	v22 =	vmpcnt.ones.xlane vm5;
	v24 =	vmax.f32 v19, $0.0e+00;
	vm0 =	vmmov vm2;
	v20 =	vpop (erf)  }
0x1f5: {  	vm2 =	vge.f32 v0, $8.472977870e-01;
	v26 =	vmul.f32 v27, v58;
	v23 =	vmul.f32 $1.000928970e-02, v20  }
0x1f6: {  	s5 =	simm.s32 $0xC0;
	v19 =	vadd.s32 v56, v22;
	v22 =	vadd.s32 v57, v25;
	v25 =	vmpcnt.ones.xlane vm1  }
0x1f7: {  	vm1 =	vge.f32 v0, $1.386294480e+00;
	v26 =	vadd.f32 $2.554673130e-07, v26;
	v23 =	vadd.f32 $-5.243753640e-02, v23  }
.LBB2_10:
0x1f8: {  	s6 =	sshra.s32 s5, $0x2;
	p0 =	sne.s32 s5, $0x7FC0;
	s5 =	sadd.s32 $0x40, s5;
	vm6 =	vge.f32 v0, $0.0e+00;
	vm5 =	vge.f32 v0, $4.054652150e-01;
	v2 =	vadd.s32 v2, v25  }
0x1f9: {  	v27 =	vmpcnt.ones.xlane vm4;
	v25 =	vld [tilespmem:s6+$0x0];
	v23 =	vmul.f32 v23, v20;
	v26 =	vadd.f32 v26, v3;
	v3 =	vmovc v24  }
0x1fa: {  	vm8 =	vge.f32 v0, $-2.197224620e+00;
	vm7 =	vge.f32 v0, $-1.386294360e+00;
	vm9 =	vge.f32 v0, $-8.472977870e-01;
	v0 =	vmovc v1  }
0x1fb: {  	v35 =	vadd.f32 $1.308334320e-01, v23;
	v23 =	vnsel vm8, $0x0, v26;
	v24 =	vnsel vm4, $0x0, v26  }
0x1fc: {  	v28 =	vnsel vm9, $0x0, v26;
	v29 =	vnsel vm3, $0x0, v26;
	v30 =	vnsel vm1, $0x0, v26  }
0x1fd: {  	v6 =	vadd.f32 v28, v6;
	v28 =	vnsel vm2, $0x0, v26;
	v31 =	vmul.f32 v35, v20  }
0x1fe: {  	v33 =	vnsel vm6, $0x0, v26;
	v34 =	vnsel vm5, $0x0, v26;
	v32 =	vand.u32 $0x7FFFFFFF, v25;
	v1 =	vmovc v25  }
0x1ff: {  	v25 =	vsub.f32 $0.0e+00, v32;
	v31 =	vadd.f32 $-2.231658700e-01, v31;
	v32 =	vmpcnt.ones.xlane vm9  }
0x200: {  	v4 =	vadd.f32 v34, v4;
	v35 =	vnsel vm7, $0x0, v26;
	v5 =	vadd.f32 v28, v5  }
0x201: {  	v11 =	vadd.f32 v26, v11;
	v28 =	vld [tilespmem:s6+$0x4000];
	v25 =	vmul.f32 $1.442695020e+00, v25;
	v31 =	vmul.f32 v31, v20  }
0x202: {  	v7 =	vadd.f32 v23, v7;
	v8 =	vadd.f32 v33, v8;
	v26 =	vmpcnt.ones.xlane vm8  }
0x203: {  	v12 =	vadd.f32 v30, v12;
	(erf) = vpow2.f32 v25;
	v23 =	vadd.f32 $3.272257150e-01, v31  }
0x204: {  	v10 =	vadd.f32 v24, v10;
	v9 =	vadd.f32 v35, v9;
	v25 =	vmpcnt.ones.xlane vm7  }
0x205: {  	v24 =	vsub.f32 $0.0e+00, v1;
	v13 =	vadd.s32 v13, v32;
	v23 =	vmul.f32 v23, v20  }
0x206: {  	v14 =	vadd.s32 v14, v26;
	v15 =	vadd.s32 v15, v25;
	vm4 =	veq.s32 v28, $0x1  }
0x207: {  	v16 =	vadd.f32 v29, v16;
	v24 =	vsel vm4, v1, v24;
	v23 =	vadd.f32 $-4.992850420e-01, v23  }
0x208: {  	v26 =	vmpcnt.ones.xlane vm6;
	v25 =	vmpcnt.ones.xlane vm3;
	v24 =	vmax.f32 v24, $0.0e+00  }
0x209: {  	v17 =	vadd.s32 v17, v27;
	v28 =	vmpcnt.ones.xlane vm5;
	v23 =	vmul.f32 v23, v20  }
0x20a: {  	v19 =	vadd.s32 v19, v26;
	v18 =	vadd.s32 v18, v25;
	v25 =	vmpcnt.ones.xlane vm2  }
.Ltmp4:
0x20b: {  	vm2 =	vge.f32 v1, $2.197224380e+00;
	v21 =	vadd.s32 v21, v28;
	v23 =	vadd.f32 $9.999670980e-01, v23;
	(pc) =	sbr.rel @p0 .LBB2_10-.Ltmp4, $4  }
0x20c: {  	vm4 =	vmmov vm0;
	vm0 =	vmmov vm2;
	v22 =	vadd.s32 v22, v25;
	v26 =	vpop (erf)  }
0x20d: {  	v27 =	vmul.f32 $1.000928970e-02, v26;
	v28 =	vmul.f32 v23, v20;
	v20 =	vmov v26  }
0x20e: {  	vm3 =	vge.f32 v0, $-4.054650960e-01;
	vm2 =	vge.f32 v0, $8.472977870e-01;
	v25 =	vmpcnt.ones.xlane vm1  }
0x20f: {  	vm1 =	vge.f32 v0, $1.386294480e+00;
	v23 =	vadd.f32 $-5.243753640e-02, v27;
	v26 =	vadd.f32 $2.554673130e-07, v28  }
0x210: {  	s5 =	simm.s32 $0x0  }
0x211: {  	[tilespmem:s5], [sflag:$0x1] =	stream.linear.gather [hbm4b:s14+s5], $0x2000, $0x38;
	[tilespmem:$0x8C00] =	vst v63  }
0x212: {  	_ = 	snop  }
0x213: {  	[tilespmem:s28], [sflag:$0x3] =	stream.linear.gather [hbm4b:s15+s5], $0x2000, $0x38;
	[tilespmem:$0x8C00] =	vst v63  }
0x214: {  	_ =	swait.ge [sflag:s0], $0x2000  }
0x215: {  	[sflag:s0] =	ssyncset.done $0x0  }
0x216: {  	[sflag:s0] =	ssyncadd.s32 $0xFFFFE000  }
0x217: {  	_ =	swait.ge [sflag:s2], $0x2000  }
0x218: {  	v23 =	vmul.f32 v23, v20;
	[sflag:s2] =	ssyncset.done $0x0  }
0x219: {  	vm5 =	vge.f32 v0, $0.0e+00;
	vm6 =	vge.f32 v0, $4.054652150e-01;
	s5 =	simm.s32 $0x0;
	[sflag:s2] =	ssyncadd.s32 $0xFFFFE000  }
0x21a: {  	v2 =	vadd.s32 v2, v25;
	v25 =	vmpcnt.ones.xlane vm4;
	v27 =	vadd.f32 $1.308334320e-01, v23;
	v23 =	vld [tilespmem:s5+$0x2000]  }
0x21b: {  	vm7 =	vge.f32 v0, $-2.197224620e+00;
	vm9 =	vge.f32 v0, $-8.472977870e-01;
	v49 =	vmpcnt.ones.xlane vm2  }
0x21c: {  	vm13 =	vge.f32 v1, $-8.472977870e-01;
	v3 =	vadd.f32 v26, v3;
	v26 =	vmul.f32 v27, v20  }
0x21d: {  	vm8 =	vge.f32 v0, $-1.386294360e+00;
	v34 =	vmpcnt.ones.xlane vm9;
	v54 =	vmpcnt.ones.xlane vm13  }
0x21e: {  	v17 =	vadd.s32 v17, v25;
	v0 =	vnsel vm7, $0x0, v3;
	v26 =	vadd.f32 $-2.231658700e-01, v26  }
0x21f: {  	v28 =	vnsel vm9, $0x0, v3;
	v29 =	vnsel vm3, $0x0, v3;
	v31 =	vand.u32 $0x7FFFFFFF, v23  }
0x220: {  	v30 =	vnsel vm1, $0x0, v3;
	v26 =	vmul.f32 v26, v20;
	v47 =	vsub.f32 $0.0e+00, v31  }
0x221: {  	v48 =	vnsel vm2, $0x0, v3;
	v32 =	vnsel vm5, $0x0, v3;
	v33 =	vnsel vm6, $0x0, v3  }
0x222: {  	v6 =	vadd.f32 v28, v6;
	v26 =	vadd.f32 $3.272257150e-01, v26;
	v28 =	vmul.f32 $1.442695020e+00, v47  }
0x223: {  	v35 =	vnsel vm8, $0x0, v3;
	v4 =	vadd.f32 v33, v4;
	v27 =	vnsel vm4, $0x0, v3  }
0x224: {  	v3 =	vadd.f32 v3, v11;
	v11 =	vmul.f32 v26, v20;
	(erf) = vpow2.f32 v28  }
0x225: {  	v13 =	vadd.s32 v13, v34;
	v5 =	vadd.f32 v48, v5;
	v7 =	vadd.f32 v0, v7  }
0x226: {  	v8 =	vadd.f32 v32, v8;
	v0 =	vmpcnt.ones.xlane vm8;
	v11 =	vadd.f32 $-4.992850420e-01, v11  }
0x227: {  	vm2 =	vge.f32 v1, $-4.054650960e-01;
	v12 =	vadd.f32 v30, v12;
	v9 =	vadd.f32 v35, v9  }
0x228: {  	v13 =	vadd.s32 v13, v54;
	v15 =	vadd.s32 v15, v0;
	v0 =	vmul.f32 v11, v20  }
0x229: {  	vm4 =	vge.f32 v1, $0.0e+00;
	v10 =	vadd.f32 v27, v10;
	v26 =	vmpcnt.ones.xlane vm7  }
0x22a: {  	v11 =	vadd.f32 v29, v16;
	v16 =	vmpcnt.ones.xlane vm3;
	v0 =	vadd.f32 $9.999670980e-01, v0  }
0x22b: {  	v27 =	vmpcnt.ones.xlane vm6;
	v14 =	vadd.s32 v14, v26;
	v26 =	vmpcnt.ones.xlane vm5  }
0x22c: {  	vm6 =	vge.f32 v1, $-2.197224620e+00;
	v16 =	vadd.s32 v18, v16;
	v0 =	vmul.f32 v0, v20  }
0x22d: {  	v18 =	vadd.s32 v19, v26;
	v19 =	vadd.s32 v21, v27;
	v21 =	vadd.s32 v22, v49;
	v20 =	vpop (erf)  }
0x22e: {  	v22 =	vmpcnt.ones.xlane vm1;
	v0 =	vadd.f32 $2.554673130e-07, v0;
	v25 =	vmul.f32 $1.000928970e-02, v20  }
0x22f: {  	s6 =	simm.s32 $0x10;
	v55 =	vmpcnt.ones.xlane vm6;
	vm7 =	vge.f32 v1, $-1.386294360e+00;
	vm15 =	vge.f32 v23, $-8.472977870e-01  }
0x230: {  	v2 =	vadd.s32 v2, v22;
	v22 =	vadd.f32 v0, v24;
	v0 =	vld [tilespmem:s6+$0x2000];
	v24 =	vadd.f32 $-5.243753640e-02, v25  }
0x231: {  	vm5 =	vmmov vm0;
	vm0 =	vge.f32 v1, $8.472977870e-01;
	v62 =	vmpcnt.ones.xlane vm15  }
0x232: {  	vm14 =	vge.f32 v23, $-1.386294360e+00;
	v14 =	vadd.s32 v14, v55;
	v24 =	vmul.f32 v24, v20  }
0x233: {  	vm3 =	vge.f32 v1, $4.054652150e-01;
	v13 =	vadd.s32 v13, v62;
	v27 =	vnsel vm13, $0x0, v22  }
0x234: {  	v6 =	vadd.f32 v27, v6;
	v27 =	vnsel vm0, $0x0, v22;
	v24 =	vadd.f32 $1.308334320e-01, v24  }
0x235: {  	v5 =	vadd.f32 v27, v5;
	v27 =	vadd.f32 v22, v3;
	v3 =	vand.u32 $0x7FFFFFFF, v0  }
0x236: {  	vm1 =	vge.f32 v1, $1.386294480e+00;
	v3 =	vsub.f32 $0.0e+00, v3;
	v24 =	vmul.f32 v24, v20  }
0x237: {  	v1 =	vnsel vm6, $0x0, v22;
	v26 =	vnsel vm5, $0x0, v22;
	v53 =	vnsel vm3, $0x0, v22  }
0x238: {  	v7 =	vadd.f32 v1, v7;
	v1 =	vmul.f32 $1.442695020e+00, v3;
	v24 =	vadd.f32 $-2.231658700e-01, v24  }
0x239: {  	v51 =	vnsel vm1, $0x0, v22;
	v52 =	vnsel vm4, $0x0, v22;
	v4 =	vadd.f32 v53, v4  }
0x23a: {  	v8 =	vadd.f32 v52, v8;
	(erf) = vpow2.f32 v1;
	v3 =	vmul.f32 v24, v20  }
0x23b: {  	v50 =	vnsel vm2, $0x0, v22;
	v12 =	vadd.f32 v51, v12;
	v10 =	vadd.f32 v26, v10  }
0x23c: {  	v25 =	vmpcnt.ones.xlane vm5;
	v1 =	vadd.f32 $3.272257150e-01, v3;
	v3 =	vmpcnt.ones.xlane vm2  }
0x23d: {  	v26 =	vmpcnt.ones.xlane vm3;
	vm3 =	vge.f32 v23, $-4.054650960e-01;
	v22 =	vnsel vm7, $0x0, v22  }
0x23e: {  	v17 =	vadd.s32 v17, v25;
	v1 =	vmul.f32 v1, v20;
	v25 =	vadd.s32 v16, v3;
	v3 =	vld [tilespmem:s6+$0x6000]  }
0x23f: {  	v9 =	vadd.f32 v22, v9;
	v26 =	vadd.s32 v19, v26;
	v24 =	vmpcnt.ones.xlane vm7  }
0x240: {  	vm5 =	vge.f32 v23, $0.0e+00;
	v16 =	vmpcnt.ones.xlane vm1;
	v1 =	vadd.f32 $-4.992850420e-01, v1  }
0x241: {  	v22 =	vld [tilespmem:s5+$0x6000];
	vm7 =	vge.f32 v23, $-2.197224620e+00;
	v15 =	vadd.s32 v15, v24;
	v24 =	vadd.f32 v50, v11  }
0x242: {  	v2 =	vadd.s32 v2, v16;
	v16 =	vsub.f32 $0.0e+00, v0;
	v1 =	vmul.f32 v1, v20  }
0x243: {  	v11 =	vmpcnt.ones.xlane vm4;
	v58 =	vpop (erf);
	vm2 =	vge.f32 v23, $8.472977870e-01;
	vm1 =	veq.s32 v3, $0x1  }
0x244: {  	v1 =	vadd.f32 $9.999670980e-01, v1;
	v3 =	vsel vm1, v0, v16;
	v16 =	vmul.f32 $1.000928970e-02, v58  }
0x245: {  	v56 =	vadd.s32 v18, v11;
	v11 =	vmpcnt.ones.xlane vm0;
	v18 =	vsub.f32 $0.0e+00, v23  }
0x246: {  	vm0 =	veq.s32 v22, $0x1;
	v1 =	vmul.f32 v1, v20;
	v16 =	vadd.f32 $-5.243753640e-02, v16  }
0x247: {  	v57 =	vadd.s32 v21, v11;
	v11 =	vsel vm0, v23, v18;
	vm0 =	vge.f32 v23, $2.197224380e+00  }
0x248: {  	s6 =	simm.s32 $0x20;
	vm0 =	vmmov vm0;
	v18 =	vadd.f32 $2.554673130e-07, v1;
	v16 =	vmul.f32 v16, v58  }
0x249: {  	vm4 =	vge.f32 v23, $4.054652150e-01;
	v11 =	vmax.f32 v11, $0.0e+00;
	vm6 =	vmmov vm0;
	v1 =	vld [tilespmem:s6+$0x2000]  }
0x24a: {  	vm1 =	vge.f32 v0, $2.197224380e+00;
	v11 =	vadd.f32 v18, v11;
	v16 =	vadd.f32 $1.308334320e-01, v16  }
0x24b: {  	v3 =	vmax.f32 v3, $0.0e+00;
	vm0 =	vmmov vm1;
	vm1 =	vge.f32 v23, $1.386294480e+00  }
0x24c: {  	v18 =	vmpcnt.ones.xlane vm6;
	v19 =	vnsel vm7, $0x0, v11;
	v16 =	vmul.f32 v16, v58  }
0x24d: {  	v20 =	vnsel vm6, $0x0, v11;
	v21 =	vnsel vm15, $0x0, v11;
	v22 =	vnsel vm3, $0x0, v11  }
0x24e: {  	v23 =	vnsel vm1, $0x0, v11;
	v59 =	vand.u32 $0x7FFFFFFF, v1;
	v16 =	vadd.f32 $-2.231658700e-01, v16  }
0x24f: {  	v6 =	vadd.f32 v21, v6;
	v21 =	vnsel vm2, $0x0, v11;
	v31 =	vsub.f32 $0.0e+00, v59  }
0x250: {  	v60 =	vnsel vm5, $0x0, v11;
	v5 =	vadd.f32 v21, v5;
	v21 =	vld [tilespmem:s6+$0x6000];
	v16 =	vmul.f32 v16, v58  }
0x251: {  	v61 =	vnsel vm4, $0x0, v11;
	v63 =	vnsel vm14, $0x0, v11;
	v31 =	vmul.f32 $1.442695020e+00, v31  }
0x252: {  	v17 =	vadd.s32 v17, v18;
	v4 =	vadd.f32 v61, v4;
	v16 =	vadd.f32 $3.272257150e-01, v16  }
0x253: {  	v7 =	vadd.f32 v19, v7;
	v19 =	vmpcnt.ones.xlane vm14;
	(erf) = vpow2.f32 v31  }
0x254: {  	v10 =	vadd.f32 v20, v10;
	v20 =	vsub.f32 $0.0e+00, v1;
	v16 =	vmul.f32 v16, v58  }
0x255: {  	v11 =	vadd.f32 v11, v27;
	v27 =	vmpcnt.ones.xlane vm7;
	vm6 =	veq.s32 v21, $0x1  }
0x256: {  	v15 =	vadd.s32 v15, v19;
	v19 =	vsel vm6, v1, v20;
	v20 =	vadd.f32 $-4.992850420e-01, v16  }
0x257: {  	v8 =	vadd.f32 v60, v8;
	v12 =	vadd.f32 v23, v12;
	v23 =	vmpcnt.ones.xlane vm4  }
0x258: {  	v9 =	vadd.f32 v63, v9;
	v21 =	vmpcnt.ones.xlane vm3;
	v20 =	vmul.f32 v20, v58  }
0x259: {  	vm4 =	vmmov vm0;
	v14 =	vadd.s32 v14, v27;
	vm3 =	vge.f32 v0, $-4.054650960e-01  }
0x25a: {  	v18 =	vadd.s32 v25, v21;
	v25 =	vmpcnt.ones.xlane vm2;
	vm2 =	vge.f32 v1, $2.197224380e+00  }
0x25b: {  	v21 =	vadd.s32 v26, v23;
	v16 =	vadd.f32 v22, v24;
	v27 =	vadd.f32 $9.999670980e-01, v20  }
0x25c: {  	v22 =	vmpcnt.ones.xlane vm5;
	v24 =	vmax.f32 v19, $0.0e+00;
	vm0 =	vmmov vm2;
	v20 =	vpop (erf)  }
0x25d: {  	vm2 =	vge.f32 v0, $8.472977870e-01;
	v26 =	vmul.f32 v27, v58;
	v23 =	vmul.f32 $1.000928970e-02, v20  }
0x25e: {  	s5 =	simm.s32 $0xC0;
	v19 =	vadd.s32 v56, v22;
	v22 =	vadd.s32 v57, v25;
	v25 =	vmpcnt.ones.xlane vm1  }
0x25f: {  	vm1 =	vge.f32 v0, $1.386294480e+00;
	v26 =	vadd.f32 $2.554673130e-07, v26;
	v23 =	vadd.f32 $-5.243753640e-02, v23  }
.LBB2_12:
0x260: {  	s6 =	sshra.s32 s5, $0x2;
	p0 =	sne.s32 s5, $0x7FC0;
	s5 =	sadd.s32 $0x40, s5;
	vm6 =	vge.f32 v0, $0.0e+00;
	vm5 =	vge.f32 v0, $4.054652150e-01;
	v2 =	vadd.s32 v2, v25  }
0x261: {  	v27 =	vmpcnt.ones.xlane vm4;
	v25 =	vld [tilespmem:s6+$0x2000];
	v23 =	vmul.f32 v23, v20;
	v26 =	vadd.f32 v26, v3;
	v3 =	vmovc v24  }
0x262: {  	vm8 =	vge.f32 v0, $-2.197224620e+00;
	vm7 =	vge.f32 v0, $-1.386294360e+00;
	vm9 =	vge.f32 v0, $-8.472977870e-01;
	v0 =	vmovc v1  }
0x263: {  	v35 =	vadd.f32 $1.308334320e-01, v23;
	v23 =	vnsel vm8, $0x0, v26;
	v24 =	vnsel vm4, $0x0, v26  }
0x264: {  	v28 =	vnsel vm9, $0x0, v26;
	v29 =	vnsel vm3, $0x0, v26;
	v30 =	vnsel vm1, $0x0, v26  }
0x265: {  	v6 =	vadd.f32 v28, v6;
	v28 =	vnsel vm2, $0x0, v26;
	v31 =	vmul.f32 v35, v20  }
0x266: {  	v33 =	vnsel vm6, $0x0, v26;
	v34 =	vnsel vm5, $0x0, v26;
	v32 =	vand.u32 $0x7FFFFFFF, v25;
	v1 =	vmovc v25  }
0x267: {  	v25 =	vsub.f32 $0.0e+00, v32;
	v31 =	vadd.f32 $-2.231658700e-01, v31;
	v32 =	vmpcnt.ones.xlane vm9  }
0x268: {  	v4 =	vadd.f32 v34, v4;
	v35 =	vnsel vm7, $0x0, v26;
	v5 =	vadd.f32 v28, v5  }
0x269: {  	v11 =	vadd.f32 v26, v11;
	v28 =	vld [tilespmem:s6+$0x6000];
	v25 =	vmul.f32 $1.442695020e+00, v25;
	v31 =	vmul.f32 v31, v20  }
0x26a: {  	v7 =	vadd.f32 v23, v7;
	v8 =	vadd.f32 v33, v8;
	v26 =	vmpcnt.ones.xlane vm8  }
0x26b: {  	v12 =	vadd.f32 v30, v12;
	(erf) = vpow2.f32 v25;
	v23 =	vadd.f32 $3.272257150e-01, v31  }
0x26c: {  	v10 =	vadd.f32 v24, v10;
	v9 =	vadd.f32 v35, v9;
	v25 =	vmpcnt.ones.xlane vm7  }
0x26d: {  	v24 =	vsub.f32 $0.0e+00, v1;
	v13 =	vadd.s32 v13, v32;
	v23 =	vmul.f32 v23, v20  }
0x26e: {  	v14 =	vadd.s32 v14, v26;
	v15 =	vadd.s32 v15, v25;
	vm4 =	veq.s32 v28, $0x1  }
0x26f: {  	v16 =	vadd.f32 v29, v16;
	v24 =	vsel vm4, v1, v24;
	v23 =	vadd.f32 $-4.992850420e-01, v23  }
0x270: {  	v26 =	vmpcnt.ones.xlane vm6;
	v25 =	vmpcnt.ones.xlane vm3;
	v24 =	vmax.f32 v24, $0.0e+00  }
0x271: {  	v17 =	vadd.s32 v17, v27;
	v28 =	vmpcnt.ones.xlane vm5;
	v23 =	vmul.f32 v23, v20  }
0x272: {  	v19 =	vadd.s32 v19, v26;
	v18 =	vadd.s32 v18, v25;
	v25 =	vmpcnt.ones.xlane vm2  }
.Ltmp5:
0x273: {  	vm2 =	vge.f32 v1, $2.197224380e+00;
	v21 =	vadd.s32 v21, v28;
	v23 =	vadd.f32 $9.999670980e-01, v23;
	(pc) =	sbr.rel @p0 .LBB2_12-.Ltmp5, $4  }
0x274: {  	vm4 =	vmmov vm0;
	vm0 =	vmmov vm2;
	v22 =	vadd.s32 v22, v25;
	v26 =	vpop (erf)  }
0x275: {  	v27 =	vmul.f32 $1.000928970e-02, v26;
	v28 =	vmul.f32 v23, v20;
	v20 =	vmov v26  }
0x276: {  	vm3 =	vge.f32 v0, $-4.054650960e-01;
	vm2 =	vge.f32 v0, $8.472977870e-01;
	v25 =	vmpcnt.ones.xlane vm1  }
0x277: {  	vm1 =	vge.f32 v0, $1.386294480e+00;
	v23 =	vadd.f32 $-5.243753640e-02, v27;
	v26 =	vadd.f32 $2.554673130e-07, v28  }
0x278: {  	s5 =	simm.s32 $0x0  }
0x279: {  	[tilespmem:s29], [sflag:$0x2] =	stream.linear.gather [hbm4b:s16+s5], $0x2000, $0x38;
	[tilespmem:$0x8C00] =	vst v63  }
0x27a: {  	_ = 	snop  }
0x27b: {  	[tilespmem:s30], [sflag:$0x4] =	stream.linear.gather [hbm4b:s17+s5], $0x2000, $0x38;
	[tilespmem:$0x8C00] =	vst v63  }
0x27c: {  	_ =	swait.ge [sflag:s31], $0x2000  }
0x27d: {  	[sflag:s31] =	ssyncset.done $0x0  }
0x27e: {  	[sflag:s31] =	ssyncadd.s32 $0xFFFFE000  }
0x27f: {  	_ =	swait.ge [sflag:s18], $0x2000  }
0x280: {  	v23 =	vmul.f32 v23, v20;
	[sflag:s18] =	ssyncset.done $0x0  }
0x281: {  	vm5 =	vge.f32 v0, $0.0e+00;
	vm6 =	vge.f32 v0, $4.054652150e-01;
	s5 =	simm.s32 $0x0;
	[sflag:s18] =	ssyncadd.s32 $0xFFFFE000  }
0x282: {  	v2 =	vadd.s32 v2, v25;
	v25 =	vmpcnt.ones.xlane vm4;
	v27 =	vadd.f32 $1.308334320e-01, v23;
	v23 =	vld [tilespmem:s5+$0x0]  }
0x283: {  	vm7 =	vge.f32 v0, $-2.197224620e+00;
	vm9 =	vge.f32 v0, $-8.472977870e-01;
	v49 =	vmpcnt.ones.xlane vm2  }
0x284: {  	vm13 =	vge.f32 v1, $-8.472977870e-01;
	v3 =	vadd.f32 v26, v3;
	v26 =	vmul.f32 v27, v20  }
0x285: {  	vm8 =	vge.f32 v0, $-1.386294360e+00;
	v34 =	vmpcnt.ones.xlane vm9;
	v54 =	vmpcnt.ones.xlane vm13  }
0x286: {  	v17 =	vadd.s32 v17, v25;
	v0 =	vnsel vm7, $0x0, v3;
	v26 =	vadd.f32 $-2.231658700e-01, v26  }
0x287: {  	v28 =	vnsel vm9, $0x0, v3;
	v29 =	vnsel vm3, $0x0, v3;
	v31 =	vand.u32 $0x7FFFFFFF, v23  }
0x288: {  	v30 =	vnsel vm1, $0x0, v3;
	v26 =	vmul.f32 v26, v20;
	v47 =	vsub.f32 $0.0e+00, v31  }
0x289: {  	v48 =	vnsel vm2, $0x0, v3;
	v32 =	vnsel vm5, $0x0, v3;
	v33 =	vnsel vm6, $0x0, v3  }
0x28a: {  	v6 =	vadd.f32 v28, v6;
	v26 =	vadd.f32 $3.272257150e-01, v26;
	v28 =	vmul.f32 $1.442695020e+00, v47  }
0x28b: {  	v35 =	vnsel vm8, $0x0, v3;
	v4 =	vadd.f32 v33, v4;
	v27 =	vnsel vm4, $0x0, v3  }
0x28c: {  	v3 =	vadd.f32 v3, v11;
	v11 =	vmul.f32 v26, v20;
	(erf) = vpow2.f32 v28  }
0x28d: {  	v13 =	vadd.s32 v13, v34;
	v5 =	vadd.f32 v48, v5;
	v7 =	vadd.f32 v0, v7  }
0x28e: {  	v8 =	vadd.f32 v32, v8;
	v0 =	vmpcnt.ones.xlane vm8;
	v11 =	vadd.f32 $-4.992850420e-01, v11  }
0x28f: {  	vm2 =	vge.f32 v1, $-4.054650960e-01;
	v12 =	vadd.f32 v30, v12;
	v9 =	vadd.f32 v35, v9  }
0x290: {  	v13 =	vadd.s32 v13, v54;
	v15 =	vadd.s32 v15, v0;
	v0 =	vmul.f32 v11, v20  }
0x291: {  	vm4 =	vge.f32 v1, $0.0e+00;
	v10 =	vadd.f32 v27, v10;
	v26 =	vmpcnt.ones.xlane vm7  }
0x292: {  	v11 =	vadd.f32 v29, v16;
	v16 =	vmpcnt.ones.xlane vm3;
	v0 =	vadd.f32 $9.999670980e-01, v0  }
0x293: {  	v27 =	vmpcnt.ones.xlane vm6;
	v14 =	vadd.s32 v14, v26;
	v26 =	vmpcnt.ones.xlane vm5  }
0x294: {  	vm6 =	vge.f32 v1, $-2.197224620e+00;
	v16 =	vadd.s32 v18, v16;
	v0 =	vmul.f32 v0, v20  }
0x295: {  	v18 =	vadd.s32 v19, v26;
	v19 =	vadd.s32 v21, v27;
	v21 =	vadd.s32 v22, v49;
	v20 =	vpop (erf)  }
0x296: {  	v22 =	vmpcnt.ones.xlane vm1;
	v0 =	vadd.f32 $2.554673130e-07, v0;
	v25 =	vmul.f32 $1.000928970e-02, v20  }
0x297: {  	s6 =	simm.s32 $0x10;
	v55 =	vmpcnt.ones.xlane vm6;
	vm7 =	vge.f32 v1, $-1.386294360e+00;
	vm15 =	vge.f32 v23, $-8.472977870e-01  }
0x298: {  	v2 =	vadd.s32 v2, v22;
	v22 =	vadd.f32 v0, v24;
	v0 =	vld [tilespmem:s6+$0x0];
	v24 =	vadd.f32 $-5.243753640e-02, v25  }
0x299: {  	vm5 =	vmmov vm0;
	vm0 =	vge.f32 v1, $8.472977870e-01;
	v62 =	vmpcnt.ones.xlane vm15  }
0x29a: {  	vm14 =	vge.f32 v23, $-1.386294360e+00;
	v14 =	vadd.s32 v14, v55;
	v24 =	vmul.f32 v24, v20  }
0x29b: {  	vm3 =	vge.f32 v1, $4.054652150e-01;
	v13 =	vadd.s32 v13, v62;
	v27 =	vnsel vm13, $0x0, v22  }
0x29c: {  	v6 =	vadd.f32 v27, v6;
	v27 =	vnsel vm0, $0x0, v22;
	v24 =	vadd.f32 $1.308334320e-01, v24  }
0x29d: {  	v5 =	vadd.f32 v27, v5;
	v27 =	vadd.f32 v22, v3;
	v3 =	vand.u32 $0x7FFFFFFF, v0  }
0x29e: {  	vm1 =	vge.f32 v1, $1.386294480e+00;
	v3 =	vsub.f32 $0.0e+00, v3;
	v24 =	vmul.f32 v24, v20  }
0x29f: {  	v1 =	vnsel vm6, $0x0, v22;
	v26 =	vnsel vm5, $0x0, v22;
	v53 =	vnsel vm3, $0x0, v22  }
0x2a0: {  	v7 =	vadd.f32 v1, v7;
	v1 =	vmul.f32 $1.442695020e+00, v3;
	v24 =	vadd.f32 $-2.231658700e-01, v24  }
0x2a1: {  	v51 =	vnsel vm1, $0x0, v22;
	v52 =	vnsel vm4, $0x0, v22;
	v4 =	vadd.f32 v53, v4  }
0x2a2: {  	v8 =	vadd.f32 v52, v8;
	(erf) = vpow2.f32 v1;
	v3 =	vmul.f32 v24, v20  }
0x2a3: {  	v50 =	vnsel vm2, $0x0, v22;
	v12 =	vadd.f32 v51, v12;
	v10 =	vadd.f32 v26, v10  }
0x2a4: {  	v25 =	vmpcnt.ones.xlane vm5;
	v1 =	vadd.f32 $3.272257150e-01, v3;
	v3 =	vmpcnt.ones.xlane vm2  }
0x2a5: {  	v26 =	vmpcnt.ones.xlane vm3;
	vm3 =	vge.f32 v23, $-4.054650960e-01;
	v22 =	vnsel vm7, $0x0, v22  }
0x2a6: {  	v17 =	vadd.s32 v17, v25;
	v1 =	vmul.f32 v1, v20;
	v25 =	vadd.s32 v16, v3;
	v3 =	vld [tilespmem:s6+$0x4000]  }
0x2a7: {  	v9 =	vadd.f32 v22, v9;
	v26 =	vadd.s32 v19, v26;
	v24 =	vmpcnt.ones.xlane vm7  }
0x2a8: {  	vm5 =	vge.f32 v23, $0.0e+00;
	v16 =	vmpcnt.ones.xlane vm1;
	v1 =	vadd.f32 $-4.992850420e-01, v1  }
0x2a9: {  	v22 =	vld [tilespmem:s5+$0x4000];
	vm7 =	vge.f32 v23, $-2.197224620e+00;
	v15 =	vadd.s32 v15, v24;
	v24 =	vadd.f32 v50, v11  }
0x2aa: {  	v2 =	vadd.s32 v2, v16;
	v16 =	vsub.f32 $0.0e+00, v0;
	v1 =	vmul.f32 v1, v20  }
0x2ab: {  	v11 =	vmpcnt.ones.xlane vm4;
	v58 =	vpop (erf);
	vm2 =	vge.f32 v23, $8.472977870e-01;
	vm1 =	veq.s32 v3, $0x1  }
0x2ac: {  	v1 =	vadd.f32 $9.999670980e-01, v1;
	v3 =	vsel vm1, v0, v16;
	v16 =	vmul.f32 $1.000928970e-02, v58  }
0x2ad: {  	v56 =	vadd.s32 v18, v11;
	v11 =	vmpcnt.ones.xlane vm0;
	v18 =	vsub.f32 $0.0e+00, v23  }
0x2ae: {  	vm0 =	veq.s32 v22, $0x1;
	v1 =	vmul.f32 v1, v20;
	v16 =	vadd.f32 $-5.243753640e-02, v16  }
0x2af: {  	v57 =	vadd.s32 v21, v11;
	v11 =	vsel vm0, v23, v18;
	vm0 =	vge.f32 v23, $2.197224380e+00  }
0x2b0: {  	s6 =	simm.s32 $0x20;
	vm0 =	vmmov vm0;
	v18 =	vadd.f32 $2.554673130e-07, v1;
	v16 =	vmul.f32 v16, v58  }
0x2b1: {  	vm4 =	vge.f32 v23, $4.054652150e-01;
	v11 =	vmax.f32 v11, $0.0e+00;
	vm6 =	vmmov vm0;
	v1 =	vld [tilespmem:s6+$0x0]  }
0x2b2: {  	vm1 =	vge.f32 v0, $2.197224380e+00;
	v11 =	vadd.f32 v18, v11;
	v16 =	vadd.f32 $1.308334320e-01, v16  }
0x2b3: {  	v3 =	vmax.f32 v3, $0.0e+00;
	vm0 =	vmmov vm1;
	vm1 =	vge.f32 v23, $1.386294480e+00  }
0x2b4: {  	v18 =	vmpcnt.ones.xlane vm6;
	v19 =	vnsel vm7, $0x0, v11;
	v16 =	vmul.f32 v16, v58  }
0x2b5: {  	v20 =	vnsel vm6, $0x0, v11;
	v21 =	vnsel vm15, $0x0, v11;
	v22 =	vnsel vm3, $0x0, v11  }
0x2b6: {  	v23 =	vnsel vm1, $0x0, v11;
	v59 =	vand.u32 $0x7FFFFFFF, v1;
	v16 =	vadd.f32 $-2.231658700e-01, v16  }
0x2b7: {  	v6 =	vadd.f32 v21, v6;
	v21 =	vnsel vm2, $0x0, v11;
	v31 =	vsub.f32 $0.0e+00, v59  }
0x2b8: {  	v60 =	vnsel vm5, $0x0, v11;
	v5 =	vadd.f32 v21, v5;
	v21 =	vld [tilespmem:s6+$0x4000];
	v16 =	vmul.f32 v16, v58  }
0x2b9: {  	v61 =	vnsel vm4, $0x0, v11;
	v63 =	vnsel vm14, $0x0, v11;
	v31 =	vmul.f32 $1.442695020e+00, v31  }
0x2ba: {  	v17 =	vadd.s32 v17, v18;
	v4 =	vadd.f32 v61, v4;
	v16 =	vadd.f32 $3.272257150e-01, v16  }
0x2bb: {  	v7 =	vadd.f32 v19, v7;
	v19 =	vmpcnt.ones.xlane vm14;
	(erf) = vpow2.f32 v31  }
0x2bc: {  	v10 =	vadd.f32 v20, v10;
	v20 =	vsub.f32 $0.0e+00, v1;
	v16 =	vmul.f32 v16, v58  }
0x2bd: {  	v11 =	vadd.f32 v11, v27;
	v27 =	vmpcnt.ones.xlane vm7;
	vm6 =	veq.s32 v21, $0x1  }
0x2be: {  	v15 =	vadd.s32 v15, v19;
	v19 =	vsel vm6, v1, v20;
	v20 =	vadd.f32 $-4.992850420e-01, v16  }
0x2bf: {  	v8 =	vadd.f32 v60, v8;
	v12 =	vadd.f32 v23, v12;
	v23 =	vmpcnt.ones.xlane vm4  }
0x2c0: {  	v9 =	vadd.f32 v63, v9;
	v21 =	vmpcnt.ones.xlane vm3;
	v20 =	vmul.f32 v20, v58  }
0x2c1: {  	vm4 =	vmmov vm0;
	v14 =	vadd.s32 v14, v27;
	vm3 =	vge.f32 v0, $-4.054650960e-01  }
0x2c2: {  	v18 =	vadd.s32 v25, v21;
	v25 =	vmpcnt.ones.xlane vm2;
	vm2 =	vge.f32 v1, $2.197224380e+00  }
0x2c3: {  	v21 =	vadd.s32 v26, v23;
	v16 =	vadd.f32 v22, v24;
	v27 =	vadd.f32 $9.999670980e-01, v20  }
0x2c4: {  	v22 =	vmpcnt.ones.xlane vm5;
	v24 =	vmax.f32 v19, $0.0e+00;
	vm0 =	vmmov vm2;
	v20 =	vpop (erf)  }
0x2c5: {  	vm2 =	vge.f32 v0, $8.472977870e-01;
	v26 =	vmul.f32 v27, v58;
	v23 =	vmul.f32 $1.000928970e-02, v20  }
0x2c6: {  	s5 =	simm.s32 $0xC0;
	v19 =	vadd.s32 v56, v22;
	v22 =	vadd.s32 v57, v25;
	v25 =	vmpcnt.ones.xlane vm1  }
0x2c7: {  	vm1 =	vge.f32 v0, $1.386294480e+00;
	v26 =	vadd.f32 $2.554673130e-07, v26;
	v23 =	vadd.f32 $-5.243753640e-02, v23  }
.LBB2_14:
0x2c8: {  	s6 =	sshra.s32 s5, $0x2;
	p0 =	sne.s32 s5, $0x7FC0;
	s5 =	sadd.s32 $0x40, s5;
	vm6 =	vge.f32 v0, $0.0e+00;
	vm5 =	vge.f32 v0, $4.054652150e-01;
	v2 =	vadd.s32 v2, v25  }
0x2c9: {  	v27 =	vmpcnt.ones.xlane vm4;
	v25 =	vld [tilespmem:s6+$0x0];
	v23 =	vmul.f32 v23, v20;
	v26 =	vadd.f32 v26, v3;
	v3 =	vmovc v24  }
0x2ca: {  	vm8 =	vge.f32 v0, $-2.197224620e+00;
	vm7 =	vge.f32 v0, $-1.386294360e+00;
	vm9 =	vge.f32 v0, $-8.472977870e-01;
	v0 =	vmovc v1  }
0x2cb: {  	v35 =	vadd.f32 $1.308334320e-01, v23;
	v23 =	vnsel vm8, $0x0, v26;
	v24 =	vnsel vm4, $0x0, v26  }
0x2cc: {  	v28 =	vnsel vm9, $0x0, v26;
	v29 =	vnsel vm3, $0x0, v26;
	v30 =	vnsel vm1, $0x0, v26  }
0x2cd: {  	v6 =	vadd.f32 v28, v6;
	v28 =	vnsel vm2, $0x0, v26;
	v31 =	vmul.f32 v35, v20  }
0x2ce: {  	v33 =	vnsel vm6, $0x0, v26;
	v34 =	vnsel vm5, $0x0, v26;
	v32 =	vand.u32 $0x7FFFFFFF, v25;
	v1 =	vmovc v25  }
0x2cf: {  	v25 =	vsub.f32 $0.0e+00, v32;
	v31 =	vadd.f32 $-2.231658700e-01, v31;
	v32 =	vmpcnt.ones.xlane vm9  }
0x2d0: {  	v4 =	vadd.f32 v34, v4;
	v35 =	vnsel vm7, $0x0, v26;
	v5 =	vadd.f32 v28, v5  }
0x2d1: {  	v11 =	vadd.f32 v26, v11;
	v28 =	vld [tilespmem:s6+$0x4000];
	v25 =	vmul.f32 $1.442695020e+00, v25;
	v31 =	vmul.f32 v31, v20  }
0x2d2: {  	v7 =	vadd.f32 v23, v7;
	v8 =	vadd.f32 v33, v8;
	v26 =	vmpcnt.ones.xlane vm8  }
0x2d3: {  	v12 =	vadd.f32 v30, v12;
	(erf) = vpow2.f32 v25;
	v23 =	vadd.f32 $3.272257150e-01, v31  }
0x2d4: {  	v10 =	vadd.f32 v24, v10;
	v9 =	vadd.f32 v35, v9;
	v25 =	vmpcnt.ones.xlane vm7  }
0x2d5: {  	v24 =	vsub.f32 $0.0e+00, v1;
	v13 =	vadd.s32 v13, v32;
	v23 =	vmul.f32 v23, v20  }
0x2d6: {  	v14 =	vadd.s32 v14, v26;
	v15 =	vadd.s32 v15, v25;
	vm4 =	veq.s32 v28, $0x1  }
0x2d7: {  	v16 =	vadd.f32 v29, v16;
	v24 =	vsel vm4, v1, v24;
	v23 =	vadd.f32 $-4.992850420e-01, v23  }
0x2d8: {  	v26 =	vmpcnt.ones.xlane vm6;
	v25 =	vmpcnt.ones.xlane vm3;
	v24 =	vmax.f32 v24, $0.0e+00  }
0x2d9: {  	v17 =	vadd.s32 v17, v27;
	v28 =	vmpcnt.ones.xlane vm5;
	v23 =	vmul.f32 v23, v20  }
0x2da: {  	v19 =	vadd.s32 v19, v26;
	v18 =	vadd.s32 v18, v25;
	v25 =	vmpcnt.ones.xlane vm2  }
.Ltmp6:
0x2db: {  	vm2 =	vge.f32 v1, $2.197224380e+00;
	v21 =	vadd.s32 v21, v28;
	v23 =	vadd.f32 $9.999670980e-01, v23;
	(pc) =	sbr.rel @p0 .LBB2_14-.Ltmp6, $4  }
0x2dc: {  	vm4 =	vmmov vm0;
	vm0 =	vmmov vm2;
	v22 =	vadd.s32 v22, v25;
	v26 =	vpop (erf)  }
0x2dd: {  	v27 =	vmul.f32 $1.000928970e-02, v26;
	v28 =	vmul.f32 v23, v20;
	v20 =	vmov v26  }
0x2de: {  	vm3 =	vge.f32 v0, $-4.054650960e-01;
	vm2 =	vge.f32 v0, $8.472977870e-01;
	v25 =	vmpcnt.ones.xlane vm1  }
0x2df: {  	vm1 =	vge.f32 v0, $1.386294480e+00;
	v23 =	vadd.f32 $-5.243753640e-02, v27;
	v26 =	vadd.f32 $2.554673130e-07, v28  }
0x2e0: {  	s5 =	simm.s32 $0x0  }
0x2e1: {  	[tilespmem:s5], [sflag:$0x1] =	stream.linear.gather [hbm4b:s19+s5], $0x2000, $0x38;
	[tilespmem:$0x8C00] =	vst v63  }
0x2e2: {  	_ = 	snop  }
0x2e3: {  	[tilespmem:s28], [sflag:$0x3] =	stream.linear.gather [hbm4b:s20+s5], $0x2000, $0x38;
	[tilespmem:$0x8C00] =	vst v63  }
0x2e4: {  	_ =	swait.ge [sflag:s0], $0x2000  }
0x2e5: {  	[sflag:s0] =	ssyncset.done $0x0  }
0x2e6: {  	[sflag:s0] =	ssyncadd.s32 $0xFFFFE000  }
0x2e7: {  	_ =	swait.ge [sflag:s2], $0x2000  }
0x2e8: {  	v23 =	vmul.f32 v23, v20;
	[sflag:s2] =	ssyncset.done $0x0  }
0x2e9: {  	vm5 =	vge.f32 v0, $0.0e+00;
	vm6 =	vge.f32 v0, $4.054652150e-01;
	s5 =	simm.s32 $0x0;
	[sflag:s2] =	ssyncadd.s32 $0xFFFFE000  }
0x2ea: {  	v2 =	vadd.s32 v2, v25;
	v25 =	vmpcnt.ones.xlane vm4;
	v27 =	vadd.f32 $1.308334320e-01, v23;
	v23 =	vld [tilespmem:s5+$0x2000]  }
0x2eb: {  	vm7 =	vge.f32 v0, $-2.197224620e+00;
	vm9 =	vge.f32 v0, $-8.472977870e-01;
	v49 =	vmpcnt.ones.xlane vm2  }
0x2ec: {  	vm13 =	vge.f32 v1, $-8.472977870e-01;
	v3 =	vadd.f32 v26, v3;
	v26 =	vmul.f32 v27, v20  }
0x2ed: {  	vm8 =	vge.f32 v0, $-1.386294360e+00;
	v34 =	vmpcnt.ones.xlane vm9;
	v54 =	vmpcnt.ones.xlane vm13  }
0x2ee: {  	v17 =	vadd.s32 v17, v25;
	v0 =	vnsel vm7, $0x0, v3;
	v26 =	vadd.f32 $-2.231658700e-01, v26  }
0x2ef: {  	v28 =	vnsel vm9, $0x0, v3;
	v29 =	vnsel vm3, $0x0, v3;
	v31 =	vand.u32 $0x7FFFFFFF, v23  }
0x2f0: {  	v30 =	vnsel vm1, $0x0, v3;
	v26 =	vmul.f32 v26, v20;
	v47 =	vsub.f32 $0.0e+00, v31  }
0x2f1: {  	v48 =	vnsel vm2, $0x0, v3;
	v32 =	vnsel vm5, $0x0, v3;
	v33 =	vnsel vm6, $0x0, v3  }
0x2f2: {  	v6 =	vadd.f32 v28, v6;
	v26 =	vadd.f32 $3.272257150e-01, v26;
	v28 =	vmul.f32 $1.442695020e+00, v47  }
0x2f3: {  	v35 =	vnsel vm8, $0x0, v3;
	v4 =	vadd.f32 v33, v4;
	v27 =	vnsel vm4, $0x0, v3  }
0x2f4: {  	v3 =	vadd.f32 v3, v11;
	v11 =	vmul.f32 v26, v20;
	(erf) = vpow2.f32 v28  }
0x2f5: {  	v13 =	vadd.s32 v13, v34;
	v5 =	vadd.f32 v48, v5;
	v7 =	vadd.f32 v0, v7  }
0x2f6: {  	v8 =	vadd.f32 v32, v8;
	v0 =	vmpcnt.ones.xlane vm8;
	v11 =	vadd.f32 $-4.992850420e-01, v11  }
0x2f7: {  	vm2 =	vge.f32 v1, $-4.054650960e-01;
	v12 =	vadd.f32 v30, v12;
	v9 =	vadd.f32 v35, v9  }
0x2f8: {  	v13 =	vadd.s32 v13, v54;
	v15 =	vadd.s32 v15, v0;
	v0 =	vmul.f32 v11, v20  }
0x2f9: {  	vm4 =	vge.f32 v1, $0.0e+00;
	v10 =	vadd.f32 v27, v10;
	v26 =	vmpcnt.ones.xlane vm7  }
0x2fa: {  	v11 =	vadd.f32 v29, v16;
	v16 =	vmpcnt.ones.xlane vm3;
	v0 =	vadd.f32 $9.999670980e-01, v0  }
0x2fb: {  	v27 =	vmpcnt.ones.xlane vm6;
	v14 =	vadd.s32 v14, v26;
	v26 =	vmpcnt.ones.xlane vm5  }
0x2fc: {  	vm6 =	vge.f32 v1, $-2.197224620e+00;
	v16 =	vadd.s32 v18, v16;
	v0 =	vmul.f32 v0, v20  }
0x2fd: {  	v18 =	vadd.s32 v19, v26;
	v19 =	vadd.s32 v21, v27;
	v21 =	vadd.s32 v22, v49;
	v20 =	vpop (erf)  }
0x2fe: {  	v22 =	vmpcnt.ones.xlane vm1;
	v0 =	vadd.f32 $2.554673130e-07, v0;
	v25 =	vmul.f32 $1.000928970e-02, v20  }
0x2ff: {  	s6 =	simm.s32 $0x10;
	v55 =	vmpcnt.ones.xlane vm6;
	vm7 =	vge.f32 v1, $-1.386294360e+00;
	vm15 =	vge.f32 v23, $-8.472977870e-01  }
0x300: {  	v2 =	vadd.s32 v2, v22;
	v22 =	vadd.f32 v0, v24;
	v0 =	vld [tilespmem:s6+$0x2000];
	v24 =	vadd.f32 $-5.243753640e-02, v25  }
0x301: {  	vm5 =	vmmov vm0;
	vm0 =	vge.f32 v1, $8.472977870e-01;
	v62 =	vmpcnt.ones.xlane vm15  }
0x302: {  	vm14 =	vge.f32 v23, $-1.386294360e+00;
	v14 =	vadd.s32 v14, v55;
	v24 =	vmul.f32 v24, v20  }
0x303: {  	vm3 =	vge.f32 v1, $4.054652150e-01;
	v13 =	vadd.s32 v13, v62;
	v27 =	vnsel vm13, $0x0, v22  }
0x304: {  	v6 =	vadd.f32 v27, v6;
	v27 =	vnsel vm0, $0x0, v22;
	v24 =	vadd.f32 $1.308334320e-01, v24  }
0x305: {  	v5 =	vadd.f32 v27, v5;
	v27 =	vadd.f32 v22, v3;
	v3 =	vand.u32 $0x7FFFFFFF, v0  }
0x306: {  	vm1 =	vge.f32 v1, $1.386294480e+00;
	v3 =	vsub.f32 $0.0e+00, v3;
	v24 =	vmul.f32 v24, v20  }
0x307: {  	v1 =	vnsel vm6, $0x0, v22;
	v26 =	vnsel vm5, $0x0, v22;
	v53 =	vnsel vm3, $0x0, v22  }
0x308: {  	v7 =	vadd.f32 v1, v7;
	v1 =	vmul.f32 $1.442695020e+00, v3;
	v24 =	vadd.f32 $-2.231658700e-01, v24  }
0x309: {  	v51 =	vnsel vm1, $0x0, v22;
	v52 =	vnsel vm4, $0x0, v22;
	v4 =	vadd.f32 v53, v4  }
0x30a: {  	v8 =	vadd.f32 v52, v8;
	(erf) = vpow2.f32 v1;
	v3 =	vmul.f32 v24, v20  }
0x30b: {  	v50 =	vnsel vm2, $0x0, v22;
	v12 =	vadd.f32 v51, v12;
	v10 =	vadd.f32 v26, v10  }
0x30c: {  	v25 =	vmpcnt.ones.xlane vm5;
	v1 =	vadd.f32 $3.272257150e-01, v3;
	v3 =	vmpcnt.ones.xlane vm2  }
0x30d: {  	v26 =	vmpcnt.ones.xlane vm3;
	vm3 =	vge.f32 v23, $-4.054650960e-01;
	v22 =	vnsel vm7, $0x0, v22  }
0x30e: {  	v17 =	vadd.s32 v17, v25;
	v1 =	vmul.f32 v1, v20;
	v25 =	vadd.s32 v16, v3;
	v3 =	vld [tilespmem:s6+$0x6000]  }
0x30f: {  	v9 =	vadd.f32 v22, v9;
	v26 =	vadd.s32 v19, v26;
	v24 =	vmpcnt.ones.xlane vm7  }
0x310: {  	vm5 =	vge.f32 v23, $0.0e+00;
	v16 =	vmpcnt.ones.xlane vm1;
	v1 =	vadd.f32 $-4.992850420e-01, v1  }
0x311: {  	v22 =	vld [tilespmem:s5+$0x6000];
	vm7 =	vge.f32 v23, $-2.197224620e+00;
	v15 =	vadd.s32 v15, v24;
	v24 =	vadd.f32 v50, v11  }
0x312: {  	v2 =	vadd.s32 v2, v16;
	v16 =	vsub.f32 $0.0e+00, v0;
	v1 =	vmul.f32 v1, v20  }
0x313: {  	v11 =	vmpcnt.ones.xlane vm4;
	v58 =	vpop (erf);
	vm2 =	vge.f32 v23, $8.472977870e-01;
	vm1 =	veq.s32 v3, $0x1  }
0x314: {  	v1 =	vadd.f32 $9.999670980e-01, v1;
	v3 =	vsel vm1, v0, v16;
	v16 =	vmul.f32 $1.000928970e-02, v58  }
0x315: {  	v56 =	vadd.s32 v18, v11;
	v11 =	vmpcnt.ones.xlane vm0;
	v18 =	vsub.f32 $0.0e+00, v23  }
0x316: {  	vm0 =	veq.s32 v22, $0x1;
	v1 =	vmul.f32 v1, v20;
	v16 =	vadd.f32 $-5.243753640e-02, v16  }
0x317: {  	v57 =	vadd.s32 v21, v11;
	v11 =	vsel vm0, v23, v18;
	vm0 =	vge.f32 v23, $2.197224380e+00  }
0x318: {  	s6 =	simm.s32 $0x20;
	vm0 =	vmmov vm0;
	v18 =	vadd.f32 $2.554673130e-07, v1;
	v16 =	vmul.f32 v16, v58  }
0x319: {  	vm4 =	vge.f32 v23, $4.054652150e-01;
	v11 =	vmax.f32 v11, $0.0e+00;
	vm6 =	vmmov vm0;
	v1 =	vld [tilespmem:s6+$0x2000]  }
0x31a: {  	vm1 =	vge.f32 v0, $2.197224380e+00;
	v11 =	vadd.f32 v18, v11;
	v16 =	vadd.f32 $1.308334320e-01, v16  }
0x31b: {  	v3 =	vmax.f32 v3, $0.0e+00;
	vm0 =	vmmov vm1;
	vm1 =	vge.f32 v23, $1.386294480e+00  }
0x31c: {  	v18 =	vmpcnt.ones.xlane vm6;
	v19 =	vnsel vm7, $0x0, v11;
	v16 =	vmul.f32 v16, v58  }
0x31d: {  	v20 =	vnsel vm6, $0x0, v11;
	v21 =	vnsel vm15, $0x0, v11;
	v22 =	vnsel vm3, $0x0, v11  }
0x31e: {  	v23 =	vnsel vm1, $0x0, v11;
	v59 =	vand.u32 $0x7FFFFFFF, v1;
	v16 =	vadd.f32 $-2.231658700e-01, v16  }
0x31f: {  	v6 =	vadd.f32 v21, v6;
	v21 =	vnsel vm2, $0x0, v11;
	v31 =	vsub.f32 $0.0e+00, v59  }
0x320: {  	v60 =	vnsel vm5, $0x0, v11;
	v5 =	vadd.f32 v21, v5;
	v21 =	vld [tilespmem:s6+$0x6000];
	v16 =	vmul.f32 v16, v58  }
0x321: {  	v61 =	vnsel vm4, $0x0, v11;
	v63 =	vnsel vm14, $0x0, v11;
	v31 =	vmul.f32 $1.442695020e+00, v31  }
0x322: {  	v17 =	vadd.s32 v17, v18;
	v4 =	vadd.f32 v61, v4;
	v16 =	vadd.f32 $3.272257150e-01, v16  }
0x323: {  	v7 =	vadd.f32 v19, v7;
	v19 =	vmpcnt.ones.xlane vm14;
	(erf) = vpow2.f32 v31  }
0x324: {  	v10 =	vadd.f32 v20, v10;
	v20 =	vsub.f32 $0.0e+00, v1;
	v16 =	vmul.f32 v16, v58  }
0x325: {  	v11 =	vadd.f32 v11, v27;
	v27 =	vmpcnt.ones.xlane vm7;
	vm6 =	veq.s32 v21, $0x1  }
0x326: {  	v15 =	vadd.s32 v15, v19;
	v19 =	vsel vm6, v1, v20;
	v20 =	vadd.f32 $-4.992850420e-01, v16  }
0x327: {  	v8 =	vadd.f32 v60, v8;
	v12 =	vadd.f32 v23, v12;
	v23 =	vmpcnt.ones.xlane vm4  }
0x328: {  	v9 =	vadd.f32 v63, v9;
	v21 =	vmpcnt.ones.xlane vm3;
	v20 =	vmul.f32 v20, v58  }
0x329: {  	vm4 =	vmmov vm0;
	v14 =	vadd.s32 v14, v27;
	vm3 =	vge.f32 v0, $-4.054650960e-01  }
0x32a: {  	v18 =	vadd.s32 v25, v21;
	v25 =	vmpcnt.ones.xlane vm2;
	vm2 =	vge.f32 v1, $2.197224380e+00  }
0x32b: {  	v21 =	vadd.s32 v26, v23;
	v16 =	vadd.f32 v22, v24;
	v27 =	vadd.f32 $9.999670980e-01, v20  }
0x32c: {  	v22 =	vmpcnt.ones.xlane vm5;
	v24 =	vmax.f32 v19, $0.0e+00;
	vm0 =	vmmov vm2;
	v20 =	vpop (erf)  }
0x32d: {  	vm2 =	vge.f32 v0, $8.472977870e-01;
	v26 =	vmul.f32 v27, v58;
	v23 =	vmul.f32 $1.000928970e-02, v20  }
0x32e: {  	s5 =	simm.s32 $0xC0;
	v19 =	vadd.s32 v56, v22;
	v22 =	vadd.s32 v57, v25;
	v25 =	vmpcnt.ones.xlane vm1  }
0x32f: {  	vm1 =	vge.f32 v0, $1.386294480e+00;
	v26 =	vadd.f32 $2.554673130e-07, v26;
	v23 =	vadd.f32 $-5.243753640e-02, v23  }
.LBB2_16:
0x330: {  	s6 =	sshra.s32 s5, $0x2;
	p0 =	sne.s32 s5, $0x7FC0;
	s5 =	sadd.s32 $0x40, s5;
	vm6 =	vge.f32 v0, $0.0e+00;
	vm5 =	vge.f32 v0, $4.054652150e-01;
	v2 =	vadd.s32 v2, v25  }
0x331: {  	v27 =	vmpcnt.ones.xlane vm4;
	v25 =	vld [tilespmem:s6+$0x2000];
	v23 =	vmul.f32 v23, v20;
	v26 =	vadd.f32 v26, v3;
	v3 =	vmovc v24  }
0x332: {  	vm8 =	vge.f32 v0, $-2.197224620e+00;
	vm7 =	vge.f32 v0, $-1.386294360e+00;
	vm9 =	vge.f32 v0, $-8.472977870e-01;
	v0 =	vmovc v1  }
0x333: {  	v35 =	vadd.f32 $1.308334320e-01, v23;
	v23 =	vnsel vm8, $0x0, v26;
	v24 =	vnsel vm4, $0x0, v26  }
0x334: {  	v28 =	vnsel vm9, $0x0, v26;
	v29 =	vnsel vm3, $0x0, v26;
	v30 =	vnsel vm1, $0x0, v26  }
0x335: {  	v6 =	vadd.f32 v28, v6;
	v28 =	vnsel vm2, $0x0, v26;
	v31 =	vmul.f32 v35, v20  }
0x336: {  	v33 =	vnsel vm6, $0x0, v26;
	v34 =	vnsel vm5, $0x0, v26;
	v32 =	vand.u32 $0x7FFFFFFF, v25;
	v1 =	vmovc v25  }
0x337: {  	v25 =	vsub.f32 $0.0e+00, v32;
	v31 =	vadd.f32 $-2.231658700e-01, v31;
	v32 =	vmpcnt.ones.xlane vm9  }
0x338: {  	v4 =	vadd.f32 v34, v4;
	v35 =	vnsel vm7, $0x0, v26;
	v5 =	vadd.f32 v28, v5  }
0x339: {  	v11 =	vadd.f32 v26, v11;
	v28 =	vld [tilespmem:s6+$0x6000];
	v25 =	vmul.f32 $1.442695020e+00, v25;
	v31 =	vmul.f32 v31, v20  }
0x33a: {  	v7 =	vadd.f32 v23, v7;
	v8 =	vadd.f32 v33, v8;
	v26 =	vmpcnt.ones.xlane vm8  }
0x33b: {  	v12 =	vadd.f32 v30, v12;
	(erf) = vpow2.f32 v25;
	v23 =	vadd.f32 $3.272257150e-01, v31  }
0x33c: {  	v10 =	vadd.f32 v24, v10;
	v9 =	vadd.f32 v35, v9;
	v25 =	vmpcnt.ones.xlane vm7  }
0x33d: {  	v24 =	vsub.f32 $0.0e+00, v1;
	v13 =	vadd.s32 v13, v32;
	v23 =	vmul.f32 v23, v20  }
0x33e: {  	v14 =	vadd.s32 v14, v26;
	v15 =	vadd.s32 v15, v25;
	vm4 =	veq.s32 v28, $0x1  }
0x33f: {  	v16 =	vadd.f32 v29, v16;
	v24 =	vsel vm4, v1, v24;
	v23 =	vadd.f32 $-4.992850420e-01, v23  }
0x340: {  	v26 =	vmpcnt.ones.xlane vm6;
	v25 =	vmpcnt.ones.xlane vm3;
	v24 =	vmax.f32 v24, $0.0e+00  }
0x341: {  	v17 =	vadd.s32 v17, v27;
	v28 =	vmpcnt.ones.xlane vm5;
	v23 =	vmul.f32 v23, v20  }
0x342: {  	v19 =	vadd.s32 v19, v26;
	v18 =	vadd.s32 v18, v25;
	v25 =	vmpcnt.ones.xlane vm2  }
.Ltmp7:
0x343: {  	vm2 =	vge.f32 v1, $2.197224380e+00;
	v21 =	vadd.s32 v21, v28;
	v23 =	vadd.f32 $9.999670980e-01, v23;
	(pc) =	sbr.rel @p0 .LBB2_16-.Ltmp7, $4  }
0x344: {  	vm4 =	vmmov vm0;
	vm0 =	vmmov vm2;
	v22 =	vadd.s32 v22, v25;
	v26 =	vpop (erf)  }
0x345: {  	v27 =	vmul.f32 $1.000928970e-02, v26;
	v28 =	vmul.f32 v23, v20;
	v20 =	vmov v26  }
0x346: {  	vm3 =	vge.f32 v0, $-4.054650960e-01;
	vm2 =	vge.f32 v0, $8.472977870e-01;
	v25 =	vmpcnt.ones.xlane vm1  }
0x347: {  	vm1 =	vge.f32 v0, $1.386294480e+00;
	v23 =	vadd.f32 $-5.243753640e-02, v27;
	v26 =	vadd.f32 $2.554673130e-07, v28  }
0x348: {  	s5 =	simm.s32 $0x0  }
0x349: {  	[tilespmem:s29], [sflag:$0x2] =	stream.linear.gather [hbm4b:s21+s5], $0x2000, $0x38;
	[tilespmem:$0x8C00] =	vst v63  }
0x34a: {  	_ = 	snop  }
0x34b: {  	[tilespmem:s30], [sflag:$0x4] =	stream.linear.gather [hbm4b:s22+s5], $0x2000, $0x38;
	[tilespmem:$0x8C00] =	vst v63  }
0x34c: {  	_ =	swait.ge [sflag:s31], $0x2000  }
0x34d: {  	[sflag:s31] =	ssyncset.done $0x0  }
0x34e: {  	[sflag:s31] =	ssyncadd.s32 $0xFFFFE000  }
0x34f: {  	_ =	swait.ge [sflag:s18], $0x2000  }
0x350: {  	v23 =	vmul.f32 v23, v20;
	[sflag:s18] =	ssyncset.done $0x0  }
0x351: {  	vm5 =	vge.f32 v0, $0.0e+00;
	vm6 =	vge.f32 v0, $4.054652150e-01;
	s5 =	simm.s32 $0x0;
	[sflag:s18] =	ssyncadd.s32 $0xFFFFE000  }
0x352: {  	v2 =	vadd.s32 v2, v25;
	v25 =	vmpcnt.ones.xlane vm4;
	v27 =	vadd.f32 $1.308334320e-01, v23;
	v23 =	vld [tilespmem:s5+$0x0]  }
0x353: {  	vm7 =	vge.f32 v0, $-2.197224620e+00;
	vm9 =	vge.f32 v0, $-8.472977870e-01;
	v49 =	vmpcnt.ones.xlane vm2  }
0x354: {  	vm13 =	vge.f32 v1, $-8.472977870e-01;
	v3 =	vadd.f32 v26, v3;
	v26 =	vmul.f32 v27, v20  }
0x355: {  	vm8 =	vge.f32 v0, $-1.386294360e+00;
	v34 =	vmpcnt.ones.xlane vm9;
	v54 =	vmpcnt.ones.xlane vm13  }
0x356: {  	v17 =	vadd.s32 v17, v25;
	v0 =	vnsel vm7, $0x0, v3;
	v26 =	vadd.f32 $-2.231658700e-01, v26  }
0x357: {  	v28 =	vnsel vm9, $0x0, v3;
	v29 =	vnsel vm3, $0x0, v3;
	v31 =	vand.u32 $0x7FFFFFFF, v23  }
0x358: {  	v30 =	vnsel vm1, $0x0, v3;
	v26 =	vmul.f32 v26, v20;
	v47 =	vsub.f32 $0.0e+00, v31  }
0x359: {  	v48 =	vnsel vm2, $0x0, v3;
	v32 =	vnsel vm5, $0x0, v3;
	v33 =	vnsel vm6, $0x0, v3  }
0x35a: {  	v6 =	vadd.f32 v28, v6;
	v26 =	vadd.f32 $3.272257150e-01, v26;
	v28 =	vmul.f32 $1.442695020e+00, v47  }
0x35b: {  	v35 =	vnsel vm8, $0x0, v3;
	v4 =	vadd.f32 v33, v4;
	v27 =	vnsel vm4, $0x0, v3  }
0x35c: {  	v3 =	vadd.f32 v3, v11;
	v11 =	vmul.f32 v26, v20;
	(erf) = vpow2.f32 v28  }
0x35d: {  	v13 =	vadd.s32 v13, v34;
	v5 =	vadd.f32 v48, v5;
	v7 =	vadd.f32 v0, v7  }
0x35e: {  	v8 =	vadd.f32 v32, v8;
	v0 =	vmpcnt.ones.xlane vm8;
	v11 =	vadd.f32 $-4.992850420e-01, v11  }
0x35f: {  	vm2 =	vge.f32 v1, $-4.054650960e-01;
	v12 =	vadd.f32 v30, v12;
	v9 =	vadd.f32 v35, v9  }
0x360: {  	v13 =	vadd.s32 v13, v54;
	v15 =	vadd.s32 v15, v0;
	v0 =	vmul.f32 v11, v20  }
0x361: {  	vm4 =	vge.f32 v1, $0.0e+00;
	v10 =	vadd.f32 v27, v10;
	v26 =	vmpcnt.ones.xlane vm7  }
0x362: {  	v11 =	vadd.f32 v29, v16;
	v16 =	vmpcnt.ones.xlane vm3;
	v0 =	vadd.f32 $9.999670980e-01, v0  }
0x363: {  	v27 =	vmpcnt.ones.xlane vm6;
	v14 =	vadd.s32 v14, v26;
	v26 =	vmpcnt.ones.xlane vm5  }
0x364: {  	vm6 =	vge.f32 v1, $-2.197224620e+00;
	v16 =	vadd.s32 v18, v16;
	v0 =	vmul.f32 v0, v20  }
0x365: {  	v18 =	vadd.s32 v19, v26;
	v19 =	vadd.s32 v21, v27;
	v21 =	vadd.s32 v22, v49;
	v20 =	vpop (erf)  }
0x366: {  	v22 =	vmpcnt.ones.xlane vm1;
	v0 =	vadd.f32 $2.554673130e-07, v0;
	v25 =	vmul.f32 $1.000928970e-02, v20  }
0x367: {  	s6 =	simm.s32 $0x10;
	v55 =	vmpcnt.ones.xlane vm6;
	vm7 =	vge.f32 v1, $-1.386294360e+00;
	vm15 =	vge.f32 v23, $-8.472977870e-01  }
0x368: {  	v2 =	vadd.s32 v2, v22;
	v22 =	vadd.f32 v0, v24;
	v0 =	vld [tilespmem:s6+$0x0];
	v24 =	vadd.f32 $-5.243753640e-02, v25  }
0x369: {  	vm5 =	vmmov vm0;
	vm0 =	vge.f32 v1, $8.472977870e-01;
	v62 =	vmpcnt.ones.xlane vm15  }
0x36a: {  	vm14 =	vge.f32 v23, $-1.386294360e+00;
	v14 =	vadd.s32 v14, v55;
	v24 =	vmul.f32 v24, v20  }
0x36b: {  	vm3 =	vge.f32 v1, $4.054652150e-01;
	v13 =	vadd.s32 v13, v62;
	v27 =	vnsel vm13, $0x0, v22  }
0x36c: {  	v6 =	vadd.f32 v27, v6;
	v27 =	vnsel vm0, $0x0, v22;
	v24 =	vadd.f32 $1.308334320e-01, v24  }
0x36d: {  	v5 =	vadd.f32 v27, v5;
	v27 =	vadd.f32 v22, v3;
	v3 =	vand.u32 $0x7FFFFFFF, v0  }
0x36e: {  	vm1 =	vge.f32 v1, $1.386294480e+00;
	v3 =	vsub.f32 $0.0e+00, v3;
	v24 =	vmul.f32 v24, v20  }
0x36f: {  	v1 =	vnsel vm6, $0x0, v22;
	v26 =	vnsel vm5, $0x0, v22;
	v53 =	vnsel vm3, $0x0, v22  }
0x370: {  	v7 =	vadd.f32 v1, v7;
	v1 =	vmul.f32 $1.442695020e+00, v3;
	v24 =	vadd.f32 $-2.231658700e-01, v24  }
0x371: {  	v51 =	vnsel vm1, $0x0, v22;
	v52 =	vnsel vm4, $0x0, v22;
	v4 =	vadd.f32 v53, v4  }
0x372: {  	v8 =	vadd.f32 v52, v8;
	(erf) = vpow2.f32 v1;
	v3 =	vmul.f32 v24, v20  }
0x373: {  	v50 =	vnsel vm2, $0x0, v22;
	v12 =	vadd.f32 v51, v12;
	v10 =	vadd.f32 v26, v10  }
0x374: {  	v25 =	vmpcnt.ones.xlane vm5;
	v1 =	vadd.f32 $3.272257150e-01, v3;
	v3 =	vmpcnt.ones.xlane vm2  }
0x375: {  	v26 =	vmpcnt.ones.xlane vm3;
	vm3 =	vge.f32 v23, $-4.054650960e-01;
	v22 =	vnsel vm7, $0x0, v22  }
0x376: {  	v17 =	vadd.s32 v17, v25;
	v1 =	vmul.f32 v1, v20;
	v25 =	vadd.s32 v16, v3;
	v3 =	vld [tilespmem:s6+$0x4000]  }
0x377: {  	v9 =	vadd.f32 v22, v9;
	v26 =	vadd.s32 v19, v26;
	v24 =	vmpcnt.ones.xlane vm7  }
0x378: {  	vm5 =	vge.f32 v23, $0.0e+00;
	v16 =	vmpcnt.ones.xlane vm1;
	v1 =	vadd.f32 $-4.992850420e-01, v1  }
0x379: {  	v22 =	vld [tilespmem:s5+$0x4000];
	vm7 =	vge.f32 v23, $-2.197224620e+00;
	v15 =	vadd.s32 v15, v24;
	v24 =	vadd.f32 v50, v11  }
0x37a: {  	v2 =	vadd.s32 v2, v16;
	v16 =	vsub.f32 $0.0e+00, v0;
	v1 =	vmul.f32 v1, v20  }
0x37b: {  	v11 =	vmpcnt.ones.xlane vm4;
	v58 =	vpop (erf);
	vm2 =	vge.f32 v23, $8.472977870e-01;
	vm1 =	veq.s32 v3, $0x1  }
0x37c: {  	v1 =	vadd.f32 $9.999670980e-01, v1;
	v3 =	vsel vm1, v0, v16;
	v16 =	vmul.f32 $1.000928970e-02, v58  }
0x37d: {  	v56 =	vadd.s32 v18, v11;
	v11 =	vmpcnt.ones.xlane vm0;
	v18 =	vsub.f32 $0.0e+00, v23  }
0x37e: {  	vm0 =	veq.s32 v22, $0x1;
	v1 =	vmul.f32 v1, v20;
	v16 =	vadd.f32 $-5.243753640e-02, v16  }
0x37f: {  	v57 =	vadd.s32 v21, v11;
	v11 =	vsel vm0, v23, v18;
	vm0 =	vge.f32 v23, $2.197224380e+00  }
0x380: {  	s6 =	simm.s32 $0x20;
	vm0 =	vmmov vm0;
	v18 =	vadd.f32 $2.554673130e-07, v1;
	v16 =	vmul.f32 v16, v58  }
0x381: {  	vm4 =	vge.f32 v23, $4.054652150e-01;
	v11 =	vmax.f32 v11, $0.0e+00;
	vm6 =	vmmov vm0;
	v1 =	vld [tilespmem:s6+$0x0]  }
0x382: {  	vm1 =	vge.f32 v0, $2.197224380e+00;
	v11 =	vadd.f32 v18, v11;
	v16 =	vadd.f32 $1.308334320e-01, v16  }
0x383: {  	v3 =	vmax.f32 v3, $0.0e+00;
	vm0 =	vmmov vm1;
	vm1 =	vge.f32 v23, $1.386294480e+00  }
0x384: {  	v18 =	vmpcnt.ones.xlane vm6;
	v19 =	vnsel vm7, $0x0, v11;
	v16 =	vmul.f32 v16, v58  }
0x385: {  	v20 =	vnsel vm6, $0x0, v11;
	v21 =	vnsel vm15, $0x0, v11;
	v22 =	vnsel vm3, $0x0, v11  }
0x386: {  	v23 =	vnsel vm1, $0x0, v11;
	v59 =	vand.u32 $0x7FFFFFFF, v1;
	v16 =	vadd.f32 $-2.231658700e-01, v16  }
0x387: {  	v6 =	vadd.f32 v21, v6;
	v21 =	vnsel vm2, $0x0, v11;
	v31 =	vsub.f32 $0.0e+00, v59  }
0x388: {  	v60 =	vnsel vm5, $0x0, v11;
	v5 =	vadd.f32 v21, v5;
	v21 =	vld [tilespmem:s6+$0x4000];
	v16 =	vmul.f32 v16, v58  }
0x389: {  	v61 =	vnsel vm4, $0x0, v11;
	v63 =	vnsel vm14, $0x0, v11;
	v31 =	vmul.f32 $1.442695020e+00, v31  }
0x38a: {  	v17 =	vadd.s32 v17, v18;
	v4 =	vadd.f32 v61, v4;
	v16 =	vadd.f32 $3.272257150e-01, v16  }
0x38b: {  	v7 =	vadd.f32 v19, v7;
	v19 =	vmpcnt.ones.xlane vm14;
	(erf) = vpow2.f32 v31  }
0x38c: {  	v10 =	vadd.f32 v20, v10;
	v20 =	vsub.f32 $0.0e+00, v1;
	v16 =	vmul.f32 v16, v58  }
0x38d: {  	v11 =	vadd.f32 v11, v27;
	v27 =	vmpcnt.ones.xlane vm7;
	vm6 =	veq.s32 v21, $0x1  }
0x38e: {  	v15 =	vadd.s32 v15, v19;
	v19 =	vsel vm6, v1, v20;
	v20 =	vadd.f32 $-4.992850420e-01, v16  }
0x38f: {  	v8 =	vadd.f32 v60, v8;
	v12 =	vadd.f32 v23, v12;
	v23 =	vmpcnt.ones.xlane vm4  }
0x390: {  	v9 =	vadd.f32 v63, v9;
	v21 =	vmpcnt.ones.xlane vm3;
	v20 =	vmul.f32 v20, v58  }
0x391: {  	vm4 =	vmmov vm0;
	v14 =	vadd.s32 v14, v27;
	vm3 =	vge.f32 v0, $-4.054650960e-01  }
0x392: {  	v18 =	vadd.s32 v25, v21;
	v25 =	vmpcnt.ones.xlane vm2;
	vm2 =	vge.f32 v1, $2.197224380e+00  }
0x393: {  	v21 =	vadd.s32 v26, v23;
	v16 =	vadd.f32 v22, v24;
	v27 =	vadd.f32 $9.999670980e-01, v20  }
0x394: {  	v22 =	vmpcnt.ones.xlane vm5;
	v24 =	vmax.f32 v19, $0.0e+00;
	vm0 =	vmmov vm2;
	v20 =	vpop (erf)  }
0x395: {  	vm2 =	vge.f32 v0, $8.472977870e-01;
	v26 =	vmul.f32 v27, v58;
	v23 =	vmul.f32 $1.000928970e-02, v20  }
0x396: {  	s5 =	simm.s32 $0xC0;
	v19 =	vadd.s32 v56, v22;
	v22 =	vadd.s32 v57, v25;
	v25 =	vmpcnt.ones.xlane vm1  }
0x397: {  	vm1 =	vge.f32 v0, $1.386294480e+00;
	v26 =	vadd.f32 $2.554673130e-07, v26;
	v23 =	vadd.f32 $-5.243753640e-02, v23  }
.LBB2_18:
0x398: {  	s6 =	sshra.s32 s5, $0x2;
	p0 =	sne.s32 s5, $0x7FC0;
	s5 =	sadd.s32 $0x40, s5;
	vm6 =	vge.f32 v0, $0.0e+00;
	vm5 =	vge.f32 v0, $4.054652150e-01;
	v2 =	vadd.s32 v2, v25  }
0x399: {  	v27 =	vmpcnt.ones.xlane vm4;
	v25 =	vld [tilespmem:s6+$0x0];
	v23 =	vmul.f32 v23, v20;
	v26 =	vadd.f32 v26, v3;
	v3 =	vmovc v24  }
0x39a: {  	vm8 =	vge.f32 v0, $-2.197224620e+00;
	vm7 =	vge.f32 v0, $-1.386294360e+00;
	vm9 =	vge.f32 v0, $-8.472977870e-01;
	v0 =	vmovc v1  }
0x39b: {  	v35 =	vadd.f32 $1.308334320e-01, v23;
	v23 =	vnsel vm8, $0x0, v26;
	v24 =	vnsel vm4, $0x0, v26  }
0x39c: {  	v28 =	vnsel vm9, $0x0, v26;
	v29 =	vnsel vm3, $0x0, v26;
	v30 =	vnsel vm1, $0x0, v26  }
0x39d: {  	v6 =	vadd.f32 v28, v6;
	v28 =	vnsel vm2, $0x0, v26;
	v31 =	vmul.f32 v35, v20  }
0x39e: {  	v33 =	vnsel vm6, $0x0, v26;
	v34 =	vnsel vm5, $0x0, v26;
	v32 =	vand.u32 $0x7FFFFFFF, v25;
	v1 =	vmovc v25  }
0x39f: {  	v25 =	vsub.f32 $0.0e+00, v32;
	v31 =	vadd.f32 $-2.231658700e-01, v31;
	v32 =	vmpcnt.ones.xlane vm9  }
0x3a0: {  	v4 =	vadd.f32 v34, v4;
	v35 =	vnsel vm7, $0x0, v26;
	v5 =	vadd.f32 v28, v5  }
0x3a1: {  	v11 =	vadd.f32 v26, v11;
	v28 =	vld [tilespmem:s6+$0x4000];
	v25 =	vmul.f32 $1.442695020e+00, v25;
	v31 =	vmul.f32 v31, v20  }
0x3a2: {  	v7 =	vadd.f32 v23, v7;
	v8 =	vadd.f32 v33, v8;
	v26 =	vmpcnt.ones.xlane vm8  }
0x3a3: {  	v12 =	vadd.f32 v30, v12;
	(erf) = vpow2.f32 v25;
	v23 =	vadd.f32 $3.272257150e-01, v31  }
0x3a4: {  	v10 =	vadd.f32 v24, v10;
	v9 =	vadd.f32 v35, v9;
	v25 =	vmpcnt.ones.xlane vm7  }
0x3a5: {  	v24 =	vsub.f32 $0.0e+00, v1;
	v13 =	vadd.s32 v13, v32;
	v23 =	vmul.f32 v23, v20  }
0x3a6: {  	v14 =	vadd.s32 v14, v26;
	v15 =	vadd.s32 v15, v25;
	vm4 =	veq.s32 v28, $0x1  }
0x3a7: {  	v16 =	vadd.f32 v29, v16;
	v24 =	vsel vm4, v1, v24;
	v23 =	vadd.f32 $-4.992850420e-01, v23  }
0x3a8: {  	v26 =	vmpcnt.ones.xlane vm6;
	v25 =	vmpcnt.ones.xlane vm3;
	v24 =	vmax.f32 v24, $0.0e+00  }
0x3a9: {  	v17 =	vadd.s32 v17, v27;
	v28 =	vmpcnt.ones.xlane vm5;
	v23 =	vmul.f32 v23, v20  }
0x3aa: {  	v19 =	vadd.s32 v19, v26;
	v18 =	vadd.s32 v18, v25;
	v25 =	vmpcnt.ones.xlane vm2  }
.Ltmp8:
0x3ab: {  	vm2 =	vge.f32 v1, $2.197224380e+00;
	v21 =	vadd.s32 v21, v28;
	v23 =	vadd.f32 $9.999670980e-01, v23;
	(pc) =	sbr.rel @p0 .LBB2_18-.Ltmp8, $4  }
0x3ac: {  	vm4 =	vmmov vm0;
	vm0 =	vmmov vm2;
	v22 =	vadd.s32 v22, v25;
	v26 =	vpop (erf)  }
0x3ad: {  	v27 =	vmul.f32 $1.000928970e-02, v26;
	v28 =	vmul.f32 v23, v20;
	v20 =	vmov v26  }
0x3ae: {  	vm3 =	vge.f32 v0, $-4.054650960e-01;
	vm2 =	vge.f32 v0, $8.472977870e-01;
	v25 =	vmpcnt.ones.xlane vm1  }
0x3af: {  	vm1 =	vge.f32 v0, $1.386294480e+00;
	v23 =	vadd.f32 $-5.243753640e-02, v27;
	v26 =	vadd.f32 $2.554673130e-07, v28  }
0x3b0: {  	s5 =	simm.s32 $0x0  }
0x3b1: {  	[tilespmem:s5], [sflag:$0x1] =	stream.linear.gather [hbm4b:s23+s5], $0x2000, $0x38;
	[tilespmem:$0x8C00] =	vst v63  }
0x3b2: {  	_ = 	snop  }
0x3b3: {  	[tilespmem:s28], [sflag:$0x3] =	stream.linear.gather [hbm4b:s24+s5], $0x2000, $0x38;
	[tilespmem:$0x8C00] =	vst v63  }
0x3b4: {  	_ =	swait.ge [sflag:s0], $0x2000  }
0x3b5: {  	[sflag:s0] =	ssyncset.done $0x0  }
0x3b6: {  	[sflag:s0] =	ssyncadd.s32 $0xFFFFE000  }
0x3b7: {  	_ =	swait.ge [sflag:s2], $0x2000  }
0x3b8: {  	v23 =	vmul.f32 v23, v20;
	[sflag:s2] =	ssyncset.done $0x0  }
0x3b9: {  	vm5 =	vge.f32 v0, $0.0e+00;
	vm6 =	vge.f32 v0, $4.054652150e-01;
	s5 =	simm.s32 $0x0;
	[sflag:s2] =	ssyncadd.s32 $0xFFFFE000  }
0x3ba: {  	v2 =	vadd.s32 v2, v25;
	v25 =	vmpcnt.ones.xlane vm4;
	v27 =	vadd.f32 $1.308334320e-01, v23;
	v23 =	vld [tilespmem:s5+$0x2000]  }
0x3bb: {  	vm7 =	vge.f32 v0, $-2.197224620e+00;
	vm8 =	vge.f32 v0, $-1.386294360e+00;
	v3 =	vadd.f32 v26, v3  }
0x3bc: {  	vm9 =	vge.f32 v0, $-8.472977870e-01;
	v49 =	vmpcnt.ones.xlane vm2;
	v26 =	vmul.f32 v27, v20  }
0x3bd: {  	v34 =	vmpcnt.ones.xlane vm9;
	v17 =	vadd.s32 v17, v25;
	v0 =	vnsel vm7, $0x0, v3  }
0x3be: {  	v28 =	vnsel vm9, $0x0, v3;
	v29 =	vnsel vm3, $0x0, v3;
	v26 =	vadd.f32 $-2.231658700e-01, v26  }
0x3bf: {  	v30 =	vnsel vm1, $0x0, v3;
	v48 =	vnsel vm2, $0x0, v3;
	v31 =	vand.u32 $0x7FFFFFFF, v23  }
0x3c0: {  	v32 =	vnsel vm5, $0x0, v3;
	v26 =	vmul.f32 v26, v20;
	v47 =	vsub.f32 $0.0e+00, v31  }
0x3c1: {  	v33 =	vnsel vm6, $0x0, v3;
	v35 =	vnsel vm8, $0x0, v3;
	v13 =	vadd.s32 v13, v34  }
0x3c2: {  	v6 =	vadd.f32 v28, v6;
	v26 =	vadd.f32 $3.272257150e-01, v26;
	v28 =	vmul.f32 $1.442695020e+00, v47  }
0x3c3: {  	v4 =	vadd.f32 v33, v4;
	v5 =	vadd.f32 v48, v5;
	v27 =	vnsel vm4, $0x0, v3  }
0x3c4: {  	v3 =	vadd.f32 v3, v11;
	v11 =	vmul.f32 v26, v20;
	(erf) = vpow2.f32 v28  }
0x3c5: {  	vm2 =	vge.f32 v1, $-4.054650960e-01;
	v7 =	vadd.f32 v0, v7;
	v8 =	vadd.f32 v32, v8  }
0x3c6: {  	v12 =	vadd.f32 v30, v12;
	v0 =	vmpcnt.ones.xlane vm8;
	v11 =	vadd.f32 $-4.992850420e-01, v11  }
0x3c7: {  	v9 =	vadd.f32 v35, v9;
	vm8 =	vge.f32 v1, $-8.472977870e-01;
	vm4 =	vge.f32 v1, $0.0e+00  }
0x3c8: {  	v54 =	vmpcnt.ones.xlane vm8;
	v15 =	vadd.s32 v15, v0;
	v0 =	vmul.f32 v11, v20  }
0x3c9: {  	v10 =	vadd.f32 v27, v10;
	v27 =	vmpcnt.ones.xlane vm6;
	v26 =	vmpcnt.ones.xlane vm7  }
0x3ca: {  	v11 =	vadd.f32 v29, v16;
	v16 =	vmpcnt.ones.xlane vm3;
	v0 =	vadd.f32 $9.999670980e-01, v0  }
0x3cb: {  	vm6 =	vge.f32 v1, $-2.197224620e+00;
	v14 =	vadd.s32 v14, v26;
	v26 =	vmpcnt.ones.xlane vm5  }
0x3cc: {  	v55 =	vmpcnt.ones.xlane vm6;
	v16 =	vadd.s32 v18, v16;
	v0 =	vmul.f32 v0, v20  }
0x3cd: {  	v18 =	vadd.s32 v19, v26;
	v19 =	vadd.s32 v21, v27;
	v21 =	vadd.s32 v22, v49;
	v20 =	vpop (erf)  }
0x3ce: {  	v22 =	vmpcnt.ones.xlane vm1;
	v0 =	vadd.f32 $2.554673130e-07, v0;
	v25 =	vmul.f32 $1.000928970e-02, v20  }
0x3cf: {  	s6 =	simm.s32 $0x10;
	v13 =	vadd.s32 v13, v54;
	vm7 =	vge.f32 v1, $-1.386294360e+00;
	vm15 =	vge.f32 v23, $-8.472977870e-01  }
0x3d0: {  	v2 =	vadd.s32 v2, v22;
	v22 =	vadd.f32 v0, v24;
	v0 =	vld [tilespmem:s6+$0x2000];
	v24 =	vadd.f32 $-5.243753640e-02, v25  }
0x3d1: {  	vm5 =	vmmov vm0;
	vm0 =	vge.f32 v1, $8.472977870e-01;
	v62 =	vmpcnt.ones.xlane vm15  }
0x3d2: {  	v14 =	vadd.s32 v14, v55;
	vm3 =	vge.f32 v1, $4.054652150e-01;
	v24 =	vmul.f32 v24, v20  }
0x3d3: {  	v13 =	vadd.s32 v13, v62;
	vm1 =	vge.f32 v1, $1.386294480e+00;
	v27 =	vnsel vm8, $0x0, v22  }
0x3d4: {  	v6 =	vadd.f32 v27, v6;
	v27 =	vnsel vm0, $0x0, v22;
	v24 =	vadd.f32 $1.308334320e-01, v24  }
0x3d5: {  	v5 =	vadd.f32 v27, v5;
	v27 =	vadd.f32 v22, v3;
	v3 =	vand.u32 $0x7FFFFFFF, v0  }
0x3d6: {  	v1 =	vnsel vm6, $0x0, v22;
	v3 =	vsub.f32 $0.0e+00, v3;
	v24 =	vmul.f32 v24, v20  }
0x3d7: {  	v26 =	vnsel vm5, $0x0, v22;
	v50 =	vnsel vm2, $0x0, v22;
	v53 =	vnsel vm3, $0x0, v22  }
0x3d8: {  	v7 =	vadd.f32 v1, v7;
	v1 =	vmul.f32 $1.442695020e+00, v3;
	v24 =	vadd.f32 $-2.231658700e-01, v24  }
0x3d9: {  	v51 =	vnsel vm1, $0x0, v22;
	v52 =	vnsel vm4, $0x0, v22;
	v4 =	vadd.f32 v53, v4  }
0x3da: {  	v8 =	vadd.f32 v52, v8;
	(erf) = vpow2.f32 v1;
	v3 =	vmul.f32 v24, v20  }
0x3db: {  	vm8 =	vge.f32 v23, $-1.386294360e+00;
	v12 =	vadd.f32 v51, v12;
	v10 =	vadd.f32 v26, v10  }
0x3dc: {  	v25 =	vmpcnt.ones.xlane vm5;
	v1 =	vadd.f32 $3.272257150e-01, v3;
	v3 =	vmpcnt.ones.xlane vm2  }
0x3dd: {  	v26 =	vmpcnt.ones.xlane vm3;
	vm3 =	vge.f32 v23, $-4.054650960e-01;
	v22 =	vnsel vm7, $0x0, v22  }
0x3de: {  	v17 =	vadd.s32 v17, v25;
	v1 =	vmul.f32 v1, v20;
	v25 =	vadd.s32 v16, v3;
	v3 =	vld [tilespmem:s6+$0x6000]  }
0x3df: {  	v9 =	vadd.f32 v22, v9;
	v26 =	vadd.s32 v19, v26;
	v24 =	vmpcnt.ones.xlane vm7  }
0x3e0: {  	vm5 =	vge.f32 v23, $0.0e+00;
	v16 =	vmpcnt.ones.xlane vm1;
	v1 =	vadd.f32 $-4.992850420e-01, v1  }
0x3e1: {  	v22 =	vld [tilespmem:s5+$0x6000];
	vm7 =	vge.f32 v23, $-2.197224620e+00;
	v15 =	vadd.s32 v15, v24;
	v24 =	vadd.f32 v50, v11  }
0x3e2: {  	v2 =	vadd.s32 v2, v16;
	v16 =	vsub.f32 $0.0e+00, v0;
	v1 =	vmul.f32 v1, v20  }
0x3e3: {  	v11 =	vmpcnt.ones.xlane vm4;
	v58 =	vpop (erf);
	vm2 =	vge.f32 v23, $8.472977870e-01;
	vm1 =	veq.s32 v3, $0x1  }
0x3e4: {  	v1 =	vadd.f32 $9.999670980e-01, v1;
	v3 =	vsel vm1, v0, v16;
	v16 =	vmul.f32 $1.000928970e-02, v58  }
0x3e5: {  	v56 =	vadd.s32 v18, v11;
	v11 =	vmpcnt.ones.xlane vm0;
	v18 =	vsub.f32 $0.0e+00, v23  }
0x3e6: {  	vm0 =	veq.s32 v22, $0x1;
	v1 =	vmul.f32 v1, v20;
	v16 =	vadd.f32 $-5.243753640e-02, v16  }
0x3e7: {  	v57 =	vadd.s32 v21, v11;
	v11 =	vsel vm0, v23, v18;
	vm0 =	vge.f32 v23, $2.197224380e+00  }
0x3e8: {  	s6 =	simm.s32 $0x20;
	vm0 =	vmmov vm0;
	v18 =	vadd.f32 $2.554673130e-07, v1;
	v16 =	vmul.f32 v16, v58  }
0x3e9: {  	vm4 =	vge.f32 v23, $4.054652150e-01;
	v11 =	vmax.f32 v11, $0.0e+00;
	vm6 =	vmmov vm0;
	v1 =	vld [tilespmem:s6+$0x2000]  }
0x3ea: {  	vm1 =	vge.f32 v0, $2.197224380e+00;
	v11 =	vadd.f32 v18, v11;
	v16 =	vadd.f32 $1.308334320e-01, v16  }
0x3eb: {  	v3 =	vmax.f32 v3, $0.0e+00;
	vm0 =	vmmov vm1;
	vm1 =	vge.f32 v23, $1.386294480e+00  }
0x3ec: {  	v18 =	vmpcnt.ones.xlane vm6;
	v19 =	vnsel vm7, $0x0, v11;
	v16 =	vmul.f32 v16, v58  }
0x3ed: {  	v20 =	vnsel vm6, $0x0, v11;
	v21 =	vnsel vm15, $0x0, v11;
	v22 =	vnsel vm3, $0x0, v11  }
0x3ee: {  	v23 =	vnsel vm1, $0x0, v11;
	v59 =	vand.u32 $0x7FFFFFFF, v1;
	v16 =	vadd.f32 $-2.231658700e-01, v16  }
0x3ef: {  	v6 =	vadd.f32 v21, v6;
	v21 =	vnsel vm2, $0x0, v11;
	v31 =	vsub.f32 $0.0e+00, v59  }
0x3f0: {  	v60 =	vnsel vm5, $0x0, v11;
	v5 =	vadd.f32 v21, v5;
	v21 =	vld [tilespmem:s6+$0x6000];
	v16 =	vmul.f32 v16, v58  }
0x3f1: {  	v61 =	vnsel vm4, $0x0, v11;
	v63 =	vnsel vm8, $0x0, v11;
	v31 =	vmul.f32 $1.442695020e+00, v31  }
0x3f2: {  	v17 =	vadd.s32 v17, v18;
	v4 =	vadd.f32 v61, v4;
	v16 =	vadd.f32 $3.272257150e-01, v16  }
0x3f3: {  	v7 =	vadd.f32 v19, v7;
	v19 =	vmpcnt.ones.xlane vm8;
	(erf) = vpow2.f32 v31  }
0x3f4: {  	v10 =	vadd.f32 v20, v10;
	v20 =	vsub.f32 $0.0e+00, v1;
	v16 =	vmul.f32 v16, v58  }
0x3f5: {  	v11 =	vadd.f32 v11, v27;
	v27 =	vmpcnt.ones.xlane vm7;
	vm6 =	veq.s32 v21, $0x1  }
0x3f6: {  	v15 =	vadd.s32 v15, v19;
	v19 =	vsel vm6, v1, v20;
	v20 =	vadd.f32 $-4.992850420e-01, v16  }
0x3f7: {  	v8 =	vadd.f32 v60, v8;
	v12 =	vadd.f32 v23, v12;
	v23 =	vmpcnt.ones.xlane vm4  }
0x3f8: {  	v9 =	vadd.f32 v63, v9;
	v21 =	vmpcnt.ones.xlane vm3;
	v20 =	vmul.f32 v20, v58  }
0x3f9: {  	v14 =	vadd.s32 v14, v27;
	vm3 =	vge.f32 v0, $-4.054650960e-01;
	vm6 =	vmmov vm0  }
0x3fa: {  	v18 =	vadd.s32 v25, v21;
	v25 =	vmpcnt.ones.xlane vm2;
	vm2 =	vge.f32 v1, $2.197224380e+00  }
0x3fb: {  	v21 =	vadd.s32 v26, v23;
	v16 =	vadd.f32 v22, v24;
	v27 =	vadd.f32 $9.999670980e-01, v20  }
0x3fc: {  	v22 =	vmpcnt.ones.xlane vm5;
	v24 =	vmax.f32 v19, $0.0e+00;
	vm0 =	vmmov vm2;
	v20 =	vpop (erf)  }
0x3fd: {  	vm2 =	vge.f32 v0, $8.472977870e-01;
	v26 =	vmul.f32 v27, v58;
	v23 =	vmul.f32 $1.000928970e-02, v20  }
0x3fe: {  	s5 =	simm.s32 $0xC0;
	v19 =	vadd.s32 v56, v22;
	v22 =	vadd.s32 v57, v25;
	v25 =	vmpcnt.ones.xlane vm1  }
0x3ff: {  	vm1 =	vge.f32 v0, $1.386294480e+00;
	v26 =	vadd.f32 $2.554673130e-07, v26;
	v23 =	vadd.f32 $-5.243753640e-02, v23  }
.LBB2_20:
0x400: {  	s6 =	sshra.s32 s5, $0x2;
	p0 =	sne.s32 s5, $0x7FC0;
	s5 =	sadd.s32 $0x40, s5;
	vm5 =	vge.f32 v0, $0.0e+00;
	vm4 =	vge.f32 v0, $4.054652150e-01;
	v2 =	vadd.s32 v2, v25  }
0x401: {  	v27 =	vmpcnt.ones.xlane vm6;
	v25 =	vld [tilespmem:s6+$0x2000];
	v23 =	vmul.f32 v23, v20;
	v26 =	vadd.f32 v26, v3;
	v3 =	vmovc v24  }
0x402: {  	vm8 =	vge.f32 v0, $-2.197224620e+00;
	vm7 =	vge.f32 v0, $-1.386294360e+00;
	vm9 =	vge.f32 v0, $-8.472977870e-01;
	v0 =	vmovc v1  }
0x403: {  	v35 =	vadd.f32 $1.308334320e-01, v23;
	v23 =	vnsel vm8, $0x0, v26;
	v24 =	vnsel vm6, $0x0, v26  }
0x404: {  	v28 =	vnsel vm9, $0x0, v26;
	v29 =	vnsel vm3, $0x0, v26;
	v30 =	vnsel vm1, $0x0, v26  }
0x405: {  	v6 =	vadd.f32 v28, v6;
	v28 =	vnsel vm2, $0x0, v26;
	v31 =	vmul.f32 v35, v20  }
0x406: {  	v33 =	vnsel vm5, $0x0, v26;
	v34 =	vnsel vm4, $0x0, v26;
	v32 =	vand.u32 $0x7FFFFFFF, v25;
	v1 =	vmovc v25  }
0x407: {  	v25 =	vsub.f32 $0.0e+00, v32;
	v31 =	vadd.f32 $-2.231658700e-01, v31;
	v32 =	vmpcnt.ones.xlane vm9  }
0x408: {  	v4 =	vadd.f32 v34, v4;
	v35 =	vnsel vm7, $0x0, v26;
	v5 =	vadd.f32 v28, v5  }
0x409: {  	v11 =	vadd.f32 v26, v11;
	v28 =	vld [tilespmem:s6+$0x6000];
	v25 =	vmul.f32 $1.442695020e+00, v25;
	v31 =	vmul.f32 v31, v20  }
0x40a: {  	v7 =	vadd.f32 v23, v7;
	v8 =	vadd.f32 v33, v8;
	v26 =	vmpcnt.ones.xlane vm8  }
0x40b: {  	v12 =	vadd.f32 v30, v12;
	(erf) = vpow2.f32 v25;
	v23 =	vadd.f32 $3.272257150e-01, v31  }
0x40c: {  	v10 =	vadd.f32 v24, v10;
	v9 =	vadd.f32 v35, v9;
	v25 =	vmpcnt.ones.xlane vm7  }
0x40d: {  	v24 =	vsub.f32 $0.0e+00, v1;
	v13 =	vadd.s32 v13, v32;
	v23 =	vmul.f32 v23, v20  }
0x40e: {  	v14 =	vadd.s32 v14, v26;
	v15 =	vadd.s32 v15, v25;
	vm6 =	veq.s32 v28, $0x1  }
0x40f: {  	v16 =	vadd.f32 v29, v16;
	v24 =	vsel vm6, v1, v24;
	v23 =	vadd.f32 $-4.992850420e-01, v23  }
0x410: {  	v26 =	vmpcnt.ones.xlane vm5;
	v25 =	vmpcnt.ones.xlane vm3;
	v24 =	vmax.f32 v24, $0.0e+00  }
0x411: {  	v17 =	vadd.s32 v17, v27;
	v28 =	vmpcnt.ones.xlane vm4;
	v23 =	vmul.f32 v23, v20  }
0x412: {  	v19 =	vadd.s32 v19, v26;
	v18 =	vadd.s32 v18, v25;
	v25 =	vmpcnt.ones.xlane vm2  }
.Ltmp9:
0x413: {  	vm2 =	vge.f32 v1, $2.197224380e+00;
	v21 =	vadd.s32 v21, v28;
	v23 =	vadd.f32 $9.999670980e-01, v23;
	(pc) =	sbr.rel @p0 .LBB2_20-.Ltmp9, $4  }
0x414: {  	vm6 =	vmmov vm0;
	vm0 =	vmmov vm2;
	v22 =	vadd.s32 v22, v25;
	v26 =	vpop (erf)  }
0x415: {  	v27 =	vmul.f32 $1.000928970e-02, v26;
	v28 =	vmul.f32 v23, v20;
	v20 =	vmov v26  }
0x416: {  	vm3 =	vge.f32 v0, $-4.054650960e-01;
	vm2 =	vge.f32 v0, $8.472977870e-01;
	v25 =	vmpcnt.ones.xlane vm1  }
0x417: {  	vm1 =	vge.f32 v0, $1.386294480e+00;
	v23 =	vadd.f32 $-5.243753640e-02, v27;
	v26 =	vadd.f32 $2.554673130e-07, v28  }
0x418: {  	_ =	swait.ge [sflag:s31], $0x2000  }
0x419: {  	[sflag:s31] =	ssyncset.done $0x0  }
0x41a: {  	[sflag:s31] =	ssyncadd.s32 $0xFFFFE000  }
0x41b: {  	_ =	swait.ge [sflag:s18], $0x2000  }
0x41c: {  	v23 =	vmul.f32 v23, v20;
	[sflag:s18] =	ssyncset.done $0x0  }
0x41d: {  	s5 =	simm.s32 $0x0;
	vm4 =	vge.f32 v0, $0.0e+00;
	vm5 =	vge.f32 v0, $4.054652150e-01;
	[sflag:s18] =	ssyncadd.s32 $0xFFFFE000  }
0x41e: {  	v2 =	vadd.s32 v2, v25;
	v25 =	vmpcnt.ones.xlane vm6;
	v27 =	vadd.f32 $1.308334320e-01, v23;
	v23 =	vld [tilespmem:s5+$0x0]  }
0x41f: {  	vm7 =	vge.f32 v0, $-2.197224620e+00;
	vm9 =	vge.f32 v0, $-8.472977870e-01;
	v3 =	vadd.f32 v26, v3  }
0x420: {  	vm8 =	vge.f32 v0, $-1.386294360e+00;
	v51 =	vmpcnt.ones.xlane vm2;
	v34 =	vmpcnt.ones.xlane vm9  }
0x421: {  	v17 =	vadd.s32 v17, v25;
	v0 =	vnsel vm7, $0x0, v3;
	v26 =	vmul.f32 v27, v20  }
0x422: {  	v28 =	vnsel vm9, $0x0, v3;
	v29 =	vnsel vm3, $0x0, v3;
	v30 =	vnsel vm1, $0x0, v3  }
0x423: {  	v50 =	vnsel vm2, $0x0, v3;
	v26 =	vadd.f32 $-2.231658700e-01, v26;
	v31 =	vand.u32 $0x7FFFFFFF, v23  }
0x424: {  	v32 =	vnsel vm4, $0x0, v3;
	v33 =	vnsel vm5, $0x0, v3;
	v49 =	vsub.f32 $0.0e+00, v31  }
0x425: {  	v35 =	vnsel vm8, $0x0, v3;
	v13 =	vadd.s32 v13, v34;
	v26 =	vmul.f32 v26, v20  }
0x426: {  	v6 =	vadd.f32 v28, v6;
	v4 =	vadd.f32 v33, v4;
	v28 =	vmul.f32 $1.442695020e+00, v49  }
0x427: {  	vm2 =	vge.f32 v1, $-4.054650960e-01;
	v5 =	vadd.f32 v50, v5;
	v26 =	vadd.f32 $3.272257150e-01, v26  }
0x428: {  	v0 =	vadd.f32 v0, v7;
	v7 =	vadd.f32 v32, v8;
	(erf) = vpow2.f32 v28  }
0x429: {  	v27 =	vnsel vm6, $0x0, v3;
	v3 =	vadd.f32 v3, v11;
	v11 =	vmul.f32 v26, v20  }
0x42a: {  	v8 =	vadd.f32 v30, v12;
	v12 =	vmpcnt.ones.xlane vm8;
	v9 =	vadd.f32 v35, v9  }
0x42b: {  	vm8 =	vge.f32 v1, $-8.472977870e-01;
	vm6 =	vge.f32 v1, $-2.197224620e+00;
	v11 =	vadd.f32 $-4.992850420e-01, v11  }
0x42c: {  	v56 =	vmpcnt.ones.xlane vm8;
	v10 =	vadd.f32 v27, v10;
	v12 =	vadd.s32 v15, v12  }
0x42d: {  	v15 =	vadd.f32 v29, v16;
	v26 =	vmpcnt.ones.xlane vm7;
	v11 =	vmul.f32 v11, v20  }
0x42e: {  	v16 =	vmpcnt.ones.xlane vm3;
	v27 =	vmpcnt.ones.xlane vm5;
	vm5 =	vmmov vm0  }
0x42f: {  	v14 =	vadd.s32 v14, v26;
	v26 =	vmpcnt.ones.xlane vm4;
	v11 =	vadd.f32 $9.999670980e-01, v11  }
0x430: {  	vm0 =	vge.f32 v1, $8.472977870e-01;
	vm3 =	vge.f32 v1, $4.054652150e-01;
	v16 =	vadd.s32 v18, v16  }
0x431: {  	v18 =	vadd.s32 v19, v26;
	v19 =	vadd.s32 v21, v27;
	v11 =	vmul.f32 v11, v20;
	v20 =	vpop (erf)  }
0x432: {  	v21 =	vadd.s32 v22, v51;
	v22 =	vmpcnt.ones.xlane vm1;
	v25 =	vmul.f32 $1.000928970e-02, v20  }
0x433: {  	v57 =	vmpcnt.ones.xlane vm6;
	vm15 =	vge.f32 v23, $-8.472977870e-01;
	v11 =	vadd.f32 $2.554673130e-07, v11  }
0x434: {  	s6 =	simm.s32 $0x10;
	vm7 =	vge.f32 v1, $-1.386294360e+00;
	v2 =	vadd.s32 v2, v22;
	v22 =	vadd.f32 $-5.243753640e-02, v25  }
0x435: {  	vm4 =	vge.f32 v1, $0.0e+00;
	vm1 =	vge.f32 v1, $1.386294480e+00;
	v1 =	vld [tilespmem:s6+$0x0];
	v11 =	vadd.f32 v11, v24  }
0x436: {  	v36 =	vmpcnt.ones.xlane vm15;
	v58 =	vadd.s32 v14, v57;
	v22 =	vmul.f32 v22, v20  }
0x437: {  	v24 =	vmpcnt.ones.xlane vm5;
	v26 =	vnsel vm5, $0x0, v11;
	v27 =	vnsel vm8, $0x0, v11  }
0x438: {  	v6 =	vadd.f32 v27, v6;
	v27 =	vnsel vm0, $0x0, v11;
	v22 =	vadd.f32 $1.308334320e-01, v22  }
0x439: {  	v52 =	vnsel vm2, $0x0, v11;
	v53 =	vnsel vm1, $0x0, v11;
	v5 =	vadd.f32 v27, v5  }
0x43a: {  	v27 =	vadd.f32 v11, v3;
	v3 =	vand.u32 $0x7FFFFFFF, v1;
	v22 =	vmul.f32 v22, v20  }
0x43b: {  	v54 =	vnsel vm4, $0x0, v11;
	v55 =	vnsel vm3, $0x0, v11;
	v3 =	vsub.f32 $0.0e+00, v3  }
0x43c: {  	v17 =	vadd.s32 v17, v24;
	v25 =	vnsel vm6, $0x0, v11;
	v22 =	vadd.f32 $-2.231658700e-01, v22  }
0x43d: {  	vm5 =	vge.f32 v23, $0.0e+00;
	v25 =	vadd.f32 v25, v0;
	v0 =	vmul.f32 $1.442695020e+00, v3  }
0x43e: {  	vm8 =	vge.f32 v23, $-1.386294360e+00;
	v4 =	vadd.f32 v55, v4;
	v3 =	vmul.f32 v22, v20  }
0x43f: {  	v30 =	vadd.f32 v54, v7;
	v8 =	vadd.f32 v53, v8;
	(erf) = vpow2.f32 v0  }
0x440: {  	v7 =	vmpcnt.ones.xlane vm7;
	v11 =	vnsel vm7, $0x0, v11;
	v0 =	vadd.f32 $3.272257150e-01, v3  }
0x441: {  	v9 =	vadd.f32 v11, v9;
	v11 =	vmpcnt.ones.xlane vm3;
	v3 =	vmpcnt.ones.xlane vm2  }
0x442: {  	v28 =	vadd.f32 v52, v15;
	v59 =	vadd.s32 v12, v7;
	v7 =	vld [tilespmem:s5+$0x4000];
	v0 =	vmul.f32 v0, v20  }
0x443: {  	v60 =	vadd.s32 v19, v11;
	v11 =	vmpcnt.ones.xlane vm1;
	v24 =	vadd.s32 v16, v3;
	v3 =	vld [tilespmem:s6+$0x4000]  }
0x444: {  	v22 =	vadd.f32 v26, v10;
	v10 =	vmpcnt.ones.xlane vm4;
	v0 =	vadd.f32 $-4.992850420e-01, v0  }
0x445: {  	vm7 =	vge.f32 v23, $-2.197224620e+00;
	v12 =	vsub.f32 $0.0e+00, v23;
	vm3 =	vge.f32 v23, $-4.054650960e-01  }
0x446: {  	v11 =	vadd.s32 v2, v11;
	v18 =	vadd.s32 v18, v10;
	v0 =	vmul.f32 v0, v20  }
0x447: {  	v10 =	vmpcnt.ones.xlane vm0;
	vm0 =	veq.s32 v7, $0x1;
	v7 =	vsub.f32 $0.0e+00, v1  }
0x448: {  	v26 =	vadd.s32 v13, v56;
	v62 =	vpop (erf);
	vm1 =	veq.s32 v3, $0x1;
	v0 =	vadd.f32 $9.999670980e-01, v0  }
0x449: {  	vm4 =	vge.f32 v23, $4.054652150e-01;
	v3 =	vsel vm1, v1, v7;
	v7 =	vmul.f32 $1.000928970e-02, v62  }
0x44a: {  	v2 =	vsel vm0, v23, v12;
	vm0 =	vge.f32 v23, $2.197224380e+00;
	v0 =	vmul.f32 v0, v20  }
0x44b: {  	vm0 =	vmmov vm0;
	v12 =	vmax.f32 v3, $0.0e+00;
	v3 =	vadd.f32 $-5.243753640e-02, v7  }
0x44c: {  	v61 =	vadd.s32 v21, v10;
	s6 =	simm.s32 $0x20;
	vm6 =	vmmov vm0;
	v0 =	vadd.f32 $2.554673130e-07, v0  }
0x44d: {  	v2 =	vmax.f32 v2, $0.0e+00;
	v10 =	vld [tilespmem:s6+$0x0];
	v19 =	vmpcnt.ones.xlane vm6;
	v3 =	vmul.f32 v3, v62  }
0x44e: {  	vm2 =	vge.f32 v23, $8.472977870e-01;
	vm1 =	vge.f32 v1, $2.197224380e+00;
	v0 =	vadd.f32 v0, v2  }
0x44f: {  	v19 =	vadd.s32 v17, v19;
	vm0 =	vmmov vm1;
	v2 =	vadd.f32 $1.308334320e-01, v3  }
0x450: {  	vm1 =	vge.f32 v23, $1.386294480e+00;
	v7 =	vnsel vm7, $0x0, v0;
	v14 =	vnsel vm6, $0x0, v0  }
0x451: {  	v3 =	vnsel vm15, $0x0, v0;
	v20 =	vnsel vm3, $0x0, v0;
	v2 =	vmul.f32 v2, v62  }
0x452: {  	v15 =	vnsel vm1, $0x0, v0;
	v13 =	vadd.f32 v3, v6;
	v3 =	vand.u32 $0x7FFFFFFF, v10  }
0x453: {  	v21 =	vnsel vm4, $0x0, v0;
	v23 =	vsub.f32 $0.0e+00, v3;
	v63 =	vadd.f32 $-2.231658700e-01, v2  }
0x454: {  	v16 =	vnsel vm5, $0x0, v0;
	v6 =	vnsel vm2, $0x0, v0;
	v3 =	vadd.f32 v21, v4  }
0x455: {  	v2 =	vadd.f32 v6, v5;
	v4 =	vmul.f32 $1.442695020e+00, v23;
	v5 =	vmul.f32 v63, v62  }
0x456: {  	v37 =	vnsel vm8, $0x0, v0;
	v0 =	vadd.f32 v0, v27;
	v7 =	vadd.f32 v7, v25;
	v21 =	vld [tilespmem:s6+$0x4000]  }
0x457: {  	v6 =	vadd.f32 v16, v30;
	(erf) = vpow2.f32 v4;
	v16 =	vadd.f32 $3.272257150e-01, v5  }
0x458: {  	v25 =	vmpcnt.ones.xlane vm8;
	v23 =	vmpcnt.ones.xlane vm7;
	v5 =	vadd.f32 v15, v8  }
0x459: {  	v8 =	vadd.f32 v37, v9;
	v4 =	vadd.f32 v14, v22;
	v22 =	vmul.f32 v16, v62  }
0x45a: {  	v9 =	vsub.f32 $0.0e+00, v10;
	v14 =	vadd.s32 v26, v36;
	v15 =	vadd.s32 v58, v23  }
0x45b: {  	vm6 =	veq.s32 v21, $0x1;
	v16 =	vadd.s32 v59, v25;
	v22 =	vadd.f32 $-4.992850420e-01, v22  }
0x45c: {  	v21 =	vsel vm6, v10, v9;
	v9 =	vadd.f32 v20, v28;
	v20 =	vmpcnt.ones.xlane vm3  }
0x45d: {  	v25 =	vmpcnt.ones.xlane vm5;
	v23 =	vmax.f32 v21, $0.0e+00;
	v21 =	vmul.f32 v22, v62  }
0x45e: {  	vm6 =	vmmov vm0;
	v20 =	vadd.s32 v24, v20;
	v22 =	vmpcnt.ones.xlane vm4  }
0x45f: {  	v24 =	vmpcnt.ones.xlane vm2;
	v17 =	vadd.s32 v18, v25;
	v25 =	vadd.f32 $9.999670980e-01, v21  }
0x460: {  	vm3 =	vge.f32 v1, $-4.054650960e-01;
	vm2 =	vge.f32 v10, $2.197224380e+00;
	v21 =	vadd.s32 v60, v22;
	v18 =	vpop (erf)  }
0x461: {  	v22 =	vadd.s32 v61, v24;
	v24 =	vmul.f32 $1.000928970e-02, v18;
	v27 =	vmul.f32 v25, v62  }
0x462: {  	s5 =	simm.s32 $0xC0;
	vm0 =	vmmov vm2;
	vm2 =	vge.f32 v1, $8.472977870e-01;
	v25 =	vmpcnt.ones.xlane vm1  }
0x463: {  	vm1 =	vge.f32 v1, $1.386294480e+00;
	v26 =	vadd.f32 $-5.243753640e-02, v24;
	v24 =	vadd.f32 $2.554673130e-07, v27  }
.LBB2_22:
0x464: {  	s6 =	sshra.s32 s5, $0x2;
	p0 =	sne.s32 s5, $0x7FC0;
	s5 =	sadd.s32 $0x40, s5;
	vm5 =	vge.f32 v1, $0.0e+00;
	vm4 =	vge.f32 v1, $4.054652150e-01;
	v11 =	vadd.s32 v11, v25  }
0x465: {  	v27 =	vmpcnt.ones.xlane vm6;
	v25 =	vld [tilespmem:s6+$0x0];
	v26 =	vmul.f32 v26, v18;
	v24 =	vadd.f32 v24, v12;
	v12 =	vmovc v23  }
0x466: {  	vm8 =	vge.f32 v1, $-2.197224620e+00;
	vm7 =	vge.f32 v1, $-1.386294360e+00;
	vm9 =	vge.f32 v1, $-8.472977870e-01;
	v1 =	vmovc v10  }
0x467: {  	v35 =	vadd.f32 $1.308334320e-01, v26;
	v23 =	vnsel vm8, $0x0, v24;
	v26 =	vnsel vm6, $0x0, v24  }
0x468: {  	v28 =	vnsel vm9, $0x0, v24;
	v29 =	vnsel vm3, $0x0, v24;
	v30 =	vnsel vm1, $0x0, v24  }
0x469: {  	v13 =	vadd.f32 v28, v13;
	v28 =	vnsel vm2, $0x0, v24;
	v31 =	vmul.f32 v35, v18  }
0x46a: {  	v33 =	vnsel vm5, $0x0, v24;
	v34 =	vnsel vm4, $0x0, v24;
	v32 =	vand.u32 $0x7FFFFFFF, v25;
	v10 =	vmovc v25  }
0x46b: {  	v25 =	vsub.f32 $0.0e+00, v32;
	v31 =	vadd.f32 $-2.231658700e-01, v31;
	v32 =	vmpcnt.ones.xlane vm9  }
0x46c: {  	v3 =	vadd.f32 v34, v3;
	v35 =	vnsel vm7, $0x0, v24;
	v2 =	vadd.f32 v28, v2  }
0x46d: {  	v0 =	vadd.f32 v24, v0;
	v28 =	vld [tilespmem:s6+$0x4000];
	v25 =	vmul.f32 $1.442695020e+00, v25;
	v31 =	vmul.f32 v31, v18  }
0x46e: {  	v7 =	vadd.f32 v23, v7;
	v6 =	vadd.f32 v33, v6;
	v24 =	vmpcnt.ones.xlane vm8  }
0x46f: {  	v5 =	vadd.f32 v30, v5;
	(erf) = vpow2.f32 v25;
	v23 =	vadd.f32 $3.272257150e-01, v31  }
0x470: {  	v4 =	vadd.f32 v26, v4;
	v8 =	vadd.f32 v35, v8;
	v25 =	vmpcnt.ones.xlane vm7  }
0x471: {  	v26 =	vsub.f32 $0.0e+00, v10;
	v14 =	vadd.s32 v14, v32;
	v23 =	vmul.f32 v23, v18  }
0x472: {  	v15 =	vadd.s32 v15, v24;
	v16 =	vadd.s32 v16, v25;
	vm6 =	veq.s32 v28, $0x1  }
0x473: {  	v9 =	vadd.f32 v29, v9;
	v24 =	vsel vm6, v10, v26;
	v25 =	vadd.f32 $-4.992850420e-01, v23  }
0x474: {  	v26 =	vmpcnt.ones.xlane vm5;
	v23 =	vmax.f32 v24, $0.0e+00;
	v24 =	vmpcnt.ones.xlane vm3  }
0x475: {  	v19 =	vadd.s32 v19, v27;
	v28 =	vmpcnt.ones.xlane vm4;
	v25 =	vmul.f32 v25, v18  }
0x476: {  	v17 =	vadd.s32 v17, v26;
	v20 =	vadd.s32 v20, v24;
	v24 =	vmpcnt.ones.xlane vm2  }
.Ltmp10:
0x477: {  	v21 =	vadd.s32 v21, v28;
	vm2 =	vge.f32 v10, $2.197224380e+00;
	v25 =	vadd.f32 $9.999670980e-01, v25;
	(pc) =	sbr.rel @p0 .LBB2_22-.Ltmp10, $4  }
0x478: {  	vm6 =	vmmov vm0;
	vm0 =	vmmov vm2;
	v26 =	vpop (erf);
	v22 =	vadd.s32 v22, v24  }
0x479: {  	v24 =	vmul.f32 $1.000928970e-02, v26;
	v27 =	vmul.f32 v25, v18;
	v18 =	vmov v26  }
0x47a: {  	vm3 =	vge.f32 v1, $-4.054650960e-01;
	vm2 =	vge.f32 v1, $8.472977870e-01;
	v25 =	vmpcnt.ones.xlane vm1  }
0x47b: {  	vm1 =	vge.f32 v1, $1.386294480e+00;
	v26 =	vadd.f32 $-5.243753640e-02, v24;
	v24 =	vadd.f32 $2.554673130e-07, v27  }
0x47c: {  	vm5 =	vge.f32 v1, $0.0e+00  }
0x47d: {  	vm4 =	vge.f32 v1, $4.054652150e-01;
	v11 =	vadd.s32 v11, v25;
	v56 =	vmpcnt.ones.xlane vm6  }
0x47e: {  	vm7 =	vge.f32 v1, $-2.197224620e+00;
	vm8 =	vge.f32 v1, $-1.386294360e+00;
	v60 =	vmpcnt.ones.xlane vm3  }
0x47f: {  	vm9 =	vge.f32 v1, $-8.472977870e-01;
	v63 =	vmpcnt.ones.xlane vm2;
	v26 =	vmul.f32 v26, v18  }
0x480: {  	vm0 =	vmmov vm0;
	v35 =	vmpcnt.ones.xlane vm1;
	vm12 =	vge.f32 v10, $0.0e+00  }
0x481: {  	vm13 =	vge.f32 v10, $-1.386294360e+00;
	v59 =	vmpcnt.ones.xlane vm9;
	v26 =	vadd.f32 $1.308334320e-01, v26  }
0x482: {  	vm14 =	vge.f32 v10, $4.054652150e-01;
	v30 =	vmpcnt.ones.xlane vm7;
	v32 =	vmpcnt.ones.xlane vm8  }
0x483: {  	vm15 =	vge.f32 v10, $-8.472977870e-01;
	v61 =	vmpcnt.ones.xlane vm5;
	v26 =	vmul.f32 v26, v18  }
0x484: {  	v12 =	vadd.f32 v24, v12;
	v62 =	vmpcnt.ones.xlane vm4;
	v37 =	vmpcnt.ones.xlane vm13  }
0x485: {  	v38 =	vmpcnt.ones.xlane vm15;
	v40 =	vmpcnt.ones.xlane vm12;
	v26 =	vadd.f32 $-2.231658700e-01, v26  }
0x486: {  	v41 =	vmpcnt.ones.xlane vm14;
	v48 =	vmpcnt.ones.xlane vm0;
	v19 =	vadd.s32 v19, v56  }
0x487: {  	v20 =	vadd.s32 v20, v60;
	v22 =	vadd.s32 v22, v63;
	v55 =	vmul.f32 v26, v18  }
0x488: {  	v11 =	vadd.s32 v11, v35;
	v58 =	vnsel vm7, $0x0, v12;
	v27 =	vnsel vm9, $0x0, v12  }
0x489: {  	v28 =	vnsel vm3, $0x0, v12;
	v29 =	vnsel vm1, $0x0, v12;
	v57 =	vadd.f32 $3.272257150e-01, v55  }
0x48a: {  	v31 =	vnsel vm2, $0x0, v12;
	v33 =	vnsel vm5, $0x0, v12;
	v14 =	vadd.s32 v14, v59  }
0x48b: {  	v15 =	vadd.s32 v15, v30;
	v16 =	vadd.s32 v16, v32;
	v1 =	vmul.f32 v57, v18  }
0x48c: {  	v34 =	vnsel vm8, $0x0, v12;
	v17 =	vadd.s32 v17, v61;
	v21 =	vadd.s32 v21, v62  }
0x48d: {  	vm3 =	vge.f32 v10, $-4.054650960e-01;
	vm2 =	vge.f32 v10, $8.472977870e-01;
	v1 =	vadd.f32 $-4.992850420e-01, v1  }
0x48e: {  	vm1 =	vge.f32 v10, $1.386294480e+00;
	vm9 =	vge.f32 v10, $-2.197224620e+00;
	v54 =	vnsel vm4, $0x0, v12  }
0x48f: {  	v36 =	vmpcnt.ones.xlane vm9;
	v10 =	vadd.s32 v16, v37;
	v1 =	vmul.f32 v1, v18  }
0x490: {  	v39 =	vmpcnt.ones.xlane vm3;
	v14 =	vadd.s32 v14, v38;
	v10 =	vcvt.s32.f32 v10  }
0x491: {  	v42 =	vadd.s32 v17, v40;
	v14 =	vcvt.s32.f32 v14;
	v1 =	vadd.f32 $9.999670980e-01, v1  }
0x492: {  	v43 =	vmpcnt.ones.xlane vm2;
	v45 =	vadd.s32 v21, v41;
	v47 =	vcvt.s32.f32 v42;
	[tilespmem:$0x8080] =	vst v10  }
0x493: {  	v49 =	vcvt.s32.f32 v45;
	v15 =	vadd.s32 v15, v36;
	[tilespmem:$0x8100] =	vst v14;
	v1 =	vmul.f32 v1, v18  }
0x494: {  	v46 =	vmpcnt.ones.xlane vm1;
	v16 =	vadd.s32 v20, v39;
	v15 =	vcvt.s32.f32 v15;
	[tilespmem:$0x8200] =	vst v47  }
0x495: {  	v17 =	vadd.s32 v22, v43;
	v44 =	vcvt.s32.f32 v16;
	[tilespmem:$0x8280] =	vst v49;
	v1 =	vadd.f32 $2.554673130e-07, v1  }
0x496: {  	v0 =	vadd.f32 v12, v0;
	v11 =	vadd.s32 v11, v46;
	v50 =	vcvt.s32.f32 v17;
	[tilespmem:$0x8000] =	vst v15  }
0x497: {  	v51 =	vcvt.s32.f32 v11;
	[tilespmem:$0x8180] =	vst v44;
	v15 =	vadd.s32 v19, v48;
	v1 =	vadd.f32 v1, v23  }
0x498: {  	v13 =	vadd.f32 v27, v13;
	v7 =	vadd.f32 v58, v7;
	[tilespmem:$0x8300] =	vst v50;
	v53 =	vcvt.s32.f32 v15  }
0x499: {  	v8 =	vadd.f32 v34, v8;
	[tilespmem:$0x8380] =	vst v51;
	v52 =	vnsel vm9, $0x0, v1;
	v0 =	vadd.f32 v1, v0  }
0x49a: {  	v9 =	vadd.f32 v28, v9;
	[tilespmem:$0x8400] =	vst v53;
	v55 =	vnsel vm13, $0x0, v1;
	v7 =	vadd.f32 v52, v7  }
0x49b: {  	v6 =	vadd.f32 v33, v6;
	v56 =	vnsel vm15, $0x0, v1;
	v8 =	vadd.f32 v55, v8;
	[tilespmem:$0x8900] =	vst v0  }
0x49c: {  	v3 =	vadd.f32 v54, v3;
	v57 =	vnsel vm3, $0x0, v1;
	v10 =	vadd.f32 v56, v13;
	[tilespmem:$0x8480] =	vst v7  }
0x49d: {  	v2 =	vadd.f32 v31, v2;
	v58 =	vnsel vm12, $0x0, v1;
	v9 =	vadd.f32 v57, v9;
	[tilespmem:$0x8500] =	vst v8  }
0x49e: {  	v5 =	vadd.f32 v29, v5;
	v59 =	vnsel vm14, $0x0, v1;
	v6 =	vadd.f32 v58, v6;
	[tilespmem:$0x8580] =	vst v10  }
0x49f: {  	v26 =	vnsel vm6, $0x0, v12;
	v60 =	vnsel vm2, $0x0, v1;
	v3 =	vadd.f32 v59, v3;
	[tilespmem:$0x8600] =	vst v9  }
0x4a0: {  	v4 =	vadd.f32 v26, v4;
	v61 =	vnsel vm1, $0x0, v1;
	v2 =	vadd.f32 v60, v2;
	[tilespmem:$0x8680] =	vst v6  }
0x4a1: {  	v62 =	vnsel vm0, $0x0, v1;
	v5 =	vadd.f32 v61, v5;
	[tilespmem:$0x8700] =	vst v3  }
0x4a2: {  	s4 =	sadd.s32 $0x1, s4;
	v63 =	vadd.f32 v62, v4;
	[tilespmem:$0x8780] =	vst v2  }
0x4a3: {  	p0 =	sne.s32 s4, s26;
	[tilespmem:$0x8800] =	vst v5  }
.Ltmp11:
0x4a4: {  	s5 =	simm.s32 $0x8000;
	[tilespmem:$0x8880] =	vst v63;
	(pc) =	sbr.rel @p0 .LBB2_1-.Ltmp11, $4  }
0x4a5: {  	[hbm4b:s25+s1] =	stream.linear.scatter [tilespmem:s5], [sflag:$0x5], $0x980, $0x38;
	[tilespmem:$0x8C00] =	vst v63  }
0x4a6: {  	_ =	swait.ge [sflag:s3], $0x980  }
0x4a7: {  	[sflag:s3] =	ssyncset.done $0x0  }
0x4a8: {  	[sflag:s3] =	ssyncadd.s32 $0xFFFFF680  }
0x4a9: {  	_ =	sfence.sel $0x180000  }
0x4aa: {  	[bflag:$0x0] =	sbarrier.arrive $0xFFFF  }
0x4ab: {  	_ =	strace $0x90000047  }
0x4ac: {  	s0 =	stileid.u32;
	[bflag:$0x2] =	sbarrier.arrive $0xFFFF  }
0x4ad: {  	p0 =	sne.s32 s0, $0x0;
	s0 =	rddreg [dreg:$0x2]  }
0x4ae: {  	s0 =	sadd.s32 @!p0 $0x100000, s0  }
0x4af: {  	[sflag:s0] =	ssyncadd.tile.s32 @!p0 $0x1;
	_ =	shalt  }
.Lfunc_end2:
_tile_overlayer_lowered:
.L_overlay_start_2:
0x4b0: {  	(tag) =	ssettag $0x2  }
0x4b1: {  	s0 =	rddreg [dreg:$0x0];
	s2 =	stileid.u32  }
0x4b2: {  	s1 =	rddreg [dreg:$0x1];
	p0 =	sne.s32 s2, $0x0  }
0x4b3: {  	s3 =	rddreg [dreg:$0x2];
	[bflag:$0x3] =	sbarrier.arrive $0xFFFF;
	s2 =	simm.s32 @!p0 $0x1C05  }
0x4b4: {  	[timem:s3], [sflag:s2] =	dma.local @!p0 [hbm:s0], s1  }
0x4b5: {  	s0 =	simm.s32 @!p0 $0x5  }
0x4b6: {  	_ =	swait.ge @!p0 [sflag:s0], s1  }
0x4b7: {  	s1 =	ssub.s32 @!p0 $0x0, s1;
	[sflag:s0] =	ssyncset.done @!p0 $0x0  }
0x4b8: {  	[sflag:s0] =	ssyncadd.s32 @!p0 s1  }
0x4b9: {  	[bflag:$0x3] =	sbarrier.arrive $0xFFFF  }
0x4ba: {  	_ =	shalt  }

</sc_bundles>
